<compile_context>
chip_gen: v7x
topology: tpu7x:2x2x1
jax: 0.10.2.dev20260603
libtpu: 0.0.44.dev20260713+nightly
codegen_flags: <defaults>
</compile_context>

<pallas_src>
import functools

import jax
import jax.numpy as jnp
from jax import lax
from jax.experimental import pallas as pl
from jax.experimental.pallas import tpu as pltpu
from jax.experimental.pallas import tpu_sc as plsc

_NUM_STREETS = 4
_EMBED_DIM = 128
_MAX_SEQ_LEN = 128
_VOCAB = _NUM_STREETS + 3
_PAD_TOKEN = _NUM_STREETS + 2
_LANES = 16
_NREP = 512
_HEAD = 64


def _sc_call(street_flat, table_rep, b, lcur, idx_dtype):
    info = plsc.get_sparse_core_info()
    nc, ns = info.num_cores, info.num_subcores
    nw = nc * ns
    rows_w = b // nw
    bt = b * _MAX_SEQ_LEN
    nvec = _MAX_SEQ_LEN // _LANES
    hvec = _HEAD // _LANES
    nfull = lcur // _LANES
    rem = lcur - nfull * _LANES
    hcnt = -(-lcur // 8) * 8
    tail = _MAX_SEQ_LEN - hcnt
    tvec = -(-tail // _LANES)

    mesh = plsc.VectorSubcoreMesh(core_axis_name="c", subcore_axis_name="s")
    nb = 4
    cr = 2
    ctoks = cr * _HEAD
    nchunks = rows_w // cr
    toks_w = rows_w * _MAX_SEQ_LEN

    @functools.partial(
        pl.kernel,
        mesh=mesh,
        out_type=[
            jax.ShapeDtypeStruct((bt,), idx_dtype),
            jax.ShapeDtypeStruct((bt, _EMBED_DIM), jnp.float32),
        ],
        scratch_types=[
            pltpu.VMEM((rows_w * lcur + _LANES,), jnp.int32),
            pltpu.VMEM((toks_w,), jnp.int32),
            pltpu.VMEM((nb * ctoks,), jnp.int32),
            pltpu.VMEM((nb, ctoks, _EMBED_DIM), jnp.float32),
            pltpu.VMEM((tail, _EMBED_DIM), jnp.float32),
        ] + [pltpu.SemaphoreType.DMA] * (2 * nb),
    )
    def kern(street_hbm, table_hbm, idxs_hbm, emb_hbm,
             sidx_v, stage_v, gidx_v, rows_v, ctail_v, *sems):
        gsem = sems[:nb]
        wsem = sems[nb:]
        wid = lax.axis_index("s") * nc + lax.axis_index("c")
        row0 = wid * rows_w

        pltpu.sync_copy(street_hbm.at[pl.ds(row0 * lcur, rows_w * lcur)],
                        sidx_v.at[pl.ds(0, rows_w * lcur)])

        lane = lax.iota(jnp.int32, _LANES)
        pad_v = jnp.full((_LANES,), _PAD_TOKEN, jnp.int32)
        shifts = [
            jnp.bitwise_and(lane + (p * _LANES) + wid * _LANES, _NREP - 1)
            * _VOCAB
            for p in range(cr * nvec)
        ]


        for p in range(tvec):
            gidx_v[pl.ds(p * _LANES, _LANES)] = shifts[p] + _PAD_TOKEN
        pltpu.async_copy(table_hbm.at[gidx_v.at[pl.ds(0, tail)]], ctail_v,
                         gsem[0])
        pltpu.make_async_copy(table_hbm.at[gidx_v.at[pl.ds(0, tail)]],
                              ctail_v, gsem[0]).wait()

        def build(buf, g):
            for r in range(cr):
                base = (g * cr + r) * lcur
                sbase = (g * cr + r) * _MAX_SEQ_LEN
                for j in range(nvec):
                    if j < nfull:
                        v = sidx_v[pl.ds(base + j * _LANES, _LANES)]
                    elif j == nfull and rem:
                        raw = sidx_v[pl.ds(base + nfull * _LANES, _LANES)]
                        v = jnp.where(lane < rem, raw, pad_v)
                    else:
                        v = pad_v
                    stage_v[pl.ds(sbase + j * _LANES, _LANES)] = v
                    if j < hvec:
                        gidx_v[pl.ds(buf * ctoks + r * _HEAD + j * _LANES,
                                     _LANES)] = v + shifts[r * nvec + j]

        def gather_pair(buf, r):
            src = table_hbm.at[gidx_v.at[pl.ds(buf * ctoks + r * _HEAD,
                                               hcnt)]]
            dst = rows_v.at[buf, pl.ds(r * _HEAD, hcnt)]
            return src, dst

        def start_gather(buf):
            for r in range(cr):
                src, dst = gather_pair(buf, r)
                pltpu.async_copy(src, dst, gsem[buf])

        def wait_gather(buf):
            for r in range(cr):
                src, dst = gather_pair(buf, r)
                pltpu.make_async_copy(src, dst, gsem[buf]).wait()

        def head_pair(buf, g, r):
            src = rows_v.at[buf, pl.ds(r * _HEAD, hcnt)]
            dst = emb_hbm.at[pl.ds((row0 + g * cr + r) * _MAX_SEQ_LEN,
                                   hcnt)]
            return src, dst

        def tail_dst(g, r):
            return emb_hbm.at[
                pl.ds((row0 + g * cr + r) * _MAX_SEQ_LEN + hcnt, tail)]

        def start_write(buf, g):
            for r in range(cr):
                src, dst = head_pair(buf, g, r)
                pltpu.async_copy(src, dst, wsem[buf])
                pltpu.async_copy(ctail_v, tail_dst(g, r), wsem[buf])

        def wait_write(buf, g):
            for r in range(cr):
                src, dst = head_pair(buf, g, r)
                pltpu.make_async_copy(src, dst, wsem[buf]).wait()
                pltpu.make_async_copy(ctail_v, tail_dst(g, r),
                                      wsem[buf]).wait()

        for bf in range(nb):
            build(bf, bf)
            start_gather(bf)

        def loop_body(i, carry):
            g0 = i * nb
            for bf in range(nb):
                wait_gather(bf)
                start_write(bf, g0 + bf)
            for bf in range(nb):
                build(bf, g0 + nb + bf)
                wait_write(bf, g0 + bf)
                start_gather(bf)
            return carry

        lax.fori_loop(0, nchunks // nb - 1, loop_body, 0)
        g0 = nchunks - nb
        for bf in range(nb):
            wait_gather(bf)
            start_write(bf, g0 + bf)
        for bf in range(nb):
            wait_write(bf, g0 + bf)

        pltpu.sync_copy(stage_v, idxs_hbm.at[pl.ds(row0 * _MAX_SEQ_LEN,
                                                   toks_w)])

    return kern(street_flat, table_rep)


def kernel(street_idxs, table):
    b, lcur = street_idxs.shape
    street_flat = street_idxs.reshape(-1)
    table_rep = jnp.tile(table, (_NREP, 1))
    idxs_f, emb_f = _sc_call(street_flat, table_rep, b, lcur,
                             street_idxs.dtype)
    return (idxs_f.reshape(b, _MAX_SEQ_LEN),
            emb_f.reshape(b, _MAX_SEQ_LEN, _EMBED_DIM))

# --- scband reference (transcript-rebuilt; emitter-appended) ---
"""Pipeline reference for scband-street-positional-encoding-85624468013479 (READ-ONLY COPY).

The authoritative reference and input builder live on the scoring server;
editing this copy changes nothing except your own understanding.
"""

import jax, jax.numpy as jnp
import numpy as np

NUM_STREETS = 4
EMBED_DIM = 128
MAX_SEQ_LEN = 128
VOCAB = NUM_STREETS + 3  # 7
PAD_TOKEN = NUM_STREETS + 2  # 6
BATCH = 4096
L = 50


def setup_inputs(seed: int = 0) -> dict:
    key = jax.random.key(seed)
    k1, k2 = jax.random.split(key)
    street_idxs = jax.random.randint(k1, (BATCH, L), 0, VOCAB, dtype=jnp.int64 if jax.config.jax_enable_x64 else jnp.int32)
    table = jax.random.normal(k2, (VOCAB, EMBED_DIM), dtype=jnp.float32)
    return {"street_idxs": street_idxs, "table": table}


def reference(street_idxs, table):
    B, Lcur = street_idxs.shape
    idxs = jnp.full((B, MAX_SEQ_LEN), PAD_TOKEN, dtype=street_idxs.dtype)
    idxs = idxs.at[:, :Lcur].set(street_idxs)
    emb = jnp.take(table, idxs, axis=0)
    return (idxs, emb)

if __name__ == "__main__":
    import jax
    _d = setup_inputs()
    print(jax.jit(kernel)(*tuple(_d.values())))

</pallas_src>

<mosaic_0001>
#map = affine_map<(d0, d1) -> (0)>
#map1 = affine_map<(d0, d1) -> (0, 0)>
module attributes {stable_mosaic.version = 14 : i64} {
  func.func @kern(%arg0: i32, %arg1: i32, %arg2: memref<204800xi32, #tpu.memory_space<hbm>>, %arg3: memref<3584x128xf32, #tpu.memory_space<hbm>>, %arg4: memref<524288xi32, #tpu.memory_space<hbm>>, %arg5: memref<524288x128xf32, #tpu.memory_space<hbm>>, %arg6: memref<6416xi32, #tpu.memory_space<vmem>>, %arg7: memref<16384xi32, #tpu.memory_space<vmem>>, %arg8: memref<512xi32, #tpu.memory_space<vmem>>, %arg9: memref<4x128x128xf32, #tpu.memory_space<vmem>>, %arg10: memref<72x128xf32, #tpu.memory_space<vmem>>, %arg11: memref<!tpu.dma_semaphore, #tpu.memory_space<semaphore_mem>>, %arg12: memref<!tpu.dma_semaphore, #tpu.memory_space<semaphore_mem>>, %arg13: memref<!tpu.dma_semaphore, #tpu.memory_space<semaphore_mem>>, %arg14: memref<!tpu.dma_semaphore, #tpu.memory_space<semaphore_mem>>, %arg15: memref<!tpu.dma_semaphore, #tpu.memory_space<semaphore_mem>>, %arg16: memref<!tpu.dma_semaphore, #tpu.memory_space<semaphore_mem>>, %arg17: memref<!tpu.dma_semaphore, #tpu.memory_space<semaphore_mem>>, %arg18: memref<!tpu.dma_semaphore, #tpu.memory_space<semaphore_mem>>) attributes {dimension_semantics = [#tpu.dimension_semantics<core_parallel>, #tpu.dimension_semantics<subcore_parallel>], iteration_bounds = array<i64: 2, 16>, scalar_prefetch = 0 : i64, scratch_operands = 13 : i64, tpu.core_type = #tpu.core_type<sc_vector_subcore>, window_params = [{transform_indices = #map}, {transform_indices = #map1}, {transform_indices = #map}, {transform_indices = #map1}]} {
    %mul3A = arith.constant 2 : i32
    %mul3A_0 = arith.muli %arg1, %mul3A : i32
    %add3A = arith.addi %mul3A_0, %arg0 : i32
    %mul3A_1 = arith.constant 128 : i32
    %mul3A_2 = arith.muli %add3A, %mul3A_1 : i32
    %mul3A_3 = arith.constant 50 : i32
    %mul3A_4 = arith.muli %mul3A_2, %mul3A_3 : i32
    "tpu.region"() ({
      %run_scoped3A = tpu.sem_alloc : memref<!tpu.dma_semaphore, #tpu.memory_space<semaphore_mem>>
      %dma_start3A_1459 = arith.constant 0 : i32
      %dma_start3A_1460 = tpu.memref_slice %arg6[%dma_start3A_1459] : memref<6416xi32, #tpu.memory_space<vmem>> -> memref<6400xi32, #tpu.memory_space<vmem>>
      %dma_start3A_1461 = tpu.memref_slice %arg2[%mul3A_4] : memref<204800xi32, #tpu.memory_space<hbm>> -> memref<6400xi32, #tpu.memory_space<hbm>>
      %dma_start3A_1462 = arith.constant 0 : i32
      %dma_start3A_1463 = tpu.memref_slice %arg6[%dma_start3A_1462] : memref<6416xi32, #tpu.memory_space<vmem>> -> memref<6400xi32, #tpu.memory_space<vmem>>
      %dma_start3A_1464 = tpu.memref_slice %arg2[%mul3A_4] : memref<204800xi32, #tpu.memory_space<hbm>> -> memref<6400xi32, #tpu.memory_space<hbm>>
      tpu.enqueue_dma source(%dma_start3A_1464 : memref<6400xi32, #tpu.memory_space<hbm>>) target(%dma_start3A_1463 : memref<6400xi32, #tpu.memory_space<vmem>>) target_semaphore(%run_scoped3A : memref<!tpu.dma_semaphore, #tpu.memory_space<semaphore_mem>>)
      %dma_wait3A_1465 = arith.constant 0 : i32
      %dma_wait3A_1466 = tpu.memref_slice %arg6[%dma_wait3A_1465] : memref<6416xi32, #tpu.memory_space<vmem>> -> memref<6400xi32, #tpu.memory_space<vmem>>
      %dma_wait3A_1467 = tpu.memref_slice %arg2[%mul3A_4] : memref<204800xi32, #tpu.memory_space<hbm>> -> memref<6400xi32, #tpu.memory_space<hbm>>
      %dma_wait3A_1468 = arith.constant 0 : i32
      %dma_wait3A_1469 = tpu.memref_slice %arg6[%dma_wait3A_1468] : memref<6416xi32, #tpu.memory_space<vmem>> -> memref<6400xi32, #tpu.memory_space<vmem>>
      %dma_wait3A_1470 = tpu.memref_slice %arg2[%mul3A_4] : memref<204800xi32, #tpu.memory_space<hbm>> -> memref<6400xi32, #tpu.memory_space<hbm>>
      tpu.wait_dma2 semaphore(%run_scoped3A : memref<!tpu.dma_semaphore, #tpu.memory_space<semaphore_mem>>) src(%dma_wait3A_1470 : memref<6400xi32, #tpu.memory_space<hbm>>) dst(%dma_wait3A_1469 : memref<6400xi32, #tpu.memory_space<vmem>>)
      tpu.yield
    }) : () -> ()
    %iota3A = tpu.iota {dimensions = array<i32: 0>} : vector<16xi32>
    %broadcast_in_dim3A = arith.constant 6 : i32
    %broadcast_in_dim3A_5 = vector.broadcast %broadcast_in_dim3A : i32 to vector<16xi32>
    %add3A_6 = arith.constant 0 : i32
    %add3A_7 = vector.broadcast %add3A_6 : i32 to vector<16xi32>
    %add3A_8 = arith.addi %iota3A, %add3A_7 : vector<16xi32>
    %mul3A_9 = arith.constant 16 : i32
    %mul3A_10 = arith.muli %add3A, %mul3A_9 : i32
    %add3A_11 = vector.broadcast %mul3A_10 : i32 to vector<16xi32>
    %add3A_12 = arith.addi %add3A_8, %add3A_11 : vector<16xi32>
    %and3A = arith.constant 511 : i32
    %and3A_13 = vector.broadcast %and3A : i32 to vector<16xi32>
    %and3A_14 = arith.andi %add3A_12, %and3A_13 : vector<16xi32>
    %mul3A_15 = arith.constant 7 : i32
    %mul3A_16 = vector.broadcast %mul3A_15 : i32 to vector<16xi32>
    %mul3A_17 = arith.muli %and3A_14, %mul3A_16 : vector<16xi32>
    %add3A_18 = arith.constant 16 : i32
    %add3A_19 = vector.broadcast %add3A_18 : i32 to vector<16xi32>
    %add3A_20 = arith.addi %iota3A, %add3A_19 : vector<16xi32>
    %mul3A_21 = arith.constant 16 : i32
    %mul3A_22 = arith.muli %add3A, %mul3A_21 : i32
    %add3A_23 = vector.broadcast %mul3A_22 : i32 to vector<16xi32>
    %add3A_24 = arith.addi %add3A_20, %add3A_23 : vector<16xi32>
    %and3A_25 = arith.constant 511 : i32
    %and3A_26 = vector.broadcast %and3A_25 : i32 to vector<16xi32>
    %and3A_27 = arith.andi %add3A_24, %and3A_26 : vector<16xi32>
    %mul3A_28 = arith.constant 7 : i32
    %mul3A_29 = vector.broadcast %mul3A_28 : i32 to vector<16xi32>
    %mul3A_30 = arith.muli %and3A_27, %mul3A_29 : vector<16xi32>
    %add3A_31 = arith.constant 32 : i32
    %add3A_32 = vector.broadcast %add3A_31 : i32 to vector<16xi32>
    %add3A_33 = arith.addi %iota3A, %add3A_32 : vector<16xi32>
    %mul3A_34 = arith.constant 16 : i32
    %mul3A_35 = arith.muli %add3A, %mul3A_34 : i32
    %add3A_36 = vector.broadcast %mul3A_35 : i32 to vector<16xi32>
    %add3A_37 = arith.addi %add3A_33, %add3A_36 : vector<16xi32>
    %and3A_38 = arith.constant 511 : i32
    %and3A_39 = vector.broadcast %and3A_38 : i32 to vector<16xi32>
    %and3A_40 = arith.andi %add3A_37, %and3A_39 : vector<16xi32>
    %mul3A_41 = arith.constant 7 : i32
    %mul3A_42 = vector.broadcast %mul3A_41 : i32 to vector<16xi32>
    %mul3A_43 = arith.muli %and3A_40, %mul3A_42 : vector<16xi32>
    %add3A_44 = arith.constant 48 : i32
    %add3A_45 = vector.broadcast %add3A_44 : i32 to vector<16xi32>
    %add3A_46 = arith.addi %iota3A, %add3A_45 : vector<16xi32>
    %mul3A_47 = arith.constant 16 : i32
    %mul3A_48 = arith.muli %add3A, %mul3A_47 : i32
    %add3A_49 = vector.broadcast %mul3A_48 : i32 to vector<16xi32>
    %add3A_50 = arith.addi %add3A_46, %add3A_49 : vector<16xi32>
    %and3A_51 = arith.constant 511 : i32
    %and3A_52 = vector.broadcast %and3A_51 : i32 to vector<16xi32>
    %and3A_53 = arith.andi %add3A_50, %and3A_52 : vector<16xi32>
    %mul3A_54 = arith.constant 7 : i32
    %mul3A_55 = vector.broadcast %mul3A_54 : i32 to vector<16xi32>
    %mul3A_56 = arith.muli %and3A_53, %mul3A_55 : vector<16xi32>
    %add3A_57 = arith.constant 64 : i32
    %add3A_58 = vector.broadcast %add3A_57 : i32 to vector<16xi32>
    %add3A_59 = arith.addi %iota3A, %add3A_58 : vector<16xi32>
    %mul3A_60 = arith.constant 16 : i32
    %mul3A_61 = arith.muli %add3A, %mul3A_60 : i32
    %add3A_62 = vector.broadcast %mul3A_61 : i32 to vector<16xi32>
    %add3A_63 = arith.addi %add3A_59, %add3A_62 : vector<16xi32>
    %and3A_64 = arith.constant 511 : i32
    %and3A_65 = vector.broadcast %and3A_64 : i32 to vector<16xi32>
    %and3A_66 = arith.andi %add3A_63, %and3A_65 : vector<16xi32>
    %mul3A_67 = arith.constant 7 : i32
    %mul3A_68 = vector.broadcast %mul3A_67 : i32 to vector<16xi32>
    %mul3A_69 = arith.muli %and3A_66, %mul3A_68 : vector<16xi32>
    %add3A_70 = arith.constant 80 : i32
    %add3A_71 = vector.broadcast %add3A_70 : i32 to vector<16xi32>
    %add3A_72 = arith.addi %iota3A, %add3A_71 : vector<16xi32>
    %mul3A_73 = arith.constant 16 : i32
    %mul3A_74 = arith.muli %add3A, %mul3A_73 : i32
    %add3A_75 = vector.broadcast %mul3A_74 : i32 to vector<16xi32>
    %add3A_76 = arith.addi %add3A_72, %add3A_75 : vector<16xi32>
    %and3A_77 = arith.constant 511 : i32
    %and3A_78 = vector.broadcast %and3A_77 : i32 to vector<16xi32>
    %and3A_79 = arith.andi %add3A_76, %and3A_78 : vector<16xi32>
    %mul3A_80 = arith.constant 7 : i32
    %mul3A_81 = vector.broadcast %mul3A_80 : i32 to vector<16xi32>
    %mul3A_82 = arith.muli %and3A_79, %mul3A_81 : vector<16xi32>
    %add3A_83 = arith.constant 96 : i32
    %add3A_84 = vector.broadcast %add3A_83 : i32 to vector<16xi32>
    %add3A_85 = arith.addi %iota3A, %add3A_84 : vector<16xi32>
    %mul3A_86 = arith.constant 16 : i32
    %mul3A_87 = arith.muli %add3A, %mul3A_86 : i32
    %add3A_88 = vector.broadcast %mul3A_87 : i32 to vector<16xi32>
    %add3A_89 = arith.addi %add3A_85, %add3A_88 : vector<16xi32>
    %and3A_90 = arith.constant 511 : i32
    %and3A_91 = vector.broadcast %and3A_90 : i32 to vector<16xi32>
    %and3A_92 = arith.andi %add3A_89, %and3A_91 : vector<16xi32>
    %mul3A_93 = arith.constant 7 : i32
    %mul3A_94 = vector.broadcast %mul3A_93 : i32 to vector<16xi32>
    %mul3A_95 = arith.muli %and3A_92, %mul3A_94 : vector<16xi32>
    %add3A_96 = arith.constant 112 : i32
    %add3A_97 = vector.broadcast %add3A_96 : i32 to vector<16xi32>
    %add3A_98 = arith.addi %iota3A, %add3A_97 : vector<16xi32>
    %mul3A_99 = arith.constant 16 : i32
    %mul3A_100 = arith.muli %add3A, %mul3A_99 : i32
    %add3A_101 = vector.broadcast %mul3A_100 : i32 to vector<16xi32>
    %add3A_102 = arith.addi %add3A_98, %add3A_101 : vector<16xi32>
    %and3A_103 = arith.constant 511 : i32
    %and3A_104 = vector.broadcast %and3A_103 : i32 to vector<16xi32>
    %and3A_105 = arith.andi %add3A_102, %and3A_104 : vector<16xi32>
    %mul3A_106 = arith.constant 7 : i32
    %mul3A_107 = vector.broadcast %mul3A_106 : i32 to vector<16xi32>
    %mul3A_108 = arith.muli %and3A_105, %mul3A_107 : vector<16xi32>
    %add3A_109 = arith.constant 128 : i32
    %add3A_110 = vector.broadcast %add3A_109 : i32 to vector<16xi32>
    %add3A_111 = arith.addi %iota3A, %add3A_110 : vector<16xi32>
    %mul3A_112 = arith.constant 16 : i32
    %mul3A_113 = arith.muli %add3A, %mul3A_112 : i32
    %add3A_114 = vector.broadcast %mul3A_113 : i32 to vector<16xi32>
    %add3A_115 = arith.addi %add3A_111, %add3A_114 : vector<16xi32>
    %and3A_116 = arith.constant 511 : i32
    %and3A_117 = vector.broadcast %and3A_116 : i32 to vector<16xi32>
    %and3A_118 = arith.andi %add3A_115, %and3A_117 : vector<16xi32>
    %mul3A_119 = arith.constant 7 : i32
    %mul3A_120 = vector.broadcast %mul3A_119 : i32 to vector<16xi32>
    %mul3A_121 = arith.muli %and3A_118, %mul3A_120 : vector<16xi32>
    %add3A_122 = arith.constant 144 : i32
    %add3A_123 = vector.broadcast %add3A_122 : i32 to vector<16xi32>
    %add3A_124 = arith.addi %iota3A, %add3A_123 : vector<16xi32>
    %mul3A_125 = arith.constant 16 : i32
    %mul3A_126 = arith.muli %add3A, %mul3A_125 : i32
    %add3A_127 = vector.broadcast %mul3A_126 : i32 to vector<16xi32>
    %add3A_128 = arith.addi %add3A_124, %add3A_127 : vector<16xi32>
    %and3A_129 = arith.constant 511 : i32
    %and3A_130 = vector.broadcast %and3A_129 : i32 to vector<16xi32>
    %and3A_131 = arith.andi %add3A_128, %and3A_130 : vector<16xi32>
    %mul3A_132 = arith.constant 7 : i32
    %mul3A_133 = vector.broadcast %mul3A_132 : i32 to vector<16xi32>
    %mul3A_134 = arith.muli %and3A_131, %mul3A_133 : vector<16xi32>
    %add3A_135 = arith.constant 160 : i32
    %add3A_136 = vector.broadcast %add3A_135 : i32 to vector<16xi32>
    %add3A_137 = arith.addi %iota3A, %add3A_136 : vector<16xi32>
    %mul3A_138 = arith.constant 16 : i32
    %mul3A_139 = arith.muli %add3A, %mul3A_138 : i32
    %add3A_140 = vector.broadcast %mul3A_139 : i32 to vector<16xi32>
    %add3A_141 = arith.addi %add3A_137, %add3A_140 : vector<16xi32>
    %and3A_142 = arith.constant 511 : i32
    %and3A_143 = vector.broadcast %and3A_142 : i32 to vector<16xi32>
    %and3A_144 = arith.andi %add3A_141, %and3A_143 : vector<16xi32>
    %mul3A_145 = arith.constant 7 : i32
    %mul3A_146 = vector.broadcast %mul3A_145 : i32 to vector<16xi32>
    %mul3A_147 = arith.muli %and3A_144, %mul3A_146 : vector<16xi32>
    %add3A_148 = arith.constant 176 : i32
    %add3A_149 = vector.broadcast %add3A_148 : i32 to vector<16xi32>
    %add3A_150 = arith.addi %iota3A, %add3A_149 : vector<16xi32>
    %mul3A_151 = arith.constant 16 : i32
    %mul3A_152 = arith.muli %add3A, %mul3A_151 : i32
    %add3A_153 = vector.broadcast %mul3A_152 : i32 to vector<16xi32>
    %add3A_154 = arith.addi %add3A_150, %add3A_153 : vector<16xi32>
    %and3A_155 = arith.constant 511 : i32
    %and3A_156 = vector.broadcast %and3A_155 : i32 to vector<16xi32>
    %and3A_157 = arith.andi %add3A_154, %and3A_156 : vector<16xi32>
    %mul3A_158 = arith.constant 7 : i32
    %mul3A_159 = vector.broadcast %mul3A_158 : i32 to vector<16xi32>
    %mul3A_160 = arith.muli %and3A_157, %mul3A_159 : vector<16xi32>
    %add3A_161 = arith.constant 192 : i32
    %add3A_162 = vector.broadcast %add3A_161 : i32 to vector<16xi32>
    %add3A_163 = arith.addi %iota3A, %add3A_162 : vector<16xi32>
    %mul3A_164 = arith.constant 16 : i32
    %mul3A_165 = arith.muli %add3A, %mul3A_164 : i32
    %add3A_166 = vector.broadcast %mul3A_165 : i32 to vector<16xi32>
    %add3A_167 = arith.addi %add3A_163, %add3A_166 : vector<16xi32>
    %and3A_168 = arith.constant 511 : i32
    %and3A_169 = vector.broadcast %and3A_168 : i32 to vector<16xi32>
    %and3A_170 = arith.andi %add3A_167, %and3A_169 : vector<16xi32>
    %mul3A_171 = arith.constant 7 : i32
    %mul3A_172 = vector.broadcast %mul3A_171 : i32 to vector<16xi32>
    %mul3A_173 = arith.muli %and3A_170, %mul3A_172 : vector<16xi32>
    %add3A_174 = arith.constant 208 : i32
    %add3A_175 = vector.broadcast %add3A_174 : i32 to vector<16xi32>
    %add3A_176 = arith.addi %iota3A, %add3A_175 : vector<16xi32>
    %mul3A_177 = arith.constant 16 : i32
    %mul3A_178 = arith.muli %add3A, %mul3A_177 : i32
    %add3A_179 = vector.broadcast %mul3A_178 : i32 to vector<16xi32>
    %add3A_180 = arith.addi %add3A_176, %add3A_179 : vector<16xi32>
    %and3A_181 = arith.constant 511 : i32
    %and3A_182 = vector.broadcast %and3A_181 : i32 to vector<16xi32>
    %and3A_183 = arith.andi %add3A_180, %and3A_182 : vector<16xi32>
    %mul3A_184 = arith.constant 7 : i32
    %mul3A_185 = vector.broadcast %mul3A_184 : i32 to vector<16xi32>
    %mul3A_186 = arith.muli %and3A_183, %mul3A_185 : vector<16xi32>
    %add3A_187 = arith.constant 224 : i32
    %add3A_188 = vector.broadcast %add3A_187 : i32 to vector<16xi32>
    %add3A_189 = arith.addi %iota3A, %add3A_188 : vector<16xi32>
    %mul3A_190 = arith.constant 16 : i32
    %mul3A_191 = arith.muli %add3A, %mul3A_190 : i32
    %add3A_192 = vector.broadcast %mul3A_191 : i32 to vector<16xi32>
    %add3A_193 = arith.addi %add3A_189, %add3A_192 : vector<16xi32>
    %and3A_194 = arith.constant 511 : i32
    %and3A_195 = vector.broadcast %and3A_194 : i32 to vector<16xi32>
    %and3A_196 = arith.andi %add3A_193, %and3A_195 : vector<16xi32>
    %mul3A_197 = arith.constant 7 : i32
    %mul3A_198 = vector.broadcast %mul3A_197 : i32 to vector<16xi32>
    %mul3A_199 = arith.muli %and3A_196, %mul3A_198 : vector<16xi32>
    %add3A_200 = arith.constant 240 : i32
    %add3A_201 = vector.broadcast %add3A_200 : i32 to vector<16xi32>
    %add3A_202 = arith.addi %iota3A, %add3A_201 : vector<16xi32>
    %mul3A_203 = arith.constant 16 : i32
    %mul3A_204 = arith.muli %add3A, %mul3A_203 : i32
    %add3A_205 = vector.broadcast %mul3A_204 : i32 to vector<16xi32>
    %add3A_206 = arith.addi %add3A_202, %add3A_205 : vector<16xi32>
    %and3A_207 = arith.constant 511 : i32
    %and3A_208 = vector.broadcast %and3A_207 : i32 to vector<16xi32>
    %and3A_209 = arith.andi %add3A_206, %and3A_208 : vector<16xi32>
    %mul3A_210 = arith.constant 7 : i32
    %mul3A_211 = vector.broadcast %mul3A_210 : i32 to vector<16xi32>
    %mul3A_212 = arith.muli %and3A_209, %mul3A_211 : vector<16xi32>
    %add3A_213 = arith.constant 6 : i32
    %add3A_214 = vector.broadcast %add3A_213 : i32 to vector<16xi32>
    %add3A_215 = arith.addi %mul3A_17, %add3A_214 : vector<16xi32>
    %swap3A = arith.constant 0 : index
    %swap3A_216 = tpu.vector_load %arg8[%swap3A] {strides = array<i32>} : memref<512xi32, #tpu.memory_space<vmem>>, vector<16xi32>,
    %swap3A_217 = vector.shape_cast %swap3A_216 : vector<16xi32> to vector<16xi32>
    %swap3A_218 = vector.shape_cast %add3A_215 : vector<16xi32> to vector<16xi32>
    tpu.vector_store %arg8[%swap3A], %swap3A_218 {strides = array<i32>} : memref<512xi32, #tpu.memory_space<vmem>>, vector<16xi32>,
    %add3A_219 = arith.constant 6 : i32
    %add3A_220 = vector.broadcast %add3A_219 : i32 to vector<16xi32>
    %add3A_221 = arith.addi %mul3A_30, %add3A_220 : vector<16xi32>
    %swap3A_222 = arith.constant 16 : index
    %swap3A_223 = tpu.vector_load %arg8[%swap3A_222] {strides = array<i32>} : memref<512xi32, #tpu.memory_space<vmem>>, vector<16xi32>,
    %swap3A_224 = vector.shape_cast %swap3A_223 : vector<16xi32> to vector<16xi32>
    %swap3A_225 = vector.shape_cast %add3A_221 : vector<16xi32> to vector<16xi32>
    tpu.vector_store %arg8[%swap3A_222], %swap3A_225 {strides = array<i32>} : memref<512xi32, #tpu.memory_space<vmem>>, vector<16xi32>,
    %add3A_226 = arith.constant 6 : i32
    %add3A_227 = vector.broadcast %add3A_226 : i32 to vector<16xi32>
    %add3A_228 = arith.addi %mul3A_43, %add3A_227 : vector<16xi32>
    %swap3A_229 = arith.constant 32 : index
    %swap3A_230 = tpu.vector_load %arg8[%swap3A_229] {strides = array<i32>} : memref<512xi32, #tpu.memory_space<vmem>>, vector<16xi32>,
    %swap3A_231 = vector.shape_cast %swap3A_230 : vector<16xi32> to vector<16xi32>
    %swap3A_232 = vector.shape_cast %add3A_228 : vector<16xi32> to vector<16xi32>
    tpu.vector_store %arg8[%swap3A_229], %swap3A_232 {strides = array<i32>} : memref<512xi32, #tpu.memory_space<vmem>>, vector<16xi32>,
    %add3A_233 = arith.constant 6 : i32
    %add3A_234 = vector.broadcast %add3A_233 : i32 to vector<16xi32>
    %add3A_235 = arith.addi %mul3A_56, %add3A_234 : vector<16xi32>
    %swap3A_236 = arith.constant 48 : index
    %swap3A_237 = tpu.vector_load %arg8[%swap3A_236] {strides = array<i32>} : memref<512xi32, #tpu.memory_space<vmem>>, vector<16xi32>,
    %swap3A_238 = vector.shape_cast %swap3A_237 : vector<16xi32> to vector<16xi32>
    %swap3A_239 = vector.shape_cast %add3A_235 : vector<16xi32> to vector<16xi32>
    tpu.vector_store %arg8[%swap3A_236], %swap3A_239 {strides = array<i32>} : memref<512xi32, #tpu.memory_space<vmem>>, vector<16xi32>,
    %add3A_240 = arith.constant 6 : i32
    %add3A_241 = vector.broadcast %add3A_240 : i32 to vector<16xi32>
    %add3A_242 = arith.addi %mul3A_69, %add3A_241 : vector<16xi32>
    %swap3A_243 = arith.constant 64 : index
    %swap3A_244 = tpu.vector_load %arg8[%swap3A_243] {strides = array<i32>} : memref<512xi32, #tpu.memory_space<vmem>>, vector<16xi32>,
    %swap3A_245 = vector.shape_cast %swap3A_244 : vector<16xi32> to vector<16xi32>
    %swap3A_246 = vector.shape_cast %add3A_242 : vector<16xi32> to vector<16xi32>
    tpu.vector_store %arg8[%swap3A_243], %swap3A_246 {strides = array<i32>} : memref<512xi32, #tpu.memory_space<vmem>>, vector<16xi32>,
    %dma_start3A = arith.constant 0 : i32
    %dma_start3A_247 = tpu.memref_slice %arg8[%dma_start3A] : memref<512xi32, #tpu.memory_space<vmem>> -> memref<72xi32, #tpu.memory_space<vmem>>
    %dma_start3A_248 = arith.constant 0 : i32
    %dma_start3A_249 = arith.constant 0 : i32
    %dma_start3A_250 = tpu.memref_slice %arg3[%dma_start3A_248, %dma_start3A_249] : memref<3584x128xf32, #tpu.memory_space<hbm>> -> memref<3584x128xf32, #tpu.memory_space<hbm>>
    tpu.enqueue_indirect_dma source(%dma_start3A_250 : memref<3584x128xf32, #tpu.memory_space<hbm>>) target(%arg10 : memref<72x128xf32, #tpu.memory_space<vmem>>) offsets(%dma_start3A_247 : memref<72xi32, #tpu.memory_space<vmem>>) semaphore(%arg11 : memref<!tpu.dma_semaphore, #tpu.memory_space<semaphore_mem>>)
    %dma_wait3A = arith.constant 0 : i32
    %dma_wait3A_251 = tpu.memref_slice %arg8[%dma_wait3A] : memref<512xi32, #tpu.memory_space<vmem>> -> memref<72xi32, #tpu.memory_space<vmem>>
    %dma_wait3A_252 = arith.constant 0 : i32
    %dma_wait3A_253 = arith.constant 0 : i32
    %dma_wait3A_254 = tpu.memref_slice %arg3[%dma_wait3A_252, %dma_wait3A_253] : memref<3584x128xf32, #tpu.memory_space<hbm>> -> memref<3584x128xf32, #tpu.memory_space<hbm>>
    tpu.wait_indirect_dma semaphore(%arg11 : memref<!tpu.dma_semaphore, #tpu.memory_space<semaphore_mem>>) src(%dma_wait3A_254 : memref<3584x128xf32, #tpu.memory_space<hbm>>) dst(%arg10 : memref<72x128xf32, #tpu.memory_space<vmem>>)
    %get3A = arith.constant 0 : index
    %get3A_255 = tpu.vector_load %arg6[%get3A] {strides = array<i32>} : memref<6416xi32, #tpu.memory_space<vmem>>, vector<16xi32>,
    %get3A_256 = vector.shape_cast %get3A_255 : vector<16xi32> to vector<16xi32>
    %swap3A_257 = arith.constant 0 : index
    %swap3A_258 = tpu.vector_load %arg7[%swap3A_257] {strides = array<i32>} : memref<16384xi32, #tpu.memory_space<vmem>>, vector<16xi32>,
    %swap3A_259 = vector.shape_cast %swap3A_258 : vector<16xi32> to vector<16xi32>
    %swap3A_260 = vector.shape_cast %get3A_256 : vector<16xi32> to vector<16xi32>
    tpu.vector_store %arg7[%swap3A_257], %swap3A_260 {strides = array<i32>} : memref<16384xi32, #tpu.memory_space<vmem>>, vector<16xi32>,
    %add3A_261 = arith.addi %get3A_256, %mul3A_17 : vector<16xi32>
    %swap3A_262 = arith.constant 0 : index
    %swap3A_263 = tpu.vector_load %arg8[%swap3A_262] {strides = array<i32>} : memref<512xi32, #tpu.memory_space<vmem>>, vector<16xi32>,
    %swap3A_264 = vector.shape_cast %swap3A_263 : vector<16xi32> to vector<16xi32>
    %swap3A_265 = vector.shape_cast %add3A_261 : vector<16xi32> to vector<16xi32>
    tpu.vector_store %arg8[%swap3A_262], %swap3A_265 {strides = array<i32>} : memref<512xi32, #tpu.memory_space<vmem>>, vector<16xi32>,
    %get3A_266 = arith.constant 16 : index
    %get3A_267 = tpu.vector_load %arg6[%get3A_266] {strides = array<i32>} : memref<6416xi32, #tpu.memory_space<vmem>>, vector<16xi32>,
    %get3A_268 = vector.shape_cast %get3A_267 : vector<16xi32> to vector<16xi32>
    %swap3A_269 = arith.constant 16 : index
    %swap3A_270 = tpu.vector_load %arg7[%swap3A_269] {strides = array<i32>} : memref<16384xi32, #tpu.memory_space<vmem>>, vector<16xi32>,
    %swap3A_271 = vector.shape_cast %swap3A_270 : vector<16xi32> to vector<16xi32>
    %swap3A_272 = vector.shape_cast %get3A_268 : vector<16xi32> to vector<16xi32>
    tpu.vector_store %arg7[%swap3A_269], %swap3A_272 {strides = array<i32>} : memref<16384xi32, #tpu.memory_space<vmem>>, vector<16xi32>,
    %add3A_273 = arith.addi %get3A_268, %mul3A_30 : vector<16xi32>
    %swap3A_274 = arith.constant 16 : index
    %swap3A_275 = tpu.vector_load %arg8[%swap3A_274] {strides = array<i32>} : memref<512xi32, #tpu.memory_space<vmem>>, vector<16xi32>,
    %swap3A_276 = vector.shape_cast %swap3A_275 : vector<16xi32> to vector<16xi32>
    %swap3A_277 = vector.shape_cast %add3A_273 : vector<16xi32> to vector<16xi32>
    tpu.vector_store %arg8[%swap3A_274], %swap3A_277 {strides = array<i32>} : memref<512xi32, #tpu.memory_space<vmem>>, vector<16xi32>,
    %get3A_278 = arith.constant 32 : index
    %get3A_279 = tpu.vector_load %arg6[%get3A_278] {strides = array<i32>} : memref<6416xi32, #tpu.memory_space<vmem>>, vector<16xi32>,
    %get3A_280 = vector.shape_cast %get3A_279 : vector<16xi32> to vector<16xi32>
    %swap3A_281 = arith.constant 32 : index
    %swap3A_282 = tpu.vector_load %arg7[%swap3A_281] {strides = array<i32>} : memref<16384xi32, #tpu.memory_space<vmem>>, vector<16xi32>,
    %swap3A_283 = vector.shape_cast %swap3A_282 : vector<16xi32> to vector<16xi32>
    %swap3A_284 = vector.shape_cast %get3A_280 : vector<16xi32> to vector<16xi32>
    tpu.vector_store %arg7[%swap3A_281], %swap3A_284 {strides = array<i32>} : memref<16384xi32, #tpu.memory_space<vmem>>, vector<16xi32>,
    %add3A_285 = arith.addi %get3A_280, %mul3A_43 : vector<16xi32>
    %swap3A_286 = arith.constant 32 : index
    %swap3A_287 = tpu.vector_load %arg8[%swap3A_286] {strides = array<i32>} : memref<512xi32, #tpu.memory_space<vmem>>, vector<16xi32>,
    %swap3A_288 = vector.shape_cast %swap3A_287 : vector<16xi32> to vector<16xi32>
    %swap3A_289 = vector.shape_cast %add3A_285 : vector<16xi32> to vector<16xi32>
    tpu.vector_store %arg8[%swap3A_286], %swap3A_289 {strides = array<i32>} : memref<512xi32, #tpu.memory_space<vmem>>, vector<16xi32>,
    %get3A_290 = arith.constant 48 : index
    %get3A_291 = tpu.vector_load %arg6[%get3A_290] {strides = array<i32>} : memref<6416xi32, #tpu.memory_space<vmem>>, vector<16xi32>,
    %get3A_292 = vector.shape_cast %get3A_291 : vector<16xi32> to vector<16xi32>
    %lt3A = arith.constant 2 : i32
    %lt3A_293 = vector.broadcast %lt3A : i32 to vector<16xi32>
    %lt3A_294 = arith.cmpi slt, %iota3A, %lt3A_293 : vector<16xi32>
    %select_n3A = arith.select %lt3A_294, %get3A_292, %broadcast_in_dim3A_5 : vector<16xi1>, vector<16xi32>
    %swap3A_295 = arith.constant 48 : index
    %swap3A_296 = tpu.vector_load %arg7[%swap3A_295] {strides = array<i32>} : memref<16384xi32, #tpu.memory_space<vmem>>, vector<16xi32>,
    %swap3A_297 = vector.shape_cast %swap3A_296 : vector<16xi32> to vector<16xi32>
    %swap3A_298 = vector.shape_cast %select_n3A : vector<16xi32> to vector<16xi32>
    tpu.vector_store %arg7[%swap3A_295], %swap3A_298 {strides = array<i32>} : memref<16384xi32, #tpu.memory_space<vmem>>, vector<16xi32>,
    %add3A_299 = arith.addi %select_n3A, %mul3A_56 : vector<16xi32>
    %swap3A_300 = arith.constant 48 : index
    %swap3A_301 = tpu.vector_load %arg8[%swap3A_300] {strides = array<i32>} : memref<512xi32, #tpu.memory_space<vmem>>, vector<16xi32>,
    %swap3A_302 = vector.shape_cast %swap3A_301 : vector<16xi32> to vector<16xi32>
    %swap3A_303 = vector.shape_cast %add3A_299 : vector<16xi32> to vector<16xi32>
    tpu.vector_store %arg8[%swap3A_300], %swap3A_303 {strides = array<i32>} : memref<512xi32, #tpu.memory_space<vmem>>, vector<16xi32>,
    %swap3A_304 = arith.constant 64 : index
    %swap3A_305 = tpu.vector_load %arg7[%swap3A_304] {strides = array<i32>} : memref<16384xi32, #tpu.memory_space<vmem>>, vector<16xi32>,
    %swap3A_306 = vector.shape_cast %swap3A_305 : vector<16xi32> to vector<16xi32>
    %swap3A_307 = vector.shape_cast %broadcast_in_dim3A_5 : vector<16xi32> to vector<16xi32>
    tpu.vector_store %arg7[%swap3A_304], %swap3A_307 {strides = array<i32>} : memref<16384xi32, #tpu.memory_space<vmem>>, vector<16xi32>,
    %swap3A_308 = arith.constant 80 : index
    %swap3A_309 = tpu.vector_load %arg7[%swap3A_308] {strides = array<i32>} : memref<16384xi32, #tpu.memory_space<vmem>>, vector<16xi32>,
    %swap3A_310 = vector.shape_cast %swap3A_309 : vector<16xi32> to vector<16xi32>
    %swap3A_311 = vector.shape_cast %broadcast_in_dim3A_5 : vector<16xi32> to vector<16xi32>
    tpu.vector_store %arg7[%swap3A_308], %swap3A_311 {strides = array<i32>} : memref<16384xi32, #tpu.memory_space<vmem>>, vector<16xi32>,
    %swap3A_312 = arith.constant 96 : index
    %swap3A_313 = tpu.vector_load %arg7[%swap3A_312] {strides = array<i32>} : memref<16384xi32, #tpu.memory_space<vmem>>, vector<16xi32>,
    %swap3A_314 = vector.shape_cast %swap3A_313 : vector<16xi32> to vector<16xi32>
    %swap3A_315 = vector.shape_cast %broadcast_in_dim3A_5 : vector<16xi32> to vector<16xi32>
    tpu.vector_store %arg7[%swap3A_312], %swap3A_315 {strides = array<i32>} : memref<16384xi32, #tpu.memory_space<vmem>>, vector<16xi32>,
    %swap3A_316 = arith.constant 112 : index
    %swap3A_317 = tpu.vector_load %arg7[%swap3A_316] {strides = array<i32>} : memref<16384xi32, #tpu.memory_space<vmem>>, vector<16xi32>,
    %swap3A_318 = vector.shape_cast %swap3A_317 : vector<16xi32> to vector<16xi32>
    %swap3A_319 = vector.shape_cast %broadcast_in_dim3A_5 : vector<16xi32> to vector<16xi32>
    tpu.vector_store %arg7[%swap3A_316], %swap3A_319 {strides = array<i32>} : memref<16384xi32, #tpu.memory_space<vmem>>, vector<16xi32>,
    %get3A_320 = arith.constant 50 : index
    %get3A_321 = tpu.vector_load %arg6[%get3A_320] {strides = array<i32>} : memref<6416xi32, #tpu.memory_space<vmem>>, vector<16xi32>,
    %get3A_322 = vector.shape_cast %get3A_321 : vector<16xi32> to vector<16xi32>
    %swap3A_323 = arith.constant 128 : index
    %swap3A_324 = tpu.vector_load %arg7[%swap3A_323] {strides = array<i32>} : memref<16384xi32, #tpu.memory_space<vmem>>, vector<16xi32>,
    %swap3A_325 = vector.shape_cast %swap3A_324 : vector<16xi32> to vector<16xi32>
    %swap3A_326 = vector.shape_cast %get3A_322 : vector<16xi32> to vector<16xi32>
    tpu.vector_store %arg7[%swap3A_323], %swap3A_326 {strides = array<i32>} : memref<16384xi32, #tpu.memory_space<vmem>>, vector<16xi32>,
    %add3A_327 = arith.addi %get3A_322, %mul3A_121 : vector<16xi32>
    %swap3A_328 = arith.constant 64 : index
    %swap3A_329 = tpu.vector_load %arg8[%swap3A_328] {strides = array<i32>} : memref<512xi32, #tpu.memory_space<vmem>>, vector<16xi32>,
    %swap3A_330 = vector.shape_cast %swap3A_329 : vector<16xi32> to vector<16xi32>
    %swap3A_331 = vector.shape_cast %add3A_327 : vector<16xi32> to vector<16xi32>
    tpu.vector_store %arg8[%swap3A_328], %swap3A_331 {strides = array<i32>} : memref<512xi32, #tpu.memory_space<vmem>>, vector<16xi32>,
    %get3A_332 = arith.constant 66 : index
    %get3A_333 = tpu.vector_load %arg6[%get3A_332] {strides = array<i32>} : memref<6416xi32, #tpu.memory_space<vmem>>, vector<16xi32>,
    %get3A_334 = vector.shape_cast %get3A_333 : vector<16xi32> to vector<16xi32>
    %swap3A_335 = arith.constant 144 : index
    %swap3A_336 = tpu.vector_load %arg7[%swap3A_335] {strides = array<i32>} : memref<16384xi32, #tpu.memory_space<vmem>>, vector<16xi32>,
    %swap3A_337 = vector.shape_cast %swap3A_336 : vector<16xi32> to vector<16xi32>
    %swap3A_338 = vector.shape_cast %get3A_334 : vector<16xi32> to vector<16xi32>
    tpu.vector_store %arg7[%swap3A_335], %swap3A_338 {strides = array<i32>} : memref<16384xi32, #tpu.memory_space<vmem>>, vector<16xi32>,
    %add3A_339 = arith.addi %get3A_334, %mul3A_134 : vector<16xi32>
    %swap3A_340 = arith.constant 80 : index
    %swap3A_341 = tpu.vector_load %arg8[%swap3A_340] {strides = array<i32>} : memref<512xi32, #tpu.memory_space<vmem>>, vector<16xi32>,
    %swap3A_342 = vector.shape_cast %swap3A_341 : vector<16xi32> to vector<16xi32>
    %swap3A_343 = vector.shape_cast %add3A_339 : vector<16xi32> to vector<16xi32>
    tpu.vector_store %arg8[%swap3A_340], %swap3A_343 {strides = array<i32>} : memref<512xi32, #tpu.memory_space<vmem>>, vector<16xi32>,
    %get3A_344 = arith.constant 82 : index
    %get3A_345 = tpu.vector_load %arg6[%get3A_344] {strides = array<i32>} : memref<6416xi32, #tpu.memory_space<vmem>>, vector<16xi32>,
    %get3A_346 = vector.shape_cast %get3A_345 : vector<16xi32> to vector<16xi32>
    %swap3A_347 = arith.constant 160 : index
    %swap3A_348 = tpu.vector_load %arg7[%swap3A_347] {strides = array<i32>} : memref<16384xi32, #tpu.memory_space<vmem>>, vector<16xi32>,
    %swap3A_349 = vector.shape_cast %swap3A_348 : vector<16xi32> to vector<16xi32>
    %swap3A_350 = vector.shape_cast %get3A_346 : vector<16xi32> to vector<16xi32>
    tpu.vector_store %arg7[%swap3A_347], %swap3A_350 {strides = array<i32>} : memref<16384xi32, #tpu.memory_space<vmem>>, vector<16xi32>,
    %add3A_351 = arith.addi %get3A_346, %mul3A_147 : vector<16xi32>
    %swap3A_352 = arith.constant 96 : index
    %swap3A_353 = tpu.vector_load %arg8[%swap3A_352] {strides = array<i32>} : memref<512xi32, #tpu.memory_space<vmem>>, vector<16xi32>,
    %swap3A_354 = vector.shape_cast %swap3A_353 : vector<16xi32> to vector<16xi32>
    %swap3A_355 = vector.shape_cast %add3A_351 : vector<16xi32> to vector<16xi32>
    tpu.vector_store %arg8[%swap3A_352], %swap3A_355 {strides = array<i32>} : memref<512xi32, #tpu.memory_space<vmem>>, vector<16xi32>,
    %get3A_356 = arith.constant 98 : index
    %get3A_357 = tpu.vector_load %arg6[%get3A_356] {strides = array<i32>} : memref<6416xi32, #tpu.memory_space<vmem>>, vector<16xi32>,
    %get3A_358 = vector.shape_cast %get3A_357 : vector<16xi32> to vector<16xi32>
    %lt3A_359 = arith.constant 2 : i32
    %lt3A_360 = vector.broadcast %lt3A_359 : i32 to vector<16xi32>
    %lt3A_361 = arith.cmpi slt, %iota3A, %lt3A_360 : vector<16xi32>
    %select_n3A_362 = arith.select %lt3A_361, %get3A_358, %broadcast_in_dim3A_5 : vector<16xi1>, vector<16xi32>
    %swap3A_363 = arith.constant 176 : index
    %swap3A_364 = tpu.vector_load %arg7[%swap3A_363] {strides = array<i32>} : memref<16384xi32, #tpu.memory_space<vmem>>, vector<16xi32>,
    %swap3A_365 = vector.shape_cast %swap3A_364 : vector<16xi32> to vector<16xi32>
    %swap3A_366 = vector.shape_cast %select_n3A_362 : vector<16xi32> to vector<16xi32>
    tpu.vector_store %arg7[%swap3A_363], %swap3A_366 {strides = array<i32>} : memref<16384xi32, #tpu.memory_space<vmem>>, vector<16xi32>,
    %add3A_367 = arith.addi %select_n3A_362, %mul3A_160 : vector<16xi32>
    %swap3A_368 = arith.constant 112 : index
    %swap3A_369 = tpu.vector_load %arg8[%swap3A_368] {strides = array<i32>} : memref<512xi32, #tpu.memory_space<vmem>>, vector<16xi32>,
    %swap3A_370 = vector.shape_cast %swap3A_369 : vector<16xi32> to vector<16xi32>
    %swap3A_371 = vector.shape_cast %add3A_367 : vector<16xi32> to vector<16xi32>
    tpu.vector_store %arg8[%swap3A_368], %swap3A_371 {strides = array<i32>} : memref<512xi32, #tpu.memory_space<vmem>>, vector<16xi32>,
    %swap3A_372 = arith.constant 192 : index
    %swap3A_373 = tpu.vector_load %arg7[%swap3A_372] {strides = array<i32>} : memref<16384xi32, #tpu.memory_space<vmem>>, vector<16xi32>,
    %swap3A_374 = vector.shape_cast %swap3A_373 : vector<16xi32> to vector<16xi32>
    %swap3A_375 = vector.shape_cast %broadcast_in_dim3A_5 : vector<16xi32> to vector<16xi32>
    tpu.vector_store %arg7[%swap3A_372], %swap3A_375 {strides = array<i32>} : memref<16384xi32, #tpu.memory_space<vmem>>, vector<16xi32>,
    %swap3A_376 = arith.constant 208 : index
    %swap3A_377 = tpu.vector_load %arg7[%swap3A_376] {strides = array<i32>} : memref<16384xi32, #tpu.memory_space<vmem>>, vector<16xi32>,
    %swap3A_378 = vector.shape_cast %swap3A_377 : vector<16xi32> to vector<16xi32>
    %swap3A_379 = vector.shape_cast %broadcast_in_dim3A_5 : vector<16xi32> to vector<16xi32>
    tpu.vector_store %arg7[%swap3A_376], %swap3A_379 {strides = array<i32>} : memref<16384xi32, #tpu.memory_space<vmem>>, vector<16xi32>,
    %swap3A_380 = arith.constant 224 : index
    %swap3A_381 = tpu.vector_load %arg7[%swap3A_380] {strides = array<i32>} : memref<16384xi32, #tpu.memory_space<vmem>>, vector<16xi32>,
    %swap3A_382 = vector.shape_cast %swap3A_381 : vector<16xi32> to vector<16xi32>
    %swap3A_383 = vector.shape_cast %broadcast_in_dim3A_5 : vector<16xi32> to vector<16xi32>
    tpu.vector_store %arg7[%swap3A_380], %swap3A_383 {strides = array<i32>} : memref<16384xi32, #tpu.memory_space<vmem>>, vector<16xi32>,
    %swap3A_384 = arith.constant 240 : index
    %swap3A_385 = tpu.vector_load %arg7[%swap3A_384] {strides = array<i32>} : memref<16384xi32, #tpu.memory_space<vmem>>, vector<16xi32>,
    %swap3A_386 = vector.shape_cast %swap3A_385 : vector<16xi32> to vector<16xi32>
    %swap3A_387 = vector.shape_cast %broadcast_in_dim3A_5 : vector<16xi32> to vector<16xi32>
    tpu.vector_store %arg7[%swap3A_384], %swap3A_387 {strides = array<i32>} : memref<16384xi32, #tpu.memory_space<vmem>>, vector<16xi32>,
    %dma_start3A_388 = arith.constant 0 : i32
    %dma_start3A_389 = arith.constant 0 : i32
    %dma_start3A_390 = arith.constant 0 : i32
    %dma_start3A_391 = tpu.memref_slice %arg9[%dma_start3A_388, %dma_start3A_389, %dma_start3A_390] : memref<4x128x128xf32, #tpu.memory_space<vmem>> -> memref<1x56x128xf32, #tpu.memory_space<vmem>>
    %dma_start3A_392 = tpu.memref_squeeze %dma_start3A_391 : memref<1x56x128xf32, #tpu.memory_space<vmem>> -> memref<56x128xf32, #tpu.memory_space<vmem>>
    %dma_start3A_393 = arith.constant 0 : i32
    %dma_start3A_394 = tpu.memref_slice %arg8[%dma_start3A_393] : memref<512xi32, #tpu.memory_space<vmem>> -> memref<56xi32, #tpu.memory_space<vmem>>
    %dma_start3A_395 = arith.constant 0 : i32
    %dma_start3A_396 = arith.constant 0 : i32
    %dma_start3A_397 = tpu.memref_slice %arg3[%dma_start3A_395, %dma_start3A_396] : memref<3584x128xf32, #tpu.memory_space<hbm>> -> memref<3584x128xf32, #tpu.memory_space<hbm>>
    tpu.enqueue_indirect_dma source(%dma_start3A_397 : memref<3584x128xf32, #tpu.memory_space<hbm>>) target(%dma_start3A_392 : memref<56x128xf32, #tpu.memory_space<vmem>>) offsets(%dma_start3A_394 : memref<56xi32, #tpu.memory_space<vmem>>) semaphore(%arg11 : memref<!tpu.dma_semaphore, #tpu.memory_space<semaphore_mem>>)
    %dma_start3A_398 = arith.constant 0 : i32
    %dma_start3A_399 = arith.constant 64 : i32
    %dma_start3A_400 = arith.constant 0 : i32
    %dma_start3A_401 = tpu.memref_slice %arg9[%dma_start3A_398, %dma_start3A_399, %dma_start3A_400] : memref<4x128x128xf32, #tpu.memory_space<vmem>> -> memref<1x56x128xf32, #tpu.memory_space<vmem>>
    %dma_start3A_402 = tpu.memref_squeeze %dma_start3A_401 : memref<1x56x128xf32, #tpu.memory_space<vmem>> -> memref<56x128xf32, #tpu.memory_space<vmem>>
    %dma_start3A_403 = arith.constant 64 : i32
    %dma_start3A_404 = tpu.memref_slice %arg8[%dma_start3A_403] : memref<512xi32, #tpu.memory_space<vmem>> -> memref<56xi32, #tpu.memory_space<vmem>>
    %dma_start3A_405 = arith.constant 0 : i32
    %dma_start3A_406 = arith.constant 0 : i32
    %dma_start3A_407 = tpu.memref_slice %arg3[%dma_start3A_405, %dma_start3A_406] : memref<3584x128xf32, #tpu.memory_space<hbm>> -> memref<3584x128xf32, #tpu.memory_space<hbm>>
    tpu.enqueue_indirect_dma source(%dma_start3A_407 : memref<3584x128xf32, #tpu.memory_space<hbm>>) target(%dma_start3A_402 : memref<56x128xf32, #tpu.memory_space<vmem>>) offsets(%dma_start3A_404 : memref<56xi32, #tpu.memory_space<vmem>>) semaphore(%arg11 : memref<!tpu.dma_semaphore, #tpu.memory_space<semaphore_mem>>)
    %get3A_408 = arith.constant 100 : index
    %get3A_409 = tpu.vector_load %arg6[%get3A_408] {strides = array<i32>} : memref<6416xi32, #tpu.memory_space<vmem>>, vector<16xi32>,
    %get3A_410 = vector.shape_cast %get3A_409 : vector<16xi32> to vector<16xi32>
    %swap3A_411 = arith.constant 256 : index
    %swap3A_412 = tpu.vector_load %arg7[%swap3A_411] {strides = array<i32>} : memref<16384xi32, #tpu.memory_space<vmem>>, vector<16xi32>,
    %swap3A_413 = vector.shape_cast %swap3A_412 : vector<16xi32> to vector<16xi32>
    %swap3A_414 = vector.shape_cast %get3A_410 : vector<16xi32> to vector<16xi32>
    tpu.vector_store %arg7[%swap3A_411], %swap3A_414 {strides = array<i32>} : memref<16384xi32, #tpu.memory_space<vmem>>, vector<16xi32>,
    %add3A_415 = arith.addi %get3A_410, %mul3A_17 : vector<16xi32>
    %swap3A_416 = arith.constant 128 : index
    %swap3A_417 = tpu.vector_load %arg8[%swap3A_416] {strides = array<i32>} : memref<512xi32, #tpu.memory_space<vmem>>, vector<16xi32>,
    %swap3A_418 = vector.shape_cast %swap3A_417 : vector<16xi32> to vector<16xi32>
    %swap3A_419 = vector.shape_cast %add3A_415 : vector<16xi32> to vector<16xi32>
    tpu.vector_store %arg8[%swap3A_416], %swap3A_419 {strides = array<i32>} : memref<512xi32, #tpu.memory_space<vmem>>, vector<16xi32>,
    %get3A_420 = arith.constant 116 : index
    %get3A_421 = tpu.vector_load %arg6[%get3A_420] {strides = array<i32>} : memref<6416xi32, #tpu.memory_space<vmem>>, vector<16xi32>,
    %get3A_422 = vector.shape_cast %get3A_421 : vector<16xi32> to vector<16xi32>
    %swap3A_423 = arith.constant 272 : index
    %swap3A_424 = tpu.vector_load %arg7[%swap3A_423] {strides = array<i32>} : memref<16384xi32, #tpu.memory_space<vmem>>, vector<16xi32>,
    %swap3A_425 = vector.shape_cast %swap3A_424 : vector<16xi32> to vector<16xi32>
    %swap3A_426 = vector.shape_cast %get3A_422 : vector<16xi32> to vector<16xi32>
    tpu.vector_store %arg7[%swap3A_423], %swap3A_426 {strides = array<i32>} : memref<16384xi32, #tpu.memory_space<vmem>>, vector<16xi32>,
    %add3A_427 = arith.addi %get3A_422, %mul3A_30 : vector<16xi32>
    %swap3A_428 = arith.constant 144 : index
    %swap3A_429 = tpu.vector_load %arg8[%swap3A_428] {strides = array<i32>} : memref<512xi32, #tpu.memory_space<vmem>>, vector<16xi32>,
    %swap3A_430 = vector.shape_cast %swap3A_429 : vector<16xi32> to vector<16xi32>
    %swap3A_431 = vector.shape_cast %add3A_427 : vector<16xi32> to vector<16xi32>
    tpu.vector_store %arg8[%swap3A_428], %swap3A_431 {strides = array<i32>} : memref<512xi32, #tpu.memory_space<vmem>>, vector<16xi32>,
    %get3A_432 = arith.constant 132 : index
    %get3A_433 = tpu.vector_load %arg6[%get3A_432] {strides = array<i32>} : memref<6416xi32, #tpu.memory_space<vmem>>, vector<16xi32>,
    %get3A_434 = vector.shape_cast %get3A_433 : vector<16xi32> to vector<16xi32>
    %swap3A_435 = arith.constant 288 : index
    %swap3A_436 = tpu.vector_load %arg7[%swap3A_435] {strides = array<i32>} : memref<16384xi32, #tpu.memory_space<vmem>>, vector<16xi32>,
    %swap3A_437 = vector.shape_cast %swap3A_436 : vector<16xi32> to vector<16xi32>
    %swap3A_438 = vector.shape_cast %get3A_434 : vector<16xi32> to vector<16xi32>
    tpu.vector_store %arg7[%swap3A_435], %swap3A_438 {strides = array<i32>} : memref<16384xi32, #tpu.memory_space<vmem>>, vector<16xi32>,
    %add3A_439 = arith.addi %get3A_434, %mul3A_43 : vector<16xi32>
    %swap3A_440 = arith.constant 160 : index
    %swap3A_441 = tpu.vector_load %arg8[%swap3A_440] {strides = array<i32>} : memref<512xi32, #tpu.memory_space<vmem>>, vector<16xi32>,
    %swap3A_442 = vector.shape_cast %swap3A_441 : vector<16xi32> to vector<16xi32>
    %swap3A_443 = vector.shape_cast %add3A_439 : vector<16xi32> to vector<16xi32>
    tpu.vector_store %arg8[%swap3A_440], %swap3A_443 {strides = array<i32>} : memref<512xi32, #tpu.memory_space<vmem>>, vector<16xi32>,
    %get3A_444 = arith.constant 148 : index
    %get3A_445 = tpu.vector_load %arg6[%get3A_444] {strides = array<i32>} : memref<6416xi32, #tpu.memory_space<vmem>>, vector<16xi32>,
    %get3A_446 = vector.shape_cast %get3A_445 : vector<16xi32> to vector<16xi32>
    %lt3A_447 = arith.constant 2 : i32
    %lt3A_448 = vector.broadcast %lt3A_447 : i32 to vector<16xi32>
    %lt3A_449 = arith.cmpi slt, %iota3A, %lt3A_448 : vector<16xi32>
    %select_n3A_450 = arith.select %lt3A_449, %get3A_446, %broadcast_in_dim3A_5 : vector<16xi1>, vector<16xi32>
    %swap3A_451 = arith.constant 304 : index
    %swap3A_452 = tpu.vector_load %arg7[%swap3A_451] {strides = array<i32>} : memref<16384xi32, #tpu.memory_space<vmem>>, vector<16xi32>,
    %swap3A_453 = vector.shape_cast %swap3A_452 : vector<16xi32> to vector<16xi32>
    %swap3A_454 = vector.shape_cast %select_n3A_450 : vector<16xi32> to vector<16xi32>
    tpu.vector_store %arg7[%swap3A_451], %swap3A_454 {strides = array<i32>} : memref<16384xi32, #tpu.memory_space<vmem>>, vector<16xi32>,
    %add3A_455 = arith.addi %select_n3A_450, %mul3A_56 : vector<16xi32>
    %swap3A_456 = arith.constant 176 : index
    %swap3A_457 = tpu.vector_load %arg8[%swap3A_456] {strides = array<i32>} : memref<512xi32, #tpu.memory_space<vmem>>, vector<16xi32>,
    %swap3A_458 = vector.shape_cast %swap3A_457 : vector<16xi32> to vector<16xi32>
    %swap3A_459 = vector.shape_cast %add3A_455 : vector<16xi32> to vector<16xi32>
    tpu.vector_store %arg8[%swap3A_456], %swap3A_459 {strides = array<i32>} : memref<512xi32, #tpu.memory_space<vmem>>, vector<16xi32>,
    %swap3A_460 = arith.constant 320 : index
    %swap3A_461 = tpu.vector_load %arg7[%swap3A_460] {strides = array<i32>} : memref<16384xi32, #tpu.memory_space<vmem>>, vector<16xi32>,
    %swap3A_462 = vector.shape_cast %swap3A_461 : vector<16xi32> to vector<16xi32>
    %swap3A_463 = vector.shape_cast %broadcast_in_dim3A_5 : vector<16xi32> to vector<16xi32>
    tpu.vector_store %arg7[%swap3A_460], %swap3A_463 {strides = array<i32>} : memref<16384xi32, #tpu.memory_space<vmem>>, vector<16xi32>,
    %swap3A_464 = arith.constant 336 : index
    %swap3A_465 = tpu.vector_load %arg7[%swap3A_464] {strides = array<i32>} : memref<16384xi32, #tpu.memory_space<vmem>>, vector<16xi32>,
    %swap3A_466 = vector.shape_cast %swap3A_465 : vector<16xi32> to vector<16xi32>
    %swap3A_467 = vector.shape_cast %broadcast_in_dim3A_5 : vector<16xi32> to vector<16xi32>
    tpu.vector_store %arg7[%swap3A_464], %swap3A_467 {strides = array<i32>} : memref<16384xi32, #tpu.memory_space<vmem>>, vector<16xi32>,
    %swap3A_468 = arith.constant 352 : index
    %swap3A_469 = tpu.vector_load %arg7[%swap3A_468] {strides = array<i32>} : memref<16384xi32, #tpu.memory_space<vmem>>, vector<16xi32>,
    %swap3A_470 = vector.shape_cast %swap3A_469 : vector<16xi32> to vector<16xi32>
    %swap3A_471 = vector.shape_cast %broadcast_in_dim3A_5 : vector<16xi32> to vector<16xi32>
    tpu.vector_store %arg7[%swap3A_468], %swap3A_471 {strides = array<i32>} : memref<16384xi32, #tpu.memory_space<vmem>>, vector<16xi32>,
    %swap3A_472 = arith.constant 368 : index
    %swap3A_473 = tpu.vector_load %arg7[%swap3A_472] {strides = array<i32>} : memref<16384xi32, #tpu.memory_space<vmem>>, vector<16xi32>,
    %swap3A_474 = vector.shape_cast %swap3A_473 : vector<16xi32> to vector<16xi32>
    %swap3A_475 = vector.shape_cast %broadcast_in_dim3A_5 : vector<16xi32> to vector<16xi32>
    tpu.vector_store %arg7[%swap3A_472], %swap3A_475 {strides = array<i32>} : memref<16384xi32, #tpu.memory_space<vmem>>, vector<16xi32>,
    %get3A_476 = arith.constant 150 : index
    %get3A_477 = tpu.vector_load %arg6[%get3A_476] {strides = array<i32>} : memref<6416xi32, #tpu.memory_space<vmem>>, vector<16xi32>,
    %get3A_478 = vector.shape_cast %get3A_477 : vector<16xi32> to vector<16xi32>
    %swap3A_479 = arith.constant 384 : index
    %swap3A_480 = tpu.vector_load %arg7[%swap3A_479] {strides = array<i32>} : memref<16384xi32, #tpu.memory_space<vmem>>, vector<16xi32>,
    %swap3A_481 = vector.shape_cast %swap3A_480 : vector<16xi32> to vector<16xi32>
    %swap3A_482 = vector.shape_cast %get3A_478 : vector<16xi32> to vector<16xi32>
    tpu.vector_store %arg7[%swap3A_479], %swap3A_482 {strides = array<i32>} : memref<16384xi32, #tpu.memory_space<vmem>>, vector<16xi32>,
    %add3A_483 = arith.addi %get3A_478, %mul3A_121 : vector<16xi32>
    %swap3A_484 = arith.constant 192 : index
    %swap3A_485 = tpu.vector_load %arg8[%swap3A_484] {strides = array<i32>} : memref<512xi32, #tpu.memory_space<vmem>>, vector<16xi32>,
    %swap3A_486 = vector.shape_cast %swap3A_485 : vector<16xi32> to vector<16xi32>
    %swap3A_487 = vector.shape_cast %add3A_483 : vector<16xi32> to vector<16xi32>
    tpu.vector_store %arg8[%swap3A_484], %swap3A_487 {strides = array<i32>} : memref<512xi32, #tpu.memory_space<vmem>>, vector<16xi32>,
    %get3A_488 = arith.constant 166 : index
    %get3A_489 = tpu.vector_load %arg6[%get3A_488] {strides = array<i32>} : memref<6416xi32, #tpu.memory_space<vmem>>, vector<16xi32>,
    %get3A_490 = vector.shape_cast %get3A_489 : vector<16xi32> to vector<16xi32>
    %swap3A_491 = arith.constant 400 : index
    %swap3A_492 = tpu.vector_load %arg7[%swap3A_491] {strides = array<i32>} : memref<16384xi32, #tpu.memory_space<vmem>>, vector<16xi32>,
    %swap3A_493 = vector.shape_cast %swap3A_492 : vector<16xi32> to vector<16xi32>
    %swap3A_494 = vector.shape_cast %get3A_490 : vector<16xi32> to vector<16xi32>
    tpu.vector_store %arg7[%swap3A_491], %swap3A_494 {strides = array<i32>} : memref<16384xi32, #tpu.memory_space<vmem>>, vector<16xi32>,
    %add3A_495 = arith.addi %get3A_490, %mul3A_134 : vector<16xi32>
    %swap3A_496 = arith.constant 208 : index
    %swap3A_497 = tpu.vector_load %arg8[%swap3A_496] {strides = array<i32>} : memref<512xi32, #tpu.memory_space<vmem>>, vector<16xi32>,
    %swap3A_498 = vector.shape_cast %swap3A_497 : vector<16xi32> to vector<16xi32>
    %swap3A_499 = vector.shape_cast %add3A_495 : vector<16xi32> to vector<16xi32>
    tpu.vector_store %arg8[%swap3A_496], %swap3A_499 {strides = array<i32>} : memref<512xi32, #tpu.memory_space<vmem>>, vector<16xi32>,
    %get3A_500 = arith.constant 182 : index
    %get3A_501 = tpu.vector_load %arg6[%get3A_500] {strides = array<i32>} : memref<6416xi32, #tpu.memory_space<vmem>>, vector<16xi32>,
    %get3A_502 = vector.shape_cast %get3A_501 : vector<16xi32> to vector<16xi32>
    %swap3A_503 = arith.constant 416 : index
    %swap3A_504 = tpu.vector_load %arg7[%swap3A_503] {strides = array<i32>} : memref<16384xi32, #tpu.memory_space<vmem>>, vector<16xi32>,
    %swap3A_505 = vector.shape_cast %swap3A_504 : vector<16xi32> to vector<16xi32>
    %swap3A_506 = vector.shape_cast %get3A_502 : vector<16xi32> to vector<16xi32>
    tpu.vector_store %arg7[%swap3A_503], %swap3A_506 {strides = array<i32>} : memref<16384xi32, #tpu.memory_space<vmem>>, vector<16xi32>,
    %add3A_507 = arith.addi %get3A_502, %mul3A_147 : vector<16xi32>
    %swap3A_508 = arith.constant 224 : index
    %swap3A_509 = tpu.vector_load %arg8[%swap3A_508] {strides = array<i32>} : memref<512xi32, #tpu.memory_space<vmem>>, vector<16xi32>,
    %swap3A_510 = vector.shape_cast %swap3A_509 : vector<16xi32> to vector<16xi32>
    %swap3A_511 = vector.shape_cast %add3A_507 : vector<16xi32> to vector<16xi32>
    tpu.vector_store %arg8[%swap3A_508], %swap3A_511 {strides = array<i32>} : memref<512xi32, #tpu.memory_space<vmem>>, vector<16xi32>,
    %get3A_512 = arith.constant 198 : index
    %get3A_513 = tpu.vector_load %arg6[%get3A_512] {strides = array<i32>} : memref<6416xi32, #tpu.memory_space<vmem>>, vector<16xi32>,
    %get3A_514 = vector.shape_cast %get3A_513 : vector<16xi32> to vector<16xi32>
    %lt3A_515 = arith.constant 2 : i32
    %lt3A_516 = vector.broadcast %lt3A_515 : i32 to vector<16xi32>
    %lt3A_517 = arith.cmpi slt, %iota3A, %lt3A_516 : vector<16xi32>
    %select_n3A_518 = arith.select %lt3A_517, %get3A_514, %broadcast_in_dim3A_5 : vector<16xi1>, vector<16xi32>
    %swap3A_519 = arith.constant 432 : index
    %swap3A_520 = tpu.vector_load %arg7[%swap3A_519] {strides = array<i32>} : memref<16384xi32, #tpu.memory_space<vmem>>, vector<16xi32>,
    %swap3A_521 = vector.shape_cast %swap3A_520 : vector<16xi32> to vector<16xi32>
    %swap3A_522 = vector.shape_cast %select_n3A_518 : vector<16xi32> to vector<16xi32>
    tpu.vector_store %arg7[%swap3A_519], %swap3A_522 {strides = array<i32>} : memref<16384xi32, #tpu.memory_space<vmem>>, vector<16xi32>,
    %add3A_523 = arith.addi %select_n3A_518, %mul3A_160 : vector<16xi32>
    %swap3A_524 = arith.constant 240 : index
    %swap3A_525 = tpu.vector_load %arg8[%swap3A_524] {strides = array<i32>} : memref<512xi32, #tpu.memory_space<vmem>>, vector<16xi32>,
    %swap3A_526 = vector.shape_cast %swap3A_525 : vector<16xi32> to vector<16xi32>
    %swap3A_527 = vector.shape_cast %add3A_523 : vector<16xi32> to vector<16xi32>
    tpu.vector_store %arg8[%swap3A_524], %swap3A_527 {strides = array<i32>} : memref<512xi32, #tpu.memory_space<vmem>>, vector<16xi32>,
    %swap3A_528 = arith.constant 448 : index
    %swap3A_529 = tpu.vector_load %arg7[%swap3A_528] {strides = array<i32>} : memref<16384xi32, #tpu.memory_space<vmem>>, vector<16xi32>,
    %swap3A_530 = vector.shape_cast %swap3A_529 : vector<16xi32> to vector<16xi32>
    %swap3A_531 = vector.shape_cast %broadcast_in_dim3A_5 : vector<16xi32> to vector<16xi32>
    tpu.vector_store %arg7[%swap3A_528], %swap3A_531 {strides = array<i32>} : memref<16384xi32, #tpu.memory_space<vmem>>, vector<16xi32>,
    %swap3A_532 = arith.constant 464 : index
    %swap3A_533 = tpu.vector_load %arg7[%swap3A_532] {strides = array<i32>} : memref<16384xi32, #tpu.memory_space<vmem>>, vector<16xi32>,
    %swap3A_534 = vector.shape_cast %swap3A_533 : vector<16xi32> to vector<16xi32>
    %swap3A_535 = vector.shape_cast %broadcast_in_dim3A_5 : vector<16xi32> to vector<16xi32>
    tpu.vector_store %arg7[%swap3A_532], %swap3A_535 {strides = array<i32>} : memref<16384xi32, #tpu.memory_space<vmem>>, vector<16xi32>,
    %swap3A_536 = arith.constant 480 : index
    %swap3A_537 = tpu.vector_load %arg7[%swap3A_536] {strides = array<i32>} : memref<16384xi32, #tpu.memory_space<vmem>>, vector<16xi32>,
    %swap3A_538 = vector.shape_cast %swap3A_537 : vector<16xi32> to vector<16xi32>
    %swap3A_539 = vector.shape_cast %broadcast_in_dim3A_5 : vector<16xi32> to vector<16xi32>
    tpu.vector_store %arg7[%swap3A_536], %swap3A_539 {strides = array<i32>} : memref<16384xi32, #tpu.memory_space<vmem>>, vector<16xi32>,
    %swap3A_540 = arith.constant 496 : index
    %swap3A_541 = tpu.vector_load %arg7[%swap3A_540] {strides = array<i32>} : memref<16384xi32, #tpu.memory_space<vmem>>, vector<16xi32>,
    %swap3A_542 = vector.shape_cast %swap3A_541 : vector<16xi32> to vector<16xi32>
    %swap3A_543 = vector.shape_cast %broadcast_in_dim3A_5 : vector<16xi32> to vector<16xi32>
    tpu.vector_store %arg7[%swap3A_540], %swap3A_543 {strides = array<i32>} : memref<16384xi32, #tpu.memory_space<vmem>>, vector<16xi32>,
    %dma_start3A_544 = arith.constant 1 : i32
    %dma_start3A_545 = arith.constant 0 : i32
    %dma_start3A_546 = arith.constant 0 : i32
    %dma_start3A_547 = tpu.memref_slice %arg9[%dma_start3A_544, %dma_start3A_545, %dma_start3A_546] : memref<4x128x128xf32, #tpu.memory_space<vmem>> -> memref<1x56x128xf32, #tpu.memory_space<vmem>>
    %dma_start3A_548 = tpu.memref_squeeze %dma_start3A_547 : memref<1x56x128xf32, #tpu.memory_space<vmem>> -> memref<56x128xf32, #tpu.memory_space<vmem>>
    %dma_start3A_549 = arith.constant 128 : i32
    %dma_start3A_550 = tpu.memref_slice %arg8[%dma_start3A_549] : memref<512xi32, #tpu.memory_space<vmem>> -> memref<56xi32, #tpu.memory_space<vmem>>
    %dma_start3A_551 = arith.constant 0 : i32
    %dma_start3A_552 = arith.constant 0 : i32
    %dma_start3A_553 = tpu.memref_slice %arg3[%dma_start3A_551, %dma_start3A_552] : memref<3584x128xf32, #tpu.memory_space<hbm>> -> memref<3584x128xf32, #tpu.memory_space<hbm>>
    tpu.enqueue_indirect_dma source(%dma_start3A_553 : memref<3584x128xf32, #tpu.memory_space<hbm>>) target(%dma_start3A_548 : memref<56x128xf32, #tpu.memory_space<vmem>>) offsets(%dma_start3A_550 : memref<56xi32, #tpu.memory_space<vmem>>) semaphore(%arg12 : memref<!tpu.dma_semaphore, #tpu.memory_space<semaphore_mem>>)
    %dma_start3A_554 = arith.constant 1 : i32
    %dma_start3A_555 = arith.constant 64 : i32
    %dma_start3A_556 = arith.constant 0 : i32
    %dma_start3A_557 = tpu.memref_slice %arg9[%dma_start3A_554, %dma_start3A_555, %dma_start3A_556] : memref<4x128x128xf32, #tpu.memory_space<vmem>> -> memref<1x56x128xf32, #tpu.memory_space<vmem>>
    %dma_start3A_558 = tpu.memref_squeeze %dma_start3A_557 : memref<1x56x128xf32, #tpu.memory_space<vmem>> -> memref<56x128xf32, #tpu.memory_space<vmem>>
    %dma_start3A_559 = arith.constant 192 : i32
    %dma_start3A_560 = tpu.memref_slice %arg8[%dma_start3A_559] : memref<512xi32, #tpu.memory_space<vmem>> -> memref<56xi32, #tpu.memory_space<vmem>>
    %dma_start3A_561 = arith.constant 0 : i32
    %dma_start3A_562 = arith.constant 0 : i32
    %dma_start3A_563 = tpu.memref_slice %arg3[%dma_start3A_561, %dma_start3A_562] : memref<3584x128xf32, #tpu.memory_space<hbm>> -> memref<3584x128xf32, #tpu.memory_space<hbm>>
    tpu.enqueue_indirect_dma source(%dma_start3A_563 : memref<3584x128xf32, #tpu.memory_space<hbm>>) target(%dma_start3A_558 : memref<56x128xf32, #tpu.memory_space<vmem>>) offsets(%dma_start3A_560 : memref<56xi32, #tpu.memory_space<vmem>>) semaphore(%arg12 : memref<!tpu.dma_semaphore, #tpu.memory_space<semaphore_mem>>)
    %get3A_564 = arith.constant 200 : index
    %get3A_565 = tpu.vector_load %arg6[%get3A_564] {strides = array<i32>} : memref<6416xi32, #tpu.memory_space<vmem>>, vector<16xi32>,
    %get3A_566 = vector.shape_cast %get3A_565 : vector<16xi32> to vector<16xi32>
    %swap3A_567 = arith.constant 512 : index
    %swap3A_568 = tpu.vector_load %arg7[%swap3A_567] {strides = array<i32>} : memref<16384xi32, #tpu.memory_space<vmem>>, vector<16xi32>,
    %swap3A_569 = vector.shape_cast %swap3A_568 : vector<16xi32> to vector<16xi32>
    %swap3A_570 = vector.shape_cast %get3A_566 : vector<16xi32> to vector<16xi32>
    tpu.vector_store %arg7[%swap3A_567], %swap3A_570 {strides = array<i32>} : memref<16384xi32, #tpu.memory_space<vmem>>, vector<16xi32>,
    %add3A_571 = arith.addi %get3A_566, %mul3A_17 : vector<16xi32>
    %swap3A_572 = arith.constant 256 : index
    %swap3A_573 = tpu.vector_load %arg8[%swap3A_572] {strides = array<i32>} : memref<512xi32, #tpu.memory_space<vmem>>, vector<16xi32>,
    %swap3A_574 = vector.shape_cast %swap3A_573 : vector<16xi32> to vector<16xi32>
    %swap3A_575 = vector.shape_cast %add3A_571 : vector<16xi32> to vector<16xi32>
    tpu.vector_store %arg8[%swap3A_572], %swap3A_575 {strides = array<i32>} : memref<512xi32, #tpu.memory_space<vmem>>, vector<16xi32>,
    %get3A_576 = arith.constant 216 : index
    %get3A_577 = tpu.vector_load %arg6[%get3A_576] {strides = array<i32>} : memref<6416xi32, #tpu.memory_space<vmem>>, vector<16xi32>,
    %get3A_578 = vector.shape_cast %get3A_577 : vector<16xi32> to vector<16xi32>
    %swap3A_579 = arith.constant 528 : index
    %swap3A_580 = tpu.vector_load %arg7[%swap3A_579] {strides = array<i32>} : memref<16384xi32, #tpu.memory_space<vmem>>, vector<16xi32>,
    %swap3A_581 = vector.shape_cast %swap3A_580 : vector<16xi32> to vector<16xi32>
    %swap3A_582 = vector.shape_cast %get3A_578 : vector<16xi32> to vector<16xi32>
    tpu.vector_store %arg7[%swap3A_579], %swap3A_582 {strides = array<i32>} : memref<16384xi32, #tpu.memory_space<vmem>>, vector<16xi32>,
    %add3A_583 = arith.addi %get3A_578, %mul3A_30 : vector<16xi32>
    %swap3A_584 = arith.constant 272 : index
    %swap3A_585 = tpu.vector_load %arg8[%swap3A_584] {strides = array<i32>} : memref<512xi32, #tpu.memory_space<vmem>>, vector<16xi32>,
    %swap3A_586 = vector.shape_cast %swap3A_585 : vector<16xi32> to vector<16xi32>
    %swap3A_587 = vector.shape_cast %add3A_583 : vector<16xi32> to vector<16xi32>
    tpu.vector_store %arg8[%swap3A_584], %swap3A_587 {strides = array<i32>} : memref<512xi32, #tpu.memory_space<vmem>>, vector<16xi32>,
    %get3A_588 = arith.constant 232 : index
    %get3A_589 = tpu.vector_load %arg6[%get3A_588] {strides = array<i32>} : memref<6416xi32, #tpu.memory_space<vmem>>, vector<16xi32>,
    %get3A_590 = vector.shape_cast %get3A_589 : vector<16xi32> to vector<16xi32>
    %swap3A_591 = arith.constant 544 : index
    %swap3A_592 = tpu.vector_load %arg7[%swap3A_591] {strides = array<i32>} : memref<16384xi32, #tpu.memory_space<vmem>>, vector<16xi32>,
    %swap3A_593 = vector.shape_cast %swap3A_592 : vector<16xi32> to vector<16xi32>
    %swap3A_594 = vector.shape_cast %get3A_590 : vector<16xi32> to vector<16xi32>
    tpu.vector_store %arg7[%swap3A_591], %swap3A_594 {strides = array<i32>} : memref<16384xi32, #tpu.memory_space<vmem>>, vector<16xi32>,
    %add3A_595 = arith.addi %get3A_590, %mul3A_43 : vector<16xi32>
    %swap3A_596 = arith.constant 288 : index
    %swap3A_597 = tpu.vector_load %arg8[%swap3A_596] {strides = array<i32>} : memref<512xi32, #tpu.memory_space<vmem>>, vector<16xi32>,
    %swap3A_598 = vector.shape_cast %swap3A_597 : vector<16xi32> to vector<16xi32>
    %swap3A_599 = vector.shape_cast %add3A_595 : vector<16xi32> to vector<16xi32>
    tpu.vector_store %arg8[%swap3A_596], %swap3A_599 {strides = array<i32>} : memref<512xi32, #tpu.memory_space<vmem>>, vector<16xi32>,
    %get3A_600 = arith.constant 248 : index
    %get3A_601 = tpu.vector_load %arg6[%get3A_600] {strides = array<i32>} : memref<6416xi32, #tpu.memory_space<vmem>>, vector<16xi32>,
    %get3A_602 = vector.shape_cast %get3A_601 : vector<16xi32> to vector<16xi32>
    %lt3A_603 = arith.constant 2 : i32
    %lt3A_604 = vector.broadcast %lt3A_603 : i32 to vector<16xi32>
    %lt3A_605 = arith.cmpi slt, %iota3A, %lt3A_604 : vector<16xi32>
    %select_n3A_606 = arith.select %lt3A_605, %get3A_602, %broadcast_in_dim3A_5 : vector<16xi1>, vector<16xi32>
    %swap3A_607 = arith.constant 560 : index
    %swap3A_608 = tpu.vector_load %arg7[%swap3A_607] {strides = array<i32>} : memref<16384xi32, #tpu.memory_space<vmem>>, vector<16xi32>,
    %swap3A_609 = vector.shape_cast %swap3A_608 : vector<16xi32> to vector<16xi32>
    %swap3A_610 = vector.shape_cast %select_n3A_606 : vector<16xi32> to vector<16xi32>
    tpu.vector_store %arg7[%swap3A_607], %swap3A_610 {strides = array<i32>} : memref<16384xi32, #tpu.memory_space<vmem>>, vector<16xi32>,
    %add3A_611 = arith.addi %select_n3A_606, %mul3A_56 : vector<16xi32>
    %swap3A_612 = arith.constant 304 : index
    %swap3A_613 = tpu.vector_load %arg8[%swap3A_612] {strides = array<i32>} : memref<512xi32, #tpu.memory_space<vmem>>, vector<16xi32>,
    %swap3A_614 = vector.shape_cast %swap3A_613 : vector<16xi32> to vector<16xi32>
    %swap3A_615 = vector.shape_cast %add3A_611 : vector<16xi32> to vector<16xi32>
    tpu.vector_store %arg8[%swap3A_612], %swap3A_615 {strides = array<i32>} : memref<512xi32, #tpu.memory_space<vmem>>, vector<16xi32>,
    %swap3A_616 = arith.constant 576 : index
    %swap3A_617 = tpu.vector_load %arg7[%swap3A_616] {strides = array<i32>} : memref<16384xi32, #tpu.memory_space<vmem>>, vector<16xi32>,
    %swap3A_618 = vector.shape_cast %swap3A_617 : vector<16xi32> to vector<16xi32>
    %swap3A_619 = vector.shape_cast %broadcast_in_dim3A_5 : vector<16xi32> to vector<16xi32>
    tpu.vector_store %arg7[%swap3A_616], %swap3A_619 {strides = array<i32>} : memref<16384xi32, #tpu.memory_space<vmem>>, vector<16xi32>,
    %swap3A_620 = arith.constant 592 : index
    %swap3A_621 = tpu.vector_load %arg7[%swap3A_620] {strides = array<i32>} : memref<16384xi32, #tpu.memory_space<vmem>>, vector<16xi32>,
    %swap3A_622 = vector.shape_cast %swap3A_621 : vector<16xi32> to vector<16xi32>
    %swap3A_623 = vector.shape_cast %broadcast_in_dim3A_5 : vector<16xi32> to vector<16xi32>
    tpu.vector_store %arg7[%swap3A_620], %swap3A_623 {strides = array<i32>} : memref<16384xi32, #tpu.memory_space<vmem>>, vector<16xi32>,
    %swap3A_624 = arith.constant 608 : index
    %swap3A_625 = tpu.vector_load %arg7[%swap3A_624] {strides = array<i32>} : memref<16384xi32, #tpu.memory_space<vmem>>, vector<16xi32>,
    %swap3A_626 = vector.shape_cast %swap3A_625 : vector<16xi32> to vector<16xi32>
    %swap3A_627 = vector.shape_cast %broadcast_in_dim3A_5 : vector<16xi32> to vector<16xi32>
    tpu.vector_store %arg7[%swap3A_624], %swap3A_627 {strides = array<i32>} : memref<16384xi32, #tpu.memory_space<vmem>>, vector<16xi32>,
    %swap3A_628 = arith.constant 624 : index
    %swap3A_629 = tpu.vector_load %arg7[%swap3A_628] {strides = array<i32>} : memref<16384xi32, #tpu.memory_space<vmem>>, vector<16xi32>,
    %swap3A_630 = vector.shape_cast %swap3A_629 : vector<16xi32> to vector<16xi32>
    %swap3A_631 = vector.shape_cast %broadcast_in_dim3A_5 : vector<16xi32> to vector<16xi32>
    tpu.vector_store %arg7[%swap3A_628], %swap3A_631 {strides = array<i32>} : memref<16384xi32, #tpu.memory_space<vmem>>, vector<16xi32>,
    %get3A_632 = arith.constant 250 : index
    %get3A_633 = tpu.vector_load %arg6[%get3A_632] {strides = array<i32>} : memref<6416xi32, #tpu.memory_space<vmem>>, vector<16xi32>,
    %get3A_634 = vector.shape_cast %get3A_633 : vector<16xi32> to vector<16xi32>
    %swap3A_635 = arith.constant 640 : index
    %swap3A_636 = tpu.vector_load %arg7[%swap3A_635] {strides = array<i32>} : memref<16384xi32, #tpu.memory_space<vmem>>, vector<16xi32>,
    %swap3A_637 = vector.shape_cast %swap3A_636 : vector<16xi32> to vector<16xi32>
    %swap3A_638 = vector.shape_cast %get3A_634 : vector<16xi32> to vector<16xi32>
    tpu.vector_store %arg7[%swap3A_635], %swap3A_638 {strides = array<i32>} : memref<16384xi32, #tpu.memory_space<vmem>>, vector<16xi32>,
    %add3A_639 = arith.addi %get3A_634, %mul3A_121 : vector<16xi32>
    %swap3A_640 = arith.constant 320 : index
    %swap3A_641 = tpu.vector_load %arg8[%swap3A_640] {strides = array<i32>} : memref<512xi32, #tpu.memory_space<vmem>>, vector<16xi32>,
    %swap3A_642 = vector.shape_cast %swap3A_641 : vector<16xi32> to vector<16xi32>
    %swap3A_643 = vector.shape_cast %add3A_639 : vector<16xi32> to vector<16xi32>
    tpu.vector_store %arg8[%swap3A_640], %swap3A_643 {strides = array<i32>} : memref<512xi32, #tpu.memory_space<vmem>>, vector<16xi32>,
    %get3A_644 = arith.constant 266 : index
    %get3A_645 = tpu.vector_load %arg6[%get3A_644] {strides = array<i32>} : memref<6416xi32, #tpu.memory_space<vmem>>, vector<16xi32>,
    %get3A_646 = vector.shape_cast %get3A_645 : vector<16xi32> to vector<16xi32>
    %swap3A_647 = arith.constant 656 : index
    %swap3A_648 = tpu.vector_load %arg7[%swap3A_647] {strides = array<i32>} : memref<16384xi32, #tpu.memory_space<vmem>>, vector<16xi32>,
    %swap3A_649 = vector.shape_cast %swap3A_648 : vector<16xi32> to vector<16xi32>
    %swap3A_650 = vector.shape_cast %get3A_646 : vector<16xi32> to vector<16xi32>
    tpu.vector_store %arg7[%swap3A_647], %swap3A_650 {strides = array<i32>} : memref<16384xi32, #tpu.memory_space<vmem>>, vector<16xi32>,
    %add3A_651 = arith.addi %get3A_646, %mul3A_134 : vector<16xi32>
    %swap3A_652 = arith.constant 336 : index
    %swap3A_653 = tpu.vector_load %arg8[%swap3A_652] {strides = array<i32>} : memref<512xi32, #tpu.memory_space<vmem>>, vector<16xi32>,
    %swap3A_654 = vector.shape_cast %swap3A_653 : vector<16xi32> to vector<16xi32>
    %swap3A_655 = vector.shape_cast %add3A_651 : vector<16xi32> to vector<16xi32>
    tpu.vector_store %arg8[%swap3A_652], %swap3A_655 {strides = array<i32>} : memref<512xi32, #tpu.memory_space<vmem>>, vector<16xi32>,
    %get3A_656 = arith.constant 282 : index
    %get3A_657 = tpu.vector_load %arg6[%get3A_656] {strides = array<i32>} : memref<6416xi32, #tpu.memory_space<vmem>>, vector<16xi32>,
    %get3A_658 = vector.shape_cast %get3A_657 : vector<16xi32> to vector<16xi32>
    %swap3A_659 = arith.constant 672 : index
    %swap3A_660 = tpu.vector_load %arg7[%swap3A_659] {strides = array<i32>} : memref<16384xi32, #tpu.memory_space<vmem>>, vector<16xi32>,
    %swap3A_661 = vector.shape_cast %swap3A_660 : vector<16xi32> to vector<16xi32>
    %swap3A_662 = vector.shape_cast %get3A_658 : vector<16xi32> to vector<16xi32>
    tpu.vector_store %arg7[%swap3A_659], %swap3A_662 {strides = array<i32>} : memref<16384xi32, #tpu.memory_space<vmem>>, vector<16xi32>,
    %add3A_663 = arith.addi %get3A_658, %mul3A_147 : vector<16xi32>
    %swap3A_664 = arith.constant 352 : index
    %swap3A_665 = tpu.vector_load %arg8[%swap3A_664] {strides = array<i32>} : memref<512xi32, #tpu.memory_space<vmem>>, vector<16xi32>,
    %swap3A_666 = vector.shape_cast %swap3A_665 : vector<16xi32> to vector<16xi32>
    %swap3A_667 = vector.shape_cast %add3A_663 : vector<16xi32> to vector<16xi32>
    tpu.vector_store %arg8[%swap3A_664], %swap3A_667 {strides = array<i32>} : memref<512xi32, #tpu.memory_space<vmem>>, vector<16xi32>,
    %get3A_668 = arith.constant 298 : index
    %get3A_669 = tpu.vector_load %arg6[%get3A_668] {strides = array<i32>} : memref<6416xi32, #tpu.memory_space<vmem>>, vector<16xi32>,
    %get3A_670 = vector.shape_cast %get3A_669 : vector<16xi32> to vector<16xi32>
    %lt3A_671 = arith.constant 2 : i32
    %lt3A_672 = vector.broadcast %lt3A_671 : i32 to vector<16xi32>
    %lt3A_673 = arith.cmpi slt, %iota3A, %lt3A_672 : vector<16xi32>
    %select_n3A_674 = arith.select %lt3A_673, %get3A_670, %broadcast_in_dim3A_5 : vector<16xi1>, vector<16xi32>
    %swap3A_675 = arith.constant 688 : index
    %swap3A_676 = tpu.vector_load %arg7[%swap3A_675] {strides = array<i32>} : memref<16384xi32, #tpu.memory_space<vmem>>, vector<16xi32>,
    %swap3A_677 = vector.shape_cast %swap3A_676 : vector<16xi32> to vector<16xi32>
    %swap3A_678 = vector.shape_cast %select_n3A_674 : vector<16xi32> to vector<16xi32>
    tpu.vector_store %arg7[%swap3A_675], %swap3A_678 {strides = array<i32>} : memref<16384xi32, #tpu.memory_space<vmem>>, vector<16xi32>,
    %add3A_679 = arith.addi %select_n3A_674, %mul3A_160 : vector<16xi32>
    %swap3A_680 = arith.constant 368 : index
    %swap3A_681 = tpu.vector_load %arg8[%swap3A_680] {strides = array<i32>} : memref<512xi32, #tpu.memory_space<vmem>>, vector<16xi32>,
    %swap3A_682 = vector.shape_cast %swap3A_681 : vector<16xi32> to vector<16xi32>
    %swap3A_683 = vector.shape_cast %add3A_679 : vector<16xi32> to vector<16xi32>
    tpu.vector_store %arg8[%swap3A_680], %swap3A_683 {strides = array<i32>} : memref<512xi32, #tpu.memory_space<vmem>>, vector<16xi32>,
    %swap3A_684 = arith.constant 704 : index
    %swap3A_685 = tpu.vector_load %arg7[%swap3A_684] {strides = array<i32>} : memref<16384xi32, #tpu.memory_space<vmem>>, vector<16xi32>,
    %swap3A_686 = vector.shape_cast %swap3A_685 : vector<16xi32> to vector<16xi32>
    %swap3A_687 = vector.shape_cast %broadcast_in_dim3A_5 : vector<16xi32> to vector<16xi32>
    tpu.vector_store %arg7[%swap3A_684], %swap3A_687 {strides = array<i32>} : memref<16384xi32, #tpu.memory_space<vmem>>, vector<16xi32>,
    %swap3A_688 = arith.constant 720 : index
    %swap3A_689 = tpu.vector_load %arg7[%swap3A_688] {strides = array<i32>} : memref<16384xi32, #tpu.memory_space<vmem>>, vector<16xi32>,
    %swap3A_690 = vector.shape_cast %swap3A_689 : vector<16xi32> to vector<16xi32>
    %swap3A_691 = vector.shape_cast %broadcast_in_dim3A_5 : vector<16xi32> to vector<16xi32>
    tpu.vector_store %arg7[%swap3A_688], %swap3A_691 {strides = array<i32>} : memref<16384xi32, #tpu.memory_space<vmem>>, vector<16xi32>,
    %swap3A_692 = arith.constant 736 : index
    %swap3A_693 = tpu.vector_load %arg7[%swap3A_692] {strides = array<i32>} : memref<16384xi32, #tpu.memory_space<vmem>>, vector<16xi32>,
    %swap3A_694 = vector.shape_cast %swap3A_693 : vector<16xi32> to vector<16xi32>
    %swap3A_695 = vector.shape_cast %broadcast_in_dim3A_5 : vector<16xi32> to vector<16xi32>
    tpu.vector_store %arg7[%swap3A_692], %swap3A_695 {strides = array<i32>} : memref<16384xi32, #tpu.memory_space<vmem>>, vector<16xi32>,
    %swap3A_696 = arith.constant 752 : index
    %swap3A_697 = tpu.vector_load %arg7[%swap3A_696] {strides = array<i32>} : memref<16384xi32, #tpu.memory_space<vmem>>, vector<16xi32>,
    %swap3A_698 = vector.shape_cast %swap3A_697 : vector<16xi32> to vector<16xi32>
    %swap3A_699 = vector.shape_cast %broadcast_in_dim3A_5 : vector<16xi32> to vector<16xi32>
    tpu.vector_store %arg7[%swap3A_696], %swap3A_699 {strides = array<i32>} : memref<16384xi32, #tpu.memory_space<vmem>>, vector<16xi32>,
    %dma_start3A_700 = arith.constant 2 : i32
    %dma_start3A_701 = arith.constant 0 : i32
    %dma_start3A_702 = arith.constant 0 : i32
    %dma_start3A_703 = tpu.memref_slice %arg9[%dma_start3A_700, %dma_start3A_701, %dma_start3A_702] : memref<4x128x128xf32, #tpu.memory_space<vmem>> -> memref<1x56x128xf32, #tpu.memory_space<vmem>>
    %dma_start3A_704 = tpu.memref_squeeze %dma_start3A_703 : memref<1x56x128xf32, #tpu.memory_space<vmem>> -> memref<56x128xf32, #tpu.memory_space<vmem>>
    %dma_start3A_705 = arith.constant 256 : i32
    %dma_start3A_706 = tpu.memref_slice %arg8[%dma_start3A_705] : memref<512xi32, #tpu.memory_space<vmem>> -> memref<56xi32, #tpu.memory_space<vmem>>
    %dma_start3A_707 = arith.constant 0 : i32
    %dma_start3A_708 = arith.constant 0 : i32
    %dma_start3A_709 = tpu.memref_slice %arg3[%dma_start3A_707, %dma_start3A_708] : memref<3584x128xf32, #tpu.memory_space<hbm>> -> memref<3584x128xf32, #tpu.memory_space<hbm>>
    tpu.enqueue_indirect_dma source(%dma_start3A_709 : memref<3584x128xf32, #tpu.memory_space<hbm>>) target(%dma_start3A_704 : memref<56x128xf32, #tpu.memory_space<vmem>>) offsets(%dma_start3A_706 : memref<56xi32, #tpu.memory_space<vmem>>) semaphore(%arg13 : memref<!tpu.dma_semaphore, #tpu.memory_space<semaphore_mem>>)
    %dma_start3A_710 = arith.constant 2 : i32
    %dma_start3A_711 = arith.constant 64 : i32
    %dma_start3A_712 = arith.constant 0 : i32
    %dma_start3A_713 = tpu.memref_slice %arg9[%dma_start3A_710, %dma_start3A_711, %dma_start3A_712] : memref<4x128x128xf32, #tpu.memory_space<vmem>> -> memref<1x56x128xf32, #tpu.memory_space<vmem>>
    %dma_start3A_714 = tpu.memref_squeeze %dma_start3A_713 : memref<1x56x128xf32, #tpu.memory_space<vmem>> -> memref<56x128xf32, #tpu.memory_space<vmem>>
    %dma_start3A_715 = arith.constant 320 : i32
    %dma_start3A_716 = tpu.memref_slice %arg8[%dma_start3A_715] : memref<512xi32, #tpu.memory_space<vmem>> -> memref<56xi32, #tpu.memory_space<vmem>>
    %dma_start3A_717 = arith.constant 0 : i32
    %dma_start3A_718 = arith.constant 0 : i32
    %dma_start3A_719 = tpu.memref_slice %arg3[%dma_start3A_717, %dma_start3A_718] : memref<3584x128xf32, #tpu.memory_space<hbm>> -> memref<3584x128xf32, #tpu.memory_space<hbm>>
    tpu.enqueue_indirect_dma source(%dma_start3A_719 : memref<3584x128xf32, #tpu.memory_space<hbm>>) target(%dma_start3A_714 : memref<56x128xf32, #tpu.memory_space<vmem>>) offsets(%dma_start3A_716 : memref<56xi32, #tpu.memory_space<vmem>>) semaphore(%arg13 : memref<!tpu.dma_semaphore, #tpu.memory_space<semaphore_mem>>)
    %get3A_720 = arith.constant 300 : index
    %get3A_721 = tpu.vector_load %arg6[%get3A_720] {strides = array<i32>} : memref<6416xi32, #tpu.memory_space<vmem>>, vector<16xi32>,
    %get3A_722 = vector.shape_cast %get3A_721 : vector<16xi32> to vector<16xi32>
    %swap3A_723 = arith.constant 768 : index
    %swap3A_724 = tpu.vector_load %arg7[%swap3A_723] {strides = array<i32>} : memref<16384xi32, #tpu.memory_space<vmem>>, vector<16xi32>,
    %swap3A_725 = vector.shape_cast %swap3A_724 : vector<16xi32> to vector<16xi32>
    %swap3A_726 = vector.shape_cast %get3A_722 : vector<16xi32> to vector<16xi32>
    tpu.vector_store %arg7[%swap3A_723], %swap3A_726 {strides = array<i32>} : memref<16384xi32, #tpu.memory_space<vmem>>, vector<16xi32>,
    %add3A_727 = arith.addi %get3A_722, %mul3A_17 : vector<16xi32>
    %swap3A_728 = arith.constant 384 : index
    %swap3A_729 = tpu.vector_load %arg8[%swap3A_728] {strides = array<i32>} : memref<512xi32, #tpu.memory_space<vmem>>, vector<16xi32>,
    %swap3A_730 = vector.shape_cast %swap3A_729 : vector<16xi32> to vector<16xi32>
    %swap3A_731 = vector.shape_cast %add3A_727 : vector<16xi32> to vector<16xi32>
    tpu.vector_store %arg8[%swap3A_728], %swap3A_731 {strides = array<i32>} : memref<512xi32, #tpu.memory_space<vmem>>, vector<16xi32>,
    %get3A_732 = arith.constant 316 : index
    %get3A_733 = tpu.vector_load %arg6[%get3A_732] {strides = array<i32>} : memref<6416xi32, #tpu.memory_space<vmem>>, vector<16xi32>,
    %get3A_734 = vector.shape_cast %get3A_733 : vector<16xi32> to vector<16xi32>
    %swap3A_735 = arith.constant 784 : index
    %swap3A_736 = tpu.vector_load %arg7[%swap3A_735] {strides = array<i32>} : memref<16384xi32, #tpu.memory_space<vmem>>, vector<16xi32>,
    %swap3A_737 = vector.shape_cast %swap3A_736 : vector<16xi32> to vector<16xi32>
    %swap3A_738 = vector.shape_cast %get3A_734 : vector<16xi32> to vector<16xi32>
    tpu.vector_store %arg7[%swap3A_735], %swap3A_738 {strides = array<i32>} : memref<16384xi32, #tpu.memory_space<vmem>>, vector<16xi32>,
    %add3A_739 = arith.addi %get3A_734, %mul3A_30 : vector<16xi32>
    %swap3A_740 = arith.constant 400 : index
    %swap3A_741 = tpu.vector_load %arg8[%swap3A_740] {strides = array<i32>} : memref<512xi32, #tpu.memory_space<vmem>>, vector<16xi32>,
    %swap3A_742 = vector.shape_cast %swap3A_741 : vector<16xi32> to vector<16xi32>
    %swap3A_743 = vector.shape_cast %add3A_739 : vector<16xi32> to vector<16xi32>
    tpu.vector_store %arg8[%swap3A_740], %swap3A_743 {strides = array<i32>} : memref<512xi32, #tpu.memory_space<vmem>>, vector<16xi32>,
    %get3A_744 = arith.constant 332 : index
    %get3A_745 = tpu.vector_load %arg6[%get3A_744] {strides = array<i32>} : memref<6416xi32, #tpu.memory_space<vmem>>, vector<16xi32>,
    %get3A_746 = vector.shape_cast %get3A_745 : vector<16xi32> to vector<16xi32>
    %swap3A_747 = arith.constant 800 : index
    %swap3A_748 = tpu.vector_load %arg7[%swap3A_747] {strides = array<i32>} : memref<16384xi32, #tpu.memory_space<vmem>>, vector<16xi32>,
    %swap3A_749 = vector.shape_cast %swap3A_748 : vector<16xi32> to vector<16xi32>
    %swap3A_750 = vector.shape_cast %get3A_746 : vector<16xi32> to vector<16xi32>
    tpu.vector_store %arg7[%swap3A_747], %swap3A_750 {strides = array<i32>} : memref<16384xi32, #tpu.memory_space<vmem>>, vector<16xi32>,
    %add3A_751 = arith.addi %get3A_746, %mul3A_43 : vector<16xi32>
    %swap3A_752 = arith.constant 416 : index
    %swap3A_753 = tpu.vector_load %arg8[%swap3A_752] {strides = array<i32>} : memref<512xi32, #tpu.memory_space<vmem>>, vector<16xi32>,
    %swap3A_754 = vector.shape_cast %swap3A_753 : vector<16xi32> to vector<16xi32>
    %swap3A_755 = vector.shape_cast %add3A_751 : vector<16xi32> to vector<16xi32>
    tpu.vector_store %arg8[%swap3A_752], %swap3A_755 {strides = array<i32>} : memref<512xi32, #tpu.memory_space<vmem>>, vector<16xi32>,
    %get3A_756 = arith.constant 348 : index
    %get3A_757 = tpu.vector_load %arg6[%get3A_756] {strides = array<i32>} : memref<6416xi32, #tpu.memory_space<vmem>>, vector<16xi32>,
    %get3A_758 = vector.shape_cast %get3A_757 : vector<16xi32> to vector<16xi32>
    %lt3A_759 = arith.constant 2 : i32
    %lt3A_760 = vector.broadcast %lt3A_759 : i32 to vector<16xi32>
    %lt3A_761 = arith.cmpi slt, %iota3A, %lt3A_760 : vector<16xi32>
    %select_n3A_762 = arith.select %lt3A_761, %get3A_758, %broadcast_in_dim3A_5 : vector<16xi1>, vector<16xi32>
    %swap3A_763 = arith.constant 816 : index
    %swap3A_764 = tpu.vector_load %arg7[%swap3A_763] {strides = array<i32>} : memref<16384xi32, #tpu.memory_space<vmem>>, vector<16xi32>,
    %swap3A_765 = vector.shape_cast %swap3A_764 : vector<16xi32> to vector<16xi32>
    %swap3A_766 = vector.shape_cast %select_n3A_762 : vector<16xi32> to vector<16xi32>
    tpu.vector_store %arg7[%swap3A_763], %swap3A_766 {strides = array<i32>} : memref<16384xi32, #tpu.memory_space<vmem>>, vector<16xi32>,
    %add3A_767 = arith.addi %select_n3A_762, %mul3A_56 : vector<16xi32>
    %swap3A_768 = arith.constant 432 : index
    %swap3A_769 = tpu.vector_load %arg8[%swap3A_768] {strides = array<i32>} : memref<512xi32, #tpu.memory_space<vmem>>, vector<16xi32>,
    %swap3A_770 = vector.shape_cast %swap3A_769 : vector<16xi32> to vector<16xi32>
    %swap3A_771 = vector.shape_cast %add3A_767 : vector<16xi32> to vector<16xi32>
    tpu.vector_store %arg8[%swap3A_768], %swap3A_771 {strides = array<i32>} : memref<512xi32, #tpu.memory_space<vmem>>, vector<16xi32>,
    %swap3A_772 = arith.constant 832 : index
    %swap3A_773 = tpu.vector_load %arg7[%swap3A_772] {strides = array<i32>} : memref<16384xi32, #tpu.memory_space<vmem>>, vector<16xi32>,
    %swap3A_774 = vector.shape_cast %swap3A_773 : vector<16xi32> to vector<16xi32>
    %swap3A_775 = vector.shape_cast %broadcast_in_dim3A_5 : vector<16xi32> to vector<16xi32>
    tpu.vector_store %arg7[%swap3A_772], %swap3A_775 {strides = array<i32>} : memref<16384xi32, #tpu.memory_space<vmem>>, vector<16xi32>,
    %swap3A_776 = arith.constant 848 : index
    %swap3A_777 = tpu.vector_load %arg7[%swap3A_776] {strides = array<i32>} : memref<16384xi32, #tpu.memory_space<vmem>>, vector<16xi32>,
    %swap3A_778 = vector.shape_cast %swap3A_777 : vector<16xi32> to vector<16xi32>
    %swap3A_779 = vector.shape_cast %broadcast_in_dim3A_5 : vector<16xi32> to vector<16xi32>
    tpu.vector_store %arg7[%swap3A_776], %swap3A_779 {strides = array<i32>} : memref<16384xi32, #tpu.memory_space<vmem>>, vector<16xi32>,
    %swap3A_780 = arith.constant 864 : index
    %swap3A_781 = tpu.vector_load %arg7[%swap3A_780] {strides = array<i32>} : memref<16384xi32, #tpu.memory_space<vmem>>, vector<16xi32>,
    %swap3A_782 = vector.shape_cast %swap3A_781 : vector<16xi32> to vector<16xi32>
    %swap3A_783 = vector.shape_cast %broadcast_in_dim3A_5 : vector<16xi32> to vector<16xi32>
    tpu.vector_store %arg7[%swap3A_780], %swap3A_783 {strides = array<i32>} : memref<16384xi32, #tpu.memory_space<vmem>>, vector<16xi32>,
    %swap3A_784 = arith.constant 880 : index
    %swap3A_785 = tpu.vector_load %arg7[%swap3A_784] {strides = array<i32>} : memref<16384xi32, #tpu.memory_space<vmem>>, vector<16xi32>,
    %swap3A_786 = vector.shape_cast %swap3A_785 : vector<16xi32> to vector<16xi32>
    %swap3A_787 = vector.shape_cast %broadcast_in_dim3A_5 : vector<16xi32> to vector<16xi32>
    tpu.vector_store %arg7[%swap3A_784], %swap3A_787 {strides = array<i32>} : memref<16384xi32, #tpu.memory_space<vmem>>, vector<16xi32>,
    %get3A_788 = arith.constant 350 : index
    %get3A_789 = tpu.vector_load %arg6[%get3A_788] {strides = array<i32>} : memref<6416xi32, #tpu.memory_space<vmem>>, vector<16xi32>,
    %get3A_790 = vector.shape_cast %get3A_789 : vector<16xi32> to vector<16xi32>
    %swap3A_791 = arith.constant 896 : index
    %swap3A_792 = tpu.vector_load %arg7[%swap3A_791] {strides = array<i32>} : memref<16384xi32, #tpu.memory_space<vmem>>, vector<16xi32>,
    %swap3A_793 = vector.shape_cast %swap3A_792 : vector<16xi32> to vector<16xi32>
    %swap3A_794 = vector.shape_cast %get3A_790 : vector<16xi32> to vector<16xi32>
    tpu.vector_store %arg7[%swap3A_791], %swap3A_794 {strides = array<i32>} : memref<16384xi32, #tpu.memory_space<vmem>>, vector<16xi32>,
    %add3A_795 = arith.addi %get3A_790, %mul3A_121 : vector<16xi32>
    %swap3A_796 = arith.constant 448 : index
    %swap3A_797 = tpu.vector_load %arg8[%swap3A_796] {strides = array<i32>} : memref<512xi32, #tpu.memory_space<vmem>>, vector<16xi32>,
    %swap3A_798 = vector.shape_cast %swap3A_797 : vector<16xi32> to vector<16xi32>
    %swap3A_799 = vector.shape_cast %add3A_795 : vector<16xi32> to vector<16xi32>
    tpu.vector_store %arg8[%swap3A_796], %swap3A_799 {strides = array<i32>} : memref<512xi32, #tpu.memory_space<vmem>>, vector<16xi32>,
    %get3A_800 = arith.constant 366 : index
    %get3A_801 = tpu.vector_load %arg6[%get3A_800] {strides = array<i32>} : memref<6416xi32, #tpu.memory_space<vmem>>, vector<16xi32>,
    %get3A_802 = vector.shape_cast %get3A_801 : vector<16xi32> to vector<16xi32>
    %swap3A_803 = arith.constant 912 : index
    %swap3A_804 = tpu.vector_load %arg7[%swap3A_803] {strides = array<i32>} : memref<16384xi32, #tpu.memory_space<vmem>>, vector<16xi32>,
    %swap3A_805 = vector.shape_cast %swap3A_804 : vector<16xi32> to vector<16xi32>
    %swap3A_806 = vector.shape_cast %get3A_802 : vector<16xi32> to vector<16xi32>
    tpu.vector_store %arg7[%swap3A_803], %swap3A_806 {strides = array<i32>} : memref<16384xi32, #tpu.memory_space<vmem>>, vector<16xi32>,
    %add3A_807 = arith.addi %get3A_802, %mul3A_134 : vector<16xi32>
    %swap3A_808 = arith.constant 464 : index
    %swap3A_809 = tpu.vector_load %arg8[%swap3A_808] {strides = array<i32>} : memref<512xi32, #tpu.memory_space<vmem>>, vector<16xi32>,
    %swap3A_810 = vector.shape_cast %swap3A_809 : vector<16xi32> to vector<16xi32>
    %swap3A_811 = vector.shape_cast %add3A_807 : vector<16xi32> to vector<16xi32>
    tpu.vector_store %arg8[%swap3A_808], %swap3A_811 {strides = array<i32>} : memref<512xi32, #tpu.memory_space<vmem>>, vector<16xi32>,
    %get3A_812 = arith.constant 382 : index
    %get3A_813 = tpu.vector_load %arg6[%get3A_812] {strides = array<i32>} : memref<6416xi32, #tpu.memory_space<vmem>>, vector<16xi32>,
    %get3A_814 = vector.shape_cast %get3A_813 : vector<16xi32> to vector<16xi32>
    %swap3A_815 = arith.constant 928 : index
    %swap3A_816 = tpu.vector_load %arg7[%swap3A_815] {strides = array<i32>} : memref<16384xi32, #tpu.memory_space<vmem>>, vector<16xi32>,
    %swap3A_817 = vector.shape_cast %swap3A_816 : vector<16xi32> to vector<16xi32>
    %swap3A_818 = vector.shape_cast %get3A_814 : vector<16xi32> to vector<16xi32>
    tpu.vector_store %arg7[%swap3A_815], %swap3A_818 {strides = array<i32>} : memref<16384xi32, #tpu.memory_space<vmem>>, vector<16xi32>,
    %add3A_819 = arith.addi %get3A_814, %mul3A_147 : vector<16xi32>
    %swap3A_820 = arith.constant 480 : index
    %swap3A_821 = tpu.vector_load %arg8[%swap3A_820] {strides = array<i32>} : memref<512xi32, #tpu.memory_space<vmem>>, vector<16xi32>,
    %swap3A_822 = vector.shape_cast %swap3A_821 : vector<16xi32> to vector<16xi32>
    %swap3A_823 = vector.shape_cast %add3A_819 : vector<16xi32> to vector<16xi32>
    tpu.vector_store %arg8[%swap3A_820], %swap3A_823 {strides = array<i32>} : memref<512xi32, #tpu.memory_space<vmem>>, vector<16xi32>,
    %get3A_824 = arith.constant 398 : index
    %get3A_825 = tpu.vector_load %arg6[%get3A_824] {strides = array<i32>} : memref<6416xi32, #tpu.memory_space<vmem>>, vector<16xi32>,
    %get3A_826 = vector.shape_cast %get3A_825 : vector<16xi32> to vector<16xi32>
    %lt3A_827 = arith.constant 2 : i32
    %lt3A_828 = vector.broadcast %lt3A_827 : i32 to vector<16xi32>
    %lt3A_829 = arith.cmpi slt, %iota3A, %lt3A_828 : vector<16xi32>
    %select_n3A_830 = arith.select %lt3A_829, %get3A_826, %broadcast_in_dim3A_5 : vector<16xi1>, vector<16xi32>
    %swap3A_831 = arith.constant 944 : index
    %swap3A_832 = tpu.vector_load %arg7[%swap3A_831] {strides = array<i32>} : memref<16384xi32, #tpu.memory_space<vmem>>, vector<16xi32>,
    %swap3A_833 = vector.shape_cast %swap3A_832 : vector<16xi32> to vector<16xi32>
    %swap3A_834 = vector.shape_cast %select_n3A_830 : vector<16xi32> to vector<16xi32>
    tpu.vector_store %arg7[%swap3A_831], %swap3A_834 {strides = array<i32>} : memref<16384xi32, #tpu.memory_space<vmem>>, vector<16xi32>,
    %add3A_835 = arith.addi %select_n3A_830, %mul3A_160 : vector<16xi32>
    %swap3A_836 = arith.constant 496 : index
    %swap3A_837 = tpu.vector_load %arg8[%swap3A_836] {strides = array<i32>} : memref<512xi32, #tpu.memory_space<vmem>>, vector<16xi32>,
    %swap3A_838 = vector.shape_cast %swap3A_837 : vector<16xi32> to vector<16xi32>
    %swap3A_839 = vector.shape_cast %add3A_835 : vector<16xi32> to vector<16xi32>
    tpu.vector_store %arg8[%swap3A_836], %swap3A_839 {strides = array<i32>} : memref<512xi32, #tpu.memory_space<vmem>>, vector<16xi32>,
    %swap3A_840 = arith.constant 960 : index
    %swap3A_841 = tpu.vector_load %arg7[%swap3A_840] {strides = array<i32>} : memref<16384xi32, #tpu.memory_space<vmem>>, vector<16xi32>,
    %swap3A_842 = vector.shape_cast %swap3A_841 : vector<16xi32> to vector<16xi32>
    %swap3A_843 = vector.shape_cast %broadcast_in_dim3A_5 : vector<16xi32> to vector<16xi32>
    tpu.vector_store %arg7[%swap3A_840], %swap3A_843 {strides = array<i32>} : memref<16384xi32, #tpu.memory_space<vmem>>, vector<16xi32>,
    %swap3A_844 = arith.constant 976 : index
    %swap3A_845 = tpu.vector_load %arg7[%swap3A_844] {strides = array<i32>} : memref<16384xi32, #tpu.memory_space<vmem>>, vector<16xi32>,
    %swap3A_846 = vector.shape_cast %swap3A_845 : vector<16xi32> to vector<16xi32>
    %swap3A_847 = vector.shape_cast %broadcast_in_dim3A_5 : vector<16xi32> to vector<16xi32>
    tpu.vector_store %arg7[%swap3A_844], %swap3A_847 {strides = array<i32>} : memref<16384xi32, #tpu.memory_space<vmem>>, vector<16xi32>,
    %swap3A_848 = arith.constant 992 : index
    %swap3A_849 = tpu.vector_load %arg7[%swap3A_848] {strides = array<i32>} : memref<16384xi32, #tpu.memory_space<vmem>>, vector<16xi32>,
    %swap3A_850 = vector.shape_cast %swap3A_849 : vector<16xi32> to vector<16xi32>
    %swap3A_851 = vector.shape_cast %broadcast_in_dim3A_5 : vector<16xi32> to vector<16xi32>
    tpu.vector_store %arg7[%swap3A_848], %swap3A_851 {strides = array<i32>} : memref<16384xi32, #tpu.memory_space<vmem>>, vector<16xi32>,
    %swap3A_852 = arith.constant 1008 : index
    %swap3A_853 = tpu.vector_load %arg7[%swap3A_852] {strides = array<i32>} : memref<16384xi32, #tpu.memory_space<vmem>>, vector<16xi32>,
    %swap3A_854 = vector.shape_cast %swap3A_853 : vector<16xi32> to vector<16xi32>
    %swap3A_855 = vector.shape_cast %broadcast_in_dim3A_5 : vector<16xi32> to vector<16xi32>
    tpu.vector_store %arg7[%swap3A_852], %swap3A_855 {strides = array<i32>} : memref<16384xi32, #tpu.memory_space<vmem>>, vector<16xi32>,
    %dma_start3A_856 = arith.constant 3 : i32
    %dma_start3A_857 = arith.constant 0 : i32
    %dma_start3A_858 = arith.constant 0 : i32
    %dma_start3A_859 = tpu.memref_slice %arg9[%dma_start3A_856, %dma_start3A_857, %dma_start3A_858] : memref<4x128x128xf32, #tpu.memory_space<vmem>> -> memref<1x56x128xf32, #tpu.memory_space<vmem>>
    %dma_start3A_860 = tpu.memref_squeeze %dma_start3A_859 : memref<1x56x128xf32, #tpu.memory_space<vmem>> -> memref<56x128xf32, #tpu.memory_space<vmem>>
    %dma_start3A_861 = arith.constant 384 : i32
    %dma_start3A_862 = tpu.memref_slice %arg8[%dma_start3A_861] : memref<512xi32, #tpu.memory_space<vmem>> -> memref<56xi32, #tpu.memory_space<vmem>>
    %dma_start3A_863 = arith.constant 0 : i32
    %dma_start3A_864 = arith.constant 0 : i32
    %dma_start3A_865 = tpu.memref_slice %arg3[%dma_start3A_863, %dma_start3A_864] : memref<3584x128xf32, #tpu.memory_space<hbm>> -> memref<3584x128xf32, #tpu.memory_space<hbm>>
    tpu.enqueue_indirect_dma source(%dma_start3A_865 : memref<3584x128xf32, #tpu.memory_space<hbm>>) target(%dma_start3A_860 : memref<56x128xf32, #tpu.memory_space<vmem>>) offsets(%dma_start3A_862 : memref<56xi32, #tpu.memory_space<vmem>>) semaphore(%arg14 : memref<!tpu.dma_semaphore, #tpu.memory_space<semaphore_mem>>)
    %dma_start3A_866 = arith.constant 3 : i32
    %dma_start3A_867 = arith.constant 64 : i32
    %dma_start3A_868 = arith.constant 0 : i32
    %dma_start3A_869 = tpu.memref_slice %arg9[%dma_start3A_866, %dma_start3A_867, %dma_start3A_868] : memref<4x128x128xf32, #tpu.memory_space<vmem>> -> memref<1x56x128xf32, #tpu.memory_space<vmem>>
    %dma_start3A_870 = tpu.memref_squeeze %dma_start3A_869 : memref<1x56x128xf32, #tpu.memory_space<vmem>> -> memref<56x128xf32, #tpu.memory_space<vmem>>
    %dma_start3A_871 = arith.constant 448 : i32
    %dma_start3A_872 = tpu.memref_slice %arg8[%dma_start3A_871] : memref<512xi32, #tpu.memory_space<vmem>> -> memref<56xi32, #tpu.memory_space<vmem>>
    %dma_start3A_873 = arith.constant 0 : i32
    %dma_start3A_874 = arith.constant 0 : i32
    %dma_start3A_875 = tpu.memref_slice %arg3[%dma_start3A_873, %dma_start3A_874] : memref<3584x128xf32, #tpu.memory_space<hbm>> -> memref<3584x128xf32, #tpu.memory_space<hbm>>
    tpu.enqueue_indirect_dma source(%dma_start3A_875 : memref<3584x128xf32, #tpu.memory_space<hbm>>) target(%dma_start3A_870 : memref<56x128xf32, #tpu.memory_space<vmem>>) offsets(%dma_start3A_872 : memref<56xi32, #tpu.memory_space<vmem>>) semaphore(%arg14 : memref<!tpu.dma_semaphore, #tpu.memory_space<semaphore_mem>>)
    %scan3A = arith.constant 0 : i32
    %scan3A_876 = arith.constant 0 : i32
    %scan3A_877 = arith.constant 15 : i32
    %scan3A_878 = arith.addi %scan3A_876, %scan3A_877 : i32
    %scan3A_879 = arith.constant 1 : i32
    scf.for %scan3A_1459 = %scan3A_876 to %scan3A_878 step %scan3A_879  : i32 {
      %mul3A_1460 = arith.constant 4 : i32
      %mul3A_1461 = arith.muli %scan3A_1459, %mul3A_1460 : i32
      %dma_wait3A_1462 = arith.constant 0 : i32
      %dma_wait3A_1463 = arith.constant 0 : i32
      %dma_wait3A_1464 = arith.constant 0 : i32
      %dma_wait3A_1465 = tpu.memref_slice %arg9[%dma_wait3A_1462, %dma_wait3A_1463, %dma_wait3A_1464] : memref<4x128x128xf32, #tpu.memory_space<vmem>> -> memref<1x56x128xf32, #tpu.memory_space<vmem>>
      %dma_wait3A_1466 = tpu.memref_squeeze %dma_wait3A_1465 : memref<1x56x128xf32, #tpu.memory_space<vmem>> -> memref<56x128xf32, #tpu.memory_space<vmem>>
      %dma_wait3A_1467 = arith.constant 0 : i32
      %dma_wait3A_1468 = tpu.memref_slice %arg8[%dma_wait3A_1467] : memref<512xi32, #tpu.memory_space<vmem>> -> memref<56xi32, #tpu.memory_space<vmem>>
      %dma_wait3A_1469 = arith.constant 0 : i32
      %dma_wait3A_1470 = arith.constant 0 : i32
      %dma_wait3A_1471 = tpu.memref_slice %arg3[%dma_wait3A_1469, %dma_wait3A_1470] : memref<3584x128xf32, #tpu.memory_space<hbm>> -> memref<3584x128xf32, #tpu.memory_space<hbm>>
      tpu.wait_indirect_dma semaphore(%arg11 : memref<!tpu.dma_semaphore, #tpu.memory_space<semaphore_mem>>) src(%dma_wait3A_1471 : memref<3584x128xf32, #tpu.memory_space<hbm>>) dst(%dma_wait3A_1466 : memref<56x128xf32, #tpu.memory_space<vmem>>)
      %dma_wait3A_1472 = arith.constant 0 : i32
      %dma_wait3A_1473 = arith.constant 64 : i32
      %dma_wait3A_1474 = arith.constant 0 : i32
      %dma_wait3A_1475 = tpu.memref_slice %arg9[%dma_wait3A_1472, %dma_wait3A_1473, %dma_wait3A_1474] : memref<4x128x128xf32, #tpu.memory_space<vmem>> -> memref<1x56x128xf32, #tpu.memory_space<vmem>>
      %dma_wait3A_1476 = tpu.memref_squeeze %dma_wait3A_1475 : memref<1x56x128xf32, #tpu.memory_space<vmem>> -> memref<56x128xf32, #tpu.memory_space<vmem>>
      %dma_wait3A_1477 = arith.constant 64 : i32
      %dma_wait3A_1478 = tpu.memref_slice %arg8[%dma_wait3A_1477] : memref<512xi32, #tpu.memory_space<vmem>> -> memref<56xi32, #tpu.memory_space<vmem>>
      %dma_wait3A_1479 = arith.constant 0 : i32
      %dma_wait3A_1480 = arith.constant 0 : i32
      %dma_wait3A_1481 = tpu.memref_slice %arg3[%dma_wait3A_1479, %dma_wait3A_1480] : memref<3584x128xf32, #tpu.memory_space<hbm>> -> memref<3584x128xf32, #tpu.memory_space<hbm>>
      tpu.wait_indirect_dma semaphore(%arg11 : memref<!tpu.dma_semaphore, #tpu.memory_space<semaphore_mem>>) src(%dma_wait3A_1481 : memref<3584x128xf32, #tpu.memory_space<hbm>>) dst(%dma_wait3A_1476 : memref<56x128xf32, #tpu.memory_space<vmem>>)
      %add3A_1482 = arith.constant 0 : i32
      %add3A_1483 = arith.addi %mul3A_1461, %add3A_1482 : i32
      %mul3A_1484 = arith.constant 2 : i32
      %mul3A_1485 = arith.muli %add3A_1483, %mul3A_1484 : i32
      %add3A_1486 = arith.addi %mul3A_2, %mul3A_1485 : i32
      %add3A_1487 = arith.constant 0 : i32
      %add3A_1488 = arith.addi %add3A_1486, %add3A_1487 : i32
      %mul3A_1489 = arith.constant 128 : i32
      %mul3A_1490 = arith.muli %add3A_1488, %mul3A_1489 : i32
      %dma_start3A_1491 = arith.constant 0 : i32
      %dma_start3A_1492 = arith.constant 0 : i32
      %dma_start3A_1493 = arith.constant 0 : i32
      %dma_start3A_1494 = tpu.memref_slice %arg9[%dma_start3A_1491, %dma_start3A_1492, %dma_start3A_1493] : memref<4x128x128xf32, #tpu.memory_space<vmem>> -> memref<1x56x128xf32, #tpu.memory_space<vmem>>
      %dma_start3A_1495 = tpu.memref_squeeze %dma_start3A_1494 : memref<1x56x128xf32, #tpu.memory_space<vmem>> -> memref<56x128xf32, #tpu.memory_space<vmem>>
      %dma_start3A_1496 = arith.constant 0 : i32
      %dma_start3A_1497 = tpu.memref_slice %arg5[%mul3A_1490, %dma_start3A_1496] : memref<524288x128xf32, #tpu.memory_space<hbm>> -> memref<56x128xf32, #tpu.memory_space<hbm>>
      %dma_start3A_1498 = arith.constant 0 : i32
      %dma_start3A_1499 = tpu.memref_slice %arg5[%mul3A_1490, %dma_start3A_1498] : memref<524288x128xf32, #tpu.memory_space<hbm>> -> memref<56x128xf32, #tpu.memory_space<hbm>>
      %dma_start3A_1500 = arith.constant 0 : i32
      %dma_start3A_1501 = arith.constant 0 : i32
      %dma_start3A_1502 = tpu.memref_slice %arg9[%dma_start3A_1491, %dma_start3A_1500, %dma_start3A_1501] : memref<4x128x128xf32, #tpu.memory_space<vmem>> -> memref<1x56x128xf32, #tpu.memory_space<vmem>>
      %dma_start3A_1503 = tpu.memref_squeeze %dma_start3A_1502 : memref<1x56x128xf32, #tpu.memory_space<vmem>> -> memref<56x128xf32, #tpu.memory_space<vmem>>
      tpu.enqueue_dma source(%dma_start3A_1503 : memref<56x128xf32, #tpu.memory_space<vmem>>) target(%dma_start3A_1499 : memref<56x128xf32, #tpu.memory_space<hbm>>) target_semaphore(%arg15 : memref<!tpu.dma_semaphore, #tpu.memory_space<semaphore_mem>>)
      %mul3A_1504 = arith.constant 2 : i32
      %mul3A_1505 = arith.muli %add3A_1483, %mul3A_1504 : i32
      %add3A_1506 = arith.addi %mul3A_2, %mul3A_1505 : i32
      %add3A_1507 = arith.constant 0 : i32
      %add3A_1508 = arith.addi %add3A_1506, %add3A_1507 : i32
      %mul3A_1509 = arith.constant 128 : i32
      %mul3A_1510 = arith.muli %add3A_1508, %mul3A_1509 : i32
      %add3A_1511 = arith.constant 56 : i32
      %add3A_1512 = arith.addi %mul3A_1510, %add3A_1511 : i32
      %dma_start3A_1513 = arith.constant 0 : i32
      %dma_start3A_1514 = tpu.memref_slice %arg5[%add3A_1512, %dma_start3A_1513] : memref<524288x128xf32, #tpu.memory_space<hbm>> -> memref<72x128xf32, #tpu.memory_space<hbm>>
      %dma_start3A_1515 = arith.constant 0 : i32
      %dma_start3A_1516 = tpu.memref_slice %arg5[%add3A_1512, %dma_start3A_1515] : memref<524288x128xf32, #tpu.memory_space<hbm>> -> memref<72x128xf32, #tpu.memory_space<hbm>>
      tpu.enqueue_dma source(%arg10 : memref<72x128xf32, #tpu.memory_space<vmem>>) target(%dma_start3A_1516 : memref<72x128xf32, #tpu.memory_space<hbm>>) target_semaphore(%arg15 : memref<!tpu.dma_semaphore, #tpu.memory_space<semaphore_mem>>)
      %mul3A_1517 = arith.constant 2 : i32
      %mul3A_1518 = arith.muli %add3A_1483, %mul3A_1517 : i32
      %add3A_1519 = arith.addi %mul3A_2, %mul3A_1518 : i32
      %add3A_1520 = arith.constant 1 : i32
      %add3A_1521 = arith.addi %add3A_1519, %add3A_1520 : i32
      %mul3A_1522 = arith.constant 128 : i32
      %mul3A_1523 = arith.muli %add3A_1521, %mul3A_1522 : i32
      %dma_start3A_1524 = arith.constant 0 : i32
      %dma_start3A_1525 = arith.constant 64 : i32
      %dma_start3A_1526 = arith.constant 0 : i32
      %dma_start3A_1527 = tpu.memref_slice %arg9[%dma_start3A_1524, %dma_start3A_1525, %dma_start3A_1526] : memref<4x128x128xf32, #tpu.memory_space<vmem>> -> memref<1x56x128xf32, #tpu.memory_space<vmem>>
      %dma_start3A_1528 = tpu.memref_squeeze %dma_start3A_1527 : memref<1x56x128xf32, #tpu.memory_space<vmem>> -> memref<56x128xf32, #tpu.memory_space<vmem>>
      %dma_start3A_1529 = arith.constant 0 : i32
      %dma_start3A_1530 = tpu.memref_slice %arg5[%mul3A_1523, %dma_start3A_1529] : memref<524288x128xf32, #tpu.memory_space<hbm>> -> memref<56x128xf32, #tpu.memory_space<hbm>>
      %dma_start3A_1531 = arith.constant 0 : i32
      %dma_start3A_1532 = tpu.memref_slice %arg5[%mul3A_1523, %dma_start3A_1531] : memref<524288x128xf32, #tpu.memory_space<hbm>> -> memref<56x128xf32, #tpu.memory_space<hbm>>
      %dma_start3A_1533 = arith.constant 64 : i32
      %dma_start3A_1534 = arith.constant 0 : i32
      %dma_start3A_1535 = tpu.memref_slice %arg9[%dma_start3A_1524, %dma_start3A_1533, %dma_start3A_1534] : memref<4x128x128xf32, #tpu.memory_space<vmem>> -> memref<1x56x128xf32, #tpu.memory_space<vmem>>
      %dma_start3A_1536 = tpu.memref_squeeze %dma_start3A_1535 : memref<1x56x128xf32, #tpu.memory_space<vmem>> -> memref<56x128xf32, #tpu.memory_space<vmem>>
      tpu.enqueue_dma source(%dma_start3A_1536 : memref<56x128xf32, #tpu.memory_space<vmem>>) target(%dma_start3A_1532 : memref<56x128xf32, #tpu.memory_space<hbm>>) target_semaphore(%arg15 : memref<!tpu.dma_semaphore, #tpu.memory_space<semaphore_mem>>)
      %mul3A_1537 = arith.constant 2 : i32
      %mul3A_1538 = arith.muli %add3A_1483, %mul3A_1537 : i32
      %add3A_1539 = arith.addi %mul3A_2, %mul3A_1538 : i32
      %add3A_1540 = arith.constant 1 : i32
      %add3A_1541 = arith.addi %add3A_1539, %add3A_1540 : i32
      %mul3A_1542 = arith.constant 128 : i32
      %mul3A_1543 = arith.muli %add3A_1541, %mul3A_1542 : i32
      %add3A_1544 = arith.constant 56 : i32
      %add3A_1545 = arith.addi %mul3A_1543, %add3A_1544 : i32
      %dma_start3A_1546 = arith.constant 0 : i32
      %dma_start3A_1547 = tpu.memref_slice %arg5[%add3A_1545, %dma_start3A_1546] : memref<524288x128xf32, #tpu.memory_space<hbm>> -> memref<72x128xf32, #tpu.memory_space<hbm>>
      %dma_start3A_1548 = arith.constant 0 : i32
      %dma_start3A_1549 = tpu.memref_slice %arg5[%add3A_1545, %dma_start3A_1548] : memref<524288x128xf32, #tpu.memory_space<hbm>> -> memref<72x128xf32, #tpu.memory_space<hbm>>
      tpu.enqueue_dma source(%arg10 : memref<72x128xf32, #tpu.memory_space<vmem>>) target(%dma_start3A_1549 : memref<72x128xf32, #tpu.memory_space<hbm>>) target_semaphore(%arg15 : memref<!tpu.dma_semaphore, #tpu.memory_space<semaphore_mem>>)
      %dma_wait3A_1550 = arith.constant 1 : i32
      %dma_wait3A_1551 = arith.constant 0 : i32
      %dma_wait3A_1552 = arith.constant 0 : i32
      %dma_wait3A_1553 = tpu.memref_slice %arg9[%dma_wait3A_1550, %dma_wait3A_1551, %dma_wait3A_1552] : memref<4x128x128xf32, #tpu.memory_space<vmem>> -> memref<1x56x128xf32, #tpu.memory_space<vmem>>
      %dma_wait3A_1554 = tpu.memref_squeeze %dma_wait3A_1553 : memref<1x56x128xf32, #tpu.memory_space<vmem>> -> memref<56x128xf32, #tpu.memory_space<vmem>>
      %dma_wait3A_1555 = arith.constant 128 : i32
      %dma_wait3A_1556 = tpu.memref_slice %arg8[%dma_wait3A_1555] : memref<512xi32, #tpu.memory_space<vmem>> -> memref<56xi32, #tpu.memory_space<vmem>>
      %dma_wait3A_1557 = arith.constant 0 : i32
      %dma_wait3A_1558 = arith.constant 0 : i32
      %dma_wait3A_1559 = tpu.memref_slice %arg3[%dma_wait3A_1557, %dma_wait3A_1558] : memref<3584x128xf32, #tpu.memory_space<hbm>> -> memref<3584x128xf32, #tpu.memory_space<hbm>>
      tpu.wait_indirect_dma semaphore(%arg12 : memref<!tpu.dma_semaphore, #tpu.memory_space<semaphore_mem>>) src(%dma_wait3A_1559 : memref<3584x128xf32, #tpu.memory_space<hbm>>) dst(%dma_wait3A_1554 : memref<56x128xf32, #tpu.memory_space<vmem>>)
      %dma_wait3A_1560 = arith.constant 1 : i32
      %dma_wait3A_1561 = arith.constant 64 : i32
      %dma_wait3A_1562 = arith.constant 0 : i32
      %dma_wait3A_1563 = tpu.memref_slice %arg9[%dma_wait3A_1560, %dma_wait3A_1561, %dma_wait3A_1562] : memref<4x128x128xf32, #tpu.memory_space<vmem>> -> memref<1x56x128xf32, #tpu.memory_space<vmem>>
      %dma_wait3A_1564 = tpu.memref_squeeze %dma_wait3A_1563 : memref<1x56x128xf32, #tpu.memory_space<vmem>> -> memref<56x128xf32, #tpu.memory_space<vmem>>
      %dma_wait3A_1565 = arith.constant 192 : i32
      %dma_wait3A_1566 = tpu.memref_slice %arg8[%dma_wait3A_1565] : memref<512xi32, #tpu.memory_space<vmem>> -> memref<56xi32, #tpu.memory_space<vmem>>
      %dma_wait3A_1567 = arith.constant 0 : i32
      %dma_wait3A_1568 = arith.constant 0 : i32
      %dma_wait3A_1569 = tpu.memref_slice %arg3[%dma_wait3A_1567, %dma_wait3A_1568] : memref<3584x128xf32, #tpu.memory_space<hbm>> -> memref<3584x128xf32, #tpu.memory_space<hbm>>
      tpu.wait_indirect_dma semaphore(%arg12 : memref<!tpu.dma_semaphore, #tpu.memory_space<semaphore_mem>>) src(%dma_wait3A_1569 : memref<3584x128xf32, #tpu.memory_space<hbm>>) dst(%dma_wait3A_1564 : memref<56x128xf32, #tpu.memory_space<vmem>>)
      %add3A_1570 = arith.constant 1 : i32
      %add3A_1571 = arith.addi %mul3A_1461, %add3A_1570 : i32
      %mul3A_1572 = arith.constant 2 : i32
      %mul3A_1573 = arith.muli %add3A_1571, %mul3A_1572 : i32
      %add3A_1574 = arith.addi %mul3A_2, %mul3A_1573 : i32
      %add3A_1575 = arith.constant 0 : i32
      %add3A_1576 = arith.addi %add3A_1574, %add3A_1575 : i32
      %mul3A_1577 = arith.constant 128 : i32
      %mul3A_1578 = arith.muli %add3A_1576, %mul3A_1577 : i32
      %dma_start3A_1579 = arith.constant 1 : i32
      %dma_start3A_1580 = arith.constant 0 : i32
      %dma_start3A_1581 = arith.constant 0 : i32
      %dma_start3A_1582 = tpu.memref_slice %arg9[%dma_start3A_1579, %dma_start3A_1580, %dma_start3A_1581] : memref<4x128x128xf32, #tpu.memory_space<vmem>> -> memref<1x56x128xf32, #tpu.memory_space<vmem>>
      %dma_start3A_1583 = tpu.memref_squeeze %dma_start3A_1582 : memref<1x56x128xf32, #tpu.memory_space<vmem>> -> memref<56x128xf32, #tpu.memory_space<vmem>>
      %dma_start3A_1584 = arith.constant 0 : i32
      %dma_start3A_1585 = tpu.memref_slice %arg5[%mul3A_1578, %dma_start3A_1584] : memref<524288x128xf32, #tpu.memory_space<hbm>> -> memref<56x128xf32, #tpu.memory_space<hbm>>
      %dma_start3A_1586 = arith.constant 0 : i32
      %dma_start3A_1587 = tpu.memref_slice %arg5[%mul3A_1578, %dma_start3A_1586] : memref<524288x128xf32, #tpu.memory_space<hbm>> -> memref<56x128xf32, #tpu.memory_space<hbm>>
      %dma_start3A_1588 = arith.constant 0 : i32
      %dma_start3A_1589 = arith.constant 0 : i32
      %dma_start3A_1590 = tpu.memref_slice %arg9[%dma_start3A_1579, %dma_start3A_1588, %dma_start3A_1589] : memref<4x128x128xf32, #tpu.memory_space<vmem>> -> memref<1x56x128xf32, #tpu.memory_space<vmem>>
      %dma_start3A_1591 = tpu.memref_squeeze %dma_start3A_1590 : memref<1x56x128xf32, #tpu.memory_space<vmem>> -> memref<56x128xf32, #tpu.memory_space<vmem>>
      tpu.enqueue_dma source(%dma_start3A_1591 : memref<56x128xf32, #tpu.memory_space<vmem>>) target(%dma_start3A_1587 : memref<56x128xf32, #tpu.memory_space<hbm>>) target_semaphore(%arg16 : memref<!tpu.dma_semaphore, #tpu.memory_space<semaphore_mem>>)
      %mul3A_1592 = arith.constant 2 : i32
      %mul3A_1593 = arith.muli %add3A_1571, %mul3A_1592 : i32
      %add3A_1594 = arith.addi %mul3A_2, %mul3A_1593 : i32
      %add3A_1595 = arith.constant 0 : i32
      %add3A_1596 = arith.addi %add3A_1594, %add3A_1595 : i32
      %mul3A_1597 = arith.constant 128 : i32
      %mul3A_1598 = arith.muli %add3A_1596, %mul3A_1597 : i32
      %add3A_1599 = arith.constant 56 : i32
      %add3A_1600 = arith.addi %mul3A_1598, %add3A_1599 : i32
      %dma_start3A_1601 = arith.constant 0 : i32
      %dma_start3A_1602 = tpu.memref_slice %arg5[%add3A_1600, %dma_start3A_1601] : memref<524288x128xf32, #tpu.memory_space<hbm>> -> memref<72x128xf32, #tpu.memory_space<hbm>>
      %dma_start3A_1603 = arith.constant 0 : i32
      %dma_start3A_1604 = tpu.memref_slice %arg5[%add3A_1600, %dma_start3A_1603] : memref<524288x128xf32, #tpu.memory_space<hbm>> -> memref<72x128xf32, #tpu.memory_space<hbm>>
      tpu.enqueue_dma source(%arg10 : memref<72x128xf32, #tpu.memory_space<vmem>>) target(%dma_start3A_1604 : memref<72x128xf32, #tpu.memory_space<hbm>>) target_semaphore(%arg16 : memref<!tpu.dma_semaphore, #tpu.memory_space<semaphore_mem>>)
      %mul3A_1605 = arith.constant 2 : i32
      %mul3A_1606 = arith.muli %add3A_1571, %mul3A_1605 : i32
      %add3A_1607 = arith.addi %mul3A_2, %mul3A_1606 : i32
      %add3A_1608 = arith.constant 1 : i32
      %add3A_1609 = arith.addi %add3A_1607, %add3A_1608 : i32
      %mul3A_1610 = arith.constant 128 : i32
      %mul3A_1611 = arith.muli %add3A_1609, %mul3A_1610 : i32
      %dma_start3A_1612 = arith.constant 1 : i32
      %dma_start3A_1613 = arith.constant 64 : i32
      %dma_start3A_1614 = arith.constant 0 : i32
      %dma_start3A_1615 = tpu.memref_slice %arg9[%dma_start3A_1612, %dma_start3A_1613, %dma_start3A_1614] : memref<4x128x128xf32, #tpu.memory_space<vmem>> -> memref<1x56x128xf32, #tpu.memory_space<vmem>>
      %dma_start3A_1616 = tpu.memref_squeeze %dma_start3A_1615 : memref<1x56x128xf32, #tpu.memory_space<vmem>> -> memref<56x128xf32, #tpu.memory_space<vmem>>
      %dma_start3A_1617 = arith.constant 0 : i32
      %dma_start3A_1618 = tpu.memref_slice %arg5[%mul3A_1611, %dma_start3A_1617] : memref<524288x128xf32, #tpu.memory_space<hbm>> -> memref<56x128xf32, #tpu.memory_space<hbm>>
      %dma_start3A_1619 = arith.constant 0 : i32
      %dma_start3A_1620 = tpu.memref_slice %arg5[%mul3A_1611, %dma_start3A_1619] : memref<524288x128xf32, #tpu.memory_space<hbm>> -> memref<56x128xf32, #tpu.memory_space<hbm>>
      %dma_start3A_1621 = arith.constant 64 : i32
      %dma_start3A_1622 = arith.constant 0 : i32
      %dma_start3A_1623 = tpu.memref_slice %arg9[%dma_start3A_1612, %dma_start3A_1621, %dma_start3A_1622] : memref<4x128x128xf32, #tpu.memory_space<vmem>> -> memref<1x56x128xf32, #tpu.memory_space<vmem>>
      %dma_start3A_1624 = tpu.memref_squeeze %dma_start3A_1623 : memref<1x56x128xf32, #tpu.memory_space<vmem>> -> memref<56x128xf32, #tpu.memory_space<vmem>>
      tpu.enqueue_dma source(%dma_start3A_1624 : memref<56x128xf32, #tpu.memory_space<vmem>>) target(%dma_start3A_1620 : memref<56x128xf32, #tpu.memory_space<hbm>>) target_semaphore(%arg16 : memref<!tpu.dma_semaphore, #tpu.memory_space<semaphore_mem>>)
      %mul3A_1625 = arith.constant 2 : i32
      %mul3A_1626 = arith.muli %add3A_1571, %mul3A_1625 : i32
      %add3A_1627 = arith.addi %mul3A_2, %mul3A_1626 : i32
      %add3A_1628 = arith.constant 1 : i32
      %add3A_1629 = arith.addi %add3A_1627, %add3A_1628 : i32
      %mul3A_1630 = arith.constant 128 : i32
      %mul3A_1631 = arith.muli %add3A_1629, %mul3A_1630 : i32
      %add3A_1632 = arith.constant 56 : i32
      %add3A_1633 = arith.addi %mul3A_1631, %add3A_1632 : i32
      %dma_start3A_1634 = arith.constant 0 : i32
      %dma_start3A_1635 = tpu.memref_slice %arg5[%add3A_1633, %dma_start3A_1634] : memref<524288x128xf32, #tpu.memory_space<hbm>> -> memref<72x128xf32, #tpu.memory_space<hbm>>
      %dma_start3A_1636 = arith.constant 0 : i32
      %dma_start3A_1637 = tpu.memref_slice %arg5[%add3A_1633, %dma_start3A_1636] : memref<524288x128xf32, #tpu.memory_space<hbm>> -> memref<72x128xf32, #tpu.memory_space<hbm>>
      tpu.enqueue_dma source(%arg10 : memref<72x128xf32, #tpu.memory_space<vmem>>) target(%dma_start3A_1637 : memref<72x128xf32, #tpu.memory_space<hbm>>) target_semaphore(%arg16 : memref<!tpu.dma_semaphore, #tpu.memory_space<semaphore_mem>>)
      %dma_wait3A_1638 = arith.constant 2 : i32
      %dma_wait3A_1639 = arith.constant 0 : i32
      %dma_wait3A_1640 = arith.constant 0 : i32
      %dma_wait3A_1641 = tpu.memref_slice %arg9[%dma_wait3A_1638, %dma_wait3A_1639, %dma_wait3A_1640] : memref<4x128x128xf32, #tpu.memory_space<vmem>> -> memref<1x56x128xf32, #tpu.memory_space<vmem>>
      %dma_wait3A_1642 = tpu.memref_squeeze %dma_wait3A_1641 : memref<1x56x128xf32, #tpu.memory_space<vmem>> -> memref<56x128xf32, #tpu.memory_space<vmem>>
      %dma_wait3A_1643 = arith.constant 256 : i32
      %dma_wait3A_1644 = tpu.memref_slice %arg8[%dma_wait3A_1643] : memref<512xi32, #tpu.memory_space<vmem>> -> memref<56xi32, #tpu.memory_space<vmem>>
      %dma_wait3A_1645 = arith.constant 0 : i32
      %dma_wait3A_1646 = arith.constant 0 : i32
      %dma_wait3A_1647 = tpu.memref_slice %arg3[%dma_wait3A_1645, %dma_wait3A_1646] : memref<3584x128xf32, #tpu.memory_space<hbm>> -> memref<3584x128xf32, #tpu.memory_space<hbm>>
      tpu.wait_indirect_dma semaphore(%arg13 : memref<!tpu.dma_semaphore, #tpu.memory_space<semaphore_mem>>) src(%dma_wait3A_1647 : memref<3584x128xf32, #tpu.memory_space<hbm>>) dst(%dma_wait3A_1642 : memref<56x128xf32, #tpu.memory_space<vmem>>)
      %dma_wait3A_1648 = arith.constant 2 : i32
      %dma_wait3A_1649 = arith.constant 64 : i32
      %dma_wait3A_1650 = arith.constant 0 : i32
      %dma_wait3A_1651 = tpu.memref_slice %arg9[%dma_wait3A_1648, %dma_wait3A_1649, %dma_wait3A_1650] : memref<4x128x128xf32, #tpu.memory_space<vmem>> -> memref<1x56x128xf32, #tpu.memory_space<vmem>>
      %dma_wait3A_1652 = tpu.memref_squeeze %dma_wait3A_1651 : memref<1x56x128xf32, #tpu.memory_space<vmem>> -> memref<56x128xf32, #tpu.memory_space<vmem>>
      %dma_wait3A_1653 = arith.constant 320 : i32
      %dma_wait3A_1654 = tpu.memref_slice %arg8[%dma_wait3A_1653] : memref<512xi32, #tpu.memory_space<vmem>> -> memref<56xi32, #tpu.memory_space<vmem>>
      %dma_wait3A_1655 = arith.constant 0 : i32
      %dma_wait3A_1656 = arith.constant 0 : i32
      %dma_wait3A_1657 = tpu.memref_slice %arg3[%dma_wait3A_1655, %dma_wait3A_1656] : memref<3584x128xf32, #tpu.memory_space<hbm>> -> memref<3584x128xf32, #tpu.memory_space<hbm>>
      tpu.wait_indirect_dma semaphore(%arg13 : memref<!tpu.dma_semaphore, #tpu.memory_space<semaphore_mem>>) src(%dma_wait3A_1657 : memref<3584x128xf32, #tpu.memory_space<hbm>>) dst(%dma_wait3A_1652 : memref<56x128xf32, #tpu.memory_space<vmem>>)
      %add3A_1658 = arith.constant 2 : i32
      %add3A_1659 = arith.addi %mul3A_1461, %add3A_1658 : i32
      %mul3A_1660 = arith.constant 2 : i32
      %mul3A_1661 = arith.muli %add3A_1659, %mul3A_1660 : i32
      %add3A_1662 = arith.addi %mul3A_2, %mul3A_1661 : i32
      %add3A_1663 = arith.constant 0 : i32
      %add3A_1664 = arith.addi %add3A_1662, %add3A_1663 : i32
      %mul3A_1665 = arith.constant 128 : i32
      %mul3A_1666 = arith.muli %add3A_1664, %mul3A_1665 : i32
      %dma_start3A_1667 = arith.constant 2 : i32
      %dma_start3A_1668 = arith.constant 0 : i32
      %dma_start3A_1669 = arith.constant 0 : i32
      %dma_start3A_1670 = tpu.memref_slice %arg9[%dma_start3A_1667, %dma_start3A_1668, %dma_start3A_1669] : memref<4x128x128xf32, #tpu.memory_space<vmem>> -> memref<1x56x128xf32, #tpu.memory_space<vmem>>
      %dma_start3A_1671 = tpu.memref_squeeze %dma_start3A_1670 : memref<1x56x128xf32, #tpu.memory_space<vmem>> -> memref<56x128xf32, #tpu.memory_space<vmem>>
      %dma_start3A_1672 = arith.constant 0 : i32
      %dma_start3A_1673 = tpu.memref_slice %arg5[%mul3A_1666, %dma_start3A_1672] : memref<524288x128xf32, #tpu.memory_space<hbm>> -> memref<56x128xf32, #tpu.memory_space<hbm>>
      %dma_start3A_1674 = arith.constant 0 : i32
      %dma_start3A_1675 = tpu.memref_slice %arg5[%mul3A_1666, %dma_start3A_1674] : memref<524288x128xf32, #tpu.memory_space<hbm>> -> memref<56x128xf32, #tpu.memory_space<hbm>>
      %dma_start3A_1676 = arith.constant 0 : i32
      %dma_start3A_1677 = arith.constant 0 : i32
      %dma_start3A_1678 = tpu.memref_slice %arg9[%dma_start3A_1667, %dma_start3A_1676, %dma_start3A_1677] : memref<4x128x128xf32, #tpu.memory_space<vmem>> -> memref<1x56x128xf32, #tpu.memory_space<vmem>>
      %dma_start3A_1679 = tpu.memref_squeeze %dma_start3A_1678 : memref<1x56x128xf32, #tpu.memory_space<vmem>> -> memref<56x128xf32, #tpu.memory_space<vmem>>
      tpu.enqueue_dma source(%dma_start3A_1679 : memref<56x128xf32, #tpu.memory_space<vmem>>) target(%dma_start3A_1675 : memref<56x128xf32, #tpu.memory_space<hbm>>) target_semaphore(%arg17 : memref<!tpu.dma_semaphore, #tpu.memory_space<semaphore_mem>>)
      %mul3A_1680 = arith.constant 2 : i32
      %mul3A_1681 = arith.muli %add3A_1659, %mul3A_1680 : i32
      %add3A_1682 = arith.addi %mul3A_2, %mul3A_1681 : i32
      %add3A_1683 = arith.constant 0 : i32
      %add3A_1684 = arith.addi %add3A_1682, %add3A_1683 : i32
      %mul3A_1685 = arith.constant 128 : i32
      %mul3A_1686 = arith.muli %add3A_1684, %mul3A_1685 : i32
      %add3A_1687 = arith.constant 56 : i32
      %add3A_1688 = arith.addi %mul3A_1686, %add3A_1687 : i32
      %dma_start3A_1689 = arith.constant 0 : i32
      %dma_start3A_1690 = tpu.memref_slice %arg5[%add3A_1688, %dma_start3A_1689] : memref<524288x128xf32, #tpu.memory_space<hbm>> -> memref<72x128xf32, #tpu.memory_space<hbm>>
      %dma_start3A_1691 = arith.constant 0 : i32
      %dma_start3A_1692 = tpu.memref_slice %arg5[%add3A_1688, %dma_start3A_1691] : memref<524288x128xf32, #tpu.memory_space<hbm>> -> memref<72x128xf32, #tpu.memory_space<hbm>>
      tpu.enqueue_dma source(%arg10 : memref<72x128xf32, #tpu.memory_space<vmem>>) target(%dma_start3A_1692 : memref<72x128xf32, #tpu.memory_space<hbm>>) target_semaphore(%arg17 : memref<!tpu.dma_semaphore, #tpu.memory_space<semaphore_mem>>)
      %mul3A_1693 = arith.constant 2 : i32
      %mul3A_1694 = arith.muli %add3A_1659, %mul3A_1693 : i32
      %add3A_1695 = arith.addi %mul3A_2, %mul3A_1694 : i32
      %add3A_1696 = arith.constant 1 : i32
      %add3A_1697 = arith.addi %add3A_1695, %add3A_1696 : i32
      %mul3A_1698 = arith.constant 128 : i32
      %mul3A_1699 = arith.muli %add3A_1697, %mul3A_1698 : i32
      %dma_start3A_1700 = arith.constant 2 : i32
      %dma_start3A_1701 = arith.constant 64 : i32
      %dma_start3A_1702 = arith.constant 0 : i32
      %dma_start3A_1703 = tpu.memref_slice %arg9[%dma_start3A_1700, %dma_start3A_1701, %dma_start3A_1702] : memref<4x128x128xf32, #tpu.memory_space<vmem>> -> memref<1x56x128xf32, #tpu.memory_space<vmem>>
      %dma_start3A_1704 = tpu.memref_squeeze %dma_start3A_1703 : memref<1x56x128xf32, #tpu.memory_space<vmem>> -> memref<56x128xf32, #tpu.memory_space<vmem>>
      %dma_start3A_1705 = arith.constant 0 : i32
      %dma_start3A_1706 = tpu.memref_slice %arg5[%mul3A_1699, %dma_start3A_1705] : memref<524288x128xf32, #tpu.memory_space<hbm>> -> memref<56x128xf32, #tpu.memory_space<hbm>>
      %dma_start3A_1707 = arith.constant 0 : i32
      %dma_start3A_1708 = tpu.memref_slice %arg5[%mul3A_1699, %dma_start3A_1707] : memref<524288x128xf32, #tpu.memory_space<hbm>> -> memref<56x128xf32, #tpu.memory_space<hbm>>
      %dma_start3A_1709 = arith.constant 64 : i32
      %dma_start3A_1710 = arith.constant 0 : i32
      %dma_start3A_1711 = tpu.memref_slice %arg9[%dma_start3A_1700, %dma_start3A_1709, %dma_start3A_1710] : memref<4x128x128xf32, #tpu.memory_space<vmem>> -> memref<1x56x128xf32, #tpu.memory_space<vmem>>
      %dma_start3A_1712 = tpu.memref_squeeze %dma_start3A_1711 : memref<1x56x128xf32, #tpu.memory_space<vmem>> -> memref<56x128xf32, #tpu.memory_space<vmem>>
      tpu.enqueue_dma source(%dma_start3A_1712 : memref<56x128xf32, #tpu.memory_space<vmem>>) target(%dma_start3A_1708 : memref<56x128xf32, #tpu.memory_space<hbm>>) target_semaphore(%arg17 : memref<!tpu.dma_semaphore, #tpu.memory_space<semaphore_mem>>)
      %mul3A_1713 = arith.constant 2 : i32
      %mul3A_1714 = arith.muli %add3A_1659, %mul3A_1713 : i32
      %add3A_1715 = arith.addi %mul3A_2, %mul3A_1714 : i32
      %add3A_1716 = arith.constant 1 : i32
      %add3A_1717 = arith.addi %add3A_1715, %add3A_1716 : i32
      %mul3A_1718 = arith.constant 128 : i32
      %mul3A_1719 = arith.muli %add3A_1717, %mul3A_1718 : i32
      %add3A_1720 = arith.constant 56 : i32
      %add3A_1721 = arith.addi %mul3A_1719, %add3A_1720 : i32
      %dma_start3A_1722 = arith.constant 0 : i32
      %dma_start3A_1723 = tpu.memref_slice %arg5[%add3A_1721, %dma_start3A_1722] : memref<524288x128xf32, #tpu.memory_space<hbm>> -> memref<72x128xf32, #tpu.memory_space<hbm>>
      %dma_start3A_1724 = arith.constant 0 : i32
      %dma_start3A_1725 = tpu.memref_slice %arg5[%add3A_1721, %dma_start3A_1724] : memref<524288x128xf32, #tpu.memory_space<hbm>> -> memref<72x128xf32, #tpu.memory_space<hbm>>
      tpu.enqueue_dma source(%arg10 : memref<72x128xf32, #tpu.memory_space<vmem>>) target(%dma_start3A_1725 : memref<72x128xf32, #tpu.memory_space<hbm>>) target_semaphore(%arg17 : memref<!tpu.dma_semaphore, #tpu.memory_space<semaphore_mem>>)
      %dma_wait3A_1726 = arith.constant 3 : i32
      %dma_wait3A_1727 = arith.constant 0 : i32
      %dma_wait3A_1728 = arith.constant 0 : i32
      %dma_wait3A_1729 = tpu.memref_slice %arg9[%dma_wait3A_1726, %dma_wait3A_1727, %dma_wait3A_1728] : memref<4x128x128xf32, #tpu.memory_space<vmem>> -> memref<1x56x128xf32, #tpu.memory_space<vmem>>
      %dma_wait3A_1730 = tpu.memref_squeeze %dma_wait3A_1729 : memref<1x56x128xf32, #tpu.memory_space<vmem>> -> memref<56x128xf32, #tpu.memory_space<vmem>>
      %dma_wait3A_1731 = arith.constant 384 : i32
      %dma_wait3A_1732 = tpu.memref_slice %arg8[%dma_wait3A_1731] : memref<512xi32, #tpu.memory_space<vmem>> -> memref<56xi32, #tpu.memory_space<vmem>>
      %dma_wait3A_1733 = arith.constant 0 : i32
      %dma_wait3A_1734 = arith.constant 0 : i32
      %dma_wait3A_1735 = tpu.memref_slice %arg3[%dma_wait3A_1733, %dma_wait3A_1734] : memref<3584x128xf32, #tpu.memory_space<hbm>> -> memref<3584x128xf32, #tpu.memory_space<hbm>>
      tpu.wait_indirect_dma semaphore(%arg14 : memref<!tpu.dma_semaphore, #tpu.memory_space<semaphore_mem>>) src(%dma_wait3A_1735 : memref<3584x128xf32, #tpu.memory_space<hbm>>) dst(%dma_wait3A_1730 : memref<56x128xf32, #tpu.memory_space<vmem>>)
      %dma_wait3A_1736 = arith.constant 3 : i32
      %dma_wait3A_1737 = arith.constant 64 : i32
      %dma_wait3A_1738 = arith.constant 0 : i32
      %dma_wait3A_1739 = tpu.memref_slice %arg9[%dma_wait3A_1736, %dma_wait3A_1737, %dma_wait3A_1738] : memref<4x128x128xf32, #tpu.memory_space<vmem>> -> memref<1x56x128xf32, #tpu.memory_space<vmem>>
      %dma_wait3A_1740 = tpu.memref_squeeze %dma_wait3A_1739 : memref<1x56x128xf32, #tpu.memory_space<vmem>> -> memref<56x128xf32, #tpu.memory_space<vmem>>
      %dma_wait3A_1741 = arith.constant 448 : i32
      %dma_wait3A_1742 = tpu.memref_slice %arg8[%dma_wait3A_1741] : memref<512xi32, #tpu.memory_space<vmem>> -> memref<56xi32, #tpu.memory_space<vmem>>
      %dma_wait3A_1743 = arith.constant 0 : i32
      %dma_wait3A_1744 = arith.constant 0 : i32
      %dma_wait3A_1745 = tpu.memref_slice %arg3[%dma_wait3A_1743, %dma_wait3A_1744] : memref<3584x128xf32, #tpu.memory_space<hbm>> -> memref<3584x128xf32, #tpu.memory_space<hbm>>
      tpu.wait_indirect_dma semaphore(%arg14 : memref<!tpu.dma_semaphore, #tpu.memory_space<semaphore_mem>>) src(%dma_wait3A_1745 : memref<3584x128xf32, #tpu.memory_space<hbm>>) dst(%dma_wait3A_1740 : memref<56x128xf32, #tpu.memory_space<vmem>>)
      %add3A_1746 = arith.constant 3 : i32
      %add3A_1747 = arith.addi %mul3A_1461, %add3A_1746 : i32
      %mul3A_1748 = arith.constant 2 : i32
      %mul3A_1749 = arith.muli %add3A_1747, %mul3A_1748 : i32
      %add3A_1750 = arith.addi %mul3A_2, %mul3A_1749 : i32
      %add3A_1751 = arith.constant 0 : i32
      %add3A_1752 = arith.addi %add3A_1750, %add3A_1751 : i32
      %mul3A_1753 = arith.constant 128 : i32
      %mul3A_1754 = arith.muli %add3A_1752, %mul3A_1753 : i32
      %dma_start3A_1755 = arith.constant 3 : i32
      %dma_start3A_1756 = arith.constant 0 : i32
      %dma_start3A_1757 = arith.constant 0 : i32
      %dma_start3A_1758 = tpu.memref_slice %arg9[%dma_start3A_1755, %dma_start3A_1756, %dma_start3A_1757] : memref<4x128x128xf32, #tpu.memory_space<vmem>> -> memref<1x56x128xf32, #tpu.memory_space<vmem>>
      %dma_start3A_1759 = tpu.memref_squeeze %dma_start3A_1758 : memref<1x56x128xf32, #tpu.memory_space<vmem>> -> memref<56x128xf32, #tpu.memory_space<vmem>>
      %dma_start3A_1760 = arith.constant 0 : i32
      %dma_start3A_1761 = tpu.memref_slice %arg5[%mul3A_1754, %dma_start3A_1760] : memref<524288x128xf32, #tpu.memory_space<hbm>> -> memref<56x128xf32, #tpu.memory_space<hbm>>
      %dma_start3A_1762 = arith.constant 0 : i32
      %dma_start3A_1763 = tpu.memref_slice %arg5[%mul3A_1754, %dma_start3A_1762] : memref<524288x128xf32, #tpu.memory_space<hbm>> -> memref<56x128xf32, #tpu.memory_space<hbm>>
      %dma_start3A_1764 = arith.constant 0 : i32
      %dma_start3A_1765 = arith.constant 0 : i32
      %dma_start3A_1766 = tpu.memref_slice %arg9[%dma_start3A_1755, %dma_start3A_1764, %dma_start3A_1765] : memref<4x128x128xf32, #tpu.memory_space<vmem>> -> memref<1x56x128xf32, #tpu.memory_space<vmem>>
      %dma_start3A_1767 = tpu.memref_squeeze %dma_start3A_1766 : memref<1x56x128xf32, #tpu.memory_space<vmem>> -> memref<56x128xf32, #tpu.memory_space<vmem>>
      tpu.enqueue_dma source(%dma_start3A_1767 : memref<56x128xf32, #tpu.memory_space<vmem>>) target(%dma_start3A_1763 : memref<56x128xf32, #tpu.memory_space<hbm>>) target_semaphore(%arg18 : memref<!tpu.dma_semaphore, #tpu.memory_space<semaphore_mem>>)
      %mul3A_1768 = arith.constant 2 : i32
      %mul3A_1769 = arith.muli %add3A_1747, %mul3A_1768 : i32
      %add3A_1770 = arith.addi %mul3A_2, %mul3A_1769 : i32
      %add3A_1771 = arith.constant 0 : i32
      %add3A_1772 = arith.addi %add3A_1770, %add3A_1771 : i32
      %mul3A_1773 = arith.constant 128 : i32
      %mul3A_1774 = arith.muli %add3A_1772, %mul3A_1773 : i32
      %add3A_1775 = arith.constant 56 : i32
      %add3A_1776 = arith.addi %mul3A_1774, %add3A_1775 : i32
      %dma_start3A_1777 = arith.constant 0 : i32
      %dma_start3A_1778 = tpu.memref_slice %arg5[%add3A_1776, %dma_start3A_1777] : memref<524288x128xf32, #tpu.memory_space<hbm>> -> memref<72x128xf32, #tpu.memory_space<hbm>>
      %dma_start3A_1779 = arith.constant 0 : i32
      %dma_start3A_1780 = tpu.memref_slice %arg5[%add3A_1776, %dma_start3A_1779] : memref<524288x128xf32, #tpu.memory_space<hbm>> -> memref<72x128xf32, #tpu.memory_space<hbm>>
      tpu.enqueue_dma source(%arg10 : memref<72x128xf32, #tpu.memory_space<vmem>>) target(%dma_start3A_1780 : memref<72x128xf32, #tpu.memory_space<hbm>>) target_semaphore(%arg18 : memref<!tpu.dma_semaphore, #tpu.memory_space<semaphore_mem>>)
      %mul3A_1781 = arith.constant 2 : i32
      %mul3A_1782 = arith.muli %add3A_1747, %mul3A_1781 : i32
      %add3A_1783 = arith.addi %mul3A_2, %mul3A_1782 : i32
      %add3A_1784 = arith.constant 1 : i32
      %add3A_1785 = arith.addi %add3A_1783, %add3A_1784 : i32
      %mul3A_1786 = arith.constant 128 : i32
      %mul3A_1787 = arith.muli %add3A_1785, %mul3A_1786 : i32
      %dma_start3A_1788 = arith.constant 3 : i32
      %dma_start3A_1789 = arith.constant 64 : i32
      %dma_start3A_1790 = arith.constant 0 : i32
      %dma_start3A_1791 = tpu.memref_slice %arg9[%dma_start3A_1788, %dma_start3A_1789, %dma_start3A_1790] : memref<4x128x128xf32, #tpu.memory_space<vmem>> -> memref<1x56x128xf32, #tpu.memory_space<vmem>>
      %dma_start3A_1792 = tpu.memref_squeeze %dma_start3A_1791 : memref<1x56x128xf32, #tpu.memory_space<vmem>> -> memref<56x128xf32, #tpu.memory_space<vmem>>
      %dma_start3A_1793 = arith.constant 0 : i32
      %dma_start3A_1794 = tpu.memref_slice %arg5[%mul3A_1787, %dma_start3A_1793] : memref<524288x128xf32, #tpu.memory_space<hbm>> -> memref<56x128xf32, #tpu.memory_space<hbm>>
      %dma_start3A_1795 = arith.constant 0 : i32
      %dma_start3A_1796 = tpu.memref_slice %arg5[%mul3A_1787, %dma_start3A_1795] : memref<524288x128xf32, #tpu.memory_space<hbm>> -> memref<56x128xf32, #tpu.memory_space<hbm>>
      %dma_start3A_1797 = arith.constant 64 : i32
      %dma_start3A_1798 = arith.constant 0 : i32
      %dma_start3A_1799 = tpu.memref_slice %arg9[%dma_start3A_1788, %dma_start3A_1797, %dma_start3A_1798] : memref<4x128x128xf32, #tpu.memory_space<vmem>> -> memref<1x56x128xf32, #tpu.memory_space<vmem>>
      %dma_start3A_1800 = tpu.memref_squeeze %dma_start3A_1799 : memref<1x56x128xf32, #tpu.memory_space<vmem>> -> memref<56x128xf32, #tpu.memory_space<vmem>>
      tpu.enqueue_dma source(%dma_start3A_1800 : memref<56x128xf32, #tpu.memory_space<vmem>>) target(%dma_start3A_1796 : memref<56x128xf32, #tpu.memory_space<hbm>>) target_semaphore(%arg18 : memref<!tpu.dma_semaphore, #tpu.memory_space<semaphore_mem>>)
      %mul3A_1801 = arith.constant 2 : i32
      %mul3A_1802 = arith.muli %add3A_1747, %mul3A_1801 : i32
      %add3A_1803 = arith.addi %mul3A_2, %mul3A_1802 : i32
      %add3A_1804 = arith.constant 1 : i32
      %add3A_1805 = arith.addi %add3A_1803, %add3A_1804 : i32
      %mul3A_1806 = arith.constant 128 : i32
      %mul3A_1807 = arith.muli %add3A_1805, %mul3A_1806 : i32
      %add3A_1808 = arith.constant 56 : i32
      %add3A_1809 = arith.addi %mul3A_1807, %add3A_1808 : i32
      %dma_start3A_1810 = arith.constant 0 : i32
      %dma_start3A_1811 = tpu.memref_slice %arg5[%add3A_1809, %dma_start3A_1810] : memref<524288x128xf32, #tpu.memory_space<hbm>> -> memref<72x128xf32, #tpu.memory_space<hbm>>
      %dma_start3A_1812 = arith.constant 0 : i32
      %dma_start3A_1813 = tpu.memref_slice %arg5[%add3A_1809, %dma_start3A_1812] : memref<524288x128xf32, #tpu.memory_space<hbm>> -> memref<72x128xf32, #tpu.memory_space<hbm>>
      tpu.enqueue_dma source(%arg10 : memref<72x128xf32, #tpu.memory_space<vmem>>) target(%dma_start3A_1813 : memref<72x128xf32, #tpu.memory_space<hbm>>) target_semaphore(%arg18 : memref<!tpu.dma_semaphore, #tpu.memory_space<semaphore_mem>>)
      %add3A_1814 = arith.constant 4 : i32
      %add3A_1815 = arith.addi %mul3A_1461, %add3A_1814 : i32
      %add3A_1816 = arith.constant 0 : i32
      %add3A_1817 = arith.addi %add3A_1815, %add3A_1816 : i32
      %mul3A_1818 = arith.constant 2 : i32
      %mul3A_1819 = arith.muli %add3A_1817, %mul3A_1818 : i32
      %add3A_1820 = arith.constant 0 : i32
      %add3A_1821 = arith.addi %mul3A_1819, %add3A_1820 : i32
      %mul3A_1822 = arith.constant 50 : i32
      %mul3A_1823 = arith.muli %add3A_1821, %mul3A_1822 : i32
      %mul3A_1824 = arith.constant 2 : i32
      %mul3A_1825 = arith.muli %add3A_1817, %mul3A_1824 : i32
      %add3A_1826 = arith.constant 0 : i32
      %add3A_1827 = arith.addi %mul3A_1825, %add3A_1826 : i32
      %mul3A_1828 = arith.constant 128 : i32
      %mul3A_1829 = arith.muli %add3A_1827, %mul3A_1828 : i32
      %add3A_1830 = arith.constant 0 : i32
      %add3A_1831 = arith.addi %mul3A_1823, %add3A_1830 : i32
      %get3A_1832 = arith.index_cast %add3A_1831 : i32 to index
      %get3A_1833 = tpu.vector_load %arg6[%get3A_1832] {strides = array<i32>} : memref<6416xi32, #tpu.memory_space<vmem>>, vector<16xi32>,
      %get3A_1834 = vector.shape_cast %get3A_1833 : vector<16xi32> to vector<16xi32>
      %add3A_1835 = arith.constant 0 : i32
      %add3A_1836 = arith.addi %mul3A_1829, %add3A_1835 : i32
      %swap3A_1837 = arith.index_cast %add3A_1836 : i32 to index
      %swap3A_1838 = tpu.vector_load %arg7[%swap3A_1837] {strides = array<i32>} : memref<16384xi32, #tpu.memory_space<vmem>>, vector<16xi32>,
      %swap3A_1839 = vector.shape_cast %swap3A_1838 : vector<16xi32> to vector<16xi32>
      %swap3A_1840 = vector.shape_cast %get3A_1834 : vector<16xi32> to vector<16xi32>
      tpu.vector_store %arg7[%swap3A_1837], %swap3A_1840 {strides = array<i32>} : memref<16384xi32, #tpu.memory_space<vmem>>, vector<16xi32>,
      %add3A_1841 = arith.addi %get3A_1834, %mul3A_17 : vector<16xi32>
      %swap3A_1842 = arith.constant 0 : index
      %swap3A_1843 = tpu.vector_load %arg8[%swap3A_1842] {strides = array<i32>} : memref<512xi32, #tpu.memory_space<vmem>>, vector<16xi32>,
      %swap3A_1844 = vector.shape_cast %swap3A_1843 : vector<16xi32> to vector<16xi32>
      %swap3A_1845 = vector.shape_cast %add3A_1841 : vector<16xi32> to vector<16xi32>
      tpu.vector_store %arg8[%swap3A_1842], %swap3A_1845 {strides = array<i32>} : memref<512xi32, #tpu.memory_space<vmem>>, vector<16xi32>,
      %add3A_1846 = arith.constant 16 : i32
      %add3A_1847 = arith.addi %mul3A_1823, %add3A_1846 : i32
      %get3A_1848 = arith.index_cast %add3A_1847 : i32 to index
      %get3A_1849 = tpu.vector_load %arg6[%get3A_1848] {strides = array<i32>} : memref<6416xi32, #tpu.memory_space<vmem>>, vector<16xi32>,
      %get3A_1850 = vector.shape_cast %get3A_1849 : vector<16xi32> to vector<16xi32>
      %add3A_1851 = arith.constant 16 : i32
      %add3A_1852 = arith.addi %mul3A_1829, %add3A_1851 : i32
      %swap3A_1853 = arith.index_cast %add3A_1852 : i32 to index
      %swap3A_1854 = tpu.vector_load %arg7[%swap3A_1853] {strides = array<i32>} : memref<16384xi32, #tpu.memory_space<vmem>>, vector<16xi32>,
      %swap3A_1855 = vector.shape_cast %swap3A_1854 : vector<16xi32> to vector<16xi32>
      %swap3A_1856 = vector.shape_cast %get3A_1850 : vector<16xi32> to vector<16xi32>
      tpu.vector_store %arg7[%swap3A_1853], %swap3A_1856 {strides = array<i32>} : memref<16384xi32, #tpu.memory_space<vmem>>, vector<16xi32>,
      %add3A_1857 = arith.addi %get3A_1850, %mul3A_30 : vector<16xi32>
      %swap3A_1858 = arith.constant 16 : index
      %swap3A_1859 = tpu.vector_load %arg8[%swap3A_1858] {strides = array<i32>} : memref<512xi32, #tpu.memory_space<vmem>>, vector<16xi32>,
      %swap3A_1860 = vector.shape_cast %swap3A_1859 : vector<16xi32> to vector<16xi32>
      %swap3A_1861 = vector.shape_cast %add3A_1857 : vector<16xi32> to vector<16xi32>
      tpu.vector_store %arg8[%swap3A_1858], %swap3A_1861 {strides = array<i32>} : memref<512xi32, #tpu.memory_space<vmem>>, vector<16xi32>,
      %add3A_1862 = arith.constant 32 : i32
      %add3A_1863 = arith.addi %mul3A_1823, %add3A_1862 : i32
      %get3A_1864 = arith.index_cast %add3A_1863 : i32 to index
      %get3A_1865 = tpu.vector_load %arg6[%get3A_1864] {strides = array<i32>} : memref<6416xi32, #tpu.memory_space<vmem>>, vector<16xi32>,
      %get3A_1866 = vector.shape_cast %get3A_1865 : vector<16xi32> to vector<16xi32>
      %add3A_1867 = arith.constant 32 : i32
      %add3A_1868 = arith.addi %mul3A_1829, %add3A_1867 : i32
      %swap3A_1869 = arith.index_cast %add3A_1868 : i32 to index
      %swap3A_1870 = tpu.vector_load %arg7[%swap3A_1869] {strides = array<i32>} : memref<16384xi32, #tpu.memory_space<vmem>>, vector<16xi32>,
      %swap3A_1871 = vector.shape_cast %swap3A_1870 : vector<16xi32> to vector<16xi32>
      %swap3A_1872 = vector.shape_cast %get3A_1866 : vector<16xi32> to vector<16xi32>
      tpu.vector_store %arg7[%swap3A_1869], %swap3A_1872 {strides = array<i32>} : memref<16384xi32, #tpu.memory_space<vmem>>, vector<16xi32>,
      %add3A_1873 = arith.addi %get3A_1866, %mul3A_43 : vector<16xi32>
      %swap3A_1874 = arith.constant 32 : index
      %swap3A_1875 = tpu.vector_load %arg8[%swap3A_1874] {strides = array<i32>} : memref<512xi32, #tpu.memory_space<vmem>>, vector<16xi32>,
      %swap3A_1876 = vector.shape_cast %swap3A_1875 : vector<16xi32> to vector<16xi32>
      %swap3A_1877 = vector.shape_cast %add3A_1873 : vector<16xi32> to vector<16xi32>
      tpu.vector_store %arg8[%swap3A_1874], %swap3A_1877 {strides = array<i32>} : memref<512xi32, #tpu.memory_space<vmem>>, vector<16xi32>,
      %add3A_1878 = arith.constant 48 : i32
      %add3A_1879 = arith.addi %mul3A_1823, %add3A_1878 : i32
      %get3A_1880 = arith.index_cast %add3A_1879 : i32 to index
      %get3A_1881 = tpu.vector_load %arg6[%get3A_1880] {strides = array<i32>} : memref<6416xi32, #tpu.memory_space<vmem>>, vector<16xi32>,
      %get3A_1882 = vector.shape_cast %get3A_1881 : vector<16xi32> to vector<16xi32>
      %lt3A_1883 = arith.constant 2 : i32
      %lt3A_1884 = vector.broadcast %lt3A_1883 : i32 to vector<16xi32>
      %lt3A_1885 = arith.cmpi slt, %iota3A, %lt3A_1884 : vector<16xi32>
      %select_n3A_1886 = arith.select %lt3A_1885, %get3A_1882, %broadcast_in_dim3A_5 : vector<16xi1>, vector<16xi32>
      %add3A_1887 = arith.constant 48 : i32
      %add3A_1888 = arith.addi %mul3A_1829, %add3A_1887 : i32
      %swap3A_1889 = arith.index_cast %add3A_1888 : i32 to index
      %swap3A_1890 = tpu.vector_load %arg7[%swap3A_1889] {strides = array<i32>} : memref<16384xi32, #tpu.memory_space<vmem>>, vector<16xi32>,
      %swap3A_1891 = vector.shape_cast %swap3A_1890 : vector<16xi32> to vector<16xi32>
      %swap3A_1892 = vector.shape_cast %select_n3A_1886 : vector<16xi32> to vector<16xi32>
      tpu.vector_store %arg7[%swap3A_1889], %swap3A_1892 {strides = array<i32>} : memref<16384xi32, #tpu.memory_space<vmem>>, vector<16xi32>,
      %add3A_1893 = arith.addi %select_n3A_1886, %mul3A_56 : vector<16xi32>
      %swap3A_1894 = arith.constant 48 : index
      %swap3A_1895 = tpu.vector_load %arg8[%swap3A_1894] {strides = array<i32>} : memref<512xi32, #tpu.memory_space<vmem>>, vector<16xi32>,
      %swap3A_1896 = vector.shape_cast %swap3A_1895 : vector<16xi32> to vector<16xi32>
      %swap3A_1897 = vector.shape_cast %add3A_1893 : vector<16xi32> to vector<16xi32>
      tpu.vector_store %arg8[%swap3A_1894], %swap3A_1897 {strides = array<i32>} : memref<512xi32, #tpu.memory_space<vmem>>, vector<16xi32>,
      %add3A_1898 = arith.constant 64 : i32
      %add3A_1899 = arith.addi %mul3A_1829, %add3A_1898 : i32
      %swap3A_1900 = arith.index_cast %add3A_1899 : i32 to index
      %swap3A_1901 = tpu.vector_load %arg7[%swap3A_1900] {strides = array<i32>} : memref<16384xi32, #tpu.memory_space<vmem>>, vector<16xi32>,
      %swap3A_1902 = vector.shape_cast %swap3A_1901 : vector<16xi32> to vector<16xi32>
      %swap3A_1903 = vector.shape_cast %broadcast_in_dim3A_5 : vector<16xi32> to vector<16xi32>
      tpu.vector_store %arg7[%swap3A_1900], %swap3A_1903 {strides = array<i32>} : memref<16384xi32, #tpu.memory_space<vmem>>, vector<16xi32>,
      %add3A_1904 = arith.constant 80 : i32
      %add3A_1905 = arith.addi %mul3A_1829, %add3A_1904 : i32
      %swap3A_1906 = arith.index_cast %add3A_1905 : i32 to index
      %swap3A_1907 = tpu.vector_load %arg7[%swap3A_1906] {strides = array<i32>} : memref<16384xi32, #tpu.memory_space<vmem>>, vector<16xi32>,
      %swap3A_1908 = vector.shape_cast %swap3A_1907 : vector<16xi32> to vector<16xi32>
      %swap3A_1909 = vector.shape_cast %broadcast_in_dim3A_5 : vector<16xi32> to vector<16xi32>
      tpu.vector_store %arg7[%swap3A_1906], %swap3A_1909 {strides = array<i32>} : memref<16384xi32, #tpu.memory_space<vmem>>, vector<16xi32>,
      %add3A_1910 = arith.constant 96 : i32
      %add3A_1911 = arith.addi %mul3A_1829, %add3A_1910 : i32
      %swap3A_1912 = arith.index_cast %add3A_1911 : i32 to index
      %swap3A_1913 = tpu.vector_load %arg7[%swap3A_1912] {strides = array<i32>} : memref<16384xi32, #tpu.memory_space<vmem>>, vector<16xi32>,
      %swap3A_1914 = vector.shape_cast %swap3A_1913 : vector<16xi32> to vector<16xi32>
      %swap3A_1915 = vector.shape_cast %broadcast_in_dim3A_5 : vector<16xi32> to vector<16xi32>
      tpu.vector_store %arg7[%swap3A_1912], %swap3A_1915 {strides = array<i32>} : memref<16384xi32, #tpu.memory_space<vmem>>, vector<16xi32>,
      %add3A_1916 = arith.constant 112 : i32
      %add3A_1917 = arith.addi %mul3A_1829, %add3A_1916 : i32
      %swap3A_1918 = arith.index_cast %add3A_1917 : i32 to index
      %swap3A_1919 = tpu.vector_load %arg7[%swap3A_1918] {strides = array<i32>} : memref<16384xi32, #tpu.memory_space<vmem>>, vector<16xi32>,
      %swap3A_1920 = vector.shape_cast %swap3A_1919 : vector<16xi32> to vector<16xi32>
      %swap3A_1921 = vector.shape_cast %broadcast_in_dim3A_5 : vector<16xi32> to vector<16xi32>
      tpu.vector_store %arg7[%swap3A_1918], %swap3A_1921 {strides = array<i32>} : memref<16384xi32, #tpu.memory_space<vmem>>, vector<16xi32>,
      %mul3A_1922 = arith.constant 2 : i32
      %mul3A_1923 = arith.muli %add3A_1817, %mul3A_1922 : i32
      %add3A_1924 = arith.constant 1 : i32
      %add3A_1925 = arith.addi %mul3A_1923, %add3A_1924 : i32
      %mul3A_1926 = arith.constant 50 : i32
      %mul3A_1927 = arith.muli %add3A_1925, %mul3A_1926 : i32
      %mul3A_1928 = arith.constant 2 : i32
      %mul3A_1929 = arith.muli %add3A_1817, %mul3A_1928 : i32
      %add3A_1930 = arith.constant 1 : i32
      %add3A_1931 = arith.addi %mul3A_1929, %add3A_1930 : i32
      %mul3A_1932 = arith.constant 128 : i32
      %mul3A_1933 = arith.muli %add3A_1931, %mul3A_1932 : i32
      %add3A_1934 = arith.constant 0 : i32
      %add3A_1935 = arith.addi %mul3A_1927, %add3A_1934 : i32
      %get3A_1936 = arith.index_cast %add3A_1935 : i32 to index
      %get3A_1937 = tpu.vector_load %arg6[%get3A_1936] {strides = array<i32>} : memref<6416xi32, #tpu.memory_space<vmem>>, vector<16xi32>,
      %get3A_1938 = vector.shape_cast %get3A_1937 : vector<16xi32> to vector<16xi32>
      %add3A_1939 = arith.constant 0 : i32
      %add3A_1940 = arith.addi %mul3A_1933, %add3A_1939 : i32
      %swap3A_1941 = arith.index_cast %add3A_1940 : i32 to index
      %swap3A_1942 = tpu.vector_load %arg7[%swap3A_1941] {strides = array<i32>} : memref<16384xi32, #tpu.memory_space<vmem>>, vector<16xi32>,
      %swap3A_1943 = vector.shape_cast %swap3A_1942 : vector<16xi32> to vector<16xi32>
      %swap3A_1944 = vector.shape_cast %get3A_1938 : vector<16xi32> to vector<16xi32>
      tpu.vector_store %arg7[%swap3A_1941], %swap3A_1944 {strides = array<i32>} : memref<16384xi32, #tpu.memory_space<vmem>>, vector<16xi32>,
      %add3A_1945 = arith.addi %get3A_1938, %mul3A_121 : vector<16xi32>
      %swap3A_1946 = arith.constant 64 : index
      %swap3A_1947 = tpu.vector_load %arg8[%swap3A_1946] {strides = array<i32>} : memref<512xi32, #tpu.memory_space<vmem>>, vector<16xi32>,
      %swap3A_1948 = vector.shape_cast %swap3A_1947 : vector<16xi32> to vector<16xi32>
      %swap3A_1949 = vector.shape_cast %add3A_1945 : vector<16xi32> to vector<16xi32>
      tpu.vector_store %arg8[%swap3A_1946], %swap3A_1949 {strides = array<i32>} : memref<512xi32, #tpu.memory_space<vmem>>, vector<16xi32>,
      %add3A_1950 = arith.constant 16 : i32
      %add3A_1951 = arith.addi %mul3A_1927, %add3A_1950 : i32
      %get3A_1952 = arith.index_cast %add3A_1951 : i32 to index
      %get3A_1953 = tpu.vector_load %arg6[%get3A_1952] {strides = array<i32>} : memref<6416xi32, #tpu.memory_space<vmem>>, vector<16xi32>,
      %get3A_1954 = vector.shape_cast %get3A_1953 : vector<16xi32> to vector<16xi32>
      %add3A_1955 = arith.constant 16 : i32
      %add3A_1956 = arith.addi %mul3A_1933, %add3A_1955 : i32
      %swap3A_1957 = arith.index_cast %add3A_1956 : i32 to index
      %swap3A_1958 = tpu.vector_load %arg7[%swap3A_1957] {strides = array<i32>} : memref<16384xi32, #tpu.memory_space<vmem>>, vector<16xi32>,
      %swap3A_1959 = vector.shape_cast %swap3A_1958 : vector<16xi32> to vector<16xi32>
      %swap3A_1960 = vector.shape_cast %get3A_1954 : vector<16xi32> to vector<16xi32>
      tpu.vector_store %arg7[%swap3A_1957], %swap3A_1960 {strides = array<i32>} : memref<16384xi32, #tpu.memory_space<vmem>>, vector<16xi32>,
      %add3A_1961 = arith.addi %get3A_1954, %mul3A_134 : vector<16xi32>
      %swap3A_1962 = arith.constant 80 : index
      %swap3A_1963 = tpu.vector_load %arg8[%swap3A_1962] {strides = array<i32>} : memref<512xi32, #tpu.memory_space<vmem>>, vector<16xi32>,
      %swap3A_1964 = vector.shape_cast %swap3A_1963 : vector<16xi32> to vector<16xi32>
      %swap3A_1965 = vector.shape_cast %add3A_1961 : vector<16xi32> to vector<16xi32>
      tpu.vector_store %arg8[%swap3A_1962], %swap3A_1965 {strides = array<i32>} : memref<512xi32, #tpu.memory_space<vmem>>, vector<16xi32>,
      %add3A_1966 = arith.constant 32 : i32
      %add3A_1967 = arith.addi %mul3A_1927, %add3A_1966 : i32
      %get3A_1968 = arith.index_cast %add3A_1967 : i32 to index
      %get3A_1969 = tpu.vector_load %arg6[%get3A_1968] {strides = array<i32>} : memref<6416xi32, #tpu.memory_space<vmem>>, vector<16xi32>,
      %get3A_1970 = vector.shape_cast %get3A_1969 : vector<16xi32> to vector<16xi32>
      %add3A_1971 = arith.constant 32 : i32
      %add3A_1972 = arith.addi %mul3A_1933, %add3A_1971 : i32
      %swap3A_1973 = arith.index_cast %add3A_1972 : i32 to index
      %swap3A_1974 = tpu.vector_load %arg7[%swap3A_1973] {strides = array<i32>} : memref<16384xi32, #tpu.memory_space<vmem>>, vector<16xi32>,
      %swap3A_1975 = vector.shape_cast %swap3A_1974 : vector<16xi32> to vector<16xi32>
      %swap3A_1976 = vector.shape_cast %get3A_1970 : vector<16xi32> to vector<16xi32>
      tpu.vector_store %arg7[%swap3A_1973], %swap3A_1976 {strides = array<i32>} : memref<16384xi32, #tpu.memory_space<vmem>>, vector<16xi32>,
      %add3A_1977 = arith.addi %get3A_1970, %mul3A_147 : vector<16xi32>
      %swap3A_1978 = arith.constant 96 : index
      %swap3A_1979 = tpu.vector_load %arg8[%swap3A_1978] {strides = array<i32>} : memref<512xi32, #tpu.memory_space<vmem>>, vector<16xi32>,
      %swap3A_1980 = vector.shape_cast %swap3A_1979 : vector<16xi32> to vector<16xi32>
      %swap3A_1981 = vector.shape_cast %add3A_1977 : vector<16xi32> to vector<16xi32>
      tpu.vector_store %arg8[%swap3A_1978], %swap3A_1981 {strides = array<i32>} : memref<512xi32, #tpu.memory_space<vmem>>, vector<16xi32>,
      %add3A_1982 = arith.constant 48 : i32
      %add3A_1983 = arith.addi %mul3A_1927, %add3A_1982 : i32
      %get3A_1984 = arith.index_cast %add3A_1983 : i32 to index
      %get3A_1985 = tpu.vector_load %arg6[%get3A_1984] {strides = array<i32>} : memref<6416xi32, #tpu.memory_space<vmem>>, vector<16xi32>,
      %get3A_1986 = vector.shape_cast %get3A_1985 : vector<16xi32> to vector<16xi32>
      %lt3A_1987 = arith.constant 2 : i32
      %lt3A_1988 = vector.broadcast %lt3A_1987 : i32 to vector<16xi32>
      %lt3A_1989 = arith.cmpi slt, %iota3A, %lt3A_1988 : vector<16xi32>
      %select_n3A_1990 = arith.select %lt3A_1989, %get3A_1986, %broadcast_in_dim3A_5 : vector<16xi1>, vector<16xi32>
      %add3A_1991 = arith.constant 48 : i32
      %add3A_1992 = arith.addi %mul3A_1933, %add3A_1991 : i32
      %swap3A_1993 = arith.index_cast %add3A_1992 : i32 to index
      %swap3A_1994 = tpu.vector_load %arg7[%swap3A_1993] {strides = array<i32>} : memref<16384xi32, #tpu.memory_space<vmem>>, vector<16xi32>,
      %swap3A_1995 = vector.shape_cast %swap3A_1994 : vector<16xi32> to vector<16xi32>
      %swap3A_1996 = vector.shape_cast %select_n3A_1990 : vector<16xi32> to vector<16xi32>
      tpu.vector_store %arg7[%swap3A_1993], %swap3A_1996 {strides = array<i32>} : memref<16384xi32, #tpu.memory_space<vmem>>, vector<16xi32>,
      %add3A_1997 = arith.addi %select_n3A_1990, %mul3A_160 : vector<16xi32>
      %swap3A_1998 = arith.constant 112 : index
      %swap3A_1999 = tpu.vector_load %arg8[%swap3A_1998] {strides = array<i32>} : memref<512xi32, #tpu.memory_space<vmem>>, vector<16xi32>,
      %swap3A_2000 = vector.shape_cast %swap3A_1999 : vector<16xi32> to vector<16xi32>
      %swap3A_2001 = vector.shape_cast %add3A_1997 : vector<16xi32> to vector<16xi32>
      tpu.vector_store %arg8[%swap3A_1998], %swap3A_2001 {strides = array<i32>} : memref<512xi32, #tpu.memory_space<vmem>>, vector<16xi32>,
      %add3A_2002 = arith.constant 64 : i32
      %add3A_2003 = arith.addi %mul3A_1933, %add3A_2002 : i32
      %swap3A_2004 = arith.index_cast %add3A_2003 : i32 to index
      %swap3A_2005 = tpu.vector_load %arg7[%swap3A_2004] {strides = array<i32>} : memref<16384xi32, #tpu.memory_space<vmem>>, vector<16xi32>,
      %swap3A_2006 = vector.shape_cast %swap3A_2005 : vector<16xi32> to vector<16xi32>
      %swap3A_2007 = vector.shape_cast %broadcast_in_dim3A_5 : vector<16xi32> to vector<16xi32>
      tpu.vector_store %arg7[%swap3A_2004], %swap3A_2007 {strides = array<i32>} : memref<16384xi32, #tpu.memory_space<vmem>>, vector<16xi32>,
      %add3A_2008 = arith.constant 80 : i32
      %add3A_2009 = arith.addi %mul3A_1933, %add3A_2008 : i32
      %swap3A_2010 = arith.index_cast %add3A_2009 : i32 to index
      %swap3A_2011 = tpu.vector_load %arg7[%swap3A_2010] {strides = array<i32>} : memref<16384xi32, #tpu.memory_space<vmem>>, vector<16xi32>,
      %swap3A_2012 = vector.shape_cast %swap3A_2011 : vector<16xi32> to vector<16xi32>
      %swap3A_2013 = vector.shape_cast %broadcast_in_dim3A_5 : vector<16xi32> to vector<16xi32>
      tpu.vector_store %arg7[%swap3A_2010], %swap3A_2013 {strides = array<i32>} : memref<16384xi32, #tpu.memory_space<vmem>>, vector<16xi32>,
      %add3A_2014 = arith.constant 96 : i32
      %add3A_2015 = arith.addi %mul3A_1933, %add3A_2014 : i32
      %swap3A_2016 = arith.index_cast %add3A_2015 : i32 to index
      %swap3A_2017 = tpu.vector_load %arg7[%swap3A_2016] {strides = array<i32>} : memref<16384xi32, #tpu.memory_space<vmem>>, vector<16xi32>,
      %swap3A_2018 = vector.shape_cast %swap3A_2017 : vector<16xi32> to vector<16xi32>
      %swap3A_2019 = vector.shape_cast %broadcast_in_dim3A_5 : vector<16xi32> to vector<16xi32>
      tpu.vector_store %arg7[%swap3A_2016], %swap3A_2019 {strides = array<i32>} : memref<16384xi32, #tpu.memory_space<vmem>>, vector<16xi32>,
      %add3A_2020 = arith.constant 112 : i32
      %add3A_2021 = arith.addi %mul3A_1933, %add3A_2020 : i32
      %swap3A_2022 = arith.index_cast %add3A_2021 : i32 to index
      %swap3A_2023 = tpu.vector_load %arg7[%swap3A_2022] {strides = array<i32>} : memref<16384xi32, #tpu.memory_space<vmem>>, vector<16xi32>,
      %swap3A_2024 = vector.shape_cast %swap3A_2023 : vector<16xi32> to vector<16xi32>
      %swap3A_2025 = vector.shape_cast %broadcast_in_dim3A_5 : vector<16xi32> to vector<16xi32>
      tpu.vector_store %arg7[%swap3A_2022], %swap3A_2025 {strides = array<i32>} : memref<16384xi32, #tpu.memory_space<vmem>>, vector<16xi32>,
      %add3A_2026 = arith.constant 0 : i32
      %add3A_2027 = arith.addi %mul3A_1461, %add3A_2026 : i32
      %mul3A_2028 = arith.constant 2 : i32
      %mul3A_2029 = arith.muli %add3A_2027, %mul3A_2028 : i32
      %add3A_2030 = arith.addi %mul3A_2, %mul3A_2029 : i32
      %add3A_2031 = arith.constant 0 : i32
      %add3A_2032 = arith.addi %add3A_2030, %add3A_2031 : i32
      %mul3A_2033 = arith.constant 128 : i32
      %mul3A_2034 = arith.muli %add3A_2032, %mul3A_2033 : i32
      %dma_wait3A_2035 = arith.constant 0 : i32
      %dma_wait3A_2036 = arith.constant 0 : i32
      %dma_wait3A_2037 = arith.constant 0 : i32
      %dma_wait3A_2038 = tpu.memref_slice %arg9[%dma_wait3A_2035, %dma_wait3A_2036, %dma_wait3A_2037] : memref<4x128x128xf32, #tpu.memory_space<vmem>> -> memref<1x56x128xf32, #tpu.memory_space<vmem>>
      %dma_wait3A_2039 = tpu.memref_squeeze %dma_wait3A_2038 : memref<1x56x128xf32, #tpu.memory_space<vmem>> -> memref<56x128xf32, #tpu.memory_space<vmem>>
      %dma_wait3A_2040 = arith.constant 0 : i32
      %dma_wait3A_2041 = tpu.memref_slice %arg5[%mul3A_2034, %dma_wait3A_2040] : memref<524288x128xf32, #tpu.memory_space<hbm>> -> memref<56x128xf32, #tpu.memory_space<hbm>>
      %dma_wait3A_2042 = arith.constant 0 : i32
      %dma_wait3A_2043 = tpu.memref_slice %arg5[%mul3A_2034, %dma_wait3A_2042] : memref<524288x128xf32, #tpu.memory_space<hbm>> -> memref<56x128xf32, #tpu.memory_space<hbm>>
      %dma_wait3A_2044 = arith.constant 0 : i32
      %dma_wait3A_2045 = arith.constant 0 : i32
      %dma_wait3A_2046 = tpu.memref_slice %arg9[%dma_wait3A_2035, %dma_wait3A_2044, %dma_wait3A_2045] : memref<4x128x128xf32, #tpu.memory_space<vmem>> -> memref<1x56x128xf32, #tpu.memory_space<vmem>>
      %dma_wait3A_2047 = tpu.memref_squeeze %dma_wait3A_2046 : memref<1x56x128xf32, #tpu.memory_space<vmem>> -> memref<56x128xf32, #tpu.memory_space<vmem>>
      tpu.wait_dma2 semaphore(%arg15 : memref<!tpu.dma_semaphore, #tpu.memory_space<semaphore_mem>>) src(%dma_wait3A_2047 : memref<56x128xf32, #tpu.memory_space<vmem>>) dst(%dma_wait3A_2043 : memref<56x128xf32, #tpu.memory_space<hbm>>)
      %mul3A_2048 = arith.constant 2 : i32
      %mul3A_2049 = arith.muli %add3A_2027, %mul3A_2048 : i32
      %add3A_2050 = arith.addi %mul3A_2, %mul3A_2049 : i32
      %add3A_2051 = arith.constant 0 : i32
      %add3A_2052 = arith.addi %add3A_2050, %add3A_2051 : i32
      %mul3A_2053 = arith.constant 128 : i32
      %mul3A_2054 = arith.muli %add3A_2052, %mul3A_2053 : i32
      %add3A_2055 = arith.constant 56 : i32
      %add3A_2056 = arith.addi %mul3A_2054, %add3A_2055 : i32
      %dma_wait3A_2057 = arith.constant 0 : i32
      %dma_wait3A_2058 = tpu.memref_slice %arg5[%add3A_2056, %dma_wait3A_2057] : memref<524288x128xf32, #tpu.memory_space<hbm>> -> memref<72x128xf32, #tpu.memory_space<hbm>>
      %dma_wait3A_2059 = arith.constant 0 : i32
      %dma_wait3A_2060 = tpu.memref_slice %arg5[%add3A_2056, %dma_wait3A_2059] : memref<524288x128xf32, #tpu.memory_space<hbm>> -> memref<72x128xf32, #tpu.memory_space<hbm>>
      tpu.wait_dma2 semaphore(%arg15 : memref<!tpu.dma_semaphore, #tpu.memory_space<semaphore_mem>>) src(%arg10 : memref<72x128xf32, #tpu.memory_space<vmem>>) dst(%dma_wait3A_2060 : memref<72x128xf32, #tpu.memory_space<hbm>>)
      %mul3A_2061 = arith.constant 2 : i32
      %mul3A_2062 = arith.muli %add3A_2027, %mul3A_2061 : i32
      %add3A_2063 = arith.addi %mul3A_2, %mul3A_2062 : i32
      %add3A_2064 = arith.constant 1 : i32
      %add3A_2065 = arith.addi %add3A_2063, %add3A_2064 : i32
      %mul3A_2066 = arith.constant 128 : i32
      %mul3A_2067 = arith.muli %add3A_2065, %mul3A_2066 : i32
      %dma_wait3A_2068 = arith.constant 0 : i32
      %dma_wait3A_2069 = arith.constant 64 : i32
      %dma_wait3A_2070 = arith.constant 0 : i32
      %dma_wait3A_2071 = tpu.memref_slice %arg9[%dma_wait3A_2068, %dma_wait3A_2069, %dma_wait3A_2070] : memref<4x128x128xf32, #tpu.memory_space<vmem>> -> memref<1x56x128xf32, #tpu.memory_space<vmem>>
      %dma_wait3A_2072 = tpu.memref_squeeze %dma_wait3A_2071 : memref<1x56x128xf32, #tpu.memory_space<vmem>> -> memref<56x128xf32, #tpu.memory_space<vmem>>
      %dma_wait3A_2073 = arith.constant 0 : i32
      %dma_wait3A_2074 = tpu.memref_slice %arg5[%mul3A_2067, %dma_wait3A_2073] : memref<524288x128xf32, #tpu.memory_space<hbm>> -> memref<56x128xf32, #tpu.memory_space<hbm>>
      %dma_wait3A_2075 = arith.constant 0 : i32
      %dma_wait3A_2076 = tpu.memref_slice %arg5[%mul3A_2067, %dma_wait3A_2075] : memref<524288x128xf32, #tpu.memory_space<hbm>> -> memref<56x128xf32, #tpu.memory_space<hbm>>
      %dma_wait3A_2077 = arith.constant 64 : i32
      %dma_wait3A_2078 = arith.constant 0 : i32
      %dma_wait3A_2079 = tpu.memref_slice %arg9[%dma_wait3A_2068, %dma_wait3A_2077, %dma_wait3A_2078] : memref<4x128x128xf32, #tpu.memory_space<vmem>> -> memref<1x56x128xf32, #tpu.memory_space<vmem>>
      %dma_wait3A_2080 = tpu.memref_squeeze %dma_wait3A_2079 : memref<1x56x128xf32, #tpu.memory_space<vmem>> -> memref<56x128xf32, #tpu.memory_space<vmem>>
      tpu.wait_dma2 semaphore(%arg15 : memref<!tpu.dma_semaphore, #tpu.memory_space<semaphore_mem>>) src(%dma_wait3A_2080 : memref<56x128xf32, #tpu.memory_space<vmem>>) dst(%dma_wait3A_2076 : memref<56x128xf32, #tpu.memory_space<hbm>>)
      %mul3A_2081 = arith.constant 2 : i32
      %mul3A_2082 = arith.muli %add3A_2027, %mul3A_2081 : i32
      %add3A_2083 = arith.addi %mul3A_2, %mul3A_2082 : i32
      %add3A_2084 = arith.constant 1 : i32
      %add3A_2085 = arith.addi %add3A_2083, %add3A_2084 : i32
      %mul3A_2086 = arith.constant 128 : i32
      %mul3A_2087 = arith.muli %add3A_2085, %mul3A_2086 : i32
      %add3A_2088 = arith.constant 56 : i32
      %add3A_2089 = arith.addi %mul3A_2087, %add3A_2088 : i32
      %dma_wait3A_2090 = arith.constant 0 : i32
      %dma_wait3A_2091 = tpu.memref_slice %arg5[%add3A_2089, %dma_wait3A_2090] : memref<524288x128xf32, #tpu.memory_space<hbm>> -> memref<72x128xf32, #tpu.memory_space<hbm>>
      %dma_wait3A_2092 = arith.constant 0 : i32
      %dma_wait3A_2093 = tpu.memref_slice %arg5[%add3A_2089, %dma_wait3A_2092] : memref<524288x128xf32, #tpu.memory_space<hbm>> -> memref<72x128xf32, #tpu.memory_space<hbm>>
      tpu.wait_dma2 semaphore(%arg15 : memref<!tpu.dma_semaphore, #tpu.memory_space<semaphore_mem>>) src(%arg10 : memref<72x128xf32, #tpu.memory_space<vmem>>) dst(%dma_wait3A_2093 : memref<72x128xf32, #tpu.memory_space<hbm>>)
      %dma_start3A_2094 = arith.constant 0 : i32
      %dma_start3A_2095 = arith.constant 0 : i32
      %dma_start3A_2096 = arith.constant 0 : i32
      %dma_start3A_2097 = tpu.memref_slice %arg9[%dma_start3A_2094, %dma_start3A_2095, %dma_start3A_2096] : memref<4x128x128xf32, #tpu.memory_space<vmem>> -> memref<1x56x128xf32, #tpu.memory_space<vmem>>
      %dma_start3A_2098 = tpu.memref_squeeze %dma_start3A_2097 : memref<1x56x128xf32, #tpu.memory_space<vmem>> -> memref<56x128xf32, #tpu.memory_space<vmem>>
      %dma_start3A_2099 = arith.constant 0 : i32
      %dma_start3A_2100 = tpu.memref_slice %arg8[%dma_start3A_2099] : memref<512xi32, #tpu.memory_space<vmem>> -> memref<56xi32, #tpu.memory_space<vmem>>
      %dma_start3A_2101 = arith.constant 0 : i32
      %dma_start3A_2102 = arith.constant 0 : i32
      %dma_start3A_2103 = tpu.memref_slice %arg3[%dma_start3A_2101, %dma_start3A_2102] : memref<3584x128xf32, #tpu.memory_space<hbm>> -> memref<3584x128xf32, #tpu.memory_space<hbm>>
      tpu.enqueue_indirect_dma source(%dma_start3A_2103 : memref<3584x128xf32, #tpu.memory_space<hbm>>) target(%dma_start3A_2098 : memref<56x128xf32, #tpu.memory_space<vmem>>) offsets(%dma_start3A_2100 : memref<56xi32, #tpu.memory_space<vmem>>) semaphore(%arg11 : memref<!tpu.dma_semaphore, #tpu.memory_space<semaphore_mem>>)
      %dma_start3A_2104 = arith.constant 0 : i32
      %dma_start3A_2105 = arith.constant 64 : i32
      %dma_start3A_2106 = arith.constant 0 : i32
      %dma_start3A_2107 = tpu.memref_slice %arg9[%dma_start3A_2104, %dma_start3A_2105, %dma_start3A_2106] : memref<4x128x128xf32, #tpu.memory_space<vmem>> -> memref<1x56x128xf32, #tpu.memory_space<vmem>>
      %dma_start3A_2108 = tpu.memref_squeeze %dma_start3A_2107 : memref<1x56x128xf32, #tpu.memory_space<vmem>> -> memref<56x128xf32, #tpu.memory_space<vmem>>
      %dma_start3A_2109 = arith.constant 64 : i32
      %dma_start3A_2110 = tpu.memref_slice %arg8[%dma_start3A_2109] : memref<512xi32, #tpu.memory_space<vmem>> -> memref<56xi32, #tpu.memory_space<vmem>>
      %dma_start3A_2111 = arith.constant 0 : i32
      %dma_start3A_2112 = arith.constant 0 : i32
      %dma_start3A_2113 = tpu.memref_slice %arg3[%dma_start3A_2111, %dma_start3A_2112] : memref<3584x128xf32, #tpu.memory_space<hbm>> -> memref<3584x128xf32, #tpu.memory_space<hbm>>
      tpu.enqueue_indirect_dma source(%dma_start3A_2113 : memref<3584x128xf32, #tpu.memory_space<hbm>>) target(%dma_start3A_2108 : memref<56x128xf32, #tpu.memory_space<vmem>>) offsets(%dma_start3A_2110 : memref<56xi32, #tpu.memory_space<vmem>>) semaphore(%arg11 : memref<!tpu.dma_semaphore, #tpu.memory_space<semaphore_mem>>)
      %add3A_2114 = arith.constant 4 : i32
      %add3A_2115 = arith.addi %mul3A_1461, %add3A_2114 : i32
      %add3A_2116 = arith.constant 1 : i32
      %add3A_2117 = arith.addi %add3A_2115, %add3A_2116 : i32
      %mul3A_2118 = arith.constant 2 : i32
      %mul3A_2119 = arith.muli %add3A_2117, %mul3A_2118 : i32
      %add3A_2120 = arith.constant 0 : i32
      %add3A_2121 = arith.addi %mul3A_2119, %add3A_2120 : i32
      %mul3A_2122 = arith.constant 50 : i32
      %mul3A_2123 = arith.muli %add3A_2121, %mul3A_2122 : i32
      %mul3A_2124 = arith.constant 2 : i32
      %mul3A_2125 = arith.muli %add3A_2117, %mul3A_2124 : i32
      %add3A_2126 = arith.constant 0 : i32
      %add3A_2127 = arith.addi %mul3A_2125, %add3A_2126 : i32
      %mul3A_2128 = arith.constant 128 : i32
      %mul3A_2129 = arith.muli %add3A_2127, %mul3A_2128 : i32
      %add3A_2130 = arith.constant 0 : i32
      %add3A_2131 = arith.addi %mul3A_2123, %add3A_2130 : i32
      %get3A_2132 = arith.index_cast %add3A_2131 : i32 to index
      %get3A_2133 = tpu.vector_load %arg6[%get3A_2132] {strides = array<i32>} : memref<6416xi32, #tpu.memory_space<vmem>>, vector<16xi32>,
      %get3A_2134 = vector.shape_cast %get3A_2133 : vector<16xi32> to vector<16xi32>
      %add3A_2135 = arith.constant 0 : i32
      %add3A_2136 = arith.addi %mul3A_2129, %add3A_2135 : i32
      %swap3A_2137 = arith.index_cast %add3A_2136 : i32 to index
      %swap3A_2138 = tpu.vector_load %arg7[%swap3A_2137] {strides = array<i32>} : memref<16384xi32, #tpu.memory_space<vmem>>, vector<16xi32>,
      %swap3A_2139 = vector.shape_cast %swap3A_2138 : vector<16xi32> to vector<16xi32>
      %swap3A_2140 = vector.shape_cast %get3A_2134 : vector<16xi32> to vector<16xi32>
      tpu.vector_store %arg7[%swap3A_2137], %swap3A_2140 {strides = array<i32>} : memref<16384xi32, #tpu.memory_space<vmem>>, vector<16xi32>,
      %add3A_2141 = arith.addi %get3A_2134, %mul3A_17 : vector<16xi32>
      %swap3A_2142 = arith.constant 128 : index
      %swap3A_2143 = tpu.vector_load %arg8[%swap3A_2142] {strides = array<i32>} : memref<512xi32, #tpu.memory_space<vmem>>, vector<16xi32>,
      %swap3A_2144 = vector.shape_cast %swap3A_2143 : vector<16xi32> to vector<16xi32>
      %swap3A_2145 = vector.shape_cast %add3A_2141 : vector<16xi32> to vector<16xi32>
      tpu.vector_store %arg8[%swap3A_2142], %swap3A_2145 {strides = array<i32>} : memref<512xi32, #tpu.memory_space<vmem>>, vector<16xi32>,
      %add3A_2146 = arith.constant 16 : i32
      %add3A_2147 = arith.addi %mul3A_2123, %add3A_2146 : i32
      %get3A_2148 = arith.index_cast %add3A_2147 : i32 to index
      %get3A_2149 = tpu.vector_load %arg6[%get3A_2148] {strides = array<i32>} : memref<6416xi32, #tpu.memory_space<vmem>>, vector<16xi32>,
      %get3A_2150 = vector.shape_cast %get3A_2149 : vector<16xi32> to vector<16xi32>
      %add3A_2151 = arith.constant 16 : i32
      %add3A_2152 = arith.addi %mul3A_2129, %add3A_2151 : i32
      %swap3A_2153 = arith.index_cast %add3A_2152 : i32 to index
      %swap3A_2154 = tpu.vector_load %arg7[%swap3A_2153] {strides = array<i32>} : memref<16384xi32, #tpu.memory_space<vmem>>, vector<16xi32>,
      %swap3A_2155 = vector.shape_cast %swap3A_2154 : vector<16xi32> to vector<16xi32>
      %swap3A_2156 = vector.shape_cast %get3A_2150 : vector<16xi32> to vector<16xi32>
      tpu.vector_store %arg7[%swap3A_2153], %swap3A_2156 {strides = array<i32>} : memref<16384xi32, #tpu.memory_space<vmem>>, vector<16xi32>,
      %add3A_2157 = arith.addi %get3A_2150, %mul3A_30 : vector<16xi32>
      %swap3A_2158 = arith.constant 144 : index
      %swap3A_2159 = tpu.vector_load %arg8[%swap3A_2158] {strides = array<i32>} : memref<512xi32, #tpu.memory_space<vmem>>, vector<16xi32>,
      %swap3A_2160 = vector.shape_cast %swap3A_2159 : vector<16xi32> to vector<16xi32>
      %swap3A_2161 = vector.shape_cast %add3A_2157 : vector<16xi32> to vector<16xi32>
      tpu.vector_store %arg8[%swap3A_2158], %swap3A_2161 {strides = array<i32>} : memref<512xi32, #tpu.memory_space<vmem>>, vector<16xi32>,
      %add3A_2162 = arith.constant 32 : i32
      %add3A_2163 = arith.addi %mul3A_2123, %add3A_2162 : i32
      %get3A_2164 = arith.index_cast %add3A_2163 : i32 to index
      %get3A_2165 = tpu.vector_load %arg6[%get3A_2164] {strides = array<i32>} : memref<6416xi32, #tpu.memory_space<vmem>>, vector<16xi32>,
      %get3A_2166 = vector.shape_cast %get3A_2165 : vector<16xi32> to vector<16xi32>
      %add3A_2167 = arith.constant 32 : i32
      %add3A_2168 = arith.addi %mul3A_2129, %add3A_2167 : i32
      %swap3A_2169 = arith.index_cast %add3A_2168 : i32 to index
      %swap3A_2170 = tpu.vector_load %arg7[%swap3A_2169] {strides = array<i32>} : memref<16384xi32, #tpu.memory_space<vmem>>, vector<16xi32>,
      %swap3A_2171 = vector.shape_cast %swap3A_2170 : vector<16xi32> to vector<16xi32>
      %swap3A_2172 = vector.shape_cast %get3A_2166 : vector<16xi32> to vector<16xi32>
      tpu.vector_store %arg7[%swap3A_2169], %swap3A_2172 {strides = array<i32>} : memref<16384xi32, #tpu.memory_space<vmem>>, vector<16xi32>,
      %add3A_2173 = arith.addi %get3A_2166, %mul3A_43 : vector<16xi32>
      %swap3A_2174 = arith.constant 160 : index
      %swap3A_2175 = tpu.vector_load %arg8[%swap3A_2174] {strides = array<i32>} : memref<512xi32, #tpu.memory_space<vmem>>, vector<16xi32>,
      %swap3A_2176 = vector.shape_cast %swap3A_2175 : vector<16xi32> to vector<16xi32>
      %swap3A_2177 = vector.shape_cast %add3A_2173 : vector<16xi32> to vector<16xi32>
      tpu.vector_store %arg8[%swap3A_2174], %swap3A_2177 {strides = array<i32>} : memref<512xi32, #tpu.memory_space<vmem>>, vector<16xi32>,
      %add3A_2178 = arith.constant 48 : i32
      %add3A_2179 = arith.addi %mul3A_2123, %add3A_2178 : i32
      %get3A_2180 = arith.index_cast %add3A_2179 : i32 to index
      %get3A_2181 = tpu.vector_load %arg6[%get3A_2180] {strides = array<i32>} : memref<6416xi32, #tpu.memory_space<vmem>>, vector<16xi32>,
      %get3A_2182 = vector.shape_cast %get3A_2181 : vector<16xi32> to vector<16xi32>
      %lt3A_2183 = arith.constant 2 : i32
      %lt3A_2184 = vector.broadcast %lt3A_2183 : i32 to vector<16xi32>
      %lt3A_2185 = arith.cmpi slt, %iota3A, %lt3A_2184 : vector<16xi32>
      %select_n3A_2186 = arith.select %lt3A_2185, %get3A_2182, %broadcast_in_dim3A_5 : vector<16xi1>, vector<16xi32>
      %add3A_2187 = arith.constant 48 : i32
      %add3A_2188 = arith.addi %mul3A_2129, %add3A_2187 : i32
      %swap3A_2189 = arith.index_cast %add3A_2188 : i32 to index
      %swap3A_2190 = tpu.vector_load %arg7[%swap3A_2189] {strides = array<i32>} : memref<16384xi32, #tpu.memory_space<vmem>>, vector<16xi32>,
      %swap3A_2191 = vector.shape_cast %swap3A_2190 : vector<16xi32> to vector<16xi32>
      %swap3A_2192 = vector.shape_cast %select_n3A_2186 : vector<16xi32> to vector<16xi32>
      tpu.vector_store %arg7[%swap3A_2189], %swap3A_2192 {strides = array<i32>} : memref<16384xi32, #tpu.memory_space<vmem>>, vector<16xi32>,
      %add3A_2193 = arith.addi %select_n3A_2186, %mul3A_56 : vector<16xi32>
      %swap3A_2194 = arith.constant 176 : index
      %swap3A_2195 = tpu.vector_load %arg8[%swap3A_2194] {strides = array<i32>} : memref<512xi32, #tpu.memory_space<vmem>>, vector<16xi32>,
      %swap3A_2196 = vector.shape_cast %swap3A_2195 : vector<16xi32> to vector<16xi32>
      %swap3A_2197 = vector.shape_cast %add3A_2193 : vector<16xi32> to vector<16xi32>
      tpu.vector_store %arg8[%swap3A_2194], %swap3A_2197 {strides = array<i32>} : memref<512xi32, #tpu.memory_space<vmem>>, vector<16xi32>,
      %add3A_2198 = arith.constant 64 : i32
      %add3A_2199 = arith.addi %mul3A_2129, %add3A_2198 : i32
      %swap3A_2200 = arith.index_cast %add3A_2199 : i32 to index
      %swap3A_2201 = tpu.vector_load %arg7[%swap3A_2200] {strides = array<i32>} : memref<16384xi32, #tpu.memory_space<vmem>>, vector<16xi32>,
      %swap3A_2202 = vector.shape_cast %swap3A_2201 : vector<16xi32> to vector<16xi32>
      %swap3A_2203 = vector.shape_cast %broadcast_in_dim3A_5 : vector<16xi32> to vector<16xi32>
      tpu.vector_store %arg7[%swap3A_2200], %swap3A_2203 {strides = array<i32>} : memref<16384xi32, #tpu.memory_space<vmem>>, vector<16xi32>,
      %add3A_2204 = arith.constant 80 : i32
      %add3A_2205 = arith.addi %mul3A_2129, %add3A_2204 : i32
      %swap3A_2206 = arith.index_cast %add3A_2205 : i32 to index
      %swap3A_2207 = tpu.vector_load %arg7[%swap3A_2206] {strides = array<i32>} : memref<16384xi32, #tpu.memory_space<vmem>>, vector<16xi32>,
      %swap3A_2208 = vector.shape_cast %swap3A_2207 : vector<16xi32> to vector<16xi32>
      %swap3A_2209 = vector.shape_cast %broadcast_in_dim3A_5 : vector<16xi32> to vector<16xi32>
      tpu.vector_store %arg7[%swap3A_2206], %swap3A_2209 {strides = array<i32>} : memref<16384xi32, #tpu.memory_space<vmem>>, vector<16xi32>,
      %add3A_2210 = arith.constant 96 : i32
      %add3A_2211 = arith.addi %mul3A_2129, %add3A_2210 : i32
      %swap3A_2212 = arith.index_cast %add3A_2211 : i32 to index
      %swap3A_2213 = tpu.vector_load %arg7[%swap3A_2212] {strides = array<i32>} : memref<16384xi32, #tpu.memory_space<vmem>>, vector<16xi32>,
      %swap3A_2214 = vector.shape_cast %swap3A_2213 : vector<16xi32> to vector<16xi32>
      %swap3A_2215 = vector.shape_cast %broadcast_in_dim3A_5 : vector<16xi32> to vector<16xi32>
      tpu.vector_store %arg7[%swap3A_2212], %swap3A_2215 {strides = array<i32>} : memref<16384xi32, #tpu.memory_space<vmem>>, vector<16xi32>,
      %add3A_2216 = arith.constant 112 : i32
      %add3A_2217 = arith.addi %mul3A_2129, %add3A_2216 : i32
      %swap3A_2218 = arith.index_cast %add3A_2217 : i32 to index
      %swap3A_2219 = tpu.vector_load %arg7[%swap3A_2218] {strides = array<i32>} : memref<16384xi32, #tpu.memory_space<vmem>>, vector<16xi32>,
      %swap3A_2220 = vector.shape_cast %swap3A_2219 : vector<16xi32> to vector<16xi32>
      %swap3A_2221 = vector.shape_cast %broadcast_in_dim3A_5 : vector<16xi32> to vector<16xi32>
      tpu.vector_store %arg7[%swap3A_2218], %swap3A_2221 {strides = array<i32>} : memref<16384xi32, #tpu.memory_space<vmem>>, vector<16xi32>,
      %mul3A_2222 = arith.constant 2 : i32
      %mul3A_2223 = arith.muli %add3A_2117, %mul3A_2222 : i32
      %add3A_2224 = arith.constant 1 : i32
      %add3A_2225 = arith.addi %mul3A_2223, %add3A_2224 : i32
      %mul3A_2226 = arith.constant 50 : i32
      %mul3A_2227 = arith.muli %add3A_2225, %mul3A_2226 : i32
      %mul3A_2228 = arith.constant 2 : i32
      %mul3A_2229 = arith.muli %add3A_2117, %mul3A_2228 : i32
      %add3A_2230 = arith.constant 1 : i32
      %add3A_2231 = arith.addi %mul3A_2229, %add3A_2230 : i32
      %mul3A_2232 = arith.constant 128 : i32
      %mul3A_2233 = arith.muli %add3A_2231, %mul3A_2232 : i32
      %add3A_2234 = arith.constant 0 : i32
      %add3A_2235 = arith.addi %mul3A_2227, %add3A_2234 : i32
      %get3A_2236 = arith.index_cast %add3A_2235 : i32 to index
      %get3A_2237 = tpu.vector_load %arg6[%get3A_2236] {strides = array<i32>} : memref<6416xi32, #tpu.memory_space<vmem>>, vector<16xi32>,
      %get3A_2238 = vector.shape_cast %get3A_2237 : vector<16xi32> to vector<16xi32>
      %add3A_2239 = arith.constant 0 : i32
      %add3A_2240 = arith.addi %mul3A_2233, %add3A_2239 : i32
      %swap3A_2241 = arith.index_cast %add3A_2240 : i32 to index
      %swap3A_2242 = tpu.vector_load %arg7[%swap3A_2241] {strides = array<i32>} : memref<16384xi32, #tpu.memory_space<vmem>>, vector<16xi32>,
      %swap3A_2243 = vector.shape_cast %swap3A_2242 : vector<16xi32> to vector<16xi32>
      %swap3A_2244 = vector.shape_cast %get3A_2238 : vector<16xi32> to vector<16xi32>
      tpu.vector_store %arg7[%swap3A_2241], %swap3A_2244 {strides = array<i32>} : memref<16384xi32, #tpu.memory_space<vmem>>, vector<16xi32>,
      %add3A_2245 = arith.addi %get3A_2238, %mul3A_121 : vector<16xi32>
      %swap3A_2246 = arith.constant 192 : index
      %swap3A_2247 = tpu.vector_load %arg8[%swap3A_2246] {strides = array<i32>} : memref<512xi32, #tpu.memory_space<vmem>>, vector<16xi32>,
      %swap3A_2248 = vector.shape_cast %swap3A_2247 : vector<16xi32> to vector<16xi32>
      %swap3A_2249 = vector.shape_cast %add3A_2245 : vector<16xi32> to vector<16xi32>
      tpu.vector_store %arg8[%swap3A_2246], %swap3A_2249 {strides = array<i32>} : memref<512xi32, #tpu.memory_space<vmem>>, vector<16xi32>,
      %add3A_2250 = arith.constant 16 : i32
      %add3A_2251 = arith.addi %mul3A_2227, %add3A_2250 : i32
      %get3A_2252 = arith.index_cast %add3A_2251 : i32 to index
      %get3A_2253 = tpu.vector_load %arg6[%get3A_2252] {strides = array<i32>} : memref<6416xi32, #tpu.memory_space<vmem>>, vector<16xi32>,
      %get3A_2254 = vector.shape_cast %get3A_2253 : vector<16xi32> to vector<16xi32>
      %add3A_2255 = arith.constant 16 : i32
      %add3A_2256 = arith.addi %mul3A_2233, %add3A_2255 : i32
      %swap3A_2257 = arith.index_cast %add3A_2256 : i32 to index
      %swap3A_2258 = tpu.vector_load %arg7[%swap3A_2257] {strides = array<i32>} : memref<16384xi32, #tpu.memory_space<vmem>>, vector<16xi32>,
      %swap3A_2259 = vector.shape_cast %swap3A_2258 : vector<16xi32> to vector<16xi32>
      %swap3A_2260 = vector.shape_cast %get3A_2254 : vector<16xi32> to vector<16xi32>
      tpu.vector_store %arg7[%swap3A_2257], %swap3A_2260 {strides = array<i32>} : memref<16384xi32, #tpu.memory_space<vmem>>, vector<16xi32>,
      %add3A_2261 = arith.addi %get3A_2254, %mul3A_134 : vector<16xi32>
      %swap3A_2262 = arith.constant 208 : index
      %swap3A_2263 = tpu.vector_load %arg8[%swap3A_2262] {strides = array<i32>} : memref<512xi32, #tpu.memory_space<vmem>>, vector<16xi32>,
      %swap3A_2264 = vector.shape_cast %swap3A_2263 : vector<16xi32> to vector<16xi32>
      %swap3A_2265 = vector.shape_cast %add3A_2261 : vector<16xi32> to vector<16xi32>
      tpu.vector_store %arg8[%swap3A_2262], %swap3A_2265 {strides = array<i32>} : memref<512xi32, #tpu.memory_space<vmem>>, vector<16xi32>,
      %add3A_2266 = arith.constant 32 : i32
      %add3A_2267 = arith.addi %mul3A_2227, %add3A_2266 : i32
      %get3A_2268 = arith.index_cast %add3A_2267 : i32 to index
      %get3A_2269 = tpu.vector_load %arg6[%get3A_2268] {strides = array<i32>} : memref<6416xi32, #tpu.memory_space<vmem>>, vector<16xi32>,
      %get3A_2270 = vector.shape_cast %get3A_2269 : vector<16xi32> to vector<16xi32>
      %add3A_2271 = arith.constant 32 : i32
      %add3A_2272 = arith.addi %mul3A_2233, %add3A_2271 : i32
      %swap3A_2273 = arith.index_cast %add3A_2272 : i32 to index
      %swap3A_2274 = tpu.vector_load %arg7[%swap3A_2273] {strides = array<i32>} : memref<16384xi32, #tpu.memory_space<vmem>>, vector<16xi32>,
      %swap3A_2275 = vector.shape_cast %swap3A_2274 : vector<16xi32> to vector<16xi32>
      %swap3A_2276 = vector.shape_cast %get3A_2270 : vector<16xi32> to vector<16xi32>
      tpu.vector_store %arg7[%swap3A_2273], %swap3A_2276 {strides = array<i32>} : memref<16384xi32, #tpu.memory_space<vmem>>, vector<16xi32>,
      %add3A_2277 = arith.addi %get3A_2270, %mul3A_147 : vector<16xi32>
      %swap3A_2278 = arith.constant 224 : index
      %swap3A_2279 = tpu.vector_load %arg8[%swap3A_2278] {strides = array<i32>} : memref<512xi32, #tpu.memory_space<vmem>>, vector<16xi32>,
      %swap3A_2280 = vector.shape_cast %swap3A_2279 : vector<16xi32> to vector<16xi32>
      %swap3A_2281 = vector.shape_cast %add3A_2277 : vector<16xi32> to vector<16xi32>
      tpu.vector_store %arg8[%swap3A_2278], %swap3A_2281 {strides = array<i32>} : memref<512xi32, #tpu.memory_space<vmem>>, vector<16xi32>,
      %add3A_2282 = arith.constant 48 : i32
      %add3A_2283 = arith.addi %mul3A_2227, %add3A_2282 : i32
      %get3A_2284 = arith.index_cast %add3A_2283 : i32 to index
      %get3A_2285 = tpu.vector_load %arg6[%get3A_2284] {strides = array<i32>} : memref<6416xi32, #tpu.memory_space<vmem>>, vector<16xi32>,
      %get3A_2286 = vector.shape_cast %get3A_2285 : vector<16xi32> to vector<16xi32>
      %lt3A_2287 = arith.constant 2 : i32
      %lt3A_2288 = vector.broadcast %lt3A_2287 : i32 to vector<16xi32>
      %lt3A_2289 = arith.cmpi slt, %iota3A, %lt3A_2288 : vector<16xi32>
      %select_n3A_2290 = arith.select %lt3A_2289, %get3A_2286, %broadcast_in_dim3A_5 : vector<16xi1>, vector<16xi32>
      %add3A_2291 = arith.constant 48 : i32
      %add3A_2292 = arith.addi %mul3A_2233, %add3A_2291 : i32
      %swap3A_2293 = arith.index_cast %add3A_2292 : i32 to index
      %swap3A_2294 = tpu.vector_load %arg7[%swap3A_2293] {strides = array<i32>} : memref<16384xi32, #tpu.memory_space<vmem>>, vector<16xi32>,
      %swap3A_2295 = vector.shape_cast %swap3A_2294 : vector<16xi32> to vector<16xi32>
      %swap3A_2296 = vector.shape_cast %select_n3A_2290 : vector<16xi32> to vector<16xi32>
      tpu.vector_store %arg7[%swap3A_2293], %swap3A_2296 {strides = array<i32>} : memref<16384xi32, #tpu.memory_space<vmem>>, vector<16xi32>,
      %add3A_2297 = arith.addi %select_n3A_2290, %mul3A_160 : vector<16xi32>
      %swap3A_2298 = arith.constant 240 : index
      %swap3A_2299 = tpu.vector_load %arg8[%swap3A_2298] {strides = array<i32>} : memref<512xi32, #tpu.memory_space<vmem>>, vector<16xi32>,
      %swap3A_2300 = vector.shape_cast %swap3A_2299 : vector<16xi32> to vector<16xi32>
      %swap3A_2301 = vector.shape_cast %add3A_2297 : vector<16xi32> to vector<16xi32>
      tpu.vector_store %arg8[%swap3A_2298], %swap3A_2301 {strides = array<i32>} : memref<512xi32, #tpu.memory_space<vmem>>, vector<16xi32>,
      %add3A_2302 = arith.constant 64 : i32
      %add3A_2303 = arith.addi %mul3A_2233, %add3A_2302 : i32
      %swap3A_2304 = arith.index_cast %add3A_2303 : i32 to index
      %swap3A_2305 = tpu.vector_load %arg7[%swap3A_2304] {strides = array<i32>} : memref<16384xi32, #tpu.memory_space<vmem>>, vector<16xi32>,
      %swap3A_2306 = vector.shape_cast %swap3A_2305 : vector<16xi32> to vector<16xi32>
      %swap3A_2307 = vector.shape_cast %broadcast_in_dim3A_5 : vector<16xi32> to vector<16xi32>
      tpu.vector_store %arg7[%swap3A_2304], %swap3A_2307 {strides = array<i32>} : memref<16384xi32, #tpu.memory_space<vmem>>, vector<16xi32>,
      %add3A_2308 = arith.constant 80 : i32
      %add3A_2309 = arith.addi %mul3A_2233, %add3A_2308 : i32
      %swap3A_2310 = arith.index_cast %add3A_2309 : i32 to index
      %swap3A_2311 = tpu.vector_load %arg7[%swap3A_2310] {strides = array<i32>} : memref<16384xi32, #tpu.memory_space<vmem>>, vector<16xi32>,
      %swap3A_2312 = vector.shape_cast %swap3A_2311 : vector<16xi32> to vector<16xi32>
      %swap3A_2313 = vector.shape_cast %broadcast_in_dim3A_5 : vector<16xi32> to vector<16xi32>
      tpu.vector_store %arg7[%swap3A_2310], %swap3A_2313 {strides = array<i32>} : memref<16384xi32, #tpu.memory_space<vmem>>, vector<16xi32>,
      %add3A_2314 = arith.constant 96 : i32
      %add3A_2315 = arith.addi %mul3A_2233, %add3A_2314 : i32
      %swap3A_2316 = arith.index_cast %add3A_2315 : i32 to index
      %swap3A_2317 = tpu.vector_load %arg7[%swap3A_2316] {strides = array<i32>} : memref<16384xi32, #tpu.memory_space<vmem>>, vector<16xi32>,
      %swap3A_2318 = vector.shape_cast %swap3A_2317 : vector<16xi32> to vector<16xi32>
      %swap3A_2319 = vector.shape_cast %broadcast_in_dim3A_5 : vector<16xi32> to vector<16xi32>
      tpu.vector_store %arg7[%swap3A_2316], %swap3A_2319 {strides = array<i32>} : memref<16384xi32, #tpu.memory_space<vmem>>, vector<16xi32>,
      %add3A_2320 = arith.constant 112 : i32
      %add3A_2321 = arith.addi %mul3A_2233, %add3A_2320 : i32
      %swap3A_2322 = arith.index_cast %add3A_2321 : i32 to index
      %swap3A_2323 = tpu.vector_load %arg7[%swap3A_2322] {strides = array<i32>} : memref<16384xi32, #tpu.memory_space<vmem>>, vector<16xi32>,
      %swap3A_2324 = vector.shape_cast %swap3A_2323 : vector<16xi32> to vector<16xi32>
      %swap3A_2325 = vector.shape_cast %broadcast_in_dim3A_5 : vector<16xi32> to vector<16xi32>
      tpu.vector_store %arg7[%swap3A_2322], %swap3A_2325 {strides = array<i32>} : memref<16384xi32, #tpu.memory_space<vmem>>, vector<16xi32>,
      %add3A_2326 = arith.constant 1 : i32
      %add3A_2327 = arith.addi %mul3A_1461, %add3A_2326 : i32
      %mul3A_2328 = arith.constant 2 : i32
      %mul3A_2329 = arith.muli %add3A_2327, %mul3A_2328 : i32
      %add3A_2330 = arith.addi %mul3A_2, %mul3A_2329 : i32
      %add3A_2331 = arith.constant 0 : i32
      %add3A_2332 = arith.addi %add3A_2330, %add3A_2331 : i32
      %mul3A_2333 = arith.constant 128 : i32
      %mul3A_2334 = arith.muli %add3A_2332, %mul3A_2333 : i32
      %dma_wait3A_2335 = arith.constant 1 : i32
      %dma_wait3A_2336 = arith.constant 0 : i32
      %dma_wait3A_2337 = arith.constant 0 : i32
      %dma_wait3A_2338 = tpu.memref_slice %arg9[%dma_wait3A_2335, %dma_wait3A_2336, %dma_wait3A_2337] : memref<4x128x128xf32, #tpu.memory_space<vmem>> -> memref<1x56x128xf32, #tpu.memory_space<vmem>>
      %dma_wait3A_2339 = tpu.memref_squeeze %dma_wait3A_2338 : memref<1x56x128xf32, #tpu.memory_space<vmem>> -> memref<56x128xf32, #tpu.memory_space<vmem>>
      %dma_wait3A_2340 = arith.constant 0 : i32
      %dma_wait3A_2341 = tpu.memref_slice %arg5[%mul3A_2334, %dma_wait3A_2340] : memref<524288x128xf32, #tpu.memory_space<hbm>> -> memref<56x128xf32, #tpu.memory_space<hbm>>
      %dma_wait3A_2342 = arith.constant 0 : i32
      %dma_wait3A_2343 = tpu.memref_slice %arg5[%mul3A_2334, %dma_wait3A_2342] : memref<524288x128xf32, #tpu.memory_space<hbm>> -> memref<56x128xf32, #tpu.memory_space<hbm>>
      %dma_wait3A_2344 = arith.constant 0 : i32
      %dma_wait3A_2345 = arith.constant 0 : i32
      %dma_wait3A_2346 = tpu.memref_slice %arg9[%dma_wait3A_2335, %dma_wait3A_2344, %dma_wait3A_2345] : memref<4x128x128xf32, #tpu.memory_space<vmem>> -> memref<1x56x128xf32, #tpu.memory_space<vmem>>
      %dma_wait3A_2347 = tpu.memref_squeeze %dma_wait3A_2346 : memref<1x56x128xf32, #tpu.memory_space<vmem>> -> memref<56x128xf32, #tpu.memory_space<vmem>>
      tpu.wait_dma2 semaphore(%arg16 : memref<!tpu.dma_semaphore, #tpu.memory_space<semaphore_mem>>) src(%dma_wait3A_2347 : memref<56x128xf32, #tpu.memory_space<vmem>>) dst(%dma_wait3A_2343 : memref<56x128xf32, #tpu.memory_space<hbm>>)
      %mul3A_2348 = arith.constant 2 : i32
      %mul3A_2349 = arith.muli %add3A_2327, %mul3A_2348 : i32
      %add3A_2350 = arith.addi %mul3A_2, %mul3A_2349 : i32
      %add3A_2351 = arith.constant 0 : i32
      %add3A_2352 = arith.addi %add3A_2350, %add3A_2351 : i32
      %mul3A_2353 = arith.constant 128 : i32
      %mul3A_2354 = arith.muli %add3A_2352, %mul3A_2353 : i32
      %add3A_2355 = arith.constant 56 : i32
      %add3A_2356 = arith.addi %mul3A_2354, %add3A_2355 : i32
      %dma_wait3A_2357 = arith.constant 0 : i32
      %dma_wait3A_2358 = tpu.memref_slice %arg5[%add3A_2356, %dma_wait3A_2357] : memref<524288x128xf32, #tpu.memory_space<hbm>> -> memref<72x128xf32, #tpu.memory_space<hbm>>
      %dma_wait3A_2359 = arith.constant 0 : i32
      %dma_wait3A_2360 = tpu.memref_slice %arg5[%add3A_2356, %dma_wait3A_2359] : memref<524288x128xf32, #tpu.memory_space<hbm>> -> memref<72x128xf32, #tpu.memory_space<hbm>>
      tpu.wait_dma2 semaphore(%arg16 : memref<!tpu.dma_semaphore, #tpu.memory_space<semaphore_mem>>) src(%arg10 : memref<72x128xf32, #tpu.memory_space<vmem>>) dst(%dma_wait3A_2360 : memref<72x128xf32, #tpu.memory_space<hbm>>)
      %mul3A_2361 = arith.constant 2 : i32
      %mul3A_2362 = arith.muli %add3A_2327, %mul3A_2361 : i32
      %add3A_2363 = arith.addi %mul3A_2, %mul3A_2362 : i32
      %add3A_2364 = arith.constant 1 : i32
      %add3A_2365 = arith.addi %add3A_2363, %add3A_2364 : i32
      %mul3A_2366 = arith.constant 128 : i32
      %mul3A_2367 = arith.muli %add3A_2365, %mul3A_2366 : i32
      %dma_wait3A_2368 = arith.constant 1 : i32
      %dma_wait3A_2369 = arith.constant 64 : i32
      %dma_wait3A_2370 = arith.constant 0 : i32
      %dma_wait3A_2371 = tpu.memref_slice %arg9[%dma_wait3A_2368, %dma_wait3A_2369, %dma_wait3A_2370] : memref<4x128x128xf32, #tpu.memory_space<vmem>> -> memref<1x56x128xf32, #tpu.memory_space<vmem>>
      %dma_wait3A_2372 = tpu.memref_squeeze %dma_wait3A_2371 : memref<1x56x128xf32, #tpu.memory_space<vmem>> -> memref<56x128xf32, #tpu.memory_space<vmem>>
      %dma_wait3A_2373 = arith.constant 0 : i32
      %dma_wait3A_2374 = tpu.memref_slice %arg5[%mul3A_2367, %dma_wait3A_2373] : memref<524288x128xf32, #tpu.memory_space<hbm>> -> memref<56x128xf32, #tpu.memory_space<hbm>>
      %dma_wait3A_2375 = arith.constant 0 : i32
      %dma_wait3A_2376 = tpu.memref_slice %arg5[%mul3A_2367, %dma_wait3A_2375] : memref<524288x128xf32, #tpu.memory_space<hbm>> -> memref<56x128xf32, #tpu.memory_space<hbm>>
      %dma_wait3A_2377 = arith.constant 64 : i32
      %dma_wait3A_2378 = arith.constant 0 : i32
      %dma_wait3A_2379 = tpu.memref_slice %arg9[%dma_wait3A_2368, %dma_wait3A_2377, %dma_wait3A_2378] : memref<4x128x128xf32, #tpu.memory_space<vmem>> -> memref<1x56x128xf32, #tpu.memory_space<vmem>>
      %dma_wait3A_2380 = tpu.memref_squeeze %dma_wait3A_2379 : memref<1x56x128xf32, #tpu.memory_space<vmem>> -> memref<56x128xf32, #tpu.memory_space<vmem>>
      tpu.wait_dma2 semaphore(%arg16 : memref<!tpu.dma_semaphore, #tpu.memory_space<semaphore_mem>>) src(%dma_wait3A_2380 : memref<56x128xf32, #tpu.memory_space<vmem>>) dst(%dma_wait3A_2376 : memref<56x128xf32, #tpu.memory_space<hbm>>)
      %mul3A_2381 = arith.constant 2 : i32
      %mul3A_2382 = arith.muli %add3A_2327, %mul3A_2381 : i32
      %add3A_2383 = arith.addi %mul3A_2, %mul3A_2382 : i32
      %add3A_2384 = arith.constant 1 : i32
      %add3A_2385 = arith.addi %add3A_2383, %add3A_2384 : i32
      %mul3A_2386 = arith.constant 128 : i32
      %mul3A_2387 = arith.muli %add3A_2385, %mul3A_2386 : i32
      %add3A_2388 = arith.constant 56 : i32
      %add3A_2389 = arith.addi %mul3A_2387, %add3A_2388 : i32
      %dma_wait3A_2390 = arith.constant 0 : i32
      %dma_wait3A_2391 = tpu.memref_slice %arg5[%add3A_2389, %dma_wait3A_2390] : memref<524288x128xf32, #tpu.memory_space<hbm>> -> memref<72x128xf32, #tpu.memory_space<hbm>>
      %dma_wait3A_2392 = arith.constant 0 : i32
      %dma_wait3A_2393 = tpu.memref_slice %arg5[%add3A_2389, %dma_wait3A_2392] : memref<524288x128xf32, #tpu.memory_space<hbm>> -> memref<72x128xf32, #tpu.memory_space<hbm>>
      tpu.wait_dma2 semaphore(%arg16 : memref<!tpu.dma_semaphore, #tpu.memory_space<semaphore_mem>>) src(%arg10 : memref<72x128xf32, #tpu.memory_space<vmem>>) dst(%dma_wait3A_2393 : memref<72x128xf32, #tpu.memory_space<hbm>>)
      %dma_start3A_2394 = arith.constant 1 : i32
      %dma_start3A_2395 = arith.constant 0 : i32
      %dma_start3A_2396 = arith.constant 0 : i32
      %dma_start3A_2397 = tpu.memref_slice %arg9[%dma_start3A_2394, %dma_start3A_2395, %dma_start3A_2396] : memref<4x128x128xf32, #tpu.memory_space<vmem>> -> memref<1x56x128xf32, #tpu.memory_space<vmem>>
      %dma_start3A_2398 = tpu.memref_squeeze %dma_start3A_2397 : memref<1x56x128xf32, #tpu.memory_space<vmem>> -> memref<56x128xf32, #tpu.memory_space<vmem>>
      %dma_start3A_2399 = arith.constant 128 : i32
      %dma_start3A_2400 = tpu.memref_slice %arg8[%dma_start3A_2399] : memref<512xi32, #tpu.memory_space<vmem>> -> memref<56xi32, #tpu.memory_space<vmem>>
      %dma_start3A_2401 = arith.constant 0 : i32
      %dma_start3A_2402 = arith.constant 0 : i32
      %dma_start3A_2403 = tpu.memref_slice %arg3[%dma_start3A_2401, %dma_start3A_2402] : memref<3584x128xf32, #tpu.memory_space<hbm>> -> memref<3584x128xf32, #tpu.memory_space<hbm>>
      tpu.enqueue_indirect_dma source(%dma_start3A_2403 : memref<3584x128xf32, #tpu.memory_space<hbm>>) target(%dma_start3A_2398 : memref<56x128xf32, #tpu.memory_space<vmem>>) offsets(%dma_start3A_2400 : memref<56xi32, #tpu.memory_space<vmem>>) semaphore(%arg12 : memref<!tpu.dma_semaphore, #tpu.memory_space<semaphore_mem>>)
      %dma_start3A_2404 = arith.constant 1 : i32
      %dma_start3A_2405 = arith.constant 64 : i32
      %dma_start3A_2406 = arith.constant 0 : i32
      %dma_start3A_2407 = tpu.memref_slice %arg9[%dma_start3A_2404, %dma_start3A_2405, %dma_start3A_2406] : memref<4x128x128xf32, #tpu.memory_space<vmem>> -> memref<1x56x128xf32, #tpu.memory_space<vmem>>
      %dma_start3A_2408 = tpu.memref_squeeze %dma_start3A_2407 : memref<1x56x128xf32, #tpu.memory_space<vmem>> -> memref<56x128xf32, #tpu.memory_space<vmem>>
      %dma_start3A_2409 = arith.constant 192 : i32
      %dma_start3A_2410 = tpu.memref_slice %arg8[%dma_start3A_2409] : memref<512xi32, #tpu.memory_space<vmem>> -> memref<56xi32, #tpu.memory_space<vmem>>
      %dma_start3A_2411 = arith.constant 0 : i32
      %dma_start3A_2412 = arith.constant 0 : i32
      %dma_start3A_2413 = tpu.memref_slice %arg3[%dma_start3A_2411, %dma_start3A_2412] : memref<3584x128xf32, #tpu.memory_space<hbm>> -> memref<3584x128xf32, #tpu.memory_space<hbm>>
      tpu.enqueue_indirect_dma source(%dma_start3A_2413 : memref<3584x128xf32, #tpu.memory_space<hbm>>) target(%dma_start3A_2408 : memref<56x128xf32, #tpu.memory_space<vmem>>) offsets(%dma_start3A_2410 : memref<56xi32, #tpu.memory_space<vmem>>) semaphore(%arg12 : memref<!tpu.dma_semaphore, #tpu.memory_space<semaphore_mem>>)
      %add3A_2414 = arith.constant 4 : i32
      %add3A_2415 = arith.addi %mul3A_1461, %add3A_2414 : i32
      %add3A_2416 = arith.constant 2 : i32
      %add3A_2417 = arith.addi %add3A_2415, %add3A_2416 : i32
      %mul3A_2418 = arith.constant 2 : i32
      %mul3A_2419 = arith.muli %add3A_2417, %mul3A_2418 : i32
      %add3A_2420 = arith.constant 0 : i32
      %add3A_2421 = arith.addi %mul3A_2419, %add3A_2420 : i32
      %mul3A_2422 = arith.constant 50 : i32
      %mul3A_2423 = arith.muli %add3A_2421, %mul3A_2422 : i32
      %mul3A_2424 = arith.constant 2 : i32
      %mul3A_2425 = arith.muli %add3A_2417, %mul3A_2424 : i32
      %add3A_2426 = arith.constant 0 : i32
      %add3A_2427 = arith.addi %mul3A_2425, %add3A_2426 : i32
      %mul3A_2428 = arith.constant 128 : i32
      %mul3A_2429 = arith.muli %add3A_2427, %mul3A_2428 : i32
      %add3A_2430 = arith.constant 0 : i32
      %add3A_2431 = arith.addi %mul3A_2423, %add3A_2430 : i32
      %get3A_2432 = arith.index_cast %add3A_2431 : i32 to index
      %get3A_2433 = tpu.vector_load %arg6[%get3A_2432] {strides = array<i32>} : memref<6416xi32, #tpu.memory_space<vmem>>, vector<16xi32>,
      %get3A_2434 = vector.shape_cast %get3A_2433 : vector<16xi32> to vector<16xi32>
      %add3A_2435 = arith.constant 0 : i32
      %add3A_2436 = arith.addi %mul3A_2429, %add3A_2435 : i32
      %swap3A_2437 = arith.index_cast %add3A_2436 : i32 to index
      %swap3A_2438 = tpu.vector_load %arg7[%swap3A_2437] {strides = array<i32>} : memref<16384xi32, #tpu.memory_space<vmem>>, vector<16xi32>,
      %swap3A_2439 = vector.shape_cast %swap3A_2438 : vector<16xi32> to vector<16xi32>
      %swap3A_2440 = vector.shape_cast %get3A_2434 : vector<16xi32> to vector<16xi32>
      tpu.vector_store %arg7[%swap3A_2437], %swap3A_2440 {strides = array<i32>} : memref<16384xi32, #tpu.memory_space<vmem>>, vector<16xi32>,
      %add3A_2441 = arith.addi %get3A_2434, %mul3A_17 : vector<16xi32>
      %swap3A_2442 = arith.constant 256 : index
      %swap3A_2443 = tpu.vector_load %arg8[%swap3A_2442] {strides = array<i32>} : memref<512xi32, #tpu.memory_space<vmem>>, vector<16xi32>,
      %swap3A_2444 = vector.shape_cast %swap3A_2443 : vector<16xi32> to vector<16xi32>
      %swap3A_2445 = vector.shape_cast %add3A_2441 : vector<16xi32> to vector<16xi32>
      tpu.vector_store %arg8[%swap3A_2442], %swap3A_2445 {strides = array<i32>} : memref<512xi32, #tpu.memory_space<vmem>>, vector<16xi32>,
      %add3A_2446 = arith.constant 16 : i32
      %add3A_2447 = arith.addi %mul3A_2423, %add3A_2446 : i32
      %get3A_2448 = arith.index_cast %add3A_2447 : i32 to index
      %get3A_2449 = tpu.vector_load %arg6[%get3A_2448] {strides = array<i32>} : memref<6416xi32, #tpu.memory_space<vmem>>, vector<16xi32>,
      %get3A_2450 = vector.shape_cast %get3A_2449 : vector<16xi32> to vector<16xi32>
      %add3A_2451 = arith.constant 16 : i32
      %add3A_2452 = arith.addi %mul3A_2429, %add3A_2451 : i32
      %swap3A_2453 = arith.index_cast %add3A_2452 : i32 to index
      %swap3A_2454 = tpu.vector_load %arg7[%swap3A_2453] {strides = array<i32>} : memref<16384xi32, #tpu.memory_space<vmem>>, vector<16xi32>,
      %swap3A_2455 = vector.shape_cast %swap3A_2454 : vector<16xi32> to vector<16xi32>
      %swap3A_2456 = vector.shape_cast %get3A_2450 : vector<16xi32> to vector<16xi32>
      tpu.vector_store %arg7[%swap3A_2453], %swap3A_2456 {strides = array<i32>} : memref<16384xi32, #tpu.memory_space<vmem>>, vector<16xi32>,
      %add3A_2457 = arith.addi %get3A_2450, %mul3A_30 : vector<16xi32>
      %swap3A_2458 = arith.constant 272 : index
      %swap3A_2459 = tpu.vector_load %arg8[%swap3A_2458] {strides = array<i32>} : memref<512xi32, #tpu.memory_space<vmem>>, vector<16xi32>,
      %swap3A_2460 = vector.shape_cast %swap3A_2459 : vector<16xi32> to vector<16xi32>
      %swap3A_2461 = vector.shape_cast %add3A_2457 : vector<16xi32> to vector<16xi32>
      tpu.vector_store %arg8[%swap3A_2458], %swap3A_2461 {strides = array<i32>} : memref<512xi32, #tpu.memory_space<vmem>>, vector<16xi32>,
      %add3A_2462 = arith.constant 32 : i32
      %add3A_2463 = arith.addi %mul3A_2423, %add3A_2462 : i32
      %get3A_2464 = arith.index_cast %add3A_2463 : i32 to index
      %get3A_2465 = tpu.vector_load %arg6[%get3A_2464] {strides = array<i32>} : memref<6416xi32, #tpu.memory_space<vmem>>, vector<16xi32>,
      %get3A_2466 = vector.shape_cast %get3A_2465 : vector<16xi32> to vector<16xi32>
      %add3A_2467 = arith.constant 32 : i32
      %add3A_2468 = arith.addi %mul3A_2429, %add3A_2467 : i32
      %swap3A_2469 = arith.index_cast %add3A_2468 : i32 to index
      %swap3A_2470 = tpu.vector_load %arg7[%swap3A_2469] {strides = array<i32>} : memref<16384xi32, #tpu.memory_space<vmem>>, vector<16xi32>,
      %swap3A_2471 = vector.shape_cast %swap3A_2470 : vector<16xi32> to vector<16xi32>
      %swap3A_2472 = vector.shape_cast %get3A_2466 : vector<16xi32> to vector<16xi32>
      tpu.vector_store %arg7[%swap3A_2469], %swap3A_2472 {strides = array<i32>} : memref<16384xi32, #tpu.memory_space<vmem>>, vector<16xi32>,
      %add3A_2473 = arith.addi %get3A_2466, %mul3A_43 : vector<16xi32>
      %swap3A_2474 = arith.constant 288 : index
      %swap3A_2475 = tpu.vector_load %arg8[%swap3A_2474] {strides = array<i32>} : memref<512xi32, #tpu.memory_space<vmem>>, vector<16xi32>,
      %swap3A_2476 = vector.shape_cast %swap3A_2475 : vector<16xi32> to vector<16xi32>
      %swap3A_2477 = vector.shape_cast %add3A_2473 : vector<16xi32> to vector<16xi32>
      tpu.vector_store %arg8[%swap3A_2474], %swap3A_2477 {strides = array<i32>} : memref<512xi32, #tpu.memory_space<vmem>>, vector<16xi32>,
      %add3A_2478 = arith.constant 48 : i32
      %add3A_2479 = arith.addi %mul3A_2423, %add3A_2478 : i32
      %get3A_2480 = arith.index_cast %add3A_2479 : i32 to index
      %get3A_2481 = tpu.vector_load %arg6[%get3A_2480] {strides = array<i32>} : memref<6416xi32, #tpu.memory_space<vmem>>, vector<16xi32>,
      %get3A_2482 = vector.shape_cast %get3A_2481 : vector<16xi32> to vector<16xi32>
      %lt3A_2483 = arith.constant 2 : i32
      %lt3A_2484 = vector.broadcast %lt3A_2483 : i32 to vector<16xi32>
      %lt3A_2485 = arith.cmpi slt, %iota3A, %lt3A_2484 : vector<16xi32>
      %select_n3A_2486 = arith.select %lt3A_2485, %get3A_2482, %broadcast_in_dim3A_5 : vector<16xi1>, vector<16xi32>
      %add3A_2487 = arith.constant 48 : i32
      %add3A_2488 = arith.addi %mul3A_2429, %add3A_2487 : i32
      %swap3A_2489 = arith.index_cast %add3A_2488 : i32 to index
      %swap3A_2490 = tpu.vector_load %arg7[%swap3A_2489] {strides = array<i32>} : memref<16384xi32, #tpu.memory_space<vmem>>, vector<16xi32>,
      %swap3A_2491 = vector.shape_cast %swap3A_2490 : vector<16xi32> to vector<16xi32>
      %swap3A_2492 = vector.shape_cast %select_n3A_2486 : vector<16xi32> to vector<16xi32>
      tpu.vector_store %arg7[%swap3A_2489], %swap3A_2492 {strides = array<i32>} : memref<16384xi32, #tpu.memory_space<vmem>>, vector<16xi32>,
      %add3A_2493 = arith.addi %select_n3A_2486, %mul3A_56 : vector<16xi32>
      %swap3A_2494 = arith.constant 304 : index
      %swap3A_2495 = tpu.vector_load %arg8[%swap3A_2494] {strides = array<i32>} : memref<512xi32, #tpu.memory_space<vmem>>, vector<16xi32>,
      %swap3A_2496 = vector.shape_cast %swap3A_2495 : vector<16xi32> to vector<16xi32>
      %swap3A_2497 = vector.shape_cast %add3A_2493 : vector<16xi32> to vector<16xi32>
      tpu.vector_store %arg8[%swap3A_2494], %swap3A_2497 {strides = array<i32>} : memref<512xi32, #tpu.memory_space<vmem>>, vector<16xi32>,
      %add3A_2498 = arith.constant 64 : i32
      %add3A_2499 = arith.addi %mul3A_2429, %add3A_2498 : i32
      %swap3A_2500 = arith.index_cast %add3A_2499 : i32 to index
      %swap3A_2501 = tpu.vector_load %arg7[%swap3A_2500] {strides = array<i32>} : memref<16384xi32, #tpu.memory_space<vmem>>, vector<16xi32>,
      %swap3A_2502 = vector.shape_cast %swap3A_2501 : vector<16xi32> to vector<16xi32>
      %swap3A_2503 = vector.shape_cast %broadcast_in_dim3A_5 : vector<16xi32> to vector<16xi32>
      tpu.vector_store %arg7[%swap3A_2500], %swap3A_2503 {strides = array<i32>} : memref<16384xi32, #tpu.memory_space<vmem>>, vector<16xi32>,
      %add3A_2504 = arith.constant 80 : i32
      %add3A_2505 = arith.addi %mul3A_2429, %add3A_2504 : i32
      %swap3A_2506 = arith.index_cast %add3A_2505 : i32 to index
      %swap3A_2507 = tpu.vector_load %arg7[%swap3A_2506] {strides = array<i32>} : memref<16384xi32, #tpu.memory_space<vmem>>, vector<16xi32>,
      %swap3A_2508 = vector.shape_cast %swap3A_2507 : vector<16xi32> to vector<16xi32>
      %swap3A_2509 = vector.shape_cast %broadcast_in_dim3A_5 : vector<16xi32> to vector<16xi32>
      tpu.vector_store %arg7[%swap3A_2506], %swap3A_2509 {strides = array<i32>} : memref<16384xi32, #tpu.memory_space<vmem>>, vector<16xi32>,
      %add3A_2510 = arith.constant 96 : i32
      %add3A_2511 = arith.addi %mul3A_2429, %add3A_2510 : i32
      %swap3A_2512 = arith.index_cast %add3A_2511 : i32 to index
      %swap3A_2513 = tpu.vector_load %arg7[%swap3A_2512] {strides = array<i32>} : memref<16384xi32, #tpu.memory_space<vmem>>, vector<16xi32>,
      %swap3A_2514 = vector.shape_cast %swap3A_2513 : vector<16xi32> to vector<16xi32>
      %swap3A_2515 = vector.shape_cast %broadcast_in_dim3A_5 : vector<16xi32> to vector<16xi32>
      tpu.vector_store %arg7[%swap3A_2512], %swap3A_2515 {strides = array<i32>} : memref<16384xi32, #tpu.memory_space<vmem>>, vector<16xi32>,
      %add3A_2516 = arith.constant 112 : i32
      %add3A_2517 = arith.addi %mul3A_2429, %add3A_2516 : i32
      %swap3A_2518 = arith.index_cast %add3A_2517 : i32 to index
      %swap3A_2519 = tpu.vector_load %arg7[%swap3A_2518] {strides = array<i32>} : memref<16384xi32, #tpu.memory_space<vmem>>, vector<16xi32>,
      %swap3A_2520 = vector.shape_cast %swap3A_2519 : vector<16xi32> to vector<16xi32>
      %swap3A_2521 = vector.shape_cast %broadcast_in_dim3A_5 : vector<16xi32> to vector<16xi32>
      tpu.vector_store %arg7[%swap3A_2518], %swap3A_2521 {strides = array<i32>} : memref<16384xi32, #tpu.memory_space<vmem>>, vector<16xi32>,
      %mul3A_2522 = arith.constant 2 : i32
      %mul3A_2523 = arith.muli %add3A_2417, %mul3A_2522 : i32
      %add3A_2524 = arith.constant 1 : i32
      %add3A_2525 = arith.addi %mul3A_2523, %add3A_2524 : i32
      %mul3A_2526 = arith.constant 50 : i32
      %mul3A_2527 = arith.muli %add3A_2525, %mul3A_2526 : i32
      %mul3A_2528 = arith.constant 2 : i32
      %mul3A_2529 = arith.muli %add3A_2417, %mul3A_2528 : i32
      %add3A_2530 = arith.constant 1 : i32
      %add3A_2531 = arith.addi %mul3A_2529, %add3A_2530 : i32
      %mul3A_2532 = arith.constant 128 : i32
      %mul3A_2533 = arith.muli %add3A_2531, %mul3A_2532 : i32
      %add3A_2534 = arith.constant 0 : i32
      %add3A_2535 = arith.addi %mul3A_2527, %add3A_2534 : i32
      %get3A_2536 = arith.index_cast %add3A_2535 : i32 to index
      %get3A_2537 = tpu.vector_load %arg6[%get3A_2536] {strides = array<i32>} : memref<6416xi32, #tpu.memory_space<vmem>>, vector<16xi32>,
      %get3A_2538 = vector.shape_cast %get3A_2537 : vector<16xi32> to vector<16xi32>
      %add3A_2539 = arith.constant 0 : i32
      %add3A_2540 = arith.addi %mul3A_2533, %add3A_2539 : i32
      %swap3A_2541 = arith.index_cast %add3A_2540 : i32 to index
      %swap3A_2542 = tpu.vector_load %arg7[%swap3A_2541] {strides = array<i32>} : memref<16384xi32, #tpu.memory_space<vmem>>, vector<16xi32>,
      %swap3A_2543 = vector.shape_cast %swap3A_2542 : vector<16xi32> to vector<16xi32>
      %swap3A_2544 = vector.shape_cast %get3A_2538 : vector<16xi32> to vector<16xi32>
      tpu.vector_store %arg7[%swap3A_2541], %swap3A_2544 {strides = array<i32>} : memref<16384xi32, #tpu.memory_space<vmem>>, vector<16xi32>,
      %add3A_2545 = arith.addi %get3A_2538, %mul3A_121 : vector<16xi32>
      %swap3A_2546 = arith.constant 320 : index
      %swap3A_2547 = tpu.vector_load %arg8[%swap3A_2546] {strides = array<i32>} : memref<512xi32, #tpu.memory_space<vmem>>, vector<16xi32>,
      %swap3A_2548 = vector.shape_cast %swap3A_2547 : vector<16xi32> to vector<16xi32>
      %swap3A_2549 = vector.shape_cast %add3A_2545 : vector<16xi32> to vector<16xi32>
      tpu.vector_store %arg8[%swap3A_2546], %swap3A_2549 {strides = array<i32>} : memref<512xi32, #tpu.memory_space<vmem>>, vector<16xi32>,
      %add3A_2550 = arith.constant 16 : i32
      %add3A_2551 = arith.addi %mul3A_2527, %add3A_2550 : i32
      %get3A_2552 = arith.index_cast %add3A_2551 : i32 to index
      %get3A_2553 = tpu.vector_load %arg6[%get3A_2552] {strides = array<i32>} : memref<6416xi32, #tpu.memory_space<vmem>>, vector<16xi32>,
      %get3A_2554 = vector.shape_cast %get3A_2553 : vector<16xi32> to vector<16xi32>
      %add3A_2555 = arith.constant 16 : i32
      %add3A_2556 = arith.addi %mul3A_2533, %add3A_2555 : i32
      %swap3A_2557 = arith.index_cast %add3A_2556 : i32 to index
      %swap3A_2558 = tpu.vector_load %arg7[%swap3A_2557] {strides = array<i32>} : memref<16384xi32, #tpu.memory_space<vmem>>, vector<16xi32>,
      %swap3A_2559 = vector.shape_cast %swap3A_2558 : vector<16xi32> to vector<16xi32>
      %swap3A_2560 = vector.shape_cast %get3A_2554 : vector<16xi32> to vector<16xi32>
      tpu.vector_store %arg7[%swap3A_2557], %swap3A_2560 {strides = array<i32>} : memref<16384xi32, #tpu.memory_space<vmem>>, vector<16xi32>,
      %add3A_2561 = arith.addi %get3A_2554, %mul3A_134 : vector<16xi32>
      %swap3A_2562 = arith.constant 336 : index
      %swap3A_2563 = tpu.vector_load %arg8[%swap3A_2562] {strides = array<i32>} : memref<512xi32, #tpu.memory_space<vmem>>, vector<16xi32>,
      %swap3A_2564 = vector.shape_cast %swap3A_2563 : vector<16xi32> to vector<16xi32>
      %swap3A_2565 = vector.shape_cast %add3A_2561 : vector<16xi32> to vector<16xi32>
      tpu.vector_store %arg8[%swap3A_2562], %swap3A_2565 {strides = array<i32>} : memref<512xi32, #tpu.memory_space<vmem>>, vector<16xi32>,
      %add3A_2566 = arith.constant 32 : i32
      %add3A_2567 = arith.addi %mul3A_2527, %add3A_2566 : i32
      %get3A_2568 = arith.index_cast %add3A_2567 : i32 to index
      %get3A_2569 = tpu.vector_load %arg6[%get3A_2568] {strides = array<i32>} : memref<6416xi32, #tpu.memory_space<vmem>>, vector<16xi32>,
      %get3A_2570 = vector.shape_cast %get3A_2569 : vector<16xi32> to vector<16xi32>
      %add3A_2571 = arith.constant 32 : i32
      %add3A_2572 = arith.addi %mul3A_2533, %add3A_2571 : i32
      %swap3A_2573 = arith.index_cast %add3A_2572 : i32 to index
      %swap3A_2574 = tpu.vector_load %arg7[%swap3A_2573] {strides = array<i32>} : memref<16384xi32, #tpu.memory_space<vmem>>, vector<16xi32>,
      %swap3A_2575 = vector.shape_cast %swap3A_2574 : vector<16xi32> to vector<16xi32>
      %swap3A_2576 = vector.shape_cast %get3A_2570 : vector<16xi32> to vector<16xi32>
      tpu.vector_store %arg7[%swap3A_2573], %swap3A_2576 {strides = array<i32>} : memref<16384xi32, #tpu.memory_space<vmem>>, vector<16xi32>,
      %add3A_2577 = arith.addi %get3A_2570, %mul3A_147 : vector<16xi32>
      %swap3A_2578 = arith.constant 352 : index
      %swap3A_2579 = tpu.vector_load %arg8[%swap3A_2578] {strides = array<i32>} : memref<512xi32, #tpu.memory_space<vmem>>, vector<16xi32>,
      %swap3A_2580 = vector.shape_cast %swap3A_2579 : vector<16xi32> to vector<16xi32>
      %swap3A_2581 = vector.shape_cast %add3A_2577 : vector<16xi32> to vector<16xi32>
      tpu.vector_store %arg8[%swap3A_2578], %swap3A_2581 {strides = array<i32>} : memref<512xi32, #tpu.memory_space<vmem>>, vector<16xi32>,
      %add3A_2582 = arith.constant 48 : i32
      %add3A_2583 = arith.addi %mul3A_2527, %add3A_2582 : i32
      %get3A_2584 = arith.index_cast %add3A_2583 : i32 to index
      %get3A_2585 = tpu.vector_load %arg6[%get3A_2584] {strides = array<i32>} : memref<6416xi32, #tpu.memory_space<vmem>>, vector<16xi32>,
      %get3A_2586 = vector.shape_cast %get3A_2585 : vector<16xi32> to vector<16xi32>
      %lt3A_2587 = arith.constant 2 : i32
      %lt3A_2588 = vector.broadcast %lt3A_2587 : i32 to vector<16xi32>
      %lt3A_2589 = arith.cmpi slt, %iota3A, %lt3A_2588 : vector<16xi32>
      %select_n3A_2590 = arith.select %lt3A_2589, %get3A_2586, %broadcast_in_dim3A_5 : vector<16xi1>, vector<16xi32>
      %add3A_2591 = arith.constant 48 : i32
      %add3A_2592 = arith.addi %mul3A_2533, %add3A_2591 : i32
      %swap3A_2593 = arith.index_cast %add3A_2592 : i32 to index
      %swap3A_2594 = tpu.vector_load %arg7[%swap3A_2593] {strides = array<i32>} : memref<16384xi32, #tpu.memory_space<vmem>>, vector<16xi32>,
      %swap3A_2595 = vector.shape_cast %swap3A_2594 : vector<16xi32> to vector<16xi32>
      %swap3A_2596 = vector.shape_cast %select_n3A_2590 : vector<16xi32> to vector<16xi32>
      tpu.vector_store %arg7[%swap3A_2593], %swap3A_2596 {strides = array<i32>} : memref<16384xi32, #tpu.memory_space<vmem>>, vector<16xi32>,
      %add3A_2597 = arith.addi %select_n3A_2590, %mul3A_160 : vector<16xi32>
      %swap3A_2598 = arith.constant 368 : index
      %swap3A_2599 = tpu.vector_load %arg8[%swap3A_2598] {strides = array<i32>} : memref<512xi32, #tpu.memory_space<vmem>>, vector<16xi32>,
      %swap3A_2600 = vector.shape_cast %swap3A_2599 : vector<16xi32> to vector<16xi32>
      %swap3A_2601 = vector.shape_cast %add3A_2597 : vector<16xi32> to vector<16xi32>
      tpu.vector_store %arg8[%swap3A_2598], %swap3A_2601 {strides = array<i32>} : memref<512xi32, #tpu.memory_space<vmem>>, vector<16xi32>,
      %add3A_2602 = arith.constant 64 : i32
      %add3A_2603 = arith.addi %mul3A_2533, %add3A_2602 : i32
      %swap3A_2604 = arith.index_cast %add3A_2603 : i32 to index
      %swap3A_2605 = tpu.vector_load %arg7[%swap3A_2604] {strides = array<i32>} : memref<16384xi32, #tpu.memory_space<vmem>>, vector<16xi32>,
      %swap3A_2606 = vector.shape_cast %swap3A_2605 : vector<16xi32> to vector<16xi32>
      %swap3A_2607 = vector.shape_cast %broadcast_in_dim3A_5 : vector<16xi32> to vector<16xi32>
      tpu.vector_store %arg7[%swap3A_2604], %swap3A_2607 {strides = array<i32>} : memref<16384xi32, #tpu.memory_space<vmem>>, vector<16xi32>,
      %add3A_2608 = arith.constant 80 : i32
      %add3A_2609 = arith.addi %mul3A_2533, %add3A_2608 : i32
      %swap3A_2610 = arith.index_cast %add3A_2609 : i32 to index
      %swap3A_2611 = tpu.vector_load %arg7[%swap3A_2610] {strides = array<i32>} : memref<16384xi32, #tpu.memory_space<vmem>>, vector<16xi32>,
      %swap3A_2612 = vector.shape_cast %swap3A_2611 : vector<16xi32> to vector<16xi32>
      %swap3A_2613 = vector.shape_cast %broadcast_in_dim3A_5 : vector<16xi32> to vector<16xi32>
      tpu.vector_store %arg7[%swap3A_2610], %swap3A_2613 {strides = array<i32>} : memref<16384xi32, #tpu.memory_space<vmem>>, vector<16xi32>,
      %add3A_2614 = arith.constant 96 : i32
      %add3A_2615 = arith.addi %mul3A_2533, %add3A_2614 : i32
      %swap3A_2616 = arith.index_cast %add3A_2615 : i32 to index
      %swap3A_2617 = tpu.vector_load %arg7[%swap3A_2616] {strides = array<i32>} : memref<16384xi32, #tpu.memory_space<vmem>>, vector<16xi32>,
      %swap3A_2618 = vector.shape_cast %swap3A_2617 : vector<16xi32> to vector<16xi32>
      %swap3A_2619 = vector.shape_cast %broadcast_in_dim3A_5 : vector<16xi32> to vector<16xi32>
      tpu.vector_store %arg7[%swap3A_2616], %swap3A_2619 {strides = array<i32>} : memref<16384xi32, #tpu.memory_space<vmem>>, vector<16xi32>,
      %add3A_2620 = arith.constant 112 : i32
      %add3A_2621 = arith.addi %mul3A_2533, %add3A_2620 : i32
      %swap3A_2622 = arith.index_cast %add3A_2621 : i32 to index
      %swap3A_2623 = tpu.vector_load %arg7[%swap3A_2622] {strides = array<i32>} : memref<16384xi32, #tpu.memory_space<vmem>>, vector<16xi32>,
      %swap3A_2624 = vector.shape_cast %swap3A_2623 : vector<16xi32> to vector<16xi32>
      %swap3A_2625 = vector.shape_cast %broadcast_in_dim3A_5 : vector<16xi32> to vector<16xi32>
      tpu.vector_store %arg7[%swap3A_2622], %swap3A_2625 {strides = array<i32>} : memref<16384xi32, #tpu.memory_space<vmem>>, vector<16xi32>,
      %add3A_2626 = arith.constant 2 : i32
      %add3A_2627 = arith.addi %mul3A_1461, %add3A_2626 : i32
      %mul3A_2628 = arith.constant 2 : i32
      %mul3A_2629 = arith.muli %add3A_2627, %mul3A_2628 : i32
      %add3A_2630 = arith.addi %mul3A_2, %mul3A_2629 : i32
      %add3A_2631 = arith.constant 0 : i32
      %add3A_2632 = arith.addi %add3A_2630, %add3A_2631 : i32
      %mul3A_2633 = arith.constant 128 : i32
      %mul3A_2634 = arith.muli %add3A_2632, %mul3A_2633 : i32
      %dma_wait3A_2635 = arith.constant 2 : i32
      %dma_wait3A_2636 = arith.constant 0 : i32
      %dma_wait3A_2637 = arith.constant 0 : i32
      %dma_wait3A_2638 = tpu.memref_slice %arg9[%dma_wait3A_2635, %dma_wait3A_2636, %dma_wait3A_2637] : memref<4x128x128xf32, #tpu.memory_space<vmem>> -> memref<1x56x128xf32, #tpu.memory_space<vmem>>
      %dma_wait3A_2639 = tpu.memref_squeeze %dma_wait3A_2638 : memref<1x56x128xf32, #tpu.memory_space<vmem>> -> memref<56x128xf32, #tpu.memory_space<vmem>>
      %dma_wait3A_2640 = arith.constant 0 : i32
      %dma_wait3A_2641 = tpu.memref_slice %arg5[%mul3A_2634, %dma_wait3A_2640] : memref<524288x128xf32, #tpu.memory_space<hbm>> -> memref<56x128xf32, #tpu.memory_space<hbm>>
      %dma_wait3A_2642 = arith.constant 0 : i32
      %dma_wait3A_2643 = tpu.memref_slice %arg5[%mul3A_2634, %dma_wait3A_2642] : memref<524288x128xf32, #tpu.memory_space<hbm>> -> memref<56x128xf32, #tpu.memory_space<hbm>>
      %dma_wait3A_2644 = arith.constant 0 : i32
      %dma_wait3A_2645 = arith.constant 0 : i32
      %dma_wait3A_2646 = tpu.memref_slice %arg9[%dma_wait3A_2635, %dma_wait3A_2644, %dma_wait3A_2645] : memref<4x128x128xf32, #tpu.memory_space<vmem>> -> memref<1x56x128xf32, #tpu.memory_space<vmem>>
      %dma_wait3A_2647 = tpu.memref_squeeze %dma_wait3A_2646 : memref<1x56x128xf32, #tpu.memory_space<vmem>> -> memref<56x128xf32, #tpu.memory_space<vmem>>
      tpu.wait_dma2 semaphore(%arg17 : memref<!tpu.dma_semaphore, #tpu.memory_space<semaphore_mem>>) src(%dma_wait3A_2647 : memref<56x128xf32, #tpu.memory_space<vmem>>) dst(%dma_wait3A_2643 : memref<56x128xf32, #tpu.memory_space<hbm>>)
      %mul3A_2648 = arith.constant 2 : i32
      %mul3A_2649 = arith.muli %add3A_2627, %mul3A_2648 : i32
      %add3A_2650 = arith.addi %mul3A_2, %mul3A_2649 : i32
      %add3A_2651 = arith.constant 0 : i32
      %add3A_2652 = arith.addi %add3A_2650, %add3A_2651 : i32
      %mul3A_2653 = arith.constant 128 : i32
      %mul3A_2654 = arith.muli %add3A_2652, %mul3A_2653 : i32
      %add3A_2655 = arith.constant 56 : i32
      %add3A_2656 = arith.addi %mul3A_2654, %add3A_2655 : i32
      %dma_wait3A_2657 = arith.constant 0 : i32
      %dma_wait3A_2658 = tpu.memref_slice %arg5[%add3A_2656, %dma_wait3A_2657] : memref<524288x128xf32, #tpu.memory_space<hbm>> -> memref<72x128xf32, #tpu.memory_space<hbm>>
      %dma_wait3A_2659 = arith.constant 0 : i32
      %dma_wait3A_2660 = tpu.memref_slice %arg5[%add3A_2656, %dma_wait3A_2659] : memref<524288x128xf32, #tpu.memory_space<hbm>> -> memref<72x128xf32, #tpu.memory_space<hbm>>
      tpu.wait_dma2 semaphore(%arg17 : memref<!tpu.dma_semaphore, #tpu.memory_space<semaphore_mem>>) src(%arg10 : memref<72x128xf32, #tpu.memory_space<vmem>>) dst(%dma_wait3A_2660 : memref<72x128xf32, #tpu.memory_space<hbm>>)
      %mul3A_2661 = arith.constant 2 : i32
      %mul3A_2662 = arith.muli %add3A_2627, %mul3A_2661 : i32
      %add3A_2663 = arith.addi %mul3A_2, %mul3A_2662 : i32
      %add3A_2664 = arith.constant 1 : i32
      %add3A_2665 = arith.addi %add3A_2663, %add3A_2664 : i32
      %mul3A_2666 = arith.constant 128 : i32
      %mul3A_2667 = arith.muli %add3A_2665, %mul3A_2666 : i32
      %dma_wait3A_2668 = arith.constant 2 : i32
      %dma_wait3A_2669 = arith.constant 64 : i32
      %dma_wait3A_2670 = arith.constant 0 : i32
      %dma_wait3A_2671 = tpu.memref_slice %arg9[%dma_wait3A_2668, %dma_wait3A_2669, %dma_wait3A_2670] : memref<4x128x128xf32, #tpu.memory_space<vmem>> -> memref<1x56x128xf32, #tpu.memory_space<vmem>>
      %dma_wait3A_2672 = tpu.memref_squeeze %dma_wait3A_2671 : memref<1x56x128xf32, #tpu.memory_space<vmem>> -> memref<56x128xf32, #tpu.memory_space<vmem>>
      %dma_wait3A_2673 = arith.constant 0 : i32
      %dma_wait3A_2674 = tpu.memref_slice %arg5[%mul3A_2667, %dma_wait3A_2673] : memref<524288x128xf32, #tpu.memory_space<hbm>> -> memref<56x128xf32, #tpu.memory_space<hbm>>
      %dma_wait3A_2675 = arith.constant 0 : i32
      %dma_wait3A_2676 = tpu.memref_slice %arg5[%mul3A_2667, %dma_wait3A_2675] : memref<524288x128xf32, #tpu.memory_space<hbm>> -> memref<56x128xf32, #tpu.memory_space<hbm>>
      %dma_wait3A_2677 = arith.constant 64 : i32
      %dma_wait3A_2678 = arith.constant 0 : i32
      %dma_wait3A_2679 = tpu.memref_slice %arg9[%dma_wait3A_2668, %dma_wait3A_2677, %dma_wait3A_2678] : memref<4x128x128xf32, #tpu.memory_space<vmem>> -> memref<1x56x128xf32, #tpu.memory_space<vmem>>
      %dma_wait3A_2680 = tpu.memref_squeeze %dma_wait3A_2679 : memref<1x56x128xf32, #tpu.memory_space<vmem>> -> memref<56x128xf32, #tpu.memory_space<vmem>>
      tpu.wait_dma2 semaphore(%arg17 : memref<!tpu.dma_semaphore, #tpu.memory_space<semaphore_mem>>) src(%dma_wait3A_2680 : memref<56x128xf32, #tpu.memory_space<vmem>>) dst(%dma_wait3A_2676 : memref<56x128xf32, #tpu.memory_space<hbm>>)
      %mul3A_2681 = arith.constant 2 : i32
      %mul3A_2682 = arith.muli %add3A_2627, %mul3A_2681 : i32
      %add3A_2683 = arith.addi %mul3A_2, %mul3A_2682 : i32
      %add3A_2684 = arith.constant 1 : i32
      %add3A_2685 = arith.addi %add3A_2683, %add3A_2684 : i32
      %mul3A_2686 = arith.constant 128 : i32
      %mul3A_2687 = arith.muli %add3A_2685, %mul3A_2686 : i32
      %add3A_2688 = arith.constant 56 : i32
      %add3A_2689 = arith.addi %mul3A_2687, %add3A_2688 : i32
      %dma_wait3A_2690 = arith.constant 0 : i32
      %dma_wait3A_2691 = tpu.memref_slice %arg5[%add3A_2689, %dma_wait3A_2690] : memref<524288x128xf32, #tpu.memory_space<hbm>> -> memref<72x128xf32, #tpu.memory_space<hbm>>
      %dma_wait3A_2692 = arith.constant 0 : i32
      %dma_wait3A_2693 = tpu.memref_slice %arg5[%add3A_2689, %dma_wait3A_2692] : memref<524288x128xf32, #tpu.memory_space<hbm>> -> memref<72x128xf32, #tpu.memory_space<hbm>>
      tpu.wait_dma2 semaphore(%arg17 : memref<!tpu.dma_semaphore, #tpu.memory_space<semaphore_mem>>) src(%arg10 : memref<72x128xf32, #tpu.memory_space<vmem>>) dst(%dma_wait3A_2693 : memref<72x128xf32, #tpu.memory_space<hbm>>)
      %dma_start3A_2694 = arith.constant 2 : i32
      %dma_start3A_2695 = arith.constant 0 : i32
      %dma_start3A_2696 = arith.constant 0 : i32
      %dma_start3A_2697 = tpu.memref_slice %arg9[%dma_start3A_2694, %dma_start3A_2695, %dma_start3A_2696] : memref<4x128x128xf32, #tpu.memory_space<vmem>> -> memref<1x56x128xf32, #tpu.memory_space<vmem>>
      %dma_start3A_2698 = tpu.memref_squeeze %dma_start3A_2697 : memref<1x56x128xf32, #tpu.memory_space<vmem>> -> memref<56x128xf32, #tpu.memory_space<vmem>>
      %dma_start3A_2699 = arith.constant 256 : i32
      %dma_start3A_2700 = tpu.memref_slice %arg8[%dma_start3A_2699] : memref<512xi32, #tpu.memory_space<vmem>> -> memref<56xi32, #tpu.memory_space<vmem>>
      %dma_start3A_2701 = arith.constant 0 : i32
      %dma_start3A_2702 = arith.constant 0 : i32
      %dma_start3A_2703 = tpu.memref_slice %arg3[%dma_start3A_2701, %dma_start3A_2702] : memref<3584x128xf32, #tpu.memory_space<hbm>> -> memref<3584x128xf32, #tpu.memory_space<hbm>>
      tpu.enqueue_indirect_dma source(%dma_start3A_2703 : memref<3584x128xf32, #tpu.memory_space<hbm>>) target(%dma_start3A_2698 : memref<56x128xf32, #tpu.memory_space<vmem>>) offsets(%dma_start3A_2700 : memref<56xi32, #tpu.memory_space<vmem>>) semaphore(%arg13 : memref<!tpu.dma_semaphore, #tpu.memory_space<semaphore_mem>>)
      %dma_start3A_2704 = arith.constant 2 : i32
      %dma_start3A_2705 = arith.constant 64 : i32
      %dma_start3A_2706 = arith.constant 0 : i32
      %dma_start3A_2707 = tpu.memref_slice %arg9[%dma_start3A_2704, %dma_start3A_2705, %dma_start3A_2706] : memref<4x128x128xf32, #tpu.memory_space<vmem>> -> memref<1x56x128xf32, #tpu.memory_space<vmem>>
      %dma_start3A_2708 = tpu.memref_squeeze %dma_start3A_2707 : memref<1x56x128xf32, #tpu.memory_space<vmem>> -> memref<56x128xf32, #tpu.memory_space<vmem>>
      %dma_start3A_2709 = arith.constant 320 : i32
      %dma_start3A_2710 = tpu.memref_slice %arg8[%dma_start3A_2709] : memref<512xi32, #tpu.memory_space<vmem>> -> memref<56xi32, #tpu.memory_space<vmem>>
      %dma_start3A_2711 = arith.constant 0 : i32
      %dma_start3A_2712 = arith.constant 0 : i32
      %dma_start3A_2713 = tpu.memref_slice %arg3[%dma_start3A_2711, %dma_start3A_2712] : memref<3584x128xf32, #tpu.memory_space<hbm>> -> memref<3584x128xf32, #tpu.memory_space<hbm>>
      tpu.enqueue_indirect_dma source(%dma_start3A_2713 : memref<3584x128xf32, #tpu.memory_space<hbm>>) target(%dma_start3A_2708 : memref<56x128xf32, #tpu.memory_space<vmem>>) offsets(%dma_start3A_2710 : memref<56xi32, #tpu.memory_space<vmem>>) semaphore(%arg13 : memref<!tpu.dma_semaphore, #tpu.memory_space<semaphore_mem>>)
      %add3A_2714 = arith.constant 4 : i32
      %add3A_2715 = arith.addi %mul3A_1461, %add3A_2714 : i32
      %add3A_2716 = arith.constant 3 : i32
      %add3A_2717 = arith.addi %add3A_2715, %add3A_2716 : i32
      %mul3A_2718 = arith.constant 2 : i32
      %mul3A_2719 = arith.muli %add3A_2717, %mul3A_2718 : i32
      %add3A_2720 = arith.constant 0 : i32
      %add3A_2721 = arith.addi %mul3A_2719, %add3A_2720 : i32
      %mul3A_2722 = arith.constant 50 : i32
      %mul3A_2723 = arith.muli %add3A_2721, %mul3A_2722 : i32
      %mul3A_2724 = arith.constant 2 : i32
      %mul3A_2725 = arith.muli %add3A_2717, %mul3A_2724 : i32
      %add3A_2726 = arith.constant 0 : i32
      %add3A_2727 = arith.addi %mul3A_2725, %add3A_2726 : i32
      %mul3A_2728 = arith.constant 128 : i32
      %mul3A_2729 = arith.muli %add3A_2727, %mul3A_2728 : i32
      %add3A_2730 = arith.constant 0 : i32
      %add3A_2731 = arith.addi %mul3A_2723, %add3A_2730 : i32
      %get3A_2732 = arith.index_cast %add3A_2731 : i32 to index
      %get3A_2733 = tpu.vector_load %arg6[%get3A_2732] {strides = array<i32>} : memref<6416xi32, #tpu.memory_space<vmem>>, vector<16xi32>,
      %get3A_2734 = vector.shape_cast %get3A_2733 : vector<16xi32> to vector<16xi32>
      %add3A_2735 = arith.constant 0 : i32
      %add3A_2736 = arith.addi %mul3A_2729, %add3A_2735 : i32
      %swap3A_2737 = arith.index_cast %add3A_2736 : i32 to index
      %swap3A_2738 = tpu.vector_load %arg7[%swap3A_2737] {strides = array<i32>} : memref<16384xi32, #tpu.memory_space<vmem>>, vector<16xi32>,
      %swap3A_2739 = vector.shape_cast %swap3A_2738 : vector<16xi32> to vector<16xi32>
      %swap3A_2740 = vector.shape_cast %get3A_2734 : vector<16xi32> to vector<16xi32>
      tpu.vector_store %arg7[%swap3A_2737], %swap3A_2740 {strides = array<i32>} : memref<16384xi32, #tpu.memory_space<vmem>>, vector<16xi32>,
      %add3A_2741 = arith.addi %get3A_2734, %mul3A_17 : vector<16xi32>
      %swap3A_2742 = arith.constant 384 : index
      %swap3A_2743 = tpu.vector_load %arg8[%swap3A_2742] {strides = array<i32>} : memref<512xi32, #tpu.memory_space<vmem>>, vector<16xi32>,
      %swap3A_2744 = vector.shape_cast %swap3A_2743 : vector<16xi32> to vector<16xi32>
      %swap3A_2745 = vector.shape_cast %add3A_2741 : vector<16xi32> to vector<16xi32>
      tpu.vector_store %arg8[%swap3A_2742], %swap3A_2745 {strides = array<i32>} : memref<512xi32, #tpu.memory_space<vmem>>, vector<16xi32>,
      %add3A_2746 = arith.constant 16 : i32
      %add3A_2747 = arith.addi %mul3A_2723, %add3A_2746 : i32
      %get3A_2748 = arith.index_cast %add3A_2747 : i32 to index
      %get3A_2749 = tpu.vector_load %arg6[%get3A_2748] {strides = array<i32>} : memref<6416xi32, #tpu.memory_space<vmem>>, vector<16xi32>,
      %get3A_2750 = vector.shape_cast %get3A_2749 : vector<16xi32> to vector<16xi32>
      %add3A_2751 = arith.constant 16 : i32
      %add3A_2752 = arith.addi %mul3A_2729, %add3A_2751 : i32
      %swap3A_2753 = arith.index_cast %add3A_2752 : i32 to index
      %swap3A_2754 = tpu.vector_load %arg7[%swap3A_2753] {strides = array<i32>} : memref<16384xi32, #tpu.memory_space<vmem>>, vector<16xi32>,
      %swap3A_2755 = vector.shape_cast %swap3A_2754 : vector<16xi32> to vector<16xi32>
      %swap3A_2756 = vector.shape_cast %get3A_2750 : vector<16xi32> to vector<16xi32>
      tpu.vector_store %arg7[%swap3A_2753], %swap3A_2756 {strides = array<i32>} : memref<16384xi32, #tpu.memory_space<vmem>>, vector<16xi32>,
      %add3A_2757 = arith.addi %get3A_2750, %mul3A_30 : vector<16xi32>
      %swap3A_2758 = arith.constant 400 : index
      %swap3A_2759 = tpu.vector_load %arg8[%swap3A_2758] {strides = array<i32>} : memref<512xi32, #tpu.memory_space<vmem>>, vector<16xi32>,
      %swap3A_2760 = vector.shape_cast %swap3A_2759 : vector<16xi32> to vector<16xi32>
      %swap3A_2761 = vector.shape_cast %add3A_2757 : vector<16xi32> to vector<16xi32>
      tpu.vector_store %arg8[%swap3A_2758], %swap3A_2761 {strides = array<i32>} : memref<512xi32, #tpu.memory_space<vmem>>, vector<16xi32>,
      %add3A_2762 = arith.constant 32 : i32
      %add3A_2763 = arith.addi %mul3A_2723, %add3A_2762 : i32
      %get3A_2764 = arith.index_cast %add3A_2763 : i32 to index
      %get3A_2765 = tpu.vector_load %arg6[%get3A_2764] {strides = array<i32>} : memref<6416xi32, #tpu.memory_space<vmem>>, vector<16xi32>,
      %get3A_2766 = vector.shape_cast %get3A_2765 : vector<16xi32> to vector<16xi32>
      %add3A_2767 = arith.constant 32 : i32
      %add3A_2768 = arith.addi %mul3A_2729, %add3A_2767 : i32
      %swap3A_2769 = arith.index_cast %add3A_2768 : i32 to index
      %swap3A_2770 = tpu.vector_load %arg7[%swap3A_2769] {strides = array<i32>} : memref<16384xi32, #tpu.memory_space<vmem>>, vector<16xi32>,
      %swap3A_2771 = vector.shape_cast %swap3A_2770 : vector<16xi32> to vector<16xi32>
      %swap3A_2772 = vector.shape_cast %get3A_2766 : vector<16xi32> to vector<16xi32>
      tpu.vector_store %arg7[%swap3A_2769], %swap3A_2772 {strides = array<i32>} : memref<16384xi32, #tpu.memory_space<vmem>>, vector<16xi32>,
      %add3A_2773 = arith.addi %get3A_2766, %mul3A_43 : vector<16xi32>
      %swap3A_2774 = arith.constant 416 : index
      %swap3A_2775 = tpu.vector_load %arg8[%swap3A_2774] {strides = array<i32>} : memref<512xi32, #tpu.memory_space<vmem>>, vector<16xi32>,
      %swap3A_2776 = vector.shape_cast %swap3A_2775 : vector<16xi32> to vector<16xi32>
      %swap3A_2777 = vector.shape_cast %add3A_2773 : vector<16xi32> to vector<16xi32>
      tpu.vector_store %arg8[%swap3A_2774], %swap3A_2777 {strides = array<i32>} : memref<512xi32, #tpu.memory_space<vmem>>, vector<16xi32>,
      %add3A_2778 = arith.constant 48 : i32
      %add3A_2779 = arith.addi %mul3A_2723, %add3A_2778 : i32
      %get3A_2780 = arith.index_cast %add3A_2779 : i32 to index
      %get3A_2781 = tpu.vector_load %arg6[%get3A_2780] {strides = array<i32>} : memref<6416xi32, #tpu.memory_space<vmem>>, vector<16xi32>,
      %get3A_2782 = vector.shape_cast %get3A_2781 : vector<16xi32> to vector<16xi32>
      %lt3A_2783 = arith.constant 2 : i32
      %lt3A_2784 = vector.broadcast %lt3A_2783 : i32 to vector<16xi32>
      %lt3A_2785 = arith.cmpi slt, %iota3A, %lt3A_2784 : vector<16xi32>
      %select_n3A_2786 = arith.select %lt3A_2785, %get3A_2782, %broadcast_in_dim3A_5 : vector<16xi1>, vector<16xi32>
      %add3A_2787 = arith.constant 48 : i32
      %add3A_2788 = arith.addi %mul3A_2729, %add3A_2787 : i32
      %swap3A_2789 = arith.index_cast %add3A_2788 : i32 to index
      %swap3A_2790 = tpu.vector_load %arg7[%swap3A_2789] {strides = array<i32>} : memref<16384xi32, #tpu.memory_space<vmem>>, vector<16xi32>,
      %swap3A_2791 = vector.shape_cast %swap3A_2790 : vector<16xi32> to vector<16xi32>
      %swap3A_2792 = vector.shape_cast %select_n3A_2786 : vector<16xi32> to vector<16xi32>
      tpu.vector_store %arg7[%swap3A_2789], %swap3A_2792 {strides = array<i32>} : memref<16384xi32, #tpu.memory_space<vmem>>, vector<16xi32>,
      %add3A_2793 = arith.addi %select_n3A_2786, %mul3A_56 : vector<16xi32>
      %swap3A_2794 = arith.constant 432 : index
      %swap3A_2795 = tpu.vector_load %arg8[%swap3A_2794] {strides = array<i32>} : memref<512xi32, #tpu.memory_space<vmem>>, vector<16xi32>,
      %swap3A_2796 = vector.shape_cast %swap3A_2795 : vector<16xi32> to vector<16xi32>
      %swap3A_2797 = vector.shape_cast %add3A_2793 : vector<16xi32> to vector<16xi32>
      tpu.vector_store %arg8[%swap3A_2794], %swap3A_2797 {strides = array<i32>} : memref<512xi32, #tpu.memory_space<vmem>>, vector<16xi32>,
      %add3A_2798 = arith.constant 64 : i32
      %add3A_2799 = arith.addi %mul3A_2729, %add3A_2798 : i32
      %swap3A_2800 = arith.index_cast %add3A_2799 : i32 to index
      %swap3A_2801 = tpu.vector_load %arg7[%swap3A_2800] {strides = array<i32>} : memref<16384xi32, #tpu.memory_space<vmem>>, vector<16xi32>,
      %swap3A_2802 = vector.shape_cast %swap3A_2801 : vector<16xi32> to vector<16xi32>
      %swap3A_2803 = vector.shape_cast %broadcast_in_dim3A_5 : vector<16xi32> to vector<16xi32>
      tpu.vector_store %arg7[%swap3A_2800], %swap3A_2803 {strides = array<i32>} : memref<16384xi32, #tpu.memory_space<vmem>>, vector<16xi32>,
      %add3A_2804 = arith.constant 80 : i32
      %add3A_2805 = arith.addi %mul3A_2729, %add3A_2804 : i32
      %swap3A_2806 = arith.index_cast %add3A_2805 : i32 to index
      %swap3A_2807 = tpu.vector_load %arg7[%swap3A_2806] {strides = array<i32>} : memref<16384xi32, #tpu.memory_space<vmem>>, vector<16xi32>,
      %swap3A_2808 = vector.shape_cast %swap3A_2807 : vector<16xi32> to vector<16xi32>
      %swap3A_2809 = vector.shape_cast %broadcast_in_dim3A_5 : vector<16xi32> to vector<16xi32>
      tpu.vector_store %arg7[%swap3A_2806], %swap3A_2809 {strides = array<i32>} : memref<16384xi32, #tpu.memory_space<vmem>>, vector<16xi32>,
      %add3A_2810 = arith.constant 96 : i32
      %add3A_2811 = arith.addi %mul3A_2729, %add3A_2810 : i32
      %swap3A_2812 = arith.index_cast %add3A_2811 : i32 to index
      %swap3A_2813 = tpu.vector_load %arg7[%swap3A_2812] {strides = array<i32>} : memref<16384xi32, #tpu.memory_space<vmem>>, vector<16xi32>,
      %swap3A_2814 = vector.shape_cast %swap3A_2813 : vector<16xi32> to vector<16xi32>
      %swap3A_2815 = vector.shape_cast %broadcast_in_dim3A_5 : vector<16xi32> to vector<16xi32>
      tpu.vector_store %arg7[%swap3A_2812], %swap3A_2815 {strides = array<i32>} : memref<16384xi32, #tpu.memory_space<vmem>>, vector<16xi32>,
      %add3A_2816 = arith.constant 112 : i32
      %add3A_2817 = arith.addi %mul3A_2729, %add3A_2816 : i32
      %swap3A_2818 = arith.index_cast %add3A_2817 : i32 to index
      %swap3A_2819 = tpu.vector_load %arg7[%swap3A_2818] {strides = array<i32>} : memref<16384xi32, #tpu.memory_space<vmem>>, vector<16xi32>,
      %swap3A_2820 = vector.shape_cast %swap3A_2819 : vector<16xi32> to vector<16xi32>
      %swap3A_2821 = vector.shape_cast %broadcast_in_dim3A_5 : vector<16xi32> to vector<16xi32>
      tpu.vector_store %arg7[%swap3A_2818], %swap3A_2821 {strides = array<i32>} : memref<16384xi32, #tpu.memory_space<vmem>>, vector<16xi32>,
      %mul3A_2822 = arith.constant 2 : i32
      %mul3A_2823 = arith.muli %add3A_2717, %mul3A_2822 : i32
      %add3A_2824 = arith.constant 1 : i32
      %add3A_2825 = arith.addi %mul3A_2823, %add3A_2824 : i32
      %mul3A_2826 = arith.constant 50 : i32
      %mul3A_2827 = arith.muli %add3A_2825, %mul3A_2826 : i32
      %mul3A_2828 = arith.constant 2 : i32
      %mul3A_2829 = arith.muli %add3A_2717, %mul3A_2828 : i32
      %add3A_2830 = arith.constant 1 : i32
      %add3A_2831 = arith.addi %mul3A_2829, %add3A_2830 : i32
      %mul3A_2832 = arith.constant 128 : i32
      %mul3A_2833 = arith.muli %add3A_2831, %mul3A_2832 : i32
      %add3A_2834 = arith.constant 0 : i32
      %add3A_2835 = arith.addi %mul3A_2827, %add3A_2834 : i32
      %get3A_2836 = arith.index_cast %add3A_2835 : i32 to index
      %get3A_2837 = tpu.vector_load %arg6[%get3A_2836] {strides = array<i32>} : memref<6416xi32, #tpu.memory_space<vmem>>, vector<16xi32>,
      %get3A_2838 = vector.shape_cast %get3A_2837 : vector<16xi32> to vector<16xi32>
      %add3A_2839 = arith.constant 0 : i32
      %add3A_2840 = arith.addi %mul3A_2833, %add3A_2839 : i32
      %swap3A_2841 = arith.index_cast %add3A_2840 : i32 to index
      %swap3A_2842 = tpu.vector_load %arg7[%swap3A_2841] {strides = array<i32>} : memref<16384xi32, #tpu.memory_space<vmem>>, vector<16xi32>,
      %swap3A_2843 = vector.shape_cast %swap3A_2842 : vector<16xi32> to vector<16xi32>
      %swap3A_2844 = vector.shape_cast %get3A_2838 : vector<16xi32> to vector<16xi32>
      tpu.vector_store %arg7[%swap3A_2841], %swap3A_2844 {strides = array<i32>} : memref<16384xi32, #tpu.memory_space<vmem>>, vector<16xi32>,
      %add3A_2845 = arith.addi %get3A_2838, %mul3A_121 : vector<16xi32>
      %swap3A_2846 = arith.constant 448 : index
      %swap3A_2847 = tpu.vector_load %arg8[%swap3A_2846] {strides = array<i32>} : memref<512xi32, #tpu.memory_space<vmem>>, vector<16xi32>,
      %swap3A_2848 = vector.shape_cast %swap3A_2847 : vector<16xi32> to vector<16xi32>
      %swap3A_2849 = vector.shape_cast %add3A_2845 : vector<16xi32> to vector<16xi32>
      tpu.vector_store %arg8[%swap3A_2846], %swap3A_2849 {strides = array<i32>} : memref<512xi32, #tpu.memory_space<vmem>>, vector<16xi32>,
      %add3A_2850 = arith.constant 16 : i32
      %add3A_2851 = arith.addi %mul3A_2827, %add3A_2850 : i32
      %get3A_2852 = arith.index_cast %add3A_2851 : i32 to index
      %get3A_2853 = tpu.vector_load %arg6[%get3A_2852] {strides = array<i32>} : memref<6416xi32, #tpu.memory_space<vmem>>, vector<16xi32>,
      %get3A_2854 = vector.shape_cast %get3A_2853 : vector<16xi32> to vector<16xi32>
      %add3A_2855 = arith.constant 16 : i32
      %add3A_2856 = arith.addi %mul3A_2833, %add3A_2855 : i32
      %swap3A_2857 = arith.index_cast %add3A_2856 : i32 to index
      %swap3A_2858 = tpu.vector_load %arg7[%swap3A_2857] {strides = array<i32>} : memref<16384xi32, #tpu.memory_space<vmem>>, vector<16xi32>,
      %swap3A_2859 = vector.shape_cast %swap3A_2858 : vector<16xi32> to vector<16xi32>
      %swap3A_2860 = vector.shape_cast %get3A_2854 : vector<16xi32> to vector<16xi32>
      tpu.vector_store %arg7[%swap3A_2857], %swap3A_2860 {strides = array<i32>} : memref<16384xi32, #tpu.memory_space<vmem>>, vector<16xi32>,
      %add3A_2861 = arith.addi %get3A_2854, %mul3A_134 : vector<16xi32>
      %swap3A_2862 = arith.constant 464 : index
      %swap3A_2863 = tpu.vector_load %arg8[%swap3A_2862] {strides = array<i32>} : memref<512xi32, #tpu.memory_space<vmem>>, vector<16xi32>,
      %swap3A_2864 = vector.shape_cast %swap3A_2863 : vector<16xi32> to vector<16xi32>
      %swap3A_2865 = vector.shape_cast %add3A_2861 : vector<16xi32> to vector<16xi32>
      tpu.vector_store %arg8[%swap3A_2862], %swap3A_2865 {strides = array<i32>} : memref<512xi32, #tpu.memory_space<vmem>>, vector<16xi32>,
      %add3A_2866 = arith.constant 32 : i32
      %add3A_2867 = arith.addi %mul3A_2827, %add3A_2866 : i32
      %get3A_2868 = arith.index_cast %add3A_2867 : i32 to index
      %get3A_2869 = tpu.vector_load %arg6[%get3A_2868] {strides = array<i32>} : memref<6416xi32, #tpu.memory_space<vmem>>, vector<16xi32>,
      %get3A_2870 = vector.shape_cast %get3A_2869 : vector<16xi32> to vector<16xi32>
      %add3A_2871 = arith.constant 32 : i32
      %add3A_2872 = arith.addi %mul3A_2833, %add3A_2871 : i32
      %swap3A_2873 = arith.index_cast %add3A_2872 : i32 to index
      %swap3A_2874 = tpu.vector_load %arg7[%swap3A_2873] {strides = array<i32>} : memref<16384xi32, #tpu.memory_space<vmem>>, vector<16xi32>,
      %swap3A_2875 = vector.shape_cast %swap3A_2874 : vector<16xi32> to vector<16xi32>
      %swap3A_2876 = vector.shape_cast %get3A_2870 : vector<16xi32> to vector<16xi32>
      tpu.vector_store %arg7[%swap3A_2873], %swap3A_2876 {strides = array<i32>} : memref<16384xi32, #tpu.memory_space<vmem>>, vector<16xi32>,
      %add3A_2877 = arith.addi %get3A_2870, %mul3A_147 : vector<16xi32>
      %swap3A_2878 = arith.constant 480 : index
      %swap3A_2879 = tpu.vector_load %arg8[%swap3A_2878] {strides = array<i32>} : memref<512xi32, #tpu.memory_space<vmem>>, vector<16xi32>,
      %swap3A_2880 = vector.shape_cast %swap3A_2879 : vector<16xi32> to vector<16xi32>
      %swap3A_2881 = vector.shape_cast %add3A_2877 : vector<16xi32> to vector<16xi32>
      tpu.vector_store %arg8[%swap3A_2878], %swap3A_2881 {strides = array<i32>} : memref<512xi32, #tpu.memory_space<vmem>>, vector<16xi32>,
      %add3A_2882 = arith.constant 48 : i32
      %add3A_2883 = arith.addi %mul3A_2827, %add3A_2882 : i32
      %get3A_2884 = arith.index_cast %add3A_2883 : i32 to index
      %get3A_2885 = tpu.vector_load %arg6[%get3A_2884] {strides = array<i32>} : memref<6416xi32, #tpu.memory_space<vmem>>, vector<16xi32>,
      %get3A_2886 = vector.shape_cast %get3A_2885 : vector<16xi32> to vector<16xi32>
      %lt3A_2887 = arith.constant 2 : i32
      %lt3A_2888 = vector.broadcast %lt3A_2887 : i32 to vector<16xi32>
      %lt3A_2889 = arith.cmpi slt, %iota3A, %lt3A_2888 : vector<16xi32>
      %select_n3A_2890 = arith.select %lt3A_2889, %get3A_2886, %broadcast_in_dim3A_5 : vector<16xi1>, vector<16xi32>
      %add3A_2891 = arith.constant 48 : i32
      %add3A_2892 = arith.addi %mul3A_2833, %add3A_2891 : i32
      %swap3A_2893 = arith.index_cast %add3A_2892 : i32 to index
      %swap3A_2894 = tpu.vector_load %arg7[%swap3A_2893] {strides = array<i32>} : memref<16384xi32, #tpu.memory_space<vmem>>, vector<16xi32>,
      %swap3A_2895 = vector.shape_cast %swap3A_2894 : vector<16xi32> to vector<16xi32>
      %swap3A_2896 = vector.shape_cast %select_n3A_2890 : vector<16xi32> to vector<16xi32>
      tpu.vector_store %arg7[%swap3A_2893], %swap3A_2896 {strides = array<i32>} : memref<16384xi32, #tpu.memory_space<vmem>>, vector<16xi32>,
      %add3A_2897 = arith.addi %select_n3A_2890, %mul3A_160 : vector<16xi32>
      %swap3A_2898 = arith.constant 496 : index
      %swap3A_2899 = tpu.vector_load %arg8[%swap3A_2898] {strides = array<i32>} : memref<512xi32, #tpu.memory_space<vmem>>, vector<16xi32>,
      %swap3A_2900 = vector.shape_cast %swap3A_2899 : vector<16xi32> to vector<16xi32>
      %swap3A_2901 = vector.shape_cast %add3A_2897 : vector<16xi32> to vector<16xi32>
      tpu.vector_store %arg8[%swap3A_2898], %swap3A_2901 {strides = array<i32>} : memref<512xi32, #tpu.memory_space<vmem>>, vector<16xi32>,
      %add3A_2902 = arith.constant 64 : i32
      %add3A_2903 = arith.addi %mul3A_2833, %add3A_2902 : i32
      %swap3A_2904 = arith.index_cast %add3A_2903 : i32 to index
      %swap3A_2905 = tpu.vector_load %arg7[%swap3A_2904] {strides = array<i32>} : memref<16384xi32, #tpu.memory_space<vmem>>, vector<16xi32>,
      %swap3A_2906 = vector.shape_cast %swap3A_2905 : vector<16xi32> to vector<16xi32>
      %swap3A_2907 = vector.shape_cast %broadcast_in_dim3A_5 : vector<16xi32> to vector<16xi32>
      tpu.vector_store %arg7[%swap3A_2904], %swap3A_2907 {strides = array<i32>} : memref<16384xi32, #tpu.memory_space<vmem>>, vector<16xi32>,
      %add3A_2908 = arith.constant 80 : i32
      %add3A_2909 = arith.addi %mul3A_2833, %add3A_2908 : i32
      %swap3A_2910 = arith.index_cast %add3A_2909 : i32 to index
      %swap3A_2911 = tpu.vector_load %arg7[%swap3A_2910] {strides = array<i32>} : memref<16384xi32, #tpu.memory_space<vmem>>, vector<16xi32>,
      %swap3A_2912 = vector.shape_cast %swap3A_2911 : vector<16xi32> to vector<16xi32>
      %swap3A_2913 = vector.shape_cast %broadcast_in_dim3A_5 : vector<16xi32> to vector<16xi32>
      tpu.vector_store %arg7[%swap3A_2910], %swap3A_2913 {strides = array<i32>} : memref<16384xi32, #tpu.memory_space<vmem>>, vector<16xi32>,
      %add3A_2914 = arith.constant 96 : i32
      %add3A_2915 = arith.addi %mul3A_2833, %add3A_2914 : i32
      %swap3A_2916 = arith.index_cast %add3A_2915 : i32 to index
      %swap3A_2917 = tpu.vector_load %arg7[%swap3A_2916] {strides = array<i32>} : memref<16384xi32, #tpu.memory_space<vmem>>, vector<16xi32>,
      %swap3A_2918 = vector.shape_cast %swap3A_2917 : vector<16xi32> to vector<16xi32>
      %swap3A_2919 = vector.shape_cast %broadcast_in_dim3A_5 : vector<16xi32> to vector<16xi32>
      tpu.vector_store %arg7[%swap3A_2916], %swap3A_2919 {strides = array<i32>} : memref<16384xi32, #tpu.memory_space<vmem>>, vector<16xi32>,
      %add3A_2920 = arith.constant 112 : i32
      %add3A_2921 = arith.addi %mul3A_2833, %add3A_2920 : i32
      %swap3A_2922 = arith.index_cast %add3A_2921 : i32 to index
      %swap3A_2923 = tpu.vector_load %arg7[%swap3A_2922] {strides = array<i32>} : memref<16384xi32, #tpu.memory_space<vmem>>, vector<16xi32>,
      %swap3A_2924 = vector.shape_cast %swap3A_2923 : vector<16xi32> to vector<16xi32>
      %swap3A_2925 = vector.shape_cast %broadcast_in_dim3A_5 : vector<16xi32> to vector<16xi32>
      tpu.vector_store %arg7[%swap3A_2922], %swap3A_2925 {strides = array<i32>} : memref<16384xi32, #tpu.memory_space<vmem>>, vector<16xi32>,
      %add3A_2926 = arith.constant 3 : i32
      %add3A_2927 = arith.addi %mul3A_1461, %add3A_2926 : i32
      %mul3A_2928 = arith.constant 2 : i32
      %mul3A_2929 = arith.muli %add3A_2927, %mul3A_2928 : i32
      %add3A_2930 = arith.addi %mul3A_2, %mul3A_2929 : i32
      %add3A_2931 = arith.constant 0 : i32
      %add3A_2932 = arith.addi %add3A_2930, %add3A_2931 : i32
      %mul3A_2933 = arith.constant 128 : i32
      %mul3A_2934 = arith.muli %add3A_2932, %mul3A_2933 : i32
      %dma_wait3A_2935 = arith.constant 3 : i32
      %dma_wait3A_2936 = arith.constant 0 : i32
      %dma_wait3A_2937 = arith.constant 0 : i32
      %dma_wait3A_2938 = tpu.memref_slice %arg9[%dma_wait3A_2935, %dma_wait3A_2936, %dma_wait3A_2937] : memref<4x128x128xf32, #tpu.memory_space<vmem>> -> memref<1x56x128xf32, #tpu.memory_space<vmem>>
      %dma_wait3A_2939 = tpu.memref_squeeze %dma_wait3A_2938 : memref<1x56x128xf32, #tpu.memory_space<vmem>> -> memref<56x128xf32, #tpu.memory_space<vmem>>
      %dma_wait3A_2940 = arith.constant 0 : i32
      %dma_wait3A_2941 = tpu.memref_slice %arg5[%mul3A_2934, %dma_wait3A_2940] : memref<524288x128xf32, #tpu.memory_space<hbm>> -> memref<56x128xf32, #tpu.memory_space<hbm>>
      %dma_wait3A_2942 = arith.constant 0 : i32
      %dma_wait3A_2943 = tpu.memref_slice %arg5[%mul3A_2934, %dma_wait3A_2942] : memref<524288x128xf32, #tpu.memory_space<hbm>> -> memref<56x128xf32, #tpu.memory_space<hbm>>
      %dma_wait3A_2944 = arith.constant 0 : i32
      %dma_wait3A_2945 = arith.constant 0 : i32
      %dma_wait3A_2946 = tpu.memref_slice %arg9[%dma_wait3A_2935, %dma_wait3A_2944, %dma_wait3A_2945] : memref<4x128x128xf32, #tpu.memory_space<vmem>> -> memref<1x56x128xf32, #tpu.memory_space<vmem>>
      %dma_wait3A_2947 = tpu.memref_squeeze %dma_wait3A_2946 : memref<1x56x128xf32, #tpu.memory_space<vmem>> -> memref<56x128xf32, #tpu.memory_space<vmem>>
      tpu.wait_dma2 semaphore(%arg18 : memref<!tpu.dma_semaphore, #tpu.memory_space<semaphore_mem>>) src(%dma_wait3A_2947 : memref<56x128xf32, #tpu.memory_space<vmem>>) dst(%dma_wait3A_2943 : memref<56x128xf32, #tpu.memory_space<hbm>>)
      %mul3A_2948 = arith.constant 2 : i32
      %mul3A_2949 = arith.muli %add3A_2927, %mul3A_2948 : i32
      %add3A_2950 = arith.addi %mul3A_2, %mul3A_2949 : i32
      %add3A_2951 = arith.constant 0 : i32
      %add3A_2952 = arith.addi %add3A_2950, %add3A_2951 : i32
      %mul3A_2953 = arith.constant 128 : i32
      %mul3A_2954 = arith.muli %add3A_2952, %mul3A_2953 : i32
      %add3A_2955 = arith.constant 56 : i32
      %add3A_2956 = arith.addi %mul3A_2954, %add3A_2955 : i32
      %dma_wait3A_2957 = arith.constant 0 : i32
      %dma_wait3A_2958 = tpu.memref_slice %arg5[%add3A_2956, %dma_wait3A_2957] : memref<524288x128xf32, #tpu.memory_space<hbm>> -> memref<72x128xf32, #tpu.memory_space<hbm>>
      %dma_wait3A_2959 = arith.constant 0 : i32
      %dma_wait3A_2960 = tpu.memref_slice %arg5[%add3A_2956, %dma_wait3A_2959] : memref<524288x128xf32, #tpu.memory_space<hbm>> -> memref<72x128xf32, #tpu.memory_space<hbm>>
      tpu.wait_dma2 semaphore(%arg18 : memref<!tpu.dma_semaphore, #tpu.memory_space<semaphore_mem>>) src(%arg10 : memref<72x128xf32, #tpu.memory_space<vmem>>) dst(%dma_wait3A_2960 : memref<72x128xf32, #tpu.memory_space<hbm>>)
      %mul3A_2961 = arith.constant 2 : i32
      %mul3A_2962 = arith.muli %add3A_2927, %mul3A_2961 : i32
      %add3A_2963 = arith.addi %mul3A_2, %mul3A_2962 : i32
      %add3A_2964 = arith.constant 1 : i32
      %add3A_2965 = arith.addi %add3A_2963, %add3A_2964 : i32
      %mul3A_2966 = arith.constant 128 : i32
      %mul3A_2967 = arith.muli %add3A_2965, %mul3A_2966 : i32
      %dma_wait3A_2968 = arith.constant 3 : i32
      %dma_wait3A_2969 = arith.constant 64 : i32
      %dma_wait3A_2970 = arith.constant 0 : i32
      %dma_wait3A_2971 = tpu.memref_slice %arg9[%dma_wait3A_2968, %dma_wait3A_2969, %dma_wait3A_2970] : memref<4x128x128xf32, #tpu.memory_space<vmem>> -> memref<1x56x128xf32, #tpu.memory_space<vmem>>
      %dma_wait3A_2972 = tpu.memref_squeeze %dma_wait3A_2971 : memref<1x56x128xf32, #tpu.memory_space<vmem>> -> memref<56x128xf32, #tpu.memory_space<vmem>>
      %dma_wait3A_2973 = arith.constant 0 : i32
      %dma_wait3A_2974 = tpu.memref_slice %arg5[%mul3A_2967, %dma_wait3A_2973] : memref<524288x128xf32, #tpu.memory_space<hbm>> -> memref<56x128xf32, #tpu.memory_space<hbm>>
      %dma_wait3A_2975 = arith.constant 0 : i32
      %dma_wait3A_2976 = tpu.memref_slice %arg5[%mul3A_2967, %dma_wait3A_2975] : memref<524288x128xf32, #tpu.memory_space<hbm>> -> memref<56x128xf32, #tpu.memory_space<hbm>>
      %dma_wait3A_2977 = arith.constant 64 : i32
      %dma_wait3A_2978 = arith.constant 0 : i32
      %dma_wait3A_2979 = tpu.memref_slice %arg9[%dma_wait3A_2968, %dma_wait3A_2977, %dma_wait3A_2978] : memref<4x128x128xf32, #tpu.memory_space<vmem>> -> memref<1x56x128xf32, #tpu.memory_space<vmem>>
      %dma_wait3A_2980 = tpu.memref_squeeze %dma_wait3A_2979 : memref<1x56x128xf32, #tpu.memory_space<vmem>> -> memref<56x128xf32, #tpu.memory_space<vmem>>
      tpu.wait_dma2 semaphore(%arg18 : memref<!tpu.dma_semaphore, #tpu.memory_space<semaphore_mem>>) src(%dma_wait3A_2980 : memref<56x128xf32, #tpu.memory_space<vmem>>) dst(%dma_wait3A_2976 : memref<56x128xf32, #tpu.memory_space<hbm>>)
      %mul3A_2981 = arith.constant 2 : i32
      %mul3A_2982 = arith.muli %add3A_2927, %mul3A_2981 : i32
      %add3A_2983 = arith.addi %mul3A_2, %mul3A_2982 : i32
      %add3A_2984 = arith.constant 1 : i32
      %add3A_2985 = arith.addi %add3A_2983, %add3A_2984 : i32
      %mul3A_2986 = arith.constant 128 : i32
      %mul3A_2987 = arith.muli %add3A_2985, %mul3A_2986 : i32
      %add3A_2988 = arith.constant 56 : i32
      %add3A_2989 = arith.addi %mul3A_2987, %add3A_2988 : i32
      %dma_wait3A_2990 = arith.constant 0 : i32
      %dma_wait3A_2991 = tpu.memref_slice %arg5[%add3A_2989, %dma_wait3A_2990] : memref<524288x128xf32, #tpu.memory_space<hbm>> -> memref<72x128xf32, #tpu.memory_space<hbm>>
      %dma_wait3A_2992 = arith.constant 0 : i32
      %dma_wait3A_2993 = tpu.memref_slice %arg5[%add3A_2989, %dma_wait3A_2992] : memref<524288x128xf32, #tpu.memory_space<hbm>> -> memref<72x128xf32, #tpu.memory_space<hbm>>
      tpu.wait_dma2 semaphore(%arg18 : memref<!tpu.dma_semaphore, #tpu.memory_space<semaphore_mem>>) src(%arg10 : memref<72x128xf32, #tpu.memory_space<vmem>>) dst(%dma_wait3A_2993 : memref<72x128xf32, #tpu.memory_space<hbm>>)
      %dma_start3A_2994 = arith.constant 3 : i32
      %dma_start3A_2995 = arith.constant 0 : i32
      %dma_start3A_2996 = arith.constant 0 : i32
      %dma_start3A_2997 = tpu.memref_slice %arg9[%dma_start3A_2994, %dma_start3A_2995, %dma_start3A_2996] : memref<4x128x128xf32, #tpu.memory_space<vmem>> -> memref<1x56x128xf32, #tpu.memory_space<vmem>>
      %dma_start3A_2998 = tpu.memref_squeeze %dma_start3A_2997 : memref<1x56x128xf32, #tpu.memory_space<vmem>> -> memref<56x128xf32, #tpu.memory_space<vmem>>
      %dma_start3A_2999 = arith.constant 384 : i32
      %dma_start3A_3000 = tpu.memref_slice %arg8[%dma_start3A_2999] : memref<512xi32, #tpu.memory_space<vmem>> -> memref<56xi32, #tpu.memory_space<vmem>>
      %dma_start3A_3001 = arith.constant 0 : i32
      %dma_start3A_3002 = arith.constant 0 : i32
      %dma_start3A_3003 = tpu.memref_slice %arg3[%dma_start3A_3001, %dma_start3A_3002] : memref<3584x128xf32, #tpu.memory_space<hbm>> -> memref<3584x128xf32, #tpu.memory_space<hbm>>
      tpu.enqueue_indirect_dma source(%dma_start3A_3003 : memref<3584x128xf32, #tpu.memory_space<hbm>>) target(%dma_start3A_2998 : memref<56x128xf32, #tpu.memory_space<vmem>>) offsets(%dma_start3A_3000 : memref<56xi32, #tpu.memory_space<vmem>>) semaphore(%arg14 : memref<!tpu.dma_semaphore, #tpu.memory_space<semaphore_mem>>)
      %dma_start3A_3004 = arith.constant 3 : i32
      %dma_start3A_3005 = arith.constant 64 : i32
      %dma_start3A_3006 = arith.constant 0 : i32
      %dma_start3A_3007 = tpu.memref_slice %arg9[%dma_start3A_3004, %dma_start3A_3005, %dma_start3A_3006] : memref<4x128x128xf32, #tpu.memory_space<vmem>> -> memref<1x56x128xf32, #tpu.memory_space<vmem>>
      %dma_start3A_3008 = tpu.memref_squeeze %dma_start3A_3007 : memref<1x56x128xf32, #tpu.memory_space<vmem>> -> memref<56x128xf32, #tpu.memory_space<vmem>>
      %dma_start3A_3009 = arith.constant 448 : i32
      %dma_start3A_3010 = tpu.memref_slice %arg8[%dma_start3A_3009] : memref<512xi32, #tpu.memory_space<vmem>> -> memref<56xi32, #tpu.memory_space<vmem>>
      %dma_start3A_3011 = arith.constant 0 : i32
      %dma_start3A_3012 = arith.constant 0 : i32
      %dma_start3A_3013 = tpu.memref_slice %arg3[%dma_start3A_3011, %dma_start3A_3012] : memref<3584x128xf32, #tpu.memory_space<hbm>> -> memref<3584x128xf32, #tpu.memory_space<hbm>>
      tpu.enqueue_indirect_dma source(%dma_start3A_3013 : memref<3584x128xf32, #tpu.memory_space<hbm>>) target(%dma_start3A_3008 : memref<56x128xf32, #tpu.memory_space<vmem>>) offsets(%dma_start3A_3010 : memref<56xi32, #tpu.memory_space<vmem>>) semaphore(%arg14 : memref<!tpu.dma_semaphore, #tpu.memory_space<semaphore_mem>>)
    }
    %scan3A_880 = arith.constant 15 : i32
    %dma_wait3A_881 = arith.constant 0 : i32
    %dma_wait3A_882 = arith.constant 0 : i32
    %dma_wait3A_883 = arith.constant 0 : i32
    %dma_wait3A_884 = tpu.memref_slice %arg9[%dma_wait3A_881, %dma_wait3A_882, %dma_wait3A_883] : memref<4x128x128xf32, #tpu.memory_space<vmem>> -> memref<1x56x128xf32, #tpu.memory_space<vmem>>
    %dma_wait3A_885 = tpu.memref_squeeze %dma_wait3A_884 : memref<1x56x128xf32, #tpu.memory_space<vmem>> -> memref<56x128xf32, #tpu.memory_space<vmem>>
    %dma_wait3A_886 = arith.constant 0 : i32
    %dma_wait3A_887 = tpu.memref_slice %arg8[%dma_wait3A_886] : memref<512xi32, #tpu.memory_space<vmem>> -> memref<56xi32, #tpu.memory_space<vmem>>
    %dma_wait3A_888 = arith.constant 0 : i32
    %dma_wait3A_889 = arith.constant 0 : i32
    %dma_wait3A_890 = tpu.memref_slice %arg3[%dma_wait3A_888, %dma_wait3A_889] : memref<3584x128xf32, #tpu.memory_space<hbm>> -> memref<3584x128xf32, #tpu.memory_space<hbm>>
    tpu.wait_indirect_dma semaphore(%arg11 : memref<!tpu.dma_semaphore, #tpu.memory_space<semaphore_mem>>) src(%dma_wait3A_890 : memref<3584x128xf32, #tpu.memory_space<hbm>>) dst(%dma_wait3A_885 : memref<56x128xf32, #tpu.memory_space<vmem>>)
    %dma_wait3A_891 = arith.constant 0 : i32
    %dma_wait3A_892 = arith.constant 64 : i32
    %dma_wait3A_893 = arith.constant 0 : i32
    %dma_wait3A_894 = tpu.memref_slice %arg9[%dma_wait3A_891, %dma_wait3A_892, %dma_wait3A_893] : memref<4x128x128xf32, #tpu.memory_space<vmem>> -> memref<1x56x128xf32, #tpu.memory_space<vmem>>
    %dma_wait3A_895 = tpu.memref_squeeze %dma_wait3A_894 : memref<1x56x128xf32, #tpu.memory_space<vmem>> -> memref<56x128xf32, #tpu.memory_space<vmem>>
    %dma_wait3A_896 = arith.constant 64 : i32
    %dma_wait3A_897 = tpu.memref_slice %arg8[%dma_wait3A_896] : memref<512xi32, #tpu.memory_space<vmem>> -> memref<56xi32, #tpu.memory_space<vmem>>
    %dma_wait3A_898 = arith.constant 0 : i32
    %dma_wait3A_899 = arith.constant 0 : i32
    %dma_wait3A_900 = tpu.memref_slice %arg3[%dma_wait3A_898, %dma_wait3A_899] : memref<3584x128xf32, #tpu.memory_space<hbm>> -> memref<3584x128xf32, #tpu.memory_space<hbm>>
    tpu.wait_indirect_dma semaphore(%arg11 : memref<!tpu.dma_semaphore, #tpu.memory_space<semaphore_mem>>) src(%dma_wait3A_900 : memref<3584x128xf32, #tpu.memory_space<hbm>>) dst(%dma_wait3A_895 : memref<56x128xf32, #tpu.memory_space<vmem>>)
    %add3A_901 = arith.constant 120 : i32
    %add3A_902 = arith.addi %mul3A_2, %add3A_901 : i32
    %add3A_903 = arith.constant 0 : i32
    %add3A_904 = arith.addi %add3A_902, %add3A_903 : i32
    %mul3A_905 = arith.constant 128 : i32
    %mul3A_906 = arith.muli %add3A_904, %mul3A_905 : i32
    %dma_start3A_907 = arith.constant 0 : i32
    %dma_start3A_908 = arith.constant 0 : i32
    %dma_start3A_909 = arith.constant 0 : i32
    %dma_start3A_910 = tpu.memref_slice %arg9[%dma_start3A_907, %dma_start3A_908, %dma_start3A_909] : memref<4x128x128xf32, #tpu.memory_space<vmem>> -> memref<1x56x128xf32, #tpu.memory_space<vmem>>
    %dma_start3A_911 = tpu.memref_squeeze %dma_start3A_910 : memref<1x56x128xf32, #tpu.memory_space<vmem>> -> memref<56x128xf32, #tpu.memory_space<vmem>>
    %dma_start3A_912 = arith.constant 0 : i32
    %dma_start3A_913 = tpu.memref_slice %arg5[%mul3A_906, %dma_start3A_912] : memref<524288x128xf32, #tpu.memory_space<hbm>> -> memref<56x128xf32, #tpu.memory_space<hbm>>
    %dma_start3A_914 = arith.constant 0 : i32
    %dma_start3A_915 = tpu.memref_slice %arg5[%mul3A_906, %dma_start3A_914] : memref<524288x128xf32, #tpu.memory_space<hbm>> -> memref<56x128xf32, #tpu.memory_space<hbm>>
    %dma_start3A_916 = arith.constant 0 : i32
    %dma_start3A_917 = arith.constant 0 : i32
    %dma_start3A_918 = tpu.memref_slice %arg9[%dma_start3A_907, %dma_start3A_916, %dma_start3A_917] : memref<4x128x128xf32, #tpu.memory_space<vmem>> -> memref<1x56x128xf32, #tpu.memory_space<vmem>>
    %dma_start3A_919 = tpu.memref_squeeze %dma_start3A_918 : memref<1x56x128xf32, #tpu.memory_space<vmem>> -> memref<56x128xf32, #tpu.memory_space<vmem>>
    tpu.enqueue_dma source(%dma_start3A_919 : memref<56x128xf32, #tpu.memory_space<vmem>>) target(%dma_start3A_915 : memref<56x128xf32, #tpu.memory_space<hbm>>) target_semaphore(%arg15 : memref<!tpu.dma_semaphore, #tpu.memory_space<semaphore_mem>>)
    %add3A_920 = arith.constant 120 : i32
    %add3A_921 = arith.addi %mul3A_2, %add3A_920 : i32
    %add3A_922 = arith.constant 0 : i32
    %add3A_923 = arith.addi %add3A_921, %add3A_922 : i32
    %mul3A_924 = arith.constant 128 : i32
    %mul3A_925 = arith.muli %add3A_923, %mul3A_924 : i32
    %add3A_926 = arith.constant 56 : i32
    %add3A_927 = arith.addi %mul3A_925, %add3A_926 : i32
    %dma_start3A_928 = arith.constant 0 : i32
    %dma_start3A_929 = tpu.memref_slice %arg5[%add3A_927, %dma_start3A_928] : memref<524288x128xf32, #tpu.memory_space<hbm>> -> memref<72x128xf32, #tpu.memory_space<hbm>>
    %dma_start3A_930 = arith.constant 0 : i32
    %dma_start3A_931 = tpu.memref_slice %arg5[%add3A_927, %dma_start3A_930] : memref<524288x128xf32, #tpu.memory_space<hbm>> -> memref<72x128xf32, #tpu.memory_space<hbm>>
    tpu.enqueue_dma source(%arg10 : memref<72x128xf32, #tpu.memory_space<vmem>>) target(%dma_start3A_931 : memref<72x128xf32, #tpu.memory_space<hbm>>) target_semaphore(%arg15 : memref<!tpu.dma_semaphore, #tpu.memory_space<semaphore_mem>>)
    %add3A_932 = arith.constant 120 : i32
    %add3A_933 = arith.addi %mul3A_2, %add3A_932 : i32
    %add3A_934 = arith.constant 1 : i32
    %add3A_935 = arith.addi %add3A_933, %add3A_934 : i32
    %mul3A_936 = arith.constant 128 : i32
    %mul3A_937 = arith.muli %add3A_935, %mul3A_936 : i32
    %dma_start3A_938 = arith.constant 0 : i32
    %dma_start3A_939 = arith.constant 64 : i32
    %dma_start3A_940 = arith.constant 0 : i32
    %dma_start3A_941 = tpu.memref_slice %arg9[%dma_start3A_938, %dma_start3A_939, %dma_start3A_940] : memref<4x128x128xf32, #tpu.memory_space<vmem>> -> memref<1x56x128xf32, #tpu.memory_space<vmem>>
    %dma_start3A_942 = tpu.memref_squeeze %dma_start3A_941 : memref<1x56x128xf32, #tpu.memory_space<vmem>> -> memref<56x128xf32, #tpu.memory_space<vmem>>
    %dma_start3A_943 = arith.constant 0 : i32
    %dma_start3A_944 = tpu.memref_slice %arg5[%mul3A_937, %dma_start3A_943] : memref<524288x128xf32, #tpu.memory_space<hbm>> -> memref<56x128xf32, #tpu.memory_space<hbm>>
    %dma_start3A_945 = arith.constant 0 : i32
    %dma_start3A_946 = tpu.memref_slice %arg5[%mul3A_937, %dma_start3A_945] : memref<524288x128xf32, #tpu.memory_space<hbm>> -> memref<56x128xf32, #tpu.memory_space<hbm>>
    %dma_start3A_947 = arith.constant 64 : i32
    %dma_start3A_948 = arith.constant 0 : i32
    %dma_start3A_949 = tpu.memref_slice %arg9[%dma_start3A_938, %dma_start3A_947, %dma_start3A_948] : memref<4x128x128xf32, #tpu.memory_space<vmem>> -> memref<1x56x128xf32, #tpu.memory_space<vmem>>
    %dma_start3A_950 = tpu.memref_squeeze %dma_start3A_949 : memref<1x56x128xf32, #tpu.memory_space<vmem>> -> memref<56x128xf32, #tpu.memory_space<vmem>>
    tpu.enqueue_dma source(%dma_start3A_950 : memref<56x128xf32, #tpu.memory_space<vmem>>) target(%dma_start3A_946 : memref<56x128xf32, #tpu.memory_space<hbm>>) target_semaphore(%arg15 : memref<!tpu.dma_semaphore, #tpu.memory_space<semaphore_mem>>)
    %add3A_951 = arith.constant 120 : i32
    %add3A_952 = arith.addi %mul3A_2, %add3A_951 : i32
    %add3A_953 = arith.constant 1 : i32
    %add3A_954 = arith.addi %add3A_952, %add3A_953 : i32
    %mul3A_955 = arith.constant 128 : i32
    %mul3A_956 = arith.muli %add3A_954, %mul3A_955 : i32
    %add3A_957 = arith.constant 56 : i32
    %add3A_958 = arith.addi %mul3A_956, %add3A_957 : i32
    %dma_start3A_959 = arith.constant 0 : i32
    %dma_start3A_960 = tpu.memref_slice %arg5[%add3A_958, %dma_start3A_959] : memref<524288x128xf32, #tpu.memory_space<hbm>> -> memref<72x128xf32, #tpu.memory_space<hbm>>
    %dma_start3A_961 = arith.constant 0 : i32
    %dma_start3A_962 = tpu.memref_slice %arg5[%add3A_958, %dma_start3A_961] : memref<524288x128xf32, #tpu.memory_space<hbm>> -> memref<72x128xf32, #tpu.memory_space<hbm>>
    tpu.enqueue_dma source(%arg10 : memref<72x128xf32, #tpu.memory_space<vmem>>) target(%dma_start3A_962 : memref<72x128xf32, #tpu.memory_space<hbm>>) target_semaphore(%arg15 : memref<!tpu.dma_semaphore, #tpu.memory_space<semaphore_mem>>)
    %dma_wait3A_963 = arith.constant 1 : i32
    %dma_wait3A_964 = arith.constant 0 : i32
    %dma_wait3A_965 = arith.constant 0 : i32
    %dma_wait3A_966 = tpu.memref_slice %arg9[%dma_wait3A_963, %dma_wait3A_964, %dma_wait3A_965] : memref<4x128x128xf32, #tpu.memory_space<vmem>> -> memref<1x56x128xf32, #tpu.memory_space<vmem>>
    %dma_wait3A_967 = tpu.memref_squeeze %dma_wait3A_966 : memref<1x56x128xf32, #tpu.memory_space<vmem>> -> memref<56x128xf32, #tpu.memory_space<vmem>>
    %dma_wait3A_968 = arith.constant 128 : i32
    %dma_wait3A_969 = tpu.memref_slice %arg8[%dma_wait3A_968] : memref<512xi32, #tpu.memory_space<vmem>> -> memref<56xi32, #tpu.memory_space<vmem>>
    %dma_wait3A_970 = arith.constant 0 : i32
    %dma_wait3A_971 = arith.constant 0 : i32
    %dma_wait3A_972 = tpu.memref_slice %arg3[%dma_wait3A_970, %dma_wait3A_971] : memref<3584x128xf32, #tpu.memory_space<hbm>> -> memref<3584x128xf32, #tpu.memory_space<hbm>>
    tpu.wait_indirect_dma semaphore(%arg12 : memref<!tpu.dma_semaphore, #tpu.memory_space<semaphore_mem>>) src(%dma_wait3A_972 : memref<3584x128xf32, #tpu.memory_space<hbm>>) dst(%dma_wait3A_967 : memref<56x128xf32, #tpu.memory_space<vmem>>)
    %dma_wait3A_973 = arith.constant 1 : i32
    %dma_wait3A_974 = arith.constant 64 : i32
    %dma_wait3A_975 = arith.constant 0 : i32
    %dma_wait3A_976 = tpu.memref_slice %arg9[%dma_wait3A_973, %dma_wait3A_974, %dma_wait3A_975] : memref<4x128x128xf32, #tpu.memory_space<vmem>> -> memref<1x56x128xf32, #tpu.memory_space<vmem>>
    %dma_wait3A_977 = tpu.memref_squeeze %dma_wait3A_976 : memref<1x56x128xf32, #tpu.memory_space<vmem>> -> memref<56x128xf32, #tpu.memory_space<vmem>>
    %dma_wait3A_978 = arith.constant 192 : i32
    %dma_wait3A_979 = tpu.memref_slice %arg8[%dma_wait3A_978] : memref<512xi32, #tpu.memory_space<vmem>> -> memref<56xi32, #tpu.memory_space<vmem>>
    %dma_wait3A_980 = arith.constant 0 : i32
    %dma_wait3A_981 = arith.constant 0 : i32
    %dma_wait3A_982 = tpu.memref_slice %arg3[%dma_wait3A_980, %dma_wait3A_981] : memref<3584x128xf32, #tpu.memory_space<hbm>> -> memref<3584x128xf32, #tpu.memory_space<hbm>>
    tpu.wait_indirect_dma semaphore(%arg12 : memref<!tpu.dma_semaphore, #tpu.memory_space<semaphore_mem>>) src(%dma_wait3A_982 : memref<3584x128xf32, #tpu.memory_space<hbm>>) dst(%dma_wait3A_977 : memref<56x128xf32, #tpu.memory_space<vmem>>)
    %add3A_983 = arith.constant 122 : i32
    %add3A_984 = arith.addi %mul3A_2, %add3A_983 : i32
    %add3A_985 = arith.constant 0 : i32
    %add3A_986 = arith.addi %add3A_984, %add3A_985 : i32
    %mul3A_987 = arith.constant 128 : i32
    %mul3A_988 = arith.muli %add3A_986, %mul3A_987 : i32
    %dma_start3A_989 = arith.constant 1 : i32
    %dma_start3A_990 = arith.constant 0 : i32
    %dma_start3A_991 = arith.constant 0 : i32
    %dma_start3A_992 = tpu.memref_slice %arg9[%dma_start3A_989, %dma_start3A_990, %dma_start3A_991] : memref<4x128x128xf32, #tpu.memory_space<vmem>> -> memref<1x56x128xf32, #tpu.memory_space<vmem>>
    %dma_start3A_993 = tpu.memref_squeeze %dma_start3A_992 : memref<1x56x128xf32, #tpu.memory_space<vmem>> -> memref<56x128xf32, #tpu.memory_space<vmem>>
    %dma_start3A_994 = arith.constant 0 : i32
    %dma_start3A_995 = tpu.memref_slice %arg5[%mul3A_988, %dma_start3A_994] : memref<524288x128xf32, #tpu.memory_space<hbm>> -> memref<56x128xf32, #tpu.memory_space<hbm>>
    %dma_start3A_996 = arith.constant 0 : i32
    %dma_start3A_997 = tpu.memref_slice %arg5[%mul3A_988, %dma_start3A_996] : memref<524288x128xf32, #tpu.memory_space<hbm>> -> memref<56x128xf32, #tpu.memory_space<hbm>>
    %dma_start3A_998 = arith.constant 0 : i32
    %dma_start3A_999 = arith.constant 0 : i32
    %dma_start3A_1000 = tpu.memref_slice %arg9[%dma_start3A_989, %dma_start3A_998, %dma_start3A_999] : memref<4x128x128xf32, #tpu.memory_space<vmem>> -> memref<1x56x128xf32, #tpu.memory_space<vmem>>
    %dma_start3A_1001 = tpu.memref_squeeze %dma_start3A_1000 : memref<1x56x128xf32, #tpu.memory_space<vmem>> -> memref<56x128xf32, #tpu.memory_space<vmem>>
    tpu.enqueue_dma source(%dma_start3A_1001 : memref<56x128xf32, #tpu.memory_space<vmem>>) target(%dma_start3A_997 : memref<56x128xf32, #tpu.memory_space<hbm>>) target_semaphore(%arg16 : memref<!tpu.dma_semaphore, #tpu.memory_space<semaphore_mem>>)
    %add3A_1002 = arith.constant 122 : i32
    %add3A_1003 = arith.addi %mul3A_2, %add3A_1002 : i32
    %add3A_1004 = arith.constant 0 : i32
    %add3A_1005 = arith.addi %add3A_1003, %add3A_1004 : i32
    %mul3A_1006 = arith.constant 128 : i32
    %mul3A_1007 = arith.muli %add3A_1005, %mul3A_1006 : i32
    %add3A_1008 = arith.constant 56 : i32
    %add3A_1009 = arith.addi %mul3A_1007, %add3A_1008 : i32
    %dma_start3A_1010 = arith.constant 0 : i32
    %dma_start3A_1011 = tpu.memref_slice %arg5[%add3A_1009, %dma_start3A_1010] : memref<524288x128xf32, #tpu.memory_space<hbm>> -> memref<72x128xf32, #tpu.memory_space<hbm>>
    %dma_start3A_1012 = arith.constant 0 : i32
    %dma_start3A_1013 = tpu.memref_slice %arg5[%add3A_1009, %dma_start3A_1012] : memref<524288x128xf32, #tpu.memory_space<hbm>> -> memref<72x128xf32, #tpu.memory_space<hbm>>
    tpu.enqueue_dma source(%arg10 : memref<72x128xf32, #tpu.memory_space<vmem>>) target(%dma_start3A_1013 : memref<72x128xf32, #tpu.memory_space<hbm>>) target_semaphore(%arg16 : memref<!tpu.dma_semaphore, #tpu.memory_space<semaphore_mem>>)
    %add3A_1014 = arith.constant 122 : i32
    %add3A_1015 = arith.addi %mul3A_2, %add3A_1014 : i32
    %add3A_1016 = arith.constant 1 : i32
    %add3A_1017 = arith.addi %add3A_1015, %add3A_1016 : i32
    %mul3A_1018 = arith.constant 128 : i32
    %mul3A_1019 = arith.muli %add3A_1017, %mul3A_1018 : i32
    %dma_start3A_1020 = arith.constant 1 : i32
    %dma_start3A_1021 = arith.constant 64 : i32
    %dma_start3A_1022 = arith.constant 0 : i32
    %dma_start3A_1023 = tpu.memref_slice %arg9[%dma_start3A_1020, %dma_start3A_1021, %dma_start3A_1022] : memref<4x128x128xf32, #tpu.memory_space<vmem>> -> memref<1x56x128xf32, #tpu.memory_space<vmem>>
    %dma_start3A_1024 = tpu.memref_squeeze %dma_start3A_1023 : memref<1x56x128xf32, #tpu.memory_space<vmem>> -> memref<56x128xf32, #tpu.memory_space<vmem>>
    %dma_start3A_1025 = arith.constant 0 : i32
    %dma_start3A_1026 = tpu.memref_slice %arg5[%mul3A_1019, %dma_start3A_1025] : memref<524288x128xf32, #tpu.memory_space<hbm>> -> memref<56x128xf32, #tpu.memory_space<hbm>>
    %dma_start3A_1027 = arith.constant 0 : i32
    %dma_start3A_1028 = tpu.memref_slice %arg5[%mul3A_1019, %dma_start3A_1027] : memref<524288x128xf32, #tpu.memory_space<hbm>> -> memref<56x128xf32, #tpu.memory_space<hbm>>
    %dma_start3A_1029 = arith.constant 64 : i32
    %dma_start3A_1030 = arith.constant 0 : i32
    %dma_start3A_1031 = tpu.memref_slice %arg9[%dma_start3A_1020, %dma_start3A_1029, %dma_start3A_1030] : memref<4x128x128xf32, #tpu.memory_space<vmem>> -> memref<1x56x128xf32, #tpu.memory_space<vmem>>
    %dma_start3A_1032 = tpu.memref_squeeze %dma_start3A_1031 : memref<1x56x128xf32, #tpu.memory_space<vmem>> -> memref<56x128xf32, #tpu.memory_space<vmem>>
    tpu.enqueue_dma source(%dma_start3A_1032 : memref<56x128xf32, #tpu.memory_space<vmem>>) target(%dma_start3A_1028 : memref<56x128xf32, #tpu.memory_space<hbm>>) target_semaphore(%arg16 : memref<!tpu.dma_semaphore, #tpu.memory_space<semaphore_mem>>)
    %add3A_1033 = arith.constant 122 : i32
    %add3A_1034 = arith.addi %mul3A_2, %add3A_1033 : i32
    %add3A_1035 = arith.constant 1 : i32
    %add3A_1036 = arith.addi %add3A_1034, %add3A_1035 : i32
    %mul3A_1037 = arith.constant 128 : i32
    %mul3A_1038 = arith.muli %add3A_1036, %mul3A_1037 : i32
    %add3A_1039 = arith.constant 56 : i32
    %add3A_1040 = arith.addi %mul3A_1038, %add3A_1039 : i32
    %dma_start3A_1041 = arith.constant 0 : i32
    %dma_start3A_1042 = tpu.memref_slice %arg5[%add3A_1040, %dma_start3A_1041] : memref<524288x128xf32, #tpu.memory_space<hbm>> -> memref<72x128xf32, #tpu.memory_space<hbm>>
    %dma_start3A_1043 = arith.constant 0 : i32
    %dma_start3A_1044 = tpu.memref_slice %arg5[%add3A_1040, %dma_start3A_1043] : memref<524288x128xf32, #tpu.memory_space<hbm>> -> memref<72x128xf32, #tpu.memory_space<hbm>>
    tpu.enqueue_dma source(%arg10 : memref<72x128xf32, #tpu.memory_space<vmem>>) target(%dma_start3A_1044 : memref<72x128xf32, #tpu.memory_space<hbm>>) target_semaphore(%arg16 : memref<!tpu.dma_semaphore, #tpu.memory_space<semaphore_mem>>)
    %dma_wait3A_1045 = arith.constant 2 : i32
    %dma_wait3A_1046 = arith.constant 0 : i32
    %dma_wait3A_1047 = arith.constant 0 : i32
    %dma_wait3A_1048 = tpu.memref_slice %arg9[%dma_wait3A_1045, %dma_wait3A_1046, %dma_wait3A_1047] : memref<4x128x128xf32, #tpu.memory_space<vmem>> -> memref<1x56x128xf32, #tpu.memory_space<vmem>>
    %dma_wait3A_1049 = tpu.memref_squeeze %dma_wait3A_1048 : memref<1x56x128xf32, #tpu.memory_space<vmem>> -> memref<56x128xf32, #tpu.memory_space<vmem>>
    %dma_wait3A_1050 = arith.constant 256 : i32
    %dma_wait3A_1051 = tpu.memref_slice %arg8[%dma_wait3A_1050] : memref<512xi32, #tpu.memory_space<vmem>> -> memref<56xi32, #tpu.memory_space<vmem>>
    %dma_wait3A_1052 = arith.constant 0 : i32
    %dma_wait3A_1053 = arith.constant 0 : i32
    %dma_wait3A_1054 = tpu.memref_slice %arg3[%dma_wait3A_1052, %dma_wait3A_1053] : memref<3584x128xf32, #tpu.memory_space<hbm>> -> memref<3584x128xf32, #tpu.memory_space<hbm>>
    tpu.wait_indirect_dma semaphore(%arg13 : memref<!tpu.dma_semaphore, #tpu.memory_space<semaphore_mem>>) src(%dma_wait3A_1054 : memref<3584x128xf32, #tpu.memory_space<hbm>>) dst(%dma_wait3A_1049 : memref<56x128xf32, #tpu.memory_space<vmem>>)
    %dma_wait3A_1055 = arith.constant 2 : i32
    %dma_wait3A_1056 = arith.constant 64 : i32
    %dma_wait3A_1057 = arith.constant 0 : i32
    %dma_wait3A_1058 = tpu.memref_slice %arg9[%dma_wait3A_1055, %dma_wait3A_1056, %dma_wait3A_1057] : memref<4x128x128xf32, #tpu.memory_space<vmem>> -> memref<1x56x128xf32, #tpu.memory_space<vmem>>
    %dma_wait3A_1059 = tpu.memref_squeeze %dma_wait3A_1058 : memref<1x56x128xf32, #tpu.memory_space<vmem>> -> memref<56x128xf32, #tpu.memory_space<vmem>>
    %dma_wait3A_1060 = arith.constant 320 : i32
    %dma_wait3A_1061 = tpu.memref_slice %arg8[%dma_wait3A_1060] : memref<512xi32, #tpu.memory_space<vmem>> -> memref<56xi32, #tpu.memory_space<vmem>>
    %dma_wait3A_1062 = arith.constant 0 : i32
    %dma_wait3A_1063 = arith.constant 0 : i32
    %dma_wait3A_1064 = tpu.memref_slice %arg3[%dma_wait3A_1062, %dma_wait3A_1063] : memref<3584x128xf32, #tpu.memory_space<hbm>> -> memref<3584x128xf32, #tpu.memory_space<hbm>>
    tpu.wait_indirect_dma semaphore(%arg13 : memref<!tpu.dma_semaphore, #tpu.memory_space<semaphore_mem>>) src(%dma_wait3A_1064 : memref<3584x128xf32, #tpu.memory_space<hbm>>) dst(%dma_wait3A_1059 : memref<56x128xf32, #tpu.memory_space<vmem>>)
    %add3A_1065 = arith.constant 124 : i32
    %add3A_1066 = arith.addi %mul3A_2, %add3A_1065 : i32
    %add3A_1067 = arith.constant 0 : i32
    %add3A_1068 = arith.addi %add3A_1066, %add3A_1067 : i32
    %mul3A_1069 = arith.constant 128 : i32
    %mul3A_1070 = arith.muli %add3A_1068, %mul3A_1069 : i32
    %dma_start3A_1071 = arith.constant 2 : i32
    %dma_start3A_1072 = arith.constant 0 : i32
    %dma_start3A_1073 = arith.constant 0 : i32
    %dma_start3A_1074 = tpu.memref_slice %arg9[%dma_start3A_1071, %dma_start3A_1072, %dma_start3A_1073] : memref<4x128x128xf32, #tpu.memory_space<vmem>> -> memref<1x56x128xf32, #tpu.memory_space<vmem>>
    %dma_start3A_1075 = tpu.memref_squeeze %dma_start3A_1074 : memref<1x56x128xf32, #tpu.memory_space<vmem>> -> memref<56x128xf32, #tpu.memory_space<vmem>>
    %dma_start3A_1076 = arith.constant 0 : i32
    %dma_start3A_1077 = tpu.memref_slice %arg5[%mul3A_1070, %dma_start3A_1076] : memref<524288x128xf32, #tpu.memory_space<hbm>> -> memref<56x128xf32, #tpu.memory_space<hbm>>
    %dma_start3A_1078 = arith.constant 0 : i32
    %dma_start3A_1079 = tpu.memref_slice %arg5[%mul3A_1070, %dma_start3A_1078] : memref<524288x128xf32, #tpu.memory_space<hbm>> -> memref<56x128xf32, #tpu.memory_space<hbm>>
    %dma_start3A_1080 = arith.constant 0 : i32
    %dma_start3A_1081 = arith.constant 0 : i32
    %dma_start3A_1082 = tpu.memref_slice %arg9[%dma_start3A_1071, %dma_start3A_1080, %dma_start3A_1081] : memref<4x128x128xf32, #tpu.memory_space<vmem>> -> memref<1x56x128xf32, #tpu.memory_space<vmem>>
    %dma_start3A_1083 = tpu.memref_squeeze %dma_start3A_1082 : memref<1x56x128xf32, #tpu.memory_space<vmem>> -> memref<56x128xf32, #tpu.memory_space<vmem>>
    tpu.enqueue_dma source(%dma_start3A_1083 : memref<56x128xf32, #tpu.memory_space<vmem>>) target(%dma_start3A_1079 : memref<56x128xf32, #tpu.memory_space<hbm>>) target_semaphore(%arg17 : memref<!tpu.dma_semaphore, #tpu.memory_space<semaphore_mem>>)
    %add3A_1084 = arith.constant 124 : i32
    %add3A_1085 = arith.addi %mul3A_2, %add3A_1084 : i32
    %add3A_1086 = arith.constant 0 : i32
    %add3A_1087 = arith.addi %add3A_1085, %add3A_1086 : i32
    %mul3A_1088 = arith.constant 128 : i32
    %mul3A_1089 = arith.muli %add3A_1087, %mul3A_1088 : i32
    %add3A_1090 = arith.constant 56 : i32
    %add3A_1091 = arith.addi %mul3A_1089, %add3A_1090 : i32
    %dma_start3A_1092 = arith.constant 0 : i32
    %dma_start3A_1093 = tpu.memref_slice %arg5[%add3A_1091, %dma_start3A_1092] : memref<524288x128xf32, #tpu.memory_space<hbm>> -> memref<72x128xf32, #tpu.memory_space<hbm>>
    %dma_start3A_1094 = arith.constant 0 : i32
    %dma_start3A_1095 = tpu.memref_slice %arg5[%add3A_1091, %dma_start3A_1094] : memref<524288x128xf32, #tpu.memory_space<hbm>> -> memref<72x128xf32, #tpu.memory_space<hbm>>
    tpu.enqueue_dma source(%arg10 : memref<72x128xf32, #tpu.memory_space<vmem>>) target(%dma_start3A_1095 : memref<72x128xf32, #tpu.memory_space<hbm>>) target_semaphore(%arg17 : memref<!tpu.dma_semaphore, #tpu.memory_space<semaphore_mem>>)
    %add3A_1096 = arith.constant 124 : i32
    %add3A_1097 = arith.addi %mul3A_2, %add3A_1096 : i32
    %add3A_1098 = arith.constant 1 : i32
    %add3A_1099 = arith.addi %add3A_1097, %add3A_1098 : i32
    %mul3A_1100 = arith.constant 128 : i32
    %mul3A_1101 = arith.muli %add3A_1099, %mul3A_1100 : i32
    %dma_start3A_1102 = arith.constant 2 : i32
    %dma_start3A_1103 = arith.constant 64 : i32
    %dma_start3A_1104 = arith.constant 0 : i32
    %dma_start3A_1105 = tpu.memref_slice %arg9[%dma_start3A_1102, %dma_start3A_1103, %dma_start3A_1104] : memref<4x128x128xf32, #tpu.memory_space<vmem>> -> memref<1x56x128xf32, #tpu.memory_space<vmem>>
    %dma_start3A_1106 = tpu.memref_squeeze %dma_start3A_1105 : memref<1x56x128xf32, #tpu.memory_space<vmem>> -> memref<56x128xf32, #tpu.memory_space<vmem>>
    %dma_start3A_1107 = arith.constant 0 : i32
    %dma_start3A_1108 = tpu.memref_slice %arg5[%mul3A_1101, %dma_start3A_1107] : memref<524288x128xf32, #tpu.memory_space<hbm>> -> memref<56x128xf32, #tpu.memory_space<hbm>>
    %dma_start3A_1109 = arith.constant 0 : i32
    %dma_start3A_1110 = tpu.memref_slice %arg5[%mul3A_1101, %dma_start3A_1109] : memref<524288x128xf32, #tpu.memory_space<hbm>> -> memref<56x128xf32, #tpu.memory_space<hbm>>
    %dma_start3A_1111 = arith.constant 64 : i32
    %dma_start3A_1112 = arith.constant 0 : i32
    %dma_start3A_1113 = tpu.memref_slice %arg9[%dma_start3A_1102, %dma_start3A_1111, %dma_start3A_1112] : memref<4x128x128xf32, #tpu.memory_space<vmem>> -> memref<1x56x128xf32, #tpu.memory_space<vmem>>
    %dma_start3A_1114 = tpu.memref_squeeze %dma_start3A_1113 : memref<1x56x128xf32, #tpu.memory_space<vmem>> -> memref<56x128xf32, #tpu.memory_space<vmem>>
    tpu.enqueue_dma source(%dma_start3A_1114 : memref<56x128xf32, #tpu.memory_space<vmem>>) target(%dma_start3A_1110 : memref<56x128xf32, #tpu.memory_space<hbm>>) target_semaphore(%arg17 : memref<!tpu.dma_semaphore, #tpu.memory_space<semaphore_mem>>)
    %add3A_1115 = arith.constant 124 : i32
    %add3A_1116 = arith.addi %mul3A_2, %add3A_1115 : i32
    %add3A_1117 = arith.constant 1 : i32
    %add3A_1118 = arith.addi %add3A_1116, %add3A_1117 : i32
    %mul3A_1119 = arith.constant 128 : i32
    %mul3A_1120 = arith.muli %add3A_1118, %mul3A_1119 : i32
    %add3A_1121 = arith.constant 56 : i32
    %add3A_1122 = arith.addi %mul3A_1120, %add3A_1121 : i32
    %dma_start3A_1123 = arith.constant 0 : i32
    %dma_start3A_1124 = tpu.memref_slice %arg5[%add3A_1122, %dma_start3A_1123] : memref<524288x128xf32, #tpu.memory_space<hbm>> -> memref<72x128xf32, #tpu.memory_space<hbm>>
    %dma_start3A_1125 = arith.constant 0 : i32
    %dma_start3A_1126 = tpu.memref_slice %arg5[%add3A_1122, %dma_start3A_1125] : memref<524288x128xf32, #tpu.memory_space<hbm>> -> memref<72x128xf32, #tpu.memory_space<hbm>>
    tpu.enqueue_dma source(%arg10 : memref<72x128xf32, #tpu.memory_space<vmem>>) target(%dma_start3A_1126 : memref<72x128xf32, #tpu.memory_space<hbm>>) target_semaphore(%arg17 : memref<!tpu.dma_semaphore, #tpu.memory_space<semaphore_mem>>)
    %dma_wait3A_1127 = arith.constant 3 : i32
    %dma_wait3A_1128 = arith.constant 0 : i32
    %dma_wait3A_1129 = arith.constant 0 : i32
    %dma_wait3A_1130 = tpu.memref_slice %arg9[%dma_wait3A_1127, %dma_wait3A_1128, %dma_wait3A_1129] : memref<4x128x128xf32, #tpu.memory_space<vmem>> -> memref<1x56x128xf32, #tpu.memory_space<vmem>>
    %dma_wait3A_1131 = tpu.memref_squeeze %dma_wait3A_1130 : memref<1x56x128xf32, #tpu.memory_space<vmem>> -> memref<56x128xf32, #tpu.memory_space<vmem>>
    %dma_wait3A_1132 = arith.constant 384 : i32
    %dma_wait3A_1133 = tpu.memref_slice %arg8[%dma_wait3A_1132] : memref<512xi32, #tpu.memory_space<vmem>> -> memref<56xi32, #tpu.memory_space<vmem>>
    %dma_wait3A_1134 = arith.constant 0 : i32
    %dma_wait3A_1135 = arith.constant 0 : i32
    %dma_wait3A_1136 = tpu.memref_slice %arg3[%dma_wait3A_1134, %dma_wait3A_1135] : memref<3584x128xf32, #tpu.memory_space<hbm>> -> memref<3584x128xf32, #tpu.memory_space<hbm>>
    tpu.wait_indirect_dma semaphore(%arg14 : memref<!tpu.dma_semaphore, #tpu.memory_space<semaphore_mem>>) src(%dma_wait3A_1136 : memref<3584x128xf32, #tpu.memory_space<hbm>>) dst(%dma_wait3A_1131 : memref<56x128xf32, #tpu.memory_space<vmem>>)
    %dma_wait3A_1137 = arith.constant 3 : i32
    %dma_wait3A_1138 = arith.constant 64 : i32
    %dma_wait3A_1139 = arith.constant 0 : i32
    %dma_wait3A_1140 = tpu.memref_slice %arg9[%dma_wait3A_1137, %dma_wait3A_1138, %dma_wait3A_1139] : memref<4x128x128xf32, #tpu.memory_space<vmem>> -> memref<1x56x128xf32, #tpu.memory_space<vmem>>
    %dma_wait3A_1141 = tpu.memref_squeeze %dma_wait3A_1140 : memref<1x56x128xf32, #tpu.memory_space<vmem>> -> memref<56x128xf32, #tpu.memory_space<vmem>>
    %dma_wait3A_1142 = arith.constant 448 : i32
    %dma_wait3A_1143 = tpu.memref_slice %arg8[%dma_wait3A_1142] : memref<512xi32, #tpu.memory_space<vmem>> -> memref<56xi32, #tpu.memory_space<vmem>>
    %dma_wait3A_1144 = arith.constant 0 : i32
    %dma_wait3A_1145 = arith.constant 0 : i32
    %dma_wait3A_1146 = tpu.memref_slice %arg3[%dma_wait3A_1144, %dma_wait3A_1145] : memref<3584x128xf32, #tpu.memory_space<hbm>> -> memref<3584x128xf32, #tpu.memory_space<hbm>>
    tpu.wait_indirect_dma semaphore(%arg14 : memref<!tpu.dma_semaphore, #tpu.memory_space<semaphore_mem>>) src(%dma_wait3A_1146 : memref<3584x128xf32, #tpu.memory_space<hbm>>) dst(%dma_wait3A_1141 : memref<56x128xf32, #tpu.memory_space<vmem>>)
    %add3A_1147 = arith.constant 126 : i32
    %add3A_1148 = arith.addi %mul3A_2, %add3A_1147 : i32
    %add3A_1149 = arith.constant 0 : i32
    %add3A_1150 = arith.addi %add3A_1148, %add3A_1149 : i32
    %mul3A_1151 = arith.constant 128 : i32
    %mul3A_1152 = arith.muli %add3A_1150, %mul3A_1151 : i32
    %dma_start3A_1153 = arith.constant 3 : i32
    %dma_start3A_1154 = arith.constant 0 : i32
    %dma_start3A_1155 = arith.constant 0 : i32
    %dma_start3A_1156 = tpu.memref_slice %arg9[%dma_start3A_1153, %dma_start3A_1154, %dma_start3A_1155] : memref<4x128x128xf32, #tpu.memory_space<vmem>> -> memref<1x56x128xf32, #tpu.memory_space<vmem>>
    %dma_start3A_1157 = tpu.memref_squeeze %dma_start3A_1156 : memref<1x56x128xf32, #tpu.memory_space<vmem>> -> memref<56x128xf32, #tpu.memory_space<vmem>>
    %dma_start3A_1158 = arith.constant 0 : i32
    %dma_start3A_1159 = tpu.memref_slice %arg5[%mul3A_1152, %dma_start3A_1158] : memref<524288x128xf32, #tpu.memory_space<hbm>> -> memref<56x128xf32, #tpu.memory_space<hbm>>
    %dma_start3A_1160 = arith.constant 0 : i32
    %dma_start3A_1161 = tpu.memref_slice %arg5[%mul3A_1152, %dma_start3A_1160] : memref<524288x128xf32, #tpu.memory_space<hbm>> -> memref<56x128xf32, #tpu.memory_space<hbm>>
    %dma_start3A_1162 = arith.constant 0 : i32
    %dma_start3A_1163 = arith.constant 0 : i32
    %dma_start3A_1164 = tpu.memref_slice %arg9[%dma_start3A_1153, %dma_start3A_1162, %dma_start3A_1163] : memref<4x128x128xf32, #tpu.memory_space<vmem>> -> memref<1x56x128xf32, #tpu.memory_space<vmem>>
    %dma_start3A_1165 = tpu.memref_squeeze %dma_start3A_1164 : memref<1x56x128xf32, #tpu.memory_space<vmem>> -> memref<56x128xf32, #tpu.memory_space<vmem>>
    tpu.enqueue_dma source(%dma_start3A_1165 : memref<56x128xf32, #tpu.memory_space<vmem>>) target(%dma_start3A_1161 : memref<56x128xf32, #tpu.memory_space<hbm>>) target_semaphore(%arg18 : memref<!tpu.dma_semaphore, #tpu.memory_space<semaphore_mem>>)
    %add3A_1166 = arith.constant 126 : i32
    %add3A_1167 = arith.addi %mul3A_2, %add3A_1166 : i32
    %add3A_1168 = arith.constant 0 : i32
    %add3A_1169 = arith.addi %add3A_1167, %add3A_1168 : i32
    %mul3A_1170 = arith.constant 128 : i32
    %mul3A_1171 = arith.muli %add3A_1169, %mul3A_1170 : i32
    %add3A_1172 = arith.constant 56 : i32
    %add3A_1173 = arith.addi %mul3A_1171, %add3A_1172 : i32
    %dma_start3A_1174 = arith.constant 0 : i32
    %dma_start3A_1175 = tpu.memref_slice %arg5[%add3A_1173, %dma_start3A_1174] : memref<524288x128xf32, #tpu.memory_space<hbm>> -> memref<72x128xf32, #tpu.memory_space<hbm>>
    %dma_start3A_1176 = arith.constant 0 : i32
    %dma_start3A_1177 = tpu.memref_slice %arg5[%add3A_1173, %dma_start3A_1176] : memref<524288x128xf32, #tpu.memory_space<hbm>> -> memref<72x128xf32, #tpu.memory_space<hbm>>
    tpu.enqueue_dma source(%arg10 : memref<72x128xf32, #tpu.memory_space<vmem>>) target(%dma_start3A_1177 : memref<72x128xf32, #tpu.memory_space<hbm>>) target_semaphore(%arg18 : memref<!tpu.dma_semaphore, #tpu.memory_space<semaphore_mem>>)
    %add3A_1178 = arith.constant 126 : i32
    %add3A_1179 = arith.addi %mul3A_2, %add3A_1178 : i32
    %add3A_1180 = arith.constant 1 : i32
    %add3A_1181 = arith.addi %add3A_1179, %add3A_1180 : i32
    %mul3A_1182 = arith.constant 128 : i32
    %mul3A_1183 = arith.muli %add3A_1181, %mul3A_1182 : i32
    %dma_start3A_1184 = arith.constant 3 : i32
    %dma_start3A_1185 = arith.constant 64 : i32
    %dma_start3A_1186 = arith.constant 0 : i32
    %dma_start3A_1187 = tpu.memref_slice %arg9[%dma_start3A_1184, %dma_start3A_1185, %dma_start3A_1186] : memref<4x128x128xf32, #tpu.memory_space<vmem>> -> memref<1x56x128xf32, #tpu.memory_space<vmem>>
    %dma_start3A_1188 = tpu.memref_squeeze %dma_start3A_1187 : memref<1x56x128xf32, #tpu.memory_space<vmem>> -> memref<56x128xf32, #tpu.memory_space<vmem>>
    %dma_start3A_1189 = arith.constant 0 : i32
    %dma_start3A_1190 = tpu.memref_slice %arg5[%mul3A_1183, %dma_start3A_1189] : memref<524288x128xf32, #tpu.memory_space<hbm>> -> memref<56x128xf32, #tpu.memory_space<hbm>>
    %dma_start3A_1191 = arith.constant 0 : i32
    %dma_start3A_1192 = tpu.memref_slice %arg5[%mul3A_1183, %dma_start3A_1191] : memref<524288x128xf32, #tpu.memory_space<hbm>> -> memref<56x128xf32, #tpu.memory_space<hbm>>
    %dma_start3A_1193 = arith.constant 64 : i32
    %dma_start3A_1194 = arith.constant 0 : i32
    %dma_start3A_1195 = tpu.memref_slice %arg9[%dma_start3A_1184, %dma_start3A_1193, %dma_start3A_1194] : memref<4x128x128xf32, #tpu.memory_space<vmem>> -> memref<1x56x128xf32, #tpu.memory_space<vmem>>
    %dma_start3A_1196 = tpu.memref_squeeze %dma_start3A_1195 : memref<1x56x128xf32, #tpu.memory_space<vmem>> -> memref<56x128xf32, #tpu.memory_space<vmem>>
    tpu.enqueue_dma source(%dma_start3A_1196 : memref<56x128xf32, #tpu.memory_space<vmem>>) target(%dma_start3A_1192 : memref<56x128xf32, #tpu.memory_space<hbm>>) target_semaphore(%arg18 : memref<!tpu.dma_semaphore, #tpu.memory_space<semaphore_mem>>)
    %add3A_1197 = arith.constant 126 : i32
    %add3A_1198 = arith.addi %mul3A_2, %add3A_1197 : i32
    %add3A_1199 = arith.constant 1 : i32
    %add3A_1200 = arith.addi %add3A_1198, %add3A_1199 : i32
    %mul3A_1201 = arith.constant 128 : i32
    %mul3A_1202 = arith.muli %add3A_1200, %mul3A_1201 : i32
    %add3A_1203 = arith.constant 56 : i32
    %add3A_1204 = arith.addi %mul3A_1202, %add3A_1203 : i32
    %dma_start3A_1205 = arith.constant 0 : i32
    %dma_start3A_1206 = tpu.memref_slice %arg5[%add3A_1204, %dma_start3A_1205] : memref<524288x128xf32, #tpu.memory_space<hbm>> -> memref<72x128xf32, #tpu.memory_space<hbm>>
    %dma_start3A_1207 = arith.constant 0 : i32
    %dma_start3A_1208 = tpu.memref_slice %arg5[%add3A_1204, %dma_start3A_1207] : memref<524288x128xf32, #tpu.memory_space<hbm>> -> memref<72x128xf32, #tpu.memory_space<hbm>>
    tpu.enqueue_dma source(%arg10 : memref<72x128xf32, #tpu.memory_space<vmem>>) target(%dma_start3A_1208 : memref<72x128xf32, #tpu.memory_space<hbm>>) target_semaphore(%arg18 : memref<!tpu.dma_semaphore, #tpu.memory_space<semaphore_mem>>)
    %add3A_1209 = arith.constant 120 : i32
    %add3A_1210 = arith.addi %mul3A_2, %add3A_1209 : i32
    %add3A_1211 = arith.constant 0 : i32
    %add3A_1212 = arith.addi %add3A_1210, %add3A_1211 : i32
    %mul3A_1213 = arith.constant 128 : i32
    %mul3A_1214 = arith.muli %add3A_1212, %mul3A_1213 : i32
    %dma_wait3A_1215 = arith.constant 0 : i32
    %dma_wait3A_1216 = arith.constant 0 : i32
    %dma_wait3A_1217 = arith.constant 0 : i32
    %dma_wait3A_1218 = tpu.memref_slice %arg9[%dma_wait3A_1215, %dma_wait3A_1216, %dma_wait3A_1217] : memref<4x128x128xf32, #tpu.memory_space<vmem>> -> memref<1x56x128xf32, #tpu.memory_space<vmem>>
    %dma_wait3A_1219 = tpu.memref_squeeze %dma_wait3A_1218 : memref<1x56x128xf32, #tpu.memory_space<vmem>> -> memref<56x128xf32, #tpu.memory_space<vmem>>
    %dma_wait3A_1220 = arith.constant 0 : i32
    %dma_wait3A_1221 = tpu.memref_slice %arg5[%mul3A_1214, %dma_wait3A_1220] : memref<524288x128xf32, #tpu.memory_space<hbm>> -> memref<56x128xf32, #tpu.memory_space<hbm>>
    %dma_wait3A_1222 = arith.constant 0 : i32
    %dma_wait3A_1223 = tpu.memref_slice %arg5[%mul3A_1214, %dma_wait3A_1222] : memref<524288x128xf32, #tpu.memory_space<hbm>> -> memref<56x128xf32, #tpu.memory_space<hbm>>
    %dma_wait3A_1224 = arith.constant 0 : i32
    %dma_wait3A_1225 = arith.constant 0 : i32
    %dma_wait3A_1226 = tpu.memref_slice %arg9[%dma_wait3A_1215, %dma_wait3A_1224, %dma_wait3A_1225] : memref<4x128x128xf32, #tpu.memory_space<vmem>> -> memref<1x56x128xf32, #tpu.memory_space<vmem>>
    %dma_wait3A_1227 = tpu.memref_squeeze %dma_wait3A_1226 : memref<1x56x128xf32, #tpu.memory_space<vmem>> -> memref<56x128xf32, #tpu.memory_space<vmem>>
    tpu.wait_dma2 semaphore(%arg15 : memref<!tpu.dma_semaphore, #tpu.memory_space<semaphore_mem>>) src(%dma_wait3A_1227 : memref<56x128xf32, #tpu.memory_space<vmem>>) dst(%dma_wait3A_1223 : memref<56x128xf32, #tpu.memory_space<hbm>>)
    %add3A_1228 = arith.constant 120 : i32
    %add3A_1229 = arith.addi %mul3A_2, %add3A_1228 : i32
    %add3A_1230 = arith.constant 0 : i32
    %add3A_1231 = arith.addi %add3A_1229, %add3A_1230 : i32
    %mul3A_1232 = arith.constant 128 : i32
    %mul3A_1233 = arith.muli %add3A_1231, %mul3A_1232 : i32
    %add3A_1234 = arith.constant 56 : i32
    %add3A_1235 = arith.addi %mul3A_1233, %add3A_1234 : i32
    %dma_wait3A_1236 = arith.constant 0 : i32
    %dma_wait3A_1237 = tpu.memref_slice %arg5[%add3A_1235, %dma_wait3A_1236] : memref<524288x128xf32, #tpu.memory_space<hbm>> -> memref<72x128xf32, #tpu.memory_space<hbm>>
    %dma_wait3A_1238 = arith.constant 0 : i32
    %dma_wait3A_1239 = tpu.memref_slice %arg5[%add3A_1235, %dma_wait3A_1238] : memref<524288x128xf32, #tpu.memory_space<hbm>> -> memref<72x128xf32, #tpu.memory_space<hbm>>
    tpu.wait_dma2 semaphore(%arg15 : memref<!tpu.dma_semaphore, #tpu.memory_space<semaphore_mem>>) src(%arg10 : memref<72x128xf32, #tpu.memory_space<vmem>>) dst(%dma_wait3A_1239 : memref<72x128xf32, #tpu.memory_space<hbm>>)
    %add3A_1240 = arith.constant 120 : i32
    %add3A_1241 = arith.addi %mul3A_2, %add3A_1240 : i32
    %add3A_1242 = arith.constant 1 : i32
    %add3A_1243 = arith.addi %add3A_1241, %add3A_1242 : i32
    %mul3A_1244 = arith.constant 128 : i32
    %mul3A_1245 = arith.muli %add3A_1243, %mul3A_1244 : i32
    %dma_wait3A_1246 = arith.constant 0 : i32
    %dma_wait3A_1247 = arith.constant 64 : i32
    %dma_wait3A_1248 = arith.constant 0 : i32
    %dma_wait3A_1249 = tpu.memref_slice %arg9[%dma_wait3A_1246, %dma_wait3A_1247, %dma_wait3A_1248] : memref<4x128x128xf32, #tpu.memory_space<vmem>> -> memref<1x56x128xf32, #tpu.memory_space<vmem>>
    %dma_wait3A_1250 = tpu.memref_squeeze %dma_wait3A_1249 : memref<1x56x128xf32, #tpu.memory_space<vmem>> -> memref<56x128xf32, #tpu.memory_space<vmem>>
    %dma_wait3A_1251 = arith.constant 0 : i32
    %dma_wait3A_1252 = tpu.memref_slice %arg5[%mul3A_1245, %dma_wait3A_1251] : memref<524288x128xf32, #tpu.memory_space<hbm>> -> memref<56x128xf32, #tpu.memory_space<hbm>>
    %dma_wait3A_1253 = arith.constant 0 : i32
    %dma_wait3A_1254 = tpu.memref_slice %arg5[%mul3A_1245, %dma_wait3A_1253] : memref<524288x128xf32, #tpu.memory_space<hbm>> -> memref<56x128xf32, #tpu.memory_space<hbm>>
    %dma_wait3A_1255 = arith.constant 64 : i32
    %dma_wait3A_1256 = arith.constant 0 : i32
    %dma_wait3A_1257 = tpu.memref_slice %arg9[%dma_wait3A_1246, %dma_wait3A_1255, %dma_wait3A_1256] : memref<4x128x128xf32, #tpu.memory_space<vmem>> -> memref<1x56x128xf32, #tpu.memory_space<vmem>>
    %dma_wait3A_1258 = tpu.memref_squeeze %dma_wait3A_1257 : memref<1x56x128xf32, #tpu.memory_space<vmem>> -> memref<56x128xf32, #tpu.memory_space<vmem>>
    tpu.wait_dma2 semaphore(%arg15 : memref<!tpu.dma_semaphore, #tpu.memory_space<semaphore_mem>>) src(%dma_wait3A_1258 : memref<56x128xf32, #tpu.memory_space<vmem>>) dst(%dma_wait3A_1254 : memref<56x128xf32, #tpu.memory_space<hbm>>)
    %add3A_1259 = arith.constant 120 : i32
    %add3A_1260 = arith.addi %mul3A_2, %add3A_1259 : i32
    %add3A_1261 = arith.constant 1 : i32
    %add3A_1262 = arith.addi %add3A_1260, %add3A_1261 : i32
    %mul3A_1263 = arith.constant 128 : i32
    %mul3A_1264 = arith.muli %add3A_1262, %mul3A_1263 : i32
    %add3A_1265 = arith.constant 56 : i32
    %add3A_1266 = arith.addi %mul3A_1264, %add3A_1265 : i32
    %dma_wait3A_1267 = arith.constant 0 : i32
    %dma_wait3A_1268 = tpu.memref_slice %arg5[%add3A_1266, %dma_wait3A_1267] : memref<524288x128xf32, #tpu.memory_space<hbm>> -> memref<72x128xf32, #tpu.memory_space<hbm>>
    %dma_wait3A_1269 = arith.constant 0 : i32
    %dma_wait3A_1270 = tpu.memref_slice %arg5[%add3A_1266, %dma_wait3A_1269] : memref<524288x128xf32, #tpu.memory_space<hbm>> -> memref<72x128xf32, #tpu.memory_space<hbm>>
    tpu.wait_dma2 semaphore(%arg15 : memref<!tpu.dma_semaphore, #tpu.memory_space<semaphore_mem>>) src(%arg10 : memref<72x128xf32, #tpu.memory_space<vmem>>) dst(%dma_wait3A_1270 : memref<72x128xf32, #tpu.memory_space<hbm>>)
    %add3A_1271 = arith.constant 122 : i32
    %add3A_1272 = arith.addi %mul3A_2, %add3A_1271 : i32
    %add3A_1273 = arith.constant 0 : i32
    %add3A_1274 = arith.addi %add3A_1272, %add3A_1273 : i32
    %mul3A_1275 = arith.constant 128 : i32
    %mul3A_1276 = arith.muli %add3A_1274, %mul3A_1275 : i32
    %dma_wait3A_1277 = arith.constant 1 : i32
    %dma_wait3A_1278 = arith.constant 0 : i32
    %dma_wait3A_1279 = arith.constant 0 : i32
    %dma_wait3A_1280 = tpu.memref_slice %arg9[%dma_wait3A_1277, %dma_wait3A_1278, %dma_wait3A_1279] : memref<4x128x128xf32, #tpu.memory_space<vmem>> -> memref<1x56x128xf32, #tpu.memory_space<vmem>>
    %dma_wait3A_1281 = tpu.memref_squeeze %dma_wait3A_1280 : memref<1x56x128xf32, #tpu.memory_space<vmem>> -> memref<56x128xf32, #tpu.memory_space<vmem>>
    %dma_wait3A_1282 = arith.constant 0 : i32
    %dma_wait3A_1283 = tpu.memref_slice %arg5[%mul3A_1276, %dma_wait3A_1282] : memref<524288x128xf32, #tpu.memory_space<hbm>> -> memref<56x128xf32, #tpu.memory_space<hbm>>
    %dma_wait3A_1284 = arith.constant 0 : i32
    %dma_wait3A_1285 = tpu.memref_slice %arg5[%mul3A_1276, %dma_wait3A_1284] : memref<524288x128xf32, #tpu.memory_space<hbm>> -> memref<56x128xf32, #tpu.memory_space<hbm>>
    %dma_wait3A_1286 = arith.constant 0 : i32
    %dma_wait3A_1287 = arith.constant 0 : i32
    %dma_wait3A_1288 = tpu.memref_slice %arg9[%dma_wait3A_1277, %dma_wait3A_1286, %dma_wait3A_1287] : memref<4x128x128xf32, #tpu.memory_space<vmem>> -> memref<1x56x128xf32, #tpu.memory_space<vmem>>
    %dma_wait3A_1289 = tpu.memref_squeeze %dma_wait3A_1288 : memref<1x56x128xf32, #tpu.memory_space<vmem>> -> memref<56x128xf32, #tpu.memory_space<vmem>>
    tpu.wait_dma2 semaphore(%arg16 : memref<!tpu.dma_semaphore, #tpu.memory_space<semaphore_mem>>) src(%dma_wait3A_1289 : memref<56x128xf32, #tpu.memory_space<vmem>>) dst(%dma_wait3A_1285 : memref<56x128xf32, #tpu.memory_space<hbm>>)
    %add3A_1290 = arith.constant 122 : i32
    %add3A_1291 = arith.addi %mul3A_2, %add3A_1290 : i32
    %add3A_1292 = arith.constant 0 : i32
    %add3A_1293 = arith.addi %add3A_1291, %add3A_1292 : i32
    %mul3A_1294 = arith.constant 128 : i32
    %mul3A_1295 = arith.muli %add3A_1293, %mul3A_1294 : i32
    %add3A_1296 = arith.constant 56 : i32
    %add3A_1297 = arith.addi %mul3A_1295, %add3A_1296 : i32
    %dma_wait3A_1298 = arith.constant 0 : i32
    %dma_wait3A_1299 = tpu.memref_slice %arg5[%add3A_1297, %dma_wait3A_1298] : memref<524288x128xf32, #tpu.memory_space<hbm>> -> memref<72x128xf32, #tpu.memory_space<hbm>>
    %dma_wait3A_1300 = arith.constant 0 : i32
    %dma_wait3A_1301 = tpu.memref_slice %arg5[%add3A_1297, %dma_wait3A_1300] : memref<524288x128xf32, #tpu.memory_space<hbm>> -> memref<72x128xf32, #tpu.memory_space<hbm>>
    tpu.wait_dma2 semaphore(%arg16 : memref<!tpu.dma_semaphore, #tpu.memory_space<semaphore_mem>>) src(%arg10 : memref<72x128xf32, #tpu.memory_space<vmem>>) dst(%dma_wait3A_1301 : memref<72x128xf32, #tpu.memory_space<hbm>>)
    %add3A_1302 = arith.constant 122 : i32
    %add3A_1303 = arith.addi %mul3A_2, %add3A_1302 : i32
    %add3A_1304 = arith.constant 1 : i32
    %add3A_1305 = arith.addi %add3A_1303, %add3A_1304 : i32
    %mul3A_1306 = arith.constant 128 : i32
    %mul3A_1307 = arith.muli %add3A_1305, %mul3A_1306 : i32
    %dma_wait3A_1308 = arith.constant 1 : i32
    %dma_wait3A_1309 = arith.constant 64 : i32
    %dma_wait3A_1310 = arith.constant 0 : i32
    %dma_wait3A_1311 = tpu.memref_slice %arg9[%dma_wait3A_1308, %dma_wait3A_1309, %dma_wait3A_1310] : memref<4x128x128xf32, #tpu.memory_space<vmem>> -> memref<1x56x128xf32, #tpu.memory_space<vmem>>
    %dma_wait3A_1312 = tpu.memref_squeeze %dma_wait3A_1311 : memref<1x56x128xf32, #tpu.memory_space<vmem>> -> memref<56x128xf32, #tpu.memory_space<vmem>>
    %dma_wait3A_1313 = arith.constant 0 : i32
    %dma_wait3A_1314 = tpu.memref_slice %arg5[%mul3A_1307, %dma_wait3A_1313] : memref<524288x128xf32, #tpu.memory_space<hbm>> -> memref<56x128xf32, #tpu.memory_space<hbm>>
    %dma_wait3A_1315 = arith.constant 0 : i32
    %dma_wait3A_1316 = tpu.memref_slice %arg5[%mul3A_1307, %dma_wait3A_1315] : memref<524288x128xf32, #tpu.memory_space<hbm>> -> memref<56x128xf32, #tpu.memory_space<hbm>>
    %dma_wait3A_1317 = arith.constant 64 : i32
    %dma_wait3A_1318 = arith.constant 0 : i32
    %dma_wait3A_1319 = tpu.memref_slice %arg9[%dma_wait3A_1308, %dma_wait3A_1317, %dma_wait3A_1318] : memref<4x128x128xf32, #tpu.memory_space<vmem>> -> memref<1x56x128xf32, #tpu.memory_space<vmem>>
    %dma_wait3A_1320 = tpu.memref_squeeze %dma_wait3A_1319 : memref<1x56x128xf32, #tpu.memory_space<vmem>> -> memref<56x128xf32, #tpu.memory_space<vmem>>
    tpu.wait_dma2 semaphore(%arg16 : memref<!tpu.dma_semaphore, #tpu.memory_space<semaphore_mem>>) src(%dma_wait3A_1320 : memref<56x128xf32, #tpu.memory_space<vmem>>) dst(%dma_wait3A_1316 : memref<56x128xf32, #tpu.memory_space<hbm>>)
    %add3A_1321 = arith.constant 122 : i32
    %add3A_1322 = arith.addi %mul3A_2, %add3A_1321 : i32
    %add3A_1323 = arith.constant 1 : i32
    %add3A_1324 = arith.addi %add3A_1322, %add3A_1323 : i32
    %mul3A_1325 = arith.constant 128 : i32
    %mul3A_1326 = arith.muli %add3A_1324, %mul3A_1325 : i32
    %add3A_1327 = arith.constant 56 : i32
    %add3A_1328 = arith.addi %mul3A_1326, %add3A_1327 : i32
    %dma_wait3A_1329 = arith.constant 0 : i32
    %dma_wait3A_1330 = tpu.memref_slice %arg5[%add3A_1328, %dma_wait3A_1329] : memref<524288x128xf32, #tpu.memory_space<hbm>> -> memref<72x128xf32, #tpu.memory_space<hbm>>
    %dma_wait3A_1331 = arith.constant 0 : i32
    %dma_wait3A_1332 = tpu.memref_slice %arg5[%add3A_1328, %dma_wait3A_1331] : memref<524288x128xf32, #tpu.memory_space<hbm>> -> memref<72x128xf32, #tpu.memory_space<hbm>>
    tpu.wait_dma2 semaphore(%arg16 : memref<!tpu.dma_semaphore, #tpu.memory_space<semaphore_mem>>) src(%arg10 : memref<72x128xf32, #tpu.memory_space<vmem>>) dst(%dma_wait3A_1332 : memref<72x128xf32, #tpu.memory_space<hbm>>)
    %add3A_1333 = arith.constant 124 : i32
    %add3A_1334 = arith.addi %mul3A_2, %add3A_1333 : i32
    %add3A_1335 = arith.constant 0 : i32
    %add3A_1336 = arith.addi %add3A_1334, %add3A_1335 : i32
    %mul3A_1337 = arith.constant 128 : i32
    %mul3A_1338 = arith.muli %add3A_1336, %mul3A_1337 : i32
    %dma_wait3A_1339 = arith.constant 2 : i32
    %dma_wait3A_1340 = arith.constant 0 : i32
    %dma_wait3A_1341 = arith.constant 0 : i32
    %dma_wait3A_1342 = tpu.memref_slice %arg9[%dma_wait3A_1339, %dma_wait3A_1340, %dma_wait3A_1341] : memref<4x128x128xf32, #tpu.memory_space<vmem>> -> memref<1x56x128xf32, #tpu.memory_space<vmem>>
    %dma_wait3A_1343 = tpu.memref_squeeze %dma_wait3A_1342 : memref<1x56x128xf32, #tpu.memory_space<vmem>> -> memref<56x128xf32, #tpu.memory_space<vmem>>
    %dma_wait3A_1344 = arith.constant 0 : i32
    %dma_wait3A_1345 = tpu.memref_slice %arg5[%mul3A_1338, %dma_wait3A_1344] : memref<524288x128xf32, #tpu.memory_space<hbm>> -> memref<56x128xf32, #tpu.memory_space<hbm>>
    %dma_wait3A_1346 = arith.constant 0 : i32
    %dma_wait3A_1347 = tpu.memref_slice %arg5[%mul3A_1338, %dma_wait3A_1346] : memref<524288x128xf32, #tpu.memory_space<hbm>> -> memref<56x128xf32, #tpu.memory_space<hbm>>
    %dma_wait3A_1348 = arith.constant 0 : i32
    %dma_wait3A_1349 = arith.constant 0 : i32
    %dma_wait3A_1350 = tpu.memref_slice %arg9[%dma_wait3A_1339, %dma_wait3A_1348, %dma_wait3A_1349] : memref<4x128x128xf32, #tpu.memory_space<vmem>> -> memref<1x56x128xf32, #tpu.memory_space<vmem>>
    %dma_wait3A_1351 = tpu.memref_squeeze %dma_wait3A_1350 : memref<1x56x128xf32, #tpu.memory_space<vmem>> -> memref<56x128xf32, #tpu.memory_space<vmem>>
    tpu.wait_dma2 semaphore(%arg17 : memref<!tpu.dma_semaphore, #tpu.memory_space<semaphore_mem>>) src(%dma_wait3A_1351 : memref<56x128xf32, #tpu.memory_space<vmem>>) dst(%dma_wait3A_1347 : memref<56x128xf32, #tpu.memory_space<hbm>>)
    %add3A_1352 = arith.constant 124 : i32
    %add3A_1353 = arith.addi %mul3A_2, %add3A_1352 : i32
    %add3A_1354 = arith.constant 0 : i32
    %add3A_1355 = arith.addi %add3A_1353, %add3A_1354 : i32
    %mul3A_1356 = arith.constant 128 : i32
    %mul3A_1357 = arith.muli %add3A_1355, %mul3A_1356 : i32
    %add3A_1358 = arith.constant 56 : i32
    %add3A_1359 = arith.addi %mul3A_1357, %add3A_1358 : i32
    %dma_wait3A_1360 = arith.constant 0 : i32
    %dma_wait3A_1361 = tpu.memref_slice %arg5[%add3A_1359, %dma_wait3A_1360] : memref<524288x128xf32, #tpu.memory_space<hbm>> -> memref<72x128xf32, #tpu.memory_space<hbm>>
    %dma_wait3A_1362 = arith.constant 0 : i32
    %dma_wait3A_1363 = tpu.memref_slice %arg5[%add3A_1359, %dma_wait3A_1362] : memref<524288x128xf32, #tpu.memory_space<hbm>> -> memref<72x128xf32, #tpu.memory_space<hbm>>
    tpu.wait_dma2 semaphore(%arg17 : memref<!tpu.dma_semaphore, #tpu.memory_space<semaphore_mem>>) src(%arg10 : memref<72x128xf32, #tpu.memory_space<vmem>>) dst(%dma_wait3A_1363 : memref<72x128xf32, #tpu.memory_space<hbm>>)
    %add3A_1364 = arith.constant 124 : i32
    %add3A_1365 = arith.addi %mul3A_2, %add3A_1364 : i32
    %add3A_1366 = arith.constant 1 : i32
    %add3A_1367 = arith.addi %add3A_1365, %add3A_1366 : i32
    %mul3A_1368 = arith.constant 128 : i32
    %mul3A_1369 = arith.muli %add3A_1367, %mul3A_1368 : i32
    %dma_wait3A_1370 = arith.constant 2 : i32
    %dma_wait3A_1371 = arith.constant 64 : i32
    %dma_wait3A_1372 = arith.constant 0 : i32
    %dma_wait3A_1373 = tpu.memref_slice %arg9[%dma_wait3A_1370, %dma_wait3A_1371, %dma_wait3A_1372] : memref<4x128x128xf32, #tpu.memory_space<vmem>> -> memref<1x56x128xf32, #tpu.memory_space<vmem>>
    %dma_wait3A_1374 = tpu.memref_squeeze %dma_wait3A_1373 : memref<1x56x128xf32, #tpu.memory_space<vmem>> -> memref<56x128xf32, #tpu.memory_space<vmem>>
    %dma_wait3A_1375 = arith.constant 0 : i32
    %dma_wait3A_1376 = tpu.memref_slice %arg5[%mul3A_1369, %dma_wait3A_1375] : memref<524288x128xf32, #tpu.memory_space<hbm>> -> memref<56x128xf32, #tpu.memory_space<hbm>>
    %dma_wait3A_1377 = arith.constant 0 : i32
    %dma_wait3A_1378 = tpu.memref_slice %arg5[%mul3A_1369, %dma_wait3A_1377] : memref<524288x128xf32, #tpu.memory_space<hbm>> -> memref<56x128xf32, #tpu.memory_space<hbm>>
    %dma_wait3A_1379 = arith.constant 64 : i32
    %dma_wait3A_1380 = arith.constant 0 : i32
    %dma_wait3A_1381 = tpu.memref_slice %arg9[%dma_wait3A_1370, %dma_wait3A_1379, %dma_wait3A_1380] : memref<4x128x128xf32, #tpu.memory_space<vmem>> -> memref<1x56x128xf32, #tpu.memory_space<vmem>>
    %dma_wait3A_1382 = tpu.memref_squeeze %dma_wait3A_1381 : memref<1x56x128xf32, #tpu.memory_space<vmem>> -> memref<56x128xf32, #tpu.memory_space<vmem>>
    tpu.wait_dma2 semaphore(%arg17 : memref<!tpu.dma_semaphore, #tpu.memory_space<semaphore_mem>>) src(%dma_wait3A_1382 : memref<56x128xf32, #tpu.memory_space<vmem>>) dst(%dma_wait3A_1378 : memref<56x128xf32, #tpu.memory_space<hbm>>)
    %add3A_1383 = arith.constant 124 : i32
    %add3A_1384 = arith.addi %mul3A_2, %add3A_1383 : i32
    %add3A_1385 = arith.constant 1 : i32
    %add3A_1386 = arith.addi %add3A_1384, %add3A_1385 : i32
    %mul3A_1387 = arith.constant 128 : i32
    %mul3A_1388 = arith.muli %add3A_1386, %mul3A_1387 : i32
    %add3A_1389 = arith.constant 56 : i32
    %add3A_1390 = arith.addi %mul3A_1388, %add3A_1389 : i32
    %dma_wait3A_1391 = arith.constant 0 : i32
    %dma_wait3A_1392 = tpu.memref_slice %arg5[%add3A_1390, %dma_wait3A_1391] : memref<524288x128xf32, #tpu.memory_space<hbm>> -> memref<72x128xf32, #tpu.memory_space<hbm>>
    %dma_wait3A_1393 = arith.constant 0 : i32
    %dma_wait3A_1394 = tpu.memref_slice %arg5[%add3A_1390, %dma_wait3A_1393] : memref<524288x128xf32, #tpu.memory_space<hbm>> -> memref<72x128xf32, #tpu.memory_space<hbm>>
    tpu.wait_dma2 semaphore(%arg17 : memref<!tpu.dma_semaphore, #tpu.memory_space<semaphore_mem>>) src(%arg10 : memref<72x128xf32, #tpu.memory_space<vmem>>) dst(%dma_wait3A_1394 : memref<72x128xf32, #tpu.memory_space<hbm>>)
    %add3A_1395 = arith.constant 126 : i32
    %add3A_1396 = arith.addi %mul3A_2, %add3A_1395 : i32
    %add3A_1397 = arith.constant 0 : i32
    %add3A_1398 = arith.addi %add3A_1396, %add3A_1397 : i32
    %mul3A_1399 = arith.constant 128 : i32
    %mul3A_1400 = arith.muli %add3A_1398, %mul3A_1399 : i32
    %dma_wait3A_1401 = arith.constant 3 : i32
    %dma_wait3A_1402 = arith.constant 0 : i32
    %dma_wait3A_1403 = arith.constant 0 : i32
    %dma_wait3A_1404 = tpu.memref_slice %arg9[%dma_wait3A_1401, %dma_wait3A_1402, %dma_wait3A_1403] : memref<4x128x128xf32, #tpu.memory_space<vmem>> -> memref<1x56x128xf32, #tpu.memory_space<vmem>>
    %dma_wait3A_1405 = tpu.memref_squeeze %dma_wait3A_1404 : memref<1x56x128xf32, #tpu.memory_space<vmem>> -> memref<56x128xf32, #tpu.memory_space<vmem>>
    %dma_wait3A_1406 = arith.constant 0 : i32
    %dma_wait3A_1407 = tpu.memref_slice %arg5[%mul3A_1400, %dma_wait3A_1406] : memref<524288x128xf32, #tpu.memory_space<hbm>> -> memref<56x128xf32, #tpu.memory_space<hbm>>
    %dma_wait3A_1408 = arith.constant 0 : i32
    %dma_wait3A_1409 = tpu.memref_slice %arg5[%mul3A_1400, %dma_wait3A_1408] : memref<524288x128xf32, #tpu.memory_space<hbm>> -> memref<56x128xf32, #tpu.memory_space<hbm>>
    %dma_wait3A_1410 = arith.constant 0 : i32
    %dma_wait3A_1411 = arith.constant 0 : i32
    %dma_wait3A_1412 = tpu.memref_slice %arg9[%dma_wait3A_1401, %dma_wait3A_1410, %dma_wait3A_1411] : memref<4x128x128xf32, #tpu.memory_space<vmem>> -> memref<1x56x128xf32, #tpu.memory_space<vmem>>
    %dma_wait3A_1413 = tpu.memref_squeeze %dma_wait3A_1412 : memref<1x56x128xf32, #tpu.memory_space<vmem>> -> memref<56x128xf32, #tpu.memory_space<vmem>>
    tpu.wait_dma2 semaphore(%arg18 : memref<!tpu.dma_semaphore, #tpu.memory_space<semaphore_mem>>) src(%dma_wait3A_1413 : memref<56x128xf32, #tpu.memory_space<vmem>>) dst(%dma_wait3A_1409 : memref<56x128xf32, #tpu.memory_space<hbm>>)
    %add3A_1414 = arith.constant 126 : i32
    %add3A_1415 = arith.addi %mul3A_2, %add3A_1414 : i32
    %add3A_1416 = arith.constant 0 : i32
    %add3A_1417 = arith.addi %add3A_1415, %add3A_1416 : i32
    %mul3A_1418 = arith.constant 128 : i32
    %mul3A_1419 = arith.muli %add3A_1417, %mul3A_1418 : i32
    %add3A_1420 = arith.constant 56 : i32
    %add3A_1421 = arith.addi %mul3A_1419, %add3A_1420 : i32
    %dma_wait3A_1422 = arith.constant 0 : i32
    %dma_wait3A_1423 = tpu.memref_slice %arg5[%add3A_1421, %dma_wait3A_1422] : memref<524288x128xf32, #tpu.memory_space<hbm>> -> memref<72x128xf32, #tpu.memory_space<hbm>>
    %dma_wait3A_1424 = arith.constant 0 : i32
    %dma_wait3A_1425 = tpu.memref_slice %arg5[%add3A_1421, %dma_wait3A_1424] : memref<524288x128xf32, #tpu.memory_space<hbm>> -> memref<72x128xf32, #tpu.memory_space<hbm>>
    tpu.wait_dma2 semaphore(%arg18 : memref<!tpu.dma_semaphore, #tpu.memory_space<semaphore_mem>>) src(%arg10 : memref<72x128xf32, #tpu.memory_space<vmem>>) dst(%dma_wait3A_1425 : memref<72x128xf32, #tpu.memory_space<hbm>>)
    %add3A_1426 = arith.constant 126 : i32
    %add3A_1427 = arith.addi %mul3A_2, %add3A_1426 : i32
    %add3A_1428 = arith.constant 1 : i32
    %add3A_1429 = arith.addi %add3A_1427, %add3A_1428 : i32
    %mul3A_1430 = arith.constant 128 : i32
    %mul3A_1431 = arith.muli %add3A_1429, %mul3A_1430 : i32
    %dma_wait3A_1432 = arith.constant 3 : i32
    %dma_wait3A_1433 = arith.constant 64 : i32
    %dma_wait3A_1434 = arith.constant 0 : i32
    %dma_wait3A_1435 = tpu.memref_slice %arg9[%dma_wait3A_1432, %dma_wait3A_1433, %dma_wait3A_1434] : memref<4x128x128xf32, #tpu.memory_space<vmem>> -> memref<1x56x128xf32, #tpu.memory_space<vmem>>
    %dma_wait3A_1436 = tpu.memref_squeeze %dma_wait3A_1435 : memref<1x56x128xf32, #tpu.memory_space<vmem>> -> memref<56x128xf32, #tpu.memory_space<vmem>>
    %dma_wait3A_1437 = arith.constant 0 : i32
    %dma_wait3A_1438 = tpu.memref_slice %arg5[%mul3A_1431, %dma_wait3A_1437] : memref<524288x128xf32, #tpu.memory_space<hbm>> -> memref<56x128xf32, #tpu.memory_space<hbm>>
    %dma_wait3A_1439 = arith.constant 0 : i32
    %dma_wait3A_1440 = tpu.memref_slice %arg5[%mul3A_1431, %dma_wait3A_1439] : memref<524288x128xf32, #tpu.memory_space<hbm>> -> memref<56x128xf32, #tpu.memory_space<hbm>>
    %dma_wait3A_1441 = arith.constant 64 : i32
    %dma_wait3A_1442 = arith.constant 0 : i32
    %dma_wait3A_1443 = tpu.memref_slice %arg9[%dma_wait3A_1432, %dma_wait3A_1441, %dma_wait3A_1442] : memref<4x128x128xf32, #tpu.memory_space<vmem>> -> memref<1x56x128xf32, #tpu.memory_space<vmem>>
    %dma_wait3A_1444 = tpu.memref_squeeze %dma_wait3A_1443 : memref<1x56x128xf32, #tpu.memory_space<vmem>> -> memref<56x128xf32, #tpu.memory_space<vmem>>
    tpu.wait_dma2 semaphore(%arg18 : memref<!tpu.dma_semaphore, #tpu.memory_space<semaphore_mem>>) src(%dma_wait3A_1444 : memref<56x128xf32, #tpu.memory_space<vmem>>) dst(%dma_wait3A_1440 : memref<56x128xf32, #tpu.memory_space<hbm>>)
    %add3A_1445 = arith.constant 126 : i32
    %add3A_1446 = arith.addi %mul3A_2, %add3A_1445 : i32
    %add3A_1447 = arith.constant 1 : i32
    %add3A_1448 = arith.addi %add3A_1446, %add3A_1447 : i32
    %mul3A_1449 = arith.constant 128 : i32
    %mul3A_1450 = arith.muli %add3A_1448, %mul3A_1449 : i32
    %add3A_1451 = arith.constant 56 : i32
    %add3A_1452 = arith.addi %mul3A_1450, %add3A_1451 : i32
    %dma_wait3A_1453 = arith.constant 0 : i32
    %dma_wait3A_1454 = tpu.memref_slice %arg5[%add3A_1452, %dma_wait3A_1453] : memref<524288x128xf32, #tpu.memory_space<hbm>> -> memref<72x128xf32, #tpu.memory_space<hbm>>
    %dma_wait3A_1455 = arith.constant 0 : i32
    %dma_wait3A_1456 = tpu.memref_slice %arg5[%add3A_1452, %dma_wait3A_1455] : memref<524288x128xf32, #tpu.memory_space<hbm>> -> memref<72x128xf32, #tpu.memory_space<hbm>>
    tpu.wait_dma2 semaphore(%arg18 : memref<!tpu.dma_semaphore, #tpu.memory_space<semaphore_mem>>) src(%arg10 : memref<72x128xf32, #tpu.memory_space<vmem>>) dst(%dma_wait3A_1456 : memref<72x128xf32, #tpu.memory_space<hbm>>)
    %mul3A_1457 = arith.constant 128 : i32
    %mul3A_1458 = arith.muli %mul3A_2, %mul3A_1457 : i32
    "tpu.region"() ({
      %run_scoped3A = tpu.sem_alloc : memref<!tpu.dma_semaphore, #tpu.memory_space<semaphore_mem>>
      %dma_start3A_1459 = tpu.memref_slice %arg4[%mul3A_1458] : memref<524288xi32, #tpu.memory_space<hbm>> -> memref<16384xi32, #tpu.memory_space<hbm>>
      %dma_start3A_1460 = tpu.memref_slice %arg4[%mul3A_1458] : memref<524288xi32, #tpu.memory_space<hbm>> -> memref<16384xi32, #tpu.memory_space<hbm>>
      tpu.enqueue_dma source(%arg7 : memref<16384xi32, #tpu.memory_space<vmem>>) target(%dma_start3A_1460 : memref<16384xi32, #tpu.memory_space<hbm>>) target_semaphore(%run_scoped3A : memref<!tpu.dma_semaphore, #tpu.memory_space<semaphore_mem>>)
      %dma_wait3A_1461 = tpu.memref_slice %arg4[%mul3A_1458] : memref<524288xi32, #tpu.memory_space<hbm>> -> memref<16384xi32, #tpu.memory_space<hbm>>
      %dma_wait3A_1462 = tpu.memref_slice %arg4[%mul3A_1458] : memref<524288xi32, #tpu.memory_space<hbm>> -> memref<16384xi32, #tpu.memory_space<hbm>>
      tpu.wait_dma2 semaphore(%run_scoped3A : memref<!tpu.dma_semaphore, #tpu.memory_space<semaphore_mem>>) src(%arg7 : memref<16384xi32, #tpu.memory_space<vmem>>) dst(%dma_wait3A_1462 : memref<16384xi32, #tpu.memory_space<hbm>>)
      tpu.yield
    }) : () -> ()
    return
  }
}

</mosaic_0001>

<sc_bundles>
// kernel: kernel.3.cloned.1.call-start
scs
__scs_entry_jumppad:
0x0: {  	(pc) =	sbr.rel $0x88, $3  }
0x1: {  	(tag) =	ssettag $0x0;
	lr =	simm.s32 $0x1  }
0x2: {  	[smem:$0x3F9F] =	sst lr;
	_ =	strace $0xD0000000  }
0x3: {  	_ = 	snop  }
0x4: {  	_ = 	snop  }
0x5: {  	_ = 	snop  }
0x6: {  	_ = 	snop  }
0x7: {  	_ = 	snop  }
__scs_overlays_trampoline_lowered:
0x8: {  	[smem:$0x3FAE] =	sst s0  }
0x9: {  	[smem:$0x3FAF] =	sst s1  }
0xa: {  	[smem:$0x3FB0] =	sst s2  }
0xb: {  	[smem:$0x3FB1] =	sst s3  }
0xc: {  	[smem:$0x3FB2] =	sst s4  }
0xd: {  	[smem:$0x3FB3] =	sst s5  }
0xe: {  	[smem:$0x3FB4] =	sst s6  }
0xf: {  	[smem:$0x3FB5] =	sst s7  }
0x10: {  	[smem:$0x3FB6] =	sst s8  }
0x11: {  	[smem:$0x3FB7] =	sst s9;
	s0 =	simm.s32 @!p0 $0x0  }
0x12: {  	s1 =	sld [smem:$0x3F9D];
	s0 =	simm.s32 @p0 $0x1  }
0x13: {  	[smem:$0x3FB8] =	sst s0;
	s0 =	simm.s32 @!p1 $0x0  }
0x14: {  	s2 =	sld [smem:$0x3F9C];
	s0 =	simm.s32 @p1 $0x1  }
0x15: {  	[smem:$0x3FB9] =	sst s0;
	s0 =	simm.s32 @!p2 $0x0  }
0x16: {  	s3 =	sld [smem:$0x3FDB];
	s0 =	simm.s32 @p2 $0x1  }
0x17: {  	s4 =	simm.s32 $0x1BF5;
	[smem:$0x3FBB] =	sst s0  }
0x18: {  	s0 =	sld [smem:$0x3F9E];
	_ =	swait.ge [sflag:s4], $0x0  }
0x19: {  	s7 =	sld [smem:$0x3F9F]  }
0x1a: {  	s8 =	sadd.s32 $0xFFFFE003, lr  }
0x1b: {  	s9 =	sadd.s32 $0xFFFFFEF7, lr;
	s5 =	simm.s32 $0xFFFFFFFF;
	p2 =	slt.u32 s8, $0xFFFFF086  }
0x1c: {  	p1 =	slt.u32 s9, $0xF7A;
	s5 =	simm.s32 @!p2 $0x0  }
0x1d: {  	s5 =	simm.s32 @p1 $0x1;
	p0 =	seq.s32 s7, s2  }
0x1e: {  	s7 =	smul.u32 @!p0 $0xF7A, s2;
	p2 =	seq.s32 @!p0 s5, $0x0  }
0x1f: {  	s9 =	smul.u32 $0xF7A, s1;
	s8 =	simm.s32 @!p0 $0x1BF5;
	p2 =	por !p2, p0  }
0x20: {  	[sflag:s8] =	ssyncset.s32 @!p0 $0xFFFFF086;
	s6 =	sadd.s32 @!p0 s3, s7;
	s7 =	simm.s32 @!p0 $0x108  }
0x21: {  	s3 =	sadd.s32 s3, s9;
	s6 =	sadd.s32 @!p0 $0x88, s6;
	s7 =	simm.s32 @p2 $0x1082  }
0x22: {  	[simem:s7], [sflag:s8] =	dma.local @!p0 [hbm:s6], $0xF7A  }
0x23: {  	s9 =	sor.u32 $0xD0000000, s2;
	s6 =	simm.s32 $0x108;
	_ =	swait.ge @!p0 [sflag:s8], $0x0  }
0x24: {  	s3 =	sadd.s32 $0x88, s3;
	s6 =	simm.s32 @!p1 $0x1082;
	[sflag:s4] =	ssyncset.s32 $0xFFFFF086  }
0x25: {  	[simem:s6], [sflag:s4] =	dma.local [hbm:s3], $0xF7A  }
0x26: {  	[smem:$0x3F9F] =	sst s1;
	(tag) =	ssettag s2;
	_ =	strace s9  }
0x27: {  	s1 =	sld [smem:$0x3FAF]  }
0x28: {  	s2 =	sld [smem:$0x3FB0]  }
0x29: {  	s4 =	sld [smem:$0x3FB2]  }
0x2a: {  	p0 =	seq.s32 s5, $0x0;
	s5 =	sld [smem:$0x3FB3]  }
0x2b: {  	s6 =	sld [smem:$0x3FB4]  }
0x2c: {  	s7 =	sld [smem:$0x3FB5]  }
0x2d: {  	s3 =	simm.s32 $0x108;
	s8 =	sld [smem:$0x3FB6]  }
0x2e: {  	s3 =	simm.s32 @!p0 $0x1082;
	s9 =	sld [smem:$0x3FB7]  }
0x2f: {  	lr =	sadd.s32 s0, s3;
	s0 =	sld [smem:$0x3FAE]  }
0x30: {  	s3 =	sld [smem:$0x3FB1]  }
0x31: {  	[smem:$0x3FBA] =	sst s10  }
0x32: {  	s10 =	sld [smem:$0x3FB8];
	_ =	sdelay $0x3  }
0x33: {  	p0 =	seq.s32 s10, $0x1;
	s10 =	sld [smem:$0x3FBA];
	_ =	sdelay $0x3  }
0x34: {  	[smem:$0x3FBA] =	sst s10  }
0x35: {  	s10 =	sld [smem:$0x3FB9];
	_ =	sdelay $0x3  }
0x36: {  	p1 =	seq.s32 s10, $0x1;
	s10 =	sld [smem:$0x3FBA];
	_ =	sdelay $0x3  }
0x37: {  	[smem:$0x3FBA] =	sst s10  }
0x38: {  	s10 =	sld [smem:$0x3FBB]  }
0x39: {  	_ = 	snop;
	(pc) =	sbr.ind lr, $3  }
0x3a: {  	_ = 	snop  }
0x3b: {  	_ = 	snop  }
0x3c: {  	p2 =	seq.s32 s10, $0x1;
	s10 =	sld [smem:$0x3FBA]  }
0x3d: {  	_ =	shalt  }
0x3e: {  	_ =	shalt  }
0x3f: {  	_ =	shalt  }
0x40: {  	_ =	shalt  }
0x41: {  	_ =	shalt  }
0x42: {  	_ =	shalt  }
0x43: {  	_ =	shalt  }
0x44: {  	_ =	shalt  }
0x45: {  	_ =	shalt  }
0x46: {  	_ =	shalt  }
0x47: {  	_ =	shalt  }
0x48: {  	_ =	shalt  }
0x49: {  	_ =	shalt  }
0x4a: {  	_ =	shalt  }
0x4b: {  	_ =	shalt  }
0x4c: {  	_ =	shalt  }
0x4d: {  	_ =	shalt  }
0x4e: {  	_ =	shalt  }
0x4f: {  	_ =	shalt  }
0x50: {  	_ =	shalt  }
0x51: {  	_ =	shalt  }
0x52: {  	_ =	shalt  }
0x53: {  	_ =	shalt  }
0x54: {  	_ =	shalt  }
0x55: {  	_ =	shalt  }
0x56: {  	_ =	shalt  }
0x57: {  	_ =	shalt  }
0x58: {  	_ =	shalt  }
0x59: {  	_ =	shalt  }
0x5a: {  	_ =	shalt  }
0x5b: {  	_ =	shalt  }
0x5c: {  	_ =	shalt  }
0x5d: {  	_ =	shalt  }
0x5e: {  	_ =	shalt  }
0x5f: {  	_ =	shalt  }
0x60: {  	_ =	shalt  }
0x61: {  	_ =	shalt  }
0x62: {  	_ =	shalt  }
0x63: {  	_ =	shalt  }
0x64: {  	_ =	shalt  }
0x65: {  	_ =	shalt  }
0x66: {  	_ =	shalt  }
0x67: {  	_ =	shalt  }
0x68: {  	_ =	shalt  }
0x69: {  	_ =	shalt  }
0x6a: {  	_ =	shalt  }
0x6b: {  	_ =	shalt  }
0x6c: {  	_ =	shalt  }
0x6d: {  	_ =	shalt  }
0x6e: {  	_ =	shalt  }
0x6f: {  	_ =	shalt  }
0x70: {  	_ =	shalt  }
0x71: {  	_ =	shalt  }
0x72: {  	_ =	shalt  }
0x73: {  	_ =	shalt  }
0x74: {  	_ =	shalt  }
0x75: {  	_ =	shalt  }
0x76: {  	_ =	shalt  }
0x77: {  	_ =	shalt  }
0x78: {  	_ =	shalt  }
0x79: {  	_ =	shalt  }
0x7a: {  	_ =	shalt  }
0x7b: {  	_ =	shalt  }
0x7c: {  	_ =	shalt  }
0x7d: {  	_ =	shalt  }
0x7e: {  	_ =	shalt  }
0x7f: {  	_ =	shalt  }
0x80: {  	_ =	shalt  }
0x81: {  	_ =	shalt  }
0x82: {  	_ =	shalt  }
0x83: {  	_ =	shalt  }
0x84: {  	_ =	shalt  }
0x85: {  	_ =	shalt  }
0x86: {  	_ =	shalt  }
0x87: {  	_ =	shalt  }
.Lfunc_end0:
.L_simem_size_0:
called_computation_lowered:
.L_overlay_start_0:
0x88: {  	s2 =	sld [smem:$0x3FD9]  }
0x89: {  	s3 =	sld [smem:$0x3FFE];
	_ =	sdelay $0x1  }
0x8a: {  	s1 =	srdreg.scid  }
0x8b: {  	s0 =	sand.u32 $0x1, s1  }
0x8c: {  	s14 =	sshll.u32 s0, $0xA;
	s2 =	sadd.s32 s3, s2  }
0x8d: {  	s2 =	sadd.s32 s2, s14  }
0x8e: {  	[smem:$0x3FC6] =	sst s2  }
0x8f: {  	_ = 	snop  }
0x90: {  	s2 =	sld [smem:$0x3FD0];
	_ =	sdelay $0x2  }
0x91: {  	s15 =	simm.s32 $0xA;
	s4 =	simm.s32 $0x10  }
0x92: {  	[smem:s4], [sflag:s15] =	dma.local [hbm:s2], $0x1  }
0x93: {  	_ =	swait.eq [sflag:s15], $0x1  }
0x94: {  	[sflag:s15] =	ssyncset.done $0x0  }
0x95: {  	s16 =	sld [smem:$0x10];
	[sflag:s15] =	ssyncadd.s32 $0xFFFFFFFF  }
0x96: {  	s17 =	sld [smem:$0x11];
	(tm) =	ssettm $0x1  }
0x97: {  	s18 =	sld [smem:$0x3FFB];
	_ =	sdelay $0x3  }
0x98: {  	_ =	strace s18  }
0x99: {  	s4 =	sld [smem:$0x3FFC];
	_ =	sdelay $0x3  }
0x9a: {  	_ =	strace s4  }
0x9b: {  	s4 =	sld [smem:$0x3FFD];
	_ =	sdelay $0x3  }
0x9c: {  	_ =	strace s4  }
0x9d: {  	_ =	strace $0x8FFFFFFF  }
0x9e: {  	s19 =	sld [smem:$0x3FDB];
	_ =	sdelay $0x1  }
0x9f: {  	s5 =	simm.s32 $_scs_section_size  }
0xa0: {  	s6 =	simm.s32 $_size__tile_overlayer_lowered;
	s7 =	simm.s32 $_tile_overlayer_lowered  }
0xa1: {  	s22 =	simm.s32 $0x1BFF;
	s21 =	sshll.u32 s7, $0x1;
	s4 =	sadd.s32 s5, s19  }
0xa2: {  	s8 =	simm.s32 $0x0;
	s20 =	sshll.u32 s6, $0x1;
	s6 =	sadd.s32 s21, s4  }
0xa3: {  	[timem:s8], [sflag:s22] =	dma.local [hbm:s6], s20  }
0xa4: {  	_ =	swait.ge [sflag:s22], s20  }
0xa5: {  	s5 =	ssub.s32 $0x0, s20;
	[sflag:s22] =	ssyncset.done $0x0  }
0xa6: {  	[sflag:s22] =	ssyncadd.s32 s5;
	_ =	sdelay $0x1  }
0xa7: {  	s23 =	simm.s32 $0x1B8B  }
0xa8: {  	_ =	swait.ge [sflag:s23], $0x1  }
0xa9: {  	[sflag:s23] =	ssyncset.done $0x0  }
0xaa: {  	s25 =	simm.s32 $0x1B8E;
	s24 =	sld [smem:$0x3FFE];
	[sflag:s23] =	ssyncadd.s32 $0xFFFFFFFF  }
0xab: {  	s26 =	simm.s32 $execute0_lowered;
	[smem:$0x3FD2] =	sst s25  }
0xac: {  	s6 =	sshll.u32 s26, $0x1;
	_ =	strace $0x80000046;
	[dreg:$0x1] =	wrdreg $0xFFFFFFFF  }
0xad: {  	s28 =	simm.s32 $_size_execute0_lowered;
	s4 =	sadd.s32 s4, s6;
	[dreg:$0x0] =	wrdreg $0x0  }
0xae: {  	s6 =	sshll.u32 s28, $0x1;
	[dreg:$0x2] =	wrdreg s4  }
0xaf: {  	[dreg:$0x3] =	wrdreg s6  }
0xb0: {  	[dreg:$0x4] =	wrdreg $0xC0  }
0xb1: {  	_ =	task [dreg:s8], $0x5FFFF  }
0xb2: {  	[dreg:$0x1] =	wrdreg $0xFFFFFFFF  }
0xb3: {  	[dreg:$0x0] =	wrdreg $0x60  }
0xb4: {  	[dreg:$0x2] =	wrdreg s24  }
0xb5: {  	[dreg:$0x3] =	wrdreg s16  }
0xb6: {  	[dreg:$0x4] =	wrdreg s17  }
0xb7: {  	[dreg:$0x5] =	wrdreg $0x9  }
0xb8: {  	_ =	task.clear_ibuf [dreg:s8], $0x6FFFF;
	_ =	strace $0x90000046  }
0xb9: {  	s29 =	simm.s32 $0x9;
	_ =	strace $0x80000048  }
0xba: {  	_ =	swait.ge [sflag:s29], $0x1  }
0xbb: {  	[sflag:s29] =	ssyncadd.s32 $0xFFFFFFFF  }
0xbc: {  	_ =	strace $0x90000048  }
0xbd: {  	_ =	sfence  }
0xbe: {  	s30 =	sld [smem:$0x0];
	_ =	sdelay $0x2  }
0xbf: {  	s31 =	sshll.u32 s1, $0xD;
	s1 =	sshrl.u32 s1, $0x2  }
0xc0: {  	s3 =	sand.u32 $0x4000, s31;
	s1 =	sadd.s32 s1, s30  }
0xc1: {  	s0 =	sor.u32 s3, s0;
	s1 =	sshll.u32 s1, $0x11  }
0xc2: {  	s0 =	sor.u32 s1, s0  }
0xc3: {  	s0 =	sadd.s32 $0x8F2B, s0  }
0xc4: {  	[sflag:s0] =	ssyncadd.remote.s32 $0x1  }
0xc5: {  	_ =	sfence.sel $0xFFFF  }
0xc6: {  	[dreg:$0x0] =	wrdreg $0xFFFFFFFF;
	(pc) =	sbr.abs _section_cstart, $3  }
0xc7: {  	[dreg:$0x1] =	wrdreg $0xFFFFFFFF  }
0xc8: {  	_ =	task.clear_ibuf [dreg:s8], $0x2FFFF;
	_ =	strace $0x9FFFFFFF  }
0xc9: {  	(tm) =	ssettm $0x7FFFFFFF  }
tec
execute0_lowered:
.L_overlay_start_1:
0x0: {  	(tag) =	ssettag $0x1  }
0x1: {  	s0 =	rddreg [dreg:$0x0]  }
0x2: {  	s1 =	srdreg.scid;
	s10 =	stileid.u32  }
0x3: {  	s4 =	rddreg [dreg:$0x1];
	s1 =	sand.u32 $0x1, s1;
	s2 =	sshll.u32 s10, $0x1  }
0x4: {  	s5 =	rddreg [dreg:$0x2];
	s6 =	sor.u32 s1, s2  }
0x5: {  	s2 =	simm.s32 $0x0;
	s7 =	ssub.s32 $0x2, s1;
	s3 =	smul.u32 $0x320, s6  }
0x6: {  	[smem:$0x7FF] =	sst s2;
	s9 =	sshrl.u32 s7, $0x1  }
0x7: {  	s24 =	sshll.u32 s6, $0x12;
	s8 =	sadd.s32 s3, s0;
	s3 =	sadd.s32 $0x6E00, s0  }
0x8: {  	s0 =	ssub.s32 s7, s9;
	s7 =	sadd.s32 s24, s5;
	s8 =	sadd.s32 $0xA00, s8  }
0x9: {  	_ =	strace $0x80000047;
	s25 =	sadd.s32 $0x3C000, s7;
	[dreg:$0x5] =	wrdreg s8  }
0xa: {  	s26 =	sadd.s32 $0x3C380, s7;
	[dreg:$0x6] =	wrdreg s25  }
0xb: {  	s11 =	sadd.s32 $0x3C800, s7;
	[dreg:$0x7] =	wrdreg s26  }
0xc: {  	s28 =	simm.s32 $0x1;
	s12 =	sadd.s32 $0x3CB80, s7;
	[dreg:$0x8] =	wrdreg s11  }
0xd: {  	s29 =	simm.s32 $0x38;
	s13 =	sadd.s32 $0x3D000, s7;
	[dreg:$0x9] =	wrdreg s12  }
0xe: {  	s31 =	simm.s32 $0x59C0;
	s14 =	sadd.s32 $0x3D380, s7;
	[dreg:$0xa] =	wrdreg s13  }
0xf: {  	s30 =	simm.s32 $0x0;
	s15 =	sadd.s32 $0x3D800, s7;
	[dreg:$0xb] =	wrdreg s14  }
0x10: {  	s20 =	sshll.u32 s10, $0x13;
	s16 =	sadd.s32 $0x3DB80, s7;
	[dreg:$0xc] =	wrdreg s15  }
0x11: {  	s17 =	sadd.s32 $0x3E000, s7;
	s8 =	sshll.u32 s6, $0x4;
	[dreg:$0xd] =	wrdreg s16  }
0x12: {  	s10 =	simm.s32 $0x5AC0;
	s18 =	sadd.s32 $0x3E380, s7;
	[dreg:$0xe] =	wrdreg s17;
	v0 =	vmov s8  }
0x13: {  	s1 =	sshll.u32 s1, $0x12;
	s19 =	sadd.s32 $0x3E800, s7;
	[dreg:$0xf] =	wrdreg s18;
	v8 =	vmul.u32 $0x7, v0;
	v0 =	vlaneseq.u32  }
0x14: {  	vm0 =	vmmov $0x3;
	v13 =	vimm.s32 $0x6;
	s5 =	sadd.s32 s20, s5;
	s21 =	sadd.s32 $0x3EB80, s7;
	[dreg:$0x10] =	wrdreg s19;
	v6 =	vmul.u32 $0x7, v0  }
0x15: {  	s9 =	simm.s32 $0xFB80;
	s22 =	sadd.s32 $0x3F000, s7;
	[dreg:$0x11] =	wrdreg s21;
	v1 =	vor.u32 $0x10, v0;
	v2 =	vor.u32 $0x20, v0;
	v3 =	vor.u32 $0x30, v0  }
0x16: {  	s20 =	simm.s32 $0x8;
	s23 =	sadd.s32 $0x3F380, s7;
	[dreg:$0x12] =	wrdreg s22;
	v4 =	vor.u32 $0x40, v0;
	v5 =	vor.u32 $0x80, v0;
	v7 =	vor.u32 $0x90, v0  }
0x17: {  	s1 =	sadd.s32 s1, s5;
	s24 =	sadd.s32 $0x3F800, s7;
	[dreg:$0x13] =	wrdreg s23;
	v9 =	vor.u32 $0xA0, v0;
	v0 =	vor.u32 $0xB0, v0;
	v1 =	vadd.s32 s8, v1  }
0x18: {  	s0 =	smax.u32 s0, $0x1;
	s5 =	simm.s32 $0x9B80;
	[dreg:$0x14] =	wrdreg s24;
	v2 =	vadd.s32 s8, v2;
	v3 =	vadd.s32 s8, v3;
	v4 =	vadd.s32 s8, v4  }
0x19: {  	s25 =	sadd.s32 $0x3FB80, s7;
	s26 =	sshll.u32 s6, $0xB;
	[dreg:$0x17] =	wrdreg s0;
	v5 =	vadd.s32 s8, v5;
	v7 =	vadd.s32 s8, v7;
	v9 =	vadd.s32 s8, v9  }
0x1a: {  	[dreg:$0x4] =	wrdreg s1;
	s21 =	simm.s32 $0x9;
	s6 =	simm.s32 $0x5980;
	v10 =	vadd.s32 s8, v0;
	v0 =	vadd.s32 v6, v8;
	v1 =	vand.u32 $0x1FF, v1  }
0x1b: {  	s1 =	simm.s32 $0x5B80;
	s24 =	simm.s32 $0x7B80;
	s22 =	simm.s32 $0x5A40;
	v2 =	vand.u32 $0x1FF, v2;
	v3 =	vand.u32 $0x1FF, v3;
	v4 =	vand.u32 $0x1FF, v4  }
0x1c: {  	s7 =	simm.s32 $0xBB80;
	s12 =	simm.s32 $0x5B00;
	s11 =	simm.s32 $0x11B80;
	v5 =	vand.u32 $0x1FF, v5;
	v7 =	vand.u32 $0x1FF, v7;
	v1 =	vmul.u32 $0x7, v1  }
0x1d: {  	s23 =	simm.s32 $0x5B40;
	s13 =	simm.s32 $0x13B80;
	s14 =	simm.s32 $0x2;
	v2 =	vmul.u32 $0x7, v2;
	v3 =	vmul.u32 $0x7, v3;
	v12 =	vmul.u32 $0x7, v4  }
0x1e: {  	s15 =	simm.s32 $0x3;
	s16 =	simm.s32 $0x4;
	s17 =	simm.s32 $0x5;
	v4 =	vmul.u32 $0x7, v5;
	v5 =	vmul.u32 $0x7, v7;
	v7 =	vand.u32 $0x1FF, v9  }
0x1f: {  	s18 =	simm.s32 $0x6;
	s19 =	simm.s32 $0x7;
	[dreg:$0x15] =	wrdreg s25;
	v9 =	vand.u32 $0x1FF, v10;
	v10 =	vadd.s32 $0x6, v6;
	v6 =	vmul.u32 $0x7, v7  }
0x20: {  	s4 =	sadd.s32 s4, s26;
	s26 =	simm.s32 $0x15B80;
	s25 =	simm.s32 $0x5A00;
	v7 =	vmul.u32 $0x7, v9;
	v8 =	vadd.s32 v10, v8;
	v9 =	vadd.s32 $0x6, v1  }
0x21: {  	[dreg:$0x16] =	wrdreg s4;
	s4 =	simm.s32 $0xDB80;
	s8 =	simm.s32 $0x5A80;
	v10 =	vadd.s32 $0x6, v2;
	v11 =	vadd.s32 $0x6, v3;
	v12 =	vadd.s32 $0x6, v12  }
.LBB2_1:
0x22: {  	[dreg:$0x18] =	wrdreg s30  }
0x23: {  	s0 =	rddreg [dreg:$0x5]  }
0x24: {  	[tilespmem:s2], [sflag:$0x9] =	stream.linear.gather [hbm4b:s0+s2], $0x1900, $0x38;
	[tilespmem:$0x17F80] =	vst v63  }
0x25: {  	_ =	swait.ge [sflag:s21], $0x1900  }
0x26: {  	[sflag:s21] =	ssyncset.done $0x0  }
0x27: {  	[sflag:s21] =	ssyncadd.s32 $0xFFFFE700  }
0x28: {  	[tilespmem:$0x5980] =	vst v8  }
0x29: {  	[tilespmem:$0x5990] =	vst v9  }
0x2a: {  	[tilespmem:$0x59A0] =	vst v10  }
0x2b: {  	[tilespmem:$0x59B0] =	vst v11  }
0x2c: {  	s21 =	simm.s32 $0x48;
	[tilespmem:$0x59C0] =	vst v12  }
0x2d: {  	[tilespmem:s26], [sflag:$0x1] =	stream.indirect.gather [hbm4b:s3+s21], $0x80, s6, s21, $0xb8;
	[tilespmem:$0x17F80] =	vst v63  }
0x2e: {  	_ =	swait.ge [sflag:s28], $0x2400  }
0x2f: {  	[sflag:s28] =	ssyncset.done $0x0  }
0x30: {  	[sflag:s28] =	ssyncadd.s32 $0xFFFFDC00  }
0x31: {  	[tilespmem:$0x19C0] =	vst v13  }
0x32: {  	[tilespmem:$0x19D0] =	vst v13  }
0x33: {  	v14 =	vld [tilespmem:$0x0];
	[tilespmem:$0x19E0] =	vst v13  }
0x34: {  	v15 =	vld [tilespmem:$0x10];
	[tilespmem:$0x19F0] =	vst v13  }
0x35: {  	[tilespmem:$0x1A40] =	vst v13  }
0x36: {  	v16 =	vld [tilespmem:$0x20];
	[tilespmem:$0x1A50] =	vst v13  }
0x37: {  	v17 =	vld [tilespmem:$0x30];
	[tilespmem:$0x1A60] =	vst v13  }
0x38: {  	[tilespmem:$0x1980] =	vst v14  }
0x39: {  	v14 =	vadd.s32 v0, v14;
	[tilespmem:$0x1990] =	vst v15  }
0x3a: {  	[tilespmem:$0x5980] =	vst v14;
	v14 =	vadd.s32 v1, v15  }
0x3b: {  	[tilespmem:$0x5990] =	vst v14;
	v14 =	vadd.s32 v2, v16  }
0x3c: {  	v51 =	vld [tilespmem:$0x52];
	[tilespmem:$0x59A0] =	vst v14;
	v14 =	vnsel vm0, $0x6, v17  }
0x3d: {  	v15 =	vld [tilespmem:$0x42];
	[tilespmem:$0x19B0] =	vst v14;
	v14 =	vadd.s32 v3, v14  }
0x3e: {  	[tilespmem:$0x59B0] =	vst v14;
	v14 =	vld [tilespmem:$0x32]  }
0x3f: {  	[tilespmem:$0x1A70] =	vst v13  }
0x40: {  	[tilespmem:$0x19A0] =	vst v16  }
0x41: {  	v52 =	vld [tilespmem:$0x62];
	[tilespmem:$0x1A20] =	vst v51  }
0x42: {  	[tilespmem:$0x1A10] =	vst v15  }
0x43: {  	[tilespmem:$0x1A00] =	vst v14;
	v14 =	vadd.s32 v4, v14  }
0x44: {  	[tilespmem:$0x59C0] =	vst v14;
	v14 =	vadd.s32 v5, v15  }
0x45: {  	[tilespmem:$0x59D0] =	vst v14;
	v14 =	vadd.s32 v6, v51  }
0x46: {  	[tilespmem:$0x59E0] =	vst v14;
	v14 =	vnsel vm0, $0x6, v52  }
0x47: {  	[tilespmem:$0x1A30] =	vst v14;
	v14 =	vadd.s32 v7, v14  }
0x48: {  	[tilespmem:$0x59F0] =	vst v14  }
0x49: {  	[tilespmem:s1], [sflag:$0x1] =	stream.indirect.gather [hbm4b:s3+s29], $0x80, s6, s29, $0xb8;
	[tilespmem:$0x17F80] =	vst v63  }
0x4a: {  	_ = 	snop  }
0x4b: {  	[tilespmem:s24], [sflag:$0x1] =	stream.indirect.gather [hbm4b:s3+s29], $0x80, s31, s29, $0xb8;
	[tilespmem:$0x17F80] =	vst v63  }
0x4c: {  	[tilespmem:$0x1AC0] =	vst v13  }
0x4d: {  	[tilespmem:$0x1AD0] =	vst v13  }
0x4e: {  	v14 =	vld [tilespmem:$0x64];
	[tilespmem:$0x1AE0] =	vst v13  }
0x4f: {  	v15 =	vld [tilespmem:$0x74];
	[tilespmem:$0x1AF0] =	vst v13  }
0x50: {  	[tilespmem:$0x1B40] =	vst v13  }
0x51: {  	v53 =	vld [tilespmem:$0x84];
	[tilespmem:$0x1B50] =	vst v13  }
0x52: {  	v54 =	vld [tilespmem:$0x94];
	[tilespmem:$0x1B60] =	vst v13  }
0x53: {  	[tilespmem:$0x1A80] =	vst v14  }
0x54: {  	v14 =	vadd.s32 v0, v14;
	[tilespmem:$0x1A90] =	vst v15  }
0x55: {  	[tilespmem:$0x5A00] =	vst v14;
	v14 =	vadd.s32 v1, v15  }
0x56: {  	[tilespmem:$0x5A10] =	vst v14;
	v14 =	vadd.s32 v2, v53  }
0x57: {  	v55 =	vld [tilespmem:$0xB6];
	[tilespmem:$0x5A20] =	vst v14;
	v14 =	vnsel vm0, $0x6, v54  }
0x58: {  	v15 =	vld [tilespmem:$0xA6];
	[tilespmem:$0x1AB0] =	vst v14;
	v14 =	vadd.s32 v3, v14  }
0x59: {  	[tilespmem:$0x5A30] =	vst v14;
	v14 =	vld [tilespmem:$0x96]  }
0x5a: {  	[tilespmem:$0x1B70] =	vst v13  }
0x5b: {  	[tilespmem:$0x1AA0] =	vst v53  }
0x5c: {  	v56 =	vld [tilespmem:$0xC6];
	[tilespmem:$0x1B20] =	vst v55  }
0x5d: {  	[tilespmem:$0x1B10] =	vst v15  }
0x5e: {  	[tilespmem:$0x1B00] =	vst v14;
	v14 =	vadd.s32 v4, v14  }
0x5f: {  	[tilespmem:$0x5A40] =	vst v14;
	v14 =	vadd.s32 v5, v15  }
0x60: {  	[tilespmem:$0x5A50] =	vst v14;
	v14 =	vadd.s32 v6, v55  }
0x61: {  	[tilespmem:$0x5A60] =	vst v14;
	v14 =	vnsel vm0, $0x6, v56  }
0x62: {  	[tilespmem:$0x1B30] =	vst v14;
	v14 =	vadd.s32 v7, v14  }
0x63: {  	[tilespmem:$0x5A70] =	vst v14  }
0x64: {  	[tilespmem:s5], [sflag:$0x2] =	stream.indirect.gather [hbm4b:s3+s29], $0x80, s25, s29, $0xb8;
	[tilespmem:$0x17F80] =	vst v63  }
0x65: {  	_ = 	snop  }
0x66: {  	[tilespmem:s7], [sflag:$0x2] =	stream.indirect.gather [hbm4b:s3+s29], $0x80, s22, s29, $0xb8;
	[tilespmem:$0x17F80] =	vst v63  }
0x67: {  	[tilespmem:$0x1BC0] =	vst v13  }
0x68: {  	[tilespmem:$0x1BD0] =	vst v13  }
0x69: {  	v14 =	vld [tilespmem:$0xC8];
	[tilespmem:$0x1BE0] =	vst v13  }
0x6a: {  	v15 =	vld [tilespmem:$0xD8];
	[tilespmem:$0x1BF0] =	vst v13  }
0x6b: {  	[tilespmem:$0x1C40] =	vst v13  }
0x6c: {  	v57 =	vld [tilespmem:$0xE8];
	[tilespmem:$0x1C50] =	vst v13  }
0x6d: {  	v58 =	vld [tilespmem:$0xF8];
	[tilespmem:$0x1C60] =	vst v13  }
0x6e: {  	[tilespmem:$0x1B80] =	vst v14  }
0x6f: {  	v14 =	vadd.s32 v0, v14;
	[tilespmem:$0x1B90] =	vst v15  }
0x70: {  	[tilespmem:$0x5A80] =	vst v14;
	v14 =	vadd.s32 v1, v15  }
0x71: {  	[tilespmem:$0x5A90] =	vst v14;
	v14 =	vadd.s32 v2, v57  }
0x72: {  	v59 =	vld [tilespmem:$0x11A];
	[tilespmem:$0x5AA0] =	vst v14;
	v14 =	vnsel vm0, $0x6, v58  }
0x73: {  	v15 =	vld [tilespmem:$0x10A];
	[tilespmem:$0x1BB0] =	vst v14;
	v14 =	vadd.s32 v3, v14  }
0x74: {  	[tilespmem:$0x5AB0] =	vst v14;
	v14 =	vld [tilespmem:$0xFA]  }
0x75: {  	[tilespmem:$0x1C70] =	vst v13  }
0x76: {  	[tilespmem:$0x1BA0] =	vst v57  }
0x77: {  	v60 =	vld [tilespmem:$0x12A];
	[tilespmem:$0x1C20] =	vst v59  }
0x78: {  	[tilespmem:$0x1C10] =	vst v15  }
0x79: {  	[tilespmem:$0x1C00] =	vst v14;
	v14 =	vadd.s32 v4, v14  }
0x7a: {  	[tilespmem:$0x5AC0] =	vst v14;
	v14 =	vadd.s32 v5, v15  }
0x7b: {  	[tilespmem:$0x5AD0] =	vst v14;
	v14 =	vadd.s32 v6, v59  }
0x7c: {  	[tilespmem:$0x5AE0] =	vst v14;
	v14 =	vnsel vm0, $0x6, v60  }
0x7d: {  	[tilespmem:$0x1C30] =	vst v14;
	v14 =	vadd.s32 v7, v14  }
0x7e: {  	[tilespmem:$0x5AF0] =	vst v14  }
0x7f: {  	[tilespmem:s4], [sflag:$0x3] =	stream.indirect.gather [hbm4b:s3+s29], $0x80, s8, s29, $0xb8;
	[tilespmem:$0x17F80] =	vst v63  }
0x80: {  	_ = 	snop  }
0x81: {  	[tilespmem:s9], [sflag:$0x3] =	stream.indirect.gather [hbm4b:s3+s29], $0x80, s10, s29, $0xb8;
	[tilespmem:$0x17F80] =	vst v63  }
0x82: {  	v14 =	vld [tilespmem:$0x12C];
	[tilespmem:$0x1CC0] =	vst v13  }
0x83: {  	v15 =	vld [tilespmem:$0x13C];
	[tilespmem:$0x1CD0] =	vst v13  }
0x84: {  	[tilespmem:$0x1CE0] =	vst v13  }
0x85: {  	v61 =	vld [tilespmem:$0x14C];
	[tilespmem:$0x1CF0] =	vst v13  }
0x86: {  	v62 =	vld [tilespmem:$0x15C];
	[tilespmem:$0x1D40] =	vst v13  }
0x87: {  	[tilespmem:$0x1C80] =	vst v14  }
0x88: {  	v14 =	vadd.s32 v0, v14;
	[tilespmem:$0x1C90] =	vst v15  }
0x89: {  	[tilespmem:$0x5B00] =	vst v14;
	v14 =	vadd.s32 v1, v15  }
0x8a: {  	v15 =	vadd.s32 v2, v61;
	[tilespmem:$0x5B10] =	vst v14;
	v14 =	vld [tilespmem:$0x15E]  }
0x8b: {  	v63 =	vld [tilespmem:$0x16E];
	[tilespmem:$0x5B20] =	vst v15;
	v15 =	vnsel vm0, $0x6, v62  }
0x8c: {  	[tilespmem:$0x1CB0] =	vst v15;
	v15 =	vadd.s32 v3, v15  }
0x8d: {  	[tilespmem:$0x5B30] =	vst v15;
	v15 =	vld [tilespmem:$0x17E]  }
0x8e: {  	[tilespmem:$0x1D50] =	vst v13  }
0x8f: {  	[tilespmem:$0x1D00] =	vst v14;
	v14 =	vadd.s32 v4, v14  }
0x90: {  	[tilespmem:$0x5B40] =	vst v14;
	v14 =	vadd.s32 v5, v63  }
0x91: {  	[tilespmem:$0x5B50] =	vst v14  }
0x92: {  	[tilespmem:$0x1D20] =	vst v15;
	v14 =	vadd.s32 v6, v15;
	v15 =	vld [tilespmem:$0x18E]  }
0x93: {  	[tilespmem:$0x1D60] =	vst v13  }
0x94: {  	[tilespmem:$0x1D70] =	vst v13  }
0x95: {  	[tilespmem:$0x1CA0] =	vst v61  }
0x96: {  	[tilespmem:$0x1D10] =	vst v63  }
0x97: {  	[tilespmem:$0x5B60] =	vst v14;
	v14 =	vnsel vm0, $0x6, v15  }
0x98: {  	[tilespmem:$0x1D30] =	vst v14;
	v14 =	vadd.s32 v7, v14  }
0x99: {  	s30 =	simm.s32 $0x5B40;
	s21 =	simm.s32 $0x0;
	[tilespmem:$0x5B70] =	vst v14  }
0x9a: {  	[tilespmem:s11], [sflag:$0x4] =	stream.indirect.gather [hbm4b:s3+s29], $0x80, s12, s29, $0xb8;
	[tilespmem:$0x17F80] =	vst v63  }
0x9b: {  	s6 =	simm.s32 $0x5980;
	s22 =	simm.s32 $0x2170;
	s8 =	simm.s32 $0x5A80  }
0x9c: {  	[tilespmem:s13], [sflag:$0x4] =	stream.indirect.gather [hbm4b:s3+s29], $0x80, s23, s29, $0xb8;
	[tilespmem:$0x17F80] =	vst v63  }
0x9d: {  	s10 =	simm.s32 $0x5AC0;
	s12 =	simm.s32 $0x5B00;
	s23 =	simm.s32 $0x31E  }
.LBB2_2:
0x9e: {  	_ =	swait.ge [sflag:s28], $0x1C00  }
0x9f: {  	[sflag:s28] =	ssyncset.done $0x0  }
0xa0: {  	[sflag:s28] =	ssyncadd.s32 $0xFFFFE400  }
0xa1: {  	_ =	swait.ge [sflag:s28], $0x1C00  }
0xa2: {  	s31 =	rddreg [dreg:$0x4];
	[sflag:s28] =	ssyncset.done $0x0  }
0xa3: {  	s24 =	simm.s32 $0x5B80;
	[sflag:s28] =	ssyncadd.s32 $0xFFFFE400;
	s31 =	sadd.s32 s21, s31  }
0xa4: {  	[hbm4b:s31+s2] =	stream.linear.scatter [tilespmem:s24], [sflag:$0x5], $0x1C00, $0x38;
	[tilespmem:$0x17F80] =	vst v63  }
0xa5: {  	s0 =	sadd.s32 $0x380, s31  }
0xa6: {  	[hbm4b:s0+s2] =	stream.linear.scatter [tilespmem:s26], [sflag:$0x5], $0x2400, $0x38;
	[tilespmem:$0x17F80] =	vst v63  }
0xa7: {  	s5 =	simm.s32 $0x7B80;
	s25 =	sadd.s32 $0x800, s31  }
0xa8: {  	[hbm4b:s25+s2] =	stream.linear.scatter [tilespmem:s5], [sflag:$0x5], $0x1C00, $0x38;
	[tilespmem:$0x17F80] =	vst v63  }
0xa9: {  	s1 =	sadd.s32 $0xB80, s31  }
0xaa: {  	[hbm4b:s1+s2] =	stream.linear.scatter [tilespmem:s26], [sflag:$0x5], $0x2400, $0x38;
	[tilespmem:$0x17F80] =	vst v63  }
0xab: {  	_ =	swait.ge [sflag:s14], $0x1C00  }
0xac: {  	[sflag:s14] =	ssyncset.done $0x0  }
0xad: {  	[sflag:s14] =	ssyncadd.s32 $0xFFFFE400  }
0xae: {  	_ =	swait.ge [sflag:s14], $0x1C00  }
0xaf: {  	[sflag:s14] =	ssyncset.done $0x0  }
0xb0: {  	s7 =	simm.s32 $0x9B80;
	s4 =	sadd.s32 $0x1000, s31;
	[sflag:s14] =	ssyncadd.s32 $0xFFFFE400  }
0xb1: {  	[hbm4b:s4+s2] =	stream.linear.scatter [tilespmem:s7], [sflag:$0x6], $0x1C00, $0x38;
	[tilespmem:$0x17F80] =	vst v63  }
0xb2: {  	s25 =	sadd.s32 $0x1380, s31  }
0xb3: {  	[hbm4b:s25+s2] =	stream.linear.scatter [tilespmem:s26], [sflag:$0x6], $0x2400, $0x38;
	[tilespmem:$0x17F80] =	vst v63  }
0xb4: {  	s1 =	sadd.s32 $0x1800, s31;
	s4 =	simm.s32 $0xBB80  }
0xb5: {  	[hbm4b:s1+s2] =	stream.linear.scatter [tilespmem:s4], [sflag:$0x6], $0x1C00, $0x38;
	[tilespmem:$0x17F80] =	vst v63  }
0xb6: {  	s25 =	sadd.s32 $0x1B80, s31  }
0xb7: {  	[hbm4b:s25+s2] =	stream.linear.scatter [tilespmem:s26], [sflag:$0x6], $0x2400, $0x38;
	[tilespmem:$0x17F80] =	vst v63  }
0xb8: {  	_ =	swait.ge [sflag:s15], $0x1C00  }
0xb9: {  	[sflag:s15] =	ssyncset.done $0x0  }
0xba: {  	[sflag:s15] =	ssyncadd.s32 $0xFFFFE400  }
0xbb: {  	_ =	swait.ge [sflag:s15], $0x1C00  }
0xbc: {  	[sflag:s15] =	ssyncset.done $0x0  }
0xbd: {  	s1 =	sadd.s32 $0x2000, s31;
	s25 =	simm.s32 $0xDB80;
	[sflag:s15] =	ssyncadd.s32 $0xFFFFE400  }
0xbe: {  	[hbm4b:s1+s2] =	stream.linear.scatter [tilespmem:s25], [sflag:$0x7], $0x1C00, $0x38;
	[tilespmem:$0x17F80] =	vst v63  }
0xbf: {  	s1 =	sadd.s32 $0x2380, s31  }
0xc0: {  	[hbm4b:s1+s2] =	stream.linear.scatter [tilespmem:s26], [sflag:$0x7], $0x2400, $0x38;
	[tilespmem:$0x17F80] =	vst v63  }
0xc1: {  	s1 =	sadd.s32 $0x2800, s31  }
0xc2: {  	[hbm4b:s1+s2] =	stream.linear.scatter [tilespmem:s9], [sflag:$0x7], $0x1C00, $0x38;
	[tilespmem:$0x17F80] =	vst v63  }
0xc3: {  	s1 =	sadd.s32 $0x2B80, s31  }
0xc4: {  	[hbm4b:s1+s2] =	stream.linear.scatter [tilespmem:s26], [sflag:$0x7], $0x2400, $0x38;
	[tilespmem:$0x17F80] =	vst v63  }
0xc5: {  	_ =	swait.ge [sflag:s16], $0x1C00  }
0xc6: {  	[sflag:s16] =	ssyncset.done $0x0  }
0xc7: {  	[sflag:s16] =	ssyncadd.s32 $0xFFFFE400  }
0xc8: {  	_ =	swait.ge [sflag:s16], $0x1C00  }
0xc9: {  	[sflag:s16] =	ssyncset.done $0x0  }
0xca: {  	s1 =	sadd.s32 $0x3000, s31;
	[sflag:s16] =	ssyncadd.s32 $0xFFFFE400  }
0xcb: {  	[hbm4b:s1+s2] =	stream.linear.scatter [tilespmem:s11], [sflag:$0x8], $0x1C00, $0x38;
	[tilespmem:$0x17F80] =	vst v63  }
0xcc: {  	s1 =	sadd.s32 $0x3380, s31  }
0xcd: {  	[hbm4b:s1+s2] =	stream.linear.scatter [tilespmem:s26], [sflag:$0x8], $0x2400, $0x38;
	[tilespmem:$0x17F80] =	vst v63  }
0xce: {  	s1 =	sadd.s32 $0x3800, s31  }
0xcf: {  	[hbm4b:s1+s2] =	stream.linear.scatter [tilespmem:s13], [sflag:$0x8], $0x1C00, $0x38;
	[tilespmem:$0x17F80] =	vst v63  }
0xd0: {  	s1 =	sadd.s32 $0x3B80, s31  }
0xd1: {  	[hbm4b:s1+s2] =	stream.linear.scatter [tilespmem:s26], [sflag:$0x8], $0x2400, $0x38;
	[tilespmem:$0x17F80] =	vst v63  }
0xd2: {  	v14 =	vld [tilespmem:s23+$0xFFFFFE72];
	_ =	sdelay $0x4  }
0xd3: {  	[tilespmem:s22+$0xFFFFFC10] =	vst v14;
	v14 =	vadd.s32 v0, v14  }
0xd4: {  	[tilespmem:$0x5980] =	vst v14  }
0xd5: {  	v14 =	vld [tilespmem:s23+$0xFFFFFE82];
	_ =	sdelay $0x4  }
0xd6: {  	[tilespmem:s22+$0xFFFFFC20] =	vst v14;
	v14 =	vadd.s32 v1, v14  }
0xd7: {  	[tilespmem:$0x5990] =	vst v14  }
0xd8: {  	v14 =	vld [tilespmem:s23+$0xFFFFFE92];
	_ =	sdelay $0x4  }
0xd9: {  	[tilespmem:s22+$0xFFFFFC30] =	vst v14;
	v14 =	vadd.s32 v2, v14  }
0xda: {  	[tilespmem:$0x59A0] =	vst v14  }
0xdb: {  	v14 =	vld [tilespmem:s23+$0xFFFFFEA2];
	_ =	sdelay $0x4  }
0xdc: {  	v14 =	vnsel vm0, $0x6, v14  }
0xdd: {  	[tilespmem:s22+$0xFFFFFC40] =	vst v14;
	v14 =	vadd.s32 v3, v14  }
0xde: {  	[tilespmem:$0x59B0] =	vst v14  }
0xdf: {  	[tilespmem:s22+$0xFFFFFC50] =	vst v13  }
0xe0: {  	[tilespmem:s22+$0xFFFFFC60] =	vst v13  }
0xe1: {  	[tilespmem:s22+$0xFFFFFC70] =	vst v13  }
0xe2: {  	[tilespmem:s22+$0xFFFFFC80] =	vst v13  }
0xe3: {  	v14 =	vld [tilespmem:s23+$0xFFFFFEA4];
	_ =	sdelay $0x4  }
0xe4: {  	[tilespmem:s22+$0xFFFFFC90] =	vst v14;
	v14 =	vadd.s32 v4, v14  }
0xe5: {  	[tilespmem:$0x59C0] =	vst v14  }
0xe6: {  	v14 =	vld [tilespmem:s23+$0xFFFFFEB4];
	_ =	sdelay $0x4  }
0xe7: {  	[tilespmem:s22+$0xFFFFFCA0] =	vst v14;
	v14 =	vadd.s32 v5, v14  }
0xe8: {  	[tilespmem:$0x59D0] =	vst v14  }
0xe9: {  	v14 =	vld [tilespmem:s23+$0xFFFFFEC4];
	_ =	sdelay $0x4  }
0xea: {  	[tilespmem:s22+$0xFFFFFCB0] =	vst v14;
	v14 =	vadd.s32 v6, v14  }
0xeb: {  	[tilespmem:$0x59E0] =	vst v14  }
0xec: {  	v14 =	vld [tilespmem:s23+$0xFFFFFED4];
	_ =	sdelay $0x4  }
0xed: {  	v14 =	vnsel vm0, $0x6, v14  }
0xee: {  	[tilespmem:s22+$0xFFFFFCC0] =	vst v14;
	v14 =	vadd.s32 v7, v14  }
0xef: {  	[tilespmem:$0x59F0] =	vst v14  }
0xf0: {  	[tilespmem:s22+$0xFFFFFCD0] =	vst v13  }
0xf1: {  	[tilespmem:s22+$0xFFFFFCE0] =	vst v13  }
0xf2: {  	[tilespmem:s22+$0xFFFFFCF0] =	vst v13  }
0xf3: {  	[tilespmem:s22+$0xFFFFFD00] =	vst v13  }
0xf4: {  	_ =	swait.ge [sflag:s17], $0x1C00  }
0xf5: {  	[sflag:s17] =	ssyncset.done $0x0  }
0xf6: {  	[sflag:s17] =	ssyncadd.s32 $0xFFFFE400  }
0xf7: {  	_ =	swait.ge [sflag:s17], $0x2400  }
0xf8: {  	[sflag:s17] =	ssyncset.done $0x0  }
0xf9: {  	[sflag:s17] =	ssyncadd.s32 $0xFFFFDC00  }
0xfa: {  	_ =	swait.ge [sflag:s17], $0x1C00  }
0xfb: {  	[sflag:s17] =	ssyncset.done $0x0  }
0xfc: {  	[sflag:s17] =	ssyncadd.s32 $0xFFFFE400  }
0xfd: {  	_ =	swait.ge [sflag:s17], $0x2400  }
0xfe: {  	[sflag:s17] =	ssyncset.done $0x0  }
0xff: {  	[sflag:s17] =	ssyncadd.s32 $0xFFFFDC00  }
0x100: {  	[tilespmem:s24], [sflag:$0x1] =	stream.indirect.gather [hbm4b:s3+s29], $0x80, s6, s29, $0xb8;
	[tilespmem:$0x17F80] =	vst v63  }
0x101: {  	s31 =	simm.s32 $0x59C0  }
0x102: {  	[tilespmem:s5], [sflag:$0x1] =	stream.indirect.gather [hbm4b:s3+s29], $0x80, s31, s29, $0xb8;
	[tilespmem:$0x17F80] =	vst v63  }
0x103: {  	v14 =	vld [tilespmem:s23+$0xFFFFFED6];
	_ =	sdelay $0x4  }
0x104: {  	[tilespmem:s22+$0xFFFFFD10] =	vst v14;
	v14 =	vadd.s32 v0, v14  }
0x105: {  	[tilespmem:$0x5A00] =	vst v14  }
0x106: {  	v14 =	vld [tilespmem:s23+$0xFFFFFEE6];
	_ =	sdelay $0x4  }
0x107: {  	[tilespmem:s22+$0xFFFFFD20] =	vst v14;
	v14 =	vadd.s32 v1, v14  }
0x108: {  	[tilespmem:$0x5A10] =	vst v14  }
0x109: {  	v14 =	vld [tilespmem:s23+$0xFFFFFEF6];
	_ =	sdelay $0x4  }
0x10a: {  	[tilespmem:s22+$0xFFFFFD30] =	vst v14;
	v14 =	vadd.s32 v2, v14  }
0x10b: {  	[tilespmem:$0x5A20] =	vst v14  }
0x10c: {  	v14 =	vld [tilespmem:s23+$0xFFFFFF06];
	_ =	sdelay $0x4  }
0x10d: {  	v14 =	vnsel vm0, $0x6, v14  }
0x10e: {  	[tilespmem:s22+$0xFFFFFD40] =	vst v14;
	v14 =	vadd.s32 v3, v14  }
0x10f: {  	[tilespmem:$0x5A30] =	vst v14  }
0x110: {  	[tilespmem:s22+$0xFFFFFD50] =	vst v13  }
0x111: {  	[tilespmem:s22+$0xFFFFFD60] =	vst v13  }
0x112: {  	[tilespmem:s22+$0xFFFFFD70] =	vst v13  }
0x113: {  	[tilespmem:s22+$0xFFFFFD80] =	vst v13  }
0x114: {  	v14 =	vld [tilespmem:s23+$0xFFFFFF08];
	_ =	sdelay $0x4  }
0x115: {  	[tilespmem:s22+$0xFFFFFD90] =	vst v14;
	v14 =	vadd.s32 v4, v14  }
0x116: {  	[tilespmem:$0x5A40] =	vst v14  }
0x117: {  	v14 =	vld [tilespmem:s23+$0xFFFFFF18];
	_ =	sdelay $0x4  }
0x118: {  	[tilespmem:s22+$0xFFFFFDA0] =	vst v14;
	v14 =	vadd.s32 v5, v14  }
0x119: {  	[tilespmem:$0x5A50] =	vst v14  }
0x11a: {  	v14 =	vld [tilespmem:s23+$0xFFFFFF28];
	_ =	sdelay $0x4  }
0x11b: {  	[tilespmem:s22+$0xFFFFFDB0] =	vst v14;
	v14 =	vadd.s32 v6, v14  }
0x11c: {  	[tilespmem:$0x5A60] =	vst v14  }
0x11d: {  	v14 =	vld [tilespmem:s23+$0xFFFFFF38];
	_ =	sdelay $0x4  }
0x11e: {  	v14 =	vnsel vm0, $0x6, v14  }
0x11f: {  	[tilespmem:s22+$0xFFFFFDC0] =	vst v14;
	v14 =	vadd.s32 v7, v14  }
0x120: {  	[tilespmem:$0x5A70] =	vst v14  }
0x121: {  	[tilespmem:s22+$0xFFFFFDD0] =	vst v13  }
0x122: {  	[tilespmem:s22+$0xFFFFFDE0] =	vst v13  }
0x123: {  	[tilespmem:s22+$0xFFFFFDF0] =	vst v13  }
0x124: {  	[tilespmem:s22+$0xFFFFFE00] =	vst v13  }
0x125: {  	_ =	swait.ge [sflag:s18], $0x1C00  }
0x126: {  	[sflag:s18] =	ssyncset.done $0x0  }
0x127: {  	[sflag:s18] =	ssyncadd.s32 $0xFFFFE400  }
0x128: {  	_ =	swait.ge [sflag:s18], $0x2400  }
0x129: {  	[sflag:s18] =	ssyncset.done $0x0  }
0x12a: {  	[sflag:s18] =	ssyncadd.s32 $0xFFFFDC00  }
0x12b: {  	_ =	swait.ge [sflag:s18], $0x1C00  }
0x12c: {  	[sflag:s18] =	ssyncset.done $0x0  }
0x12d: {  	[sflag:s18] =	ssyncadd.s32 $0xFFFFE400  }
0x12e: {  	_ =	swait.ge [sflag:s18], $0x2400  }
0x12f: {  	[sflag:s18] =	ssyncset.done $0x0  }
0x130: {  	s0 =	simm.s32 $0x5A00;
	[sflag:s18] =	ssyncadd.s32 $0xFFFFDC00  }
0x131: {  	[tilespmem:s7], [sflag:$0x2] =	stream.indirect.gather [hbm4b:s3+s29], $0x80, s0, s29, $0xb8;
	[tilespmem:$0x17F80] =	vst v63  }
0x132: {  	s0 =	simm.s32 $0x5A40  }
0x133: {  	[tilespmem:s4], [sflag:$0x2] =	stream.indirect.gather [hbm4b:s3+s29], $0x80, s0, s29, $0xb8;
	[tilespmem:$0x17F80] =	vst v63  }
0x134: {  	v14 =	vld [tilespmem:s23+$0xFFFFFF3A];
	_ =	sdelay $0x4  }
0x135: {  	[tilespmem:s22+$0xFFFFFE10] =	vst v14;
	v14 =	vadd.s32 v0, v14  }
0x136: {  	[tilespmem:$0x5A80] =	vst v14  }
0x137: {  	v14 =	vld [tilespmem:s23+$0xFFFFFF4A];
	_ =	sdelay $0x4  }
0x138: {  	[tilespmem:s22+$0xFFFFFE20] =	vst v14;
	v14 =	vadd.s32 v1, v14  }
0x139: {  	[tilespmem:$0x5A90] =	vst v14  }
0x13a: {  	v14 =	vld [tilespmem:s23+$0xFFFFFF5A];
	_ =	sdelay $0x4  }
0x13b: {  	[tilespmem:s22+$0xFFFFFE30] =	vst v14;
	v14 =	vadd.s32 v2, v14  }
0x13c: {  	[tilespmem:$0x5AA0] =	vst v14  }
0x13d: {  	v14 =	vld [tilespmem:s23+$0xFFFFFF6A];
	_ =	sdelay $0x4  }
0x13e: {  	v14 =	vnsel vm0, $0x6, v14  }
0x13f: {  	[tilespmem:s22+$0xFFFFFE40] =	vst v14;
	v14 =	vadd.s32 v3, v14  }
0x140: {  	[tilespmem:$0x5AB0] =	vst v14  }
0x141: {  	[tilespmem:s22+$0xFFFFFE50] =	vst v13  }
0x142: {  	[tilespmem:s22+$0xFFFFFE60] =	vst v13  }
0x143: {  	[tilespmem:s22+$0xFFFFFE70] =	vst v13  }
0x144: {  	[tilespmem:s22+$0xFFFFFE80] =	vst v13  }
0x145: {  	v14 =	vld [tilespmem:s23+$0xFFFFFF6C];
	_ =	sdelay $0x4  }
0x146: {  	[tilespmem:s22+$0xFFFFFE90] =	vst v14;
	v14 =	vadd.s32 v4, v14  }
0x147: {  	[tilespmem:$0x5AC0] =	vst v14  }
0x148: {  	v14 =	vld [tilespmem:s23+$0xFFFFFF7C];
	_ =	sdelay $0x4  }
0x149: {  	[tilespmem:s22+$0xFFFFFEA0] =	vst v14;
	v14 =	vadd.s32 v5, v14  }
0x14a: {  	[tilespmem:$0x5AD0] =	vst v14  }
0x14b: {  	v14 =	vld [tilespmem:s23+$0xFFFFFF8C];
	_ =	sdelay $0x4  }
0x14c: {  	[tilespmem:s22+$0xFFFFFEB0] =	vst v14;
	v14 =	vadd.s32 v6, v14  }
0x14d: {  	[tilespmem:$0x5AE0] =	vst v14  }
0x14e: {  	v14 =	vld [tilespmem:s23+$0xFFFFFF9C];
	_ =	sdelay $0x4  }
0x14f: {  	v14 =	vnsel vm0, $0x6, v14  }
0x150: {  	[tilespmem:s22+$0xFFFFFEC0] =	vst v14;
	v14 =	vadd.s32 v7, v14  }
0x151: {  	[tilespmem:$0x5AF0] =	vst v14  }
0x152: {  	[tilespmem:s22+$0xFFFFFED0] =	vst v13  }
0x153: {  	[tilespmem:s22+$0xFFFFFEE0] =	vst v13  }
0x154: {  	[tilespmem:s22+$0xFFFFFEF0] =	vst v13  }
0x155: {  	[tilespmem:s22+$0xFFFFFF00] =	vst v13  }
0x156: {  	_ =	swait.ge [sflag:s19], $0x1C00  }
0x157: {  	[sflag:s19] =	ssyncset.done $0x0  }
0x158: {  	[sflag:s19] =	ssyncadd.s32 $0xFFFFE400  }
0x159: {  	_ =	swait.ge [sflag:s19], $0x2400  }
0x15a: {  	[sflag:s19] =	ssyncset.done $0x0  }
0x15b: {  	[sflag:s19] =	ssyncadd.s32 $0xFFFFDC00  }
0x15c: {  	_ =	swait.ge [sflag:s19], $0x1C00  }
0x15d: {  	[sflag:s19] =	ssyncset.done $0x0  }
0x15e: {  	[sflag:s19] =	ssyncadd.s32 $0xFFFFE400  }
0x15f: {  	_ =	swait.ge [sflag:s19], $0x2400  }
0x160: {  	[sflag:s19] =	ssyncset.done $0x0  }
0x161: {  	[sflag:s19] =	ssyncadd.s32 $0xFFFFDC00  }
0x162: {  	[tilespmem:s25], [sflag:$0x3] =	stream.indirect.gather [hbm4b:s3+s29], $0x80, s8, s29, $0xb8;
	[tilespmem:$0x17F80] =	vst v63  }
0x163: {  	_ = 	snop  }
0x164: {  	[tilespmem:s9], [sflag:$0x3] =	stream.indirect.gather [hbm4b:s3+s29], $0x80, s10, s29, $0xb8;
	[tilespmem:$0x17F80] =	vst v63  }
0x165: {  	v14 =	vld [tilespmem:s23+$0xFFFFFF9E];
	_ =	sdelay $0x4  }
0x166: {  	[tilespmem:s22+$0xFFFFFF10] =	vst v14;
	v14 =	vadd.s32 v0, v14  }
0x167: {  	[tilespmem:$0x5B00] =	vst v14  }
0x168: {  	v14 =	vld [tilespmem:s23+$0xFFFFFFAE];
	_ =	sdelay $0x4  }
0x169: {  	[tilespmem:s22+$0xFFFFFF20] =	vst v14;
	v14 =	vadd.s32 v1, v14  }
0x16a: {  	[tilespmem:$0x5B10] =	vst v14  }
0x16b: {  	v14 =	vld [tilespmem:s23+$0xFFFFFFBE];
	_ =	sdelay $0x4  }
0x16c: {  	[tilespmem:s22+$0xFFFFFF30] =	vst v14;
	v14 =	vadd.s32 v2, v14  }
0x16d: {  	[tilespmem:$0x5B20] =	vst v14  }
0x16e: {  	v14 =	vld [tilespmem:s23+$0xFFFFFFCE];
	_ =	sdelay $0x4  }
0x16f: {  	v14 =	vnsel vm0, $0x6, v14  }
0x170: {  	[tilespmem:s22+$0xFFFFFF40] =	vst v14;
	v14 =	vadd.s32 v3, v14  }
0x171: {  	[tilespmem:$0x5B30] =	vst v14  }
0x172: {  	[tilespmem:s22+$0xFFFFFF50] =	vst v13  }
0x173: {  	[tilespmem:s22+$0xFFFFFF60] =	vst v13  }
0x174: {  	[tilespmem:s22+$0xFFFFFF70] =	vst v13  }
0x175: {  	[tilespmem:s22+$0xFFFFFF80] =	vst v13  }
0x176: {  	v14 =	vld [tilespmem:s23+$0xFFFFFFD0];
	_ =	sdelay $0x4  }
0x177: {  	[tilespmem:s22+$0xFFFFFF90] =	vst v14;
	v14 =	vadd.s32 v4, v14  }
0x178: {  	[tilespmem:$0x5B40] =	vst v14  }
0x179: {  	v14 =	vld [tilespmem:s23+$0xFFFFFFE0];
	_ =	sdelay $0x4  }
0x17a: {  	[tilespmem:s22+$0xFFFFFFA0] =	vst v14;
	v14 =	vadd.s32 v5, v14  }
0x17b: {  	[tilespmem:$0x5B50] =	vst v14  }
0x17c: {  	v14 =	vld [tilespmem:s23+$0xFFFFFFF0];
	_ =	sdelay $0x4  }
0x17d: {  	[tilespmem:s22+$0xFFFFFFB0] =	vst v14;
	v14 =	vadd.s32 v6, v14  }
0x17e: {  	[tilespmem:$0x5B60] =	vst v14  }
0x17f: {  	v14 =	vld [tilespmem:s23+$0x0];
	_ =	sdelay $0x4  }
0x180: {  	v14 =	vnsel vm0, $0x6, v14  }
0x181: {  	[tilespmem:s22+$0xFFFFFFC0] =	vst v14;
	v14 =	vadd.s32 v7, v14  }
0x182: {  	[tilespmem:$0x5B70] =	vst v14  }
0x183: {  	[tilespmem:s22+$0xFFFFFFD0] =	vst v13  }
0x184: {  	[tilespmem:s22+$0xFFFFFFE0] =	vst v13  }
0x185: {  	[tilespmem:s22+$0xFFFFFFF0] =	vst v13  }
0x186: {  	[tilespmem:s22+$0x0] =	vst v13  }
0x187: {  	_ =	swait.ge [sflag:s20], $0x1C00  }
0x188: {  	[sflag:s20] =	ssyncset.done $0x0  }
0x189: {  	[sflag:s20] =	ssyncadd.s32 $0xFFFFE400  }
0x18a: {  	_ =	swait.ge [sflag:s20], $0x2400  }
0x18b: {  	[sflag:s20] =	ssyncset.done $0x0  }
0x18c: {  	[sflag:s20] =	ssyncadd.s32 $0xFFFFDC00  }
0x18d: {  	_ =	swait.ge [sflag:s20], $0x1C00  }
0x18e: {  	[sflag:s20] =	ssyncset.done $0x0  }
0x18f: {  	p0 =	sne.s32 s21, $0x38000;
	[sflag:s20] =	ssyncadd.s32 $0xFFFFE400  }
0x190: {  	s21 =	sadd.s32 $0x4000, s21;
	s1 =	simm.s32 $0x5B80;
	_ =	swait.ge [sflag:s20], $0x2400  }
.Ltmp0:
0x191: {  	s24 =	simm.s32 $0x7B80;
	[sflag:s20] =	ssyncset.done $0x0;
	(pc) =	sbr.rel @p0 .LBB2_2-.Ltmp0, $4  }
0x192: {  	s5 =	simm.s32 $0x9B80;
	s7 =	simm.s32 $0xBB80;
	[sflag:s20] =	ssyncadd.s32 $0xFFFFDC00  }
0x193: {  	[tilespmem:s11], [sflag:$0x4] =	stream.indirect.gather [hbm4b:s3+s29], $0x80, s12, s29, $0xb8;
	[tilespmem:$0x17F80] =	vst v63  }
0x194: {  	s4 =	simm.s32 $0xDB80;
	s23 =	sadd.s32 $0x190, s23;
	s22 =	sadd.s32 $0x400, s22  }
0x195: {  	[tilespmem:s13], [sflag:$0x4] =	stream.indirect.gather [hbm4b:s3+s29], $0x80, s30, s29, $0xb8;
	[tilespmem:$0x17F80] =	vst v63  }
0x196: {  	_ =	swait.ge [sflag:s28], $0x1C00  }
0x197: {  	[sflag:s28] =	ssyncset.done $0x0  }
0x198: {  	[sflag:s28] =	ssyncadd.s32 $0xFFFFE400  }
0x199: {  	_ =	swait.ge [sflag:s28], $0x1C00  }
0x19a: {  	[sflag:s28] =	ssyncset.done $0x0  }
0x19b: {  	s0 =	rddreg [dreg:$0x6];
	[sflag:s28] =	ssyncadd.s32 $0xFFFFE400  }
0x19c: {  	[hbm4b:s0+s2] =	stream.linear.scatter [tilespmem:s1], [sflag:$0x5], $0x1C00, $0x38;
	[tilespmem:$0x17F80] =	vst v63  }
0x19d: {  	s25 =	rddreg [dreg:$0x7]  }
0x19e: {  	[hbm4b:s25+s2] =	stream.linear.scatter [tilespmem:s26], [sflag:$0x5], $0x2400, $0x38;
	[tilespmem:$0x17F80] =	vst v63  }
0x19f: {  	s6 =	rddreg [dreg:$0x8]  }
0x1a0: {  	[hbm4b:s6+s2] =	stream.linear.scatter [tilespmem:s24], [sflag:$0x5], $0x1C00, $0x38;
	[tilespmem:$0x17F80] =	vst v63  }
0x1a1: {  	s8 =	rddreg [dreg:$0x9]  }
0x1a2: {  	[hbm4b:s8+s2] =	stream.linear.scatter [tilespmem:s26], [sflag:$0x5], $0x2400, $0x38;
	[tilespmem:$0x17F80] =	vst v63  }
0x1a3: {  	_ =	swait.ge [sflag:s14], $0x1C00  }
0x1a4: {  	[sflag:s14] =	ssyncset.done $0x0  }
0x1a5: {  	[sflag:s14] =	ssyncadd.s32 $0xFFFFE400  }
0x1a6: {  	_ =	swait.ge [sflag:s14], $0x1C00  }
0x1a7: {  	[sflag:s14] =	ssyncset.done $0x0  }
0x1a8: {  	s10 =	rddreg [dreg:$0xa];
	[sflag:s14] =	ssyncadd.s32 $0xFFFFE400  }
0x1a9: {  	[hbm4b:s10+s2] =	stream.linear.scatter [tilespmem:s5], [sflag:$0x6], $0x1C00, $0x38;
	[tilespmem:$0x17F80] =	vst v63  }
0x1aa: {  	s12 =	rddreg [dreg:$0xb]  }
0x1ab: {  	[hbm4b:s12+s2] =	stream.linear.scatter [tilespmem:s26], [sflag:$0x6], $0x2400, $0x38;
	[tilespmem:$0x17F80] =	vst v63  }
0x1ac: {  	s21 =	rddreg [dreg:$0xc]  }
0x1ad: {  	[hbm4b:s21+s2] =	stream.linear.scatter [tilespmem:s7], [sflag:$0x6], $0x1C00, $0x38;
	[tilespmem:$0x17F80] =	vst v63  }
0x1ae: {  	s22 =	rddreg [dreg:$0xd]  }
0x1af: {  	[hbm4b:s22+s2] =	stream.linear.scatter [tilespmem:s26], [sflag:$0x6], $0x2400, $0x38;
	[tilespmem:$0x17F80] =	vst v63  }
0x1b0: {  	_ =	swait.ge [sflag:s15], $0x1C00  }
0x1b1: {  	[sflag:s15] =	ssyncset.done $0x0  }
0x1b2: {  	[sflag:s15] =	ssyncadd.s32 $0xFFFFE400  }
0x1b3: {  	_ =	swait.ge [sflag:s15], $0x1C00  }
0x1b4: {  	[sflag:s15] =	ssyncset.done $0x0  }
0x1b5: {  	s23 =	rddreg [dreg:$0xe];
	[sflag:s15] =	ssyncadd.s32 $0xFFFFE400  }
0x1b6: {  	[hbm4b:s23+s2] =	stream.linear.scatter [tilespmem:s4], [sflag:$0x7], $0x1C00, $0x38;
	[tilespmem:$0x17F80] =	vst v63  }
0x1b7: {  	s25 =	rddreg [dreg:$0xf]  }
0x1b8: {  	[hbm4b:s25+s2] =	stream.linear.scatter [tilespmem:s26], [sflag:$0x7], $0x2400, $0x38;
	[tilespmem:$0x17F80] =	vst v63  }
0x1b9: {  	s6 =	rddreg [dreg:$0x10]  }
0x1ba: {  	[hbm4b:s6+s2] =	stream.linear.scatter [tilespmem:s9], [sflag:$0x7], $0x1C00, $0x38;
	[tilespmem:$0x17F80] =	vst v63  }
0x1bb: {  	s8 =	rddreg [dreg:$0x11]  }
0x1bc: {  	[hbm4b:s8+s2] =	stream.linear.scatter [tilespmem:s26], [sflag:$0x7], $0x2400, $0x38;
	[tilespmem:$0x17F80] =	vst v63  }
0x1bd: {  	_ =	swait.ge [sflag:s16], $0x1C00  }
0x1be: {  	[sflag:s16] =	ssyncset.done $0x0  }
0x1bf: {  	[sflag:s16] =	ssyncadd.s32 $0xFFFFE400  }
0x1c0: {  	_ =	swait.ge [sflag:s16], $0x1C00  }
0x1c1: {  	[sflag:s16] =	ssyncset.done $0x0  }
0x1c2: {  	s10 =	rddreg [dreg:$0x12];
	[sflag:s16] =	ssyncadd.s32 $0xFFFFE400  }
0x1c3: {  	[hbm4b:s10+s2] =	stream.linear.scatter [tilespmem:s11], [sflag:$0x8], $0x1C00, $0x38;
	[tilespmem:$0x17F80] =	vst v63  }
0x1c4: {  	s12 =	rddreg [dreg:$0x13]  }
0x1c5: {  	[hbm4b:s12+s2] =	stream.linear.scatter [tilespmem:s26], [sflag:$0x8], $0x2400, $0x38;
	[tilespmem:$0x17F80] =	vst v63  }
0x1c6: {  	s21 =	rddreg [dreg:$0x14]  }
0x1c7: {  	[hbm4b:s21+s2] =	stream.linear.scatter [tilespmem:s13], [sflag:$0x8], $0x1C00, $0x38;
	[tilespmem:$0x17F80] =	vst v63  }
0x1c8: {  	s22 =	rddreg [dreg:$0x15]  }
0x1c9: {  	[hbm4b:s22+s2] =	stream.linear.scatter [tilespmem:s26], [sflag:$0x8], $0x2400, $0x38;
	[tilespmem:$0x17F80] =	vst v63  }
0x1ca: {  	_ =	swait.ge [sflag:s17], $0x1C00  }
0x1cb: {  	[sflag:s17] =	ssyncset.done $0x0  }
0x1cc: {  	[sflag:s17] =	ssyncadd.s32 $0xFFFFE400  }
0x1cd: {  	_ =	swait.ge [sflag:s17], $0x2400  }
0x1ce: {  	[sflag:s17] =	ssyncset.done $0x0  }
0x1cf: {  	[sflag:s17] =	ssyncadd.s32 $0xFFFFDC00  }
0x1d0: {  	_ =	swait.ge [sflag:s17], $0x1C00  }
0x1d1: {  	[sflag:s17] =	ssyncset.done $0x0  }
0x1d2: {  	[sflag:s17] =	ssyncadd.s32 $0xFFFFE400  }
0x1d3: {  	_ =	swait.ge [sflag:s17], $0x2400  }
0x1d4: {  	[sflag:s17] =	ssyncset.done $0x0  }
0x1d5: {  	[sflag:s17] =	ssyncadd.s32 $0xFFFFDC00  }
0x1d6: {  	_ =	swait.ge [sflag:s18], $0x1C00  }
0x1d7: {  	[sflag:s18] =	ssyncset.done $0x0  }
0x1d8: {  	[sflag:s18] =	ssyncadd.s32 $0xFFFFE400  }
0x1d9: {  	_ =	swait.ge [sflag:s18], $0x2400  }
0x1da: {  	[sflag:s18] =	ssyncset.done $0x0  }
0x1db: {  	[sflag:s18] =	ssyncadd.s32 $0xFFFFDC00  }
0x1dc: {  	_ =	swait.ge [sflag:s18], $0x1C00  }
0x1dd: {  	[sflag:s18] =	ssyncset.done $0x0  }
0x1de: {  	[sflag:s18] =	ssyncadd.s32 $0xFFFFE400  }
0x1df: {  	_ =	swait.ge [sflag:s18], $0x2400  }
0x1e0: {  	[sflag:s18] =	ssyncset.done $0x0  }
0x1e1: {  	[sflag:s18] =	ssyncadd.s32 $0xFFFFDC00  }
0x1e2: {  	_ =	swait.ge [sflag:s19], $0x1C00  }
0x1e3: {  	[sflag:s19] =	ssyncset.done $0x0  }
0x1e4: {  	[sflag:s19] =	ssyncadd.s32 $0xFFFFE400  }
0x1e5: {  	_ =	swait.ge [sflag:s19], $0x2400  }
0x1e6: {  	[sflag:s19] =	ssyncset.done $0x0  }
0x1e7: {  	[sflag:s19] =	ssyncadd.s32 $0xFFFFDC00  }
0x1e8: {  	_ =	swait.ge [sflag:s19], $0x1C00  }
0x1e9: {  	[sflag:s19] =	ssyncset.done $0x0  }
0x1ea: {  	[sflag:s19] =	ssyncadd.s32 $0xFFFFE400  }
0x1eb: {  	_ =	swait.ge [sflag:s19], $0x2400  }
0x1ec: {  	[sflag:s19] =	ssyncset.done $0x0  }
0x1ed: {  	[sflag:s19] =	ssyncadd.s32 $0xFFFFDC00  }
0x1ee: {  	_ =	swait.ge [sflag:s20], $0x1C00  }
0x1ef: {  	[sflag:s20] =	ssyncset.done $0x0  }
0x1f0: {  	[sflag:s20] =	ssyncadd.s32 $0xFFFFE400  }
0x1f1: {  	_ =	swait.ge [sflag:s20], $0x2400  }
0x1f2: {  	[sflag:s20] =	ssyncset.done $0x0  }
0x1f3: {  	[sflag:s20] =	ssyncadd.s32 $0xFFFFDC00  }
0x1f4: {  	_ =	swait.ge [sflag:s20], $0x1C00  }
0x1f5: {  	[sflag:s20] =	ssyncset.done $0x0  }
0x1f6: {  	[sflag:s20] =	ssyncadd.s32 $0xFFFFE400  }
0x1f7: {  	_ =	swait.ge [sflag:s20], $0x2400  }
0x1f8: {  	s6 =	simm.s32 $0x1980;
	[sflag:s20] =	ssyncset.done $0x0  }
0x1f9: {  	s21 =	simm.s32 $0x9;
	s23 =	rddreg [dreg:$0x16];
	[sflag:s20] =	ssyncadd.s32 $0xFFFFDC00  }
0x1fa: {  	[hbm4b:s23+s2] =	stream.linear.scatter [tilespmem:s6], [sflag:$0x9], $0x4000, $0x38;
	[tilespmem:$0x17F80] =	vst v63  }
0x1fb: {  	_ =	swait.ge [sflag:s21], $0x4000  }
0x1fc: {  	s30 =	rddreg [dreg:$0x18]  }
0x1fd: {  	s25 =	rddreg [dreg:$0x17];
	s30 =	sadd.s32 $0x1, s30  }
0x1fe: {  	p0 =	sne.s32 s30, s25  }
.Ltmp1:
0x1ff: {  	_ = 	snop;
	(pc) =	sbr.rel @p0 .LBB2_1-.Ltmp1, $4  }
0x200: {  	_ = 	snop  }
0x201: {  	s8 =	simm.s32 $0x5A80;
	s10 =	simm.s32 $0x5AC0;
	s12 =	simm.s32 $0x5B00  }
0x202: {  	s22 =	simm.s32 $0x5A40;
	s6 =	simm.s32 $0x5980;
	[sflag:s21] =	ssyncset.done $0x0  }
0x203: {  	s23 =	simm.s32 $0x5B40;
	[sflag:s21] =	ssyncadd.s32 $0xFFFFC000;
	s25 =	simm.s32 $0x5A00  }
0x204: {  	_ =	sfence.sel $0x180000  }
0x205: {  	[bflag:$0x0] =	sbarrier.arrive $0xFFFF  }
0x206: {  	_ =	strace $0x90000047  }
0x207: {  	s0 =	stileid.u32;
	[bflag:$0x2] =	sbarrier.arrive $0xFFFF  }
0x208: {  	p0 =	sne.s32 s0, $0x0;
	s0 =	rddreg [dreg:$0x3]  }
0x209: {  	s0 =	sadd.s32 @!p0 $0x100000, s0  }
0x20a: {  	[sflag:s0] =	ssyncadd.tile.s32 @!p0 $0x1;
	_ =	shalt  }
.Lfunc_end2:
_tile_overlayer_lowered:
.L_overlay_start_2:
0x20b: {  	(tag) =	ssettag $0x2  }
0x20c: {  	s0 =	rddreg [dreg:$0x0];
	s2 =	stileid.u32  }
0x20d: {  	s1 =	rddreg [dreg:$0x1];
	p0 =	sne.s32 s2, $0x0  }
0x20e: {  	s3 =	rddreg [dreg:$0x2];
	[bflag:$0x3] =	sbarrier.arrive $0xFFFF;
	s2 =	simm.s32 @!p0 $0x1C09  }
0x20f: {  	[timem:s3], [sflag:s2] =	dma.local @!p0 [hbm:s0], s1  }
0x210: {  	s0 =	simm.s32 @!p0 $0x9  }
0x211: {  	_ =	swait.ge @!p0 [sflag:s0], s1  }
0x212: {  	s1 =	ssub.s32 @!p0 $0x0, s1;
	[sflag:s0] =	ssyncset.done @!p0 $0x0  }
0x213: {  	[sflag:s0] =	ssyncadd.s32 @!p0 s1  }
0x214: {  	[bflag:$0x3] =	sbarrier.arrive $0xFFFF  }
0x215: {  	_ =	shalt  }

</sc_bundles>
